<compile_context>
chip_gen: v7x
topology: tpu7x:2x2x1
jax: 0.10.2.dev20260603
libtpu: 0.0.44.dev20260713+nightly
codegen_flags: <defaults>
</compile_context>

<pallas_src>
import jax
import jax.numpy as jnp
from jax import lax
from jax.experimental import pallas as pl
from jax.experimental.pallas import tpu as pltpu
from jax.experimental.pallas import tpu_sc as plsc

_N_NODES = 100000
_N_PAD = 100352
_N_EDGES = 1600000
_N_GRAPHS = 128
_D_NODE = 128
_D_EDGE = 16
_D_GLOBAL = 64
_HIDDEN = 128
_ROWS = 2000
_LN2 = 0.6931471805599453

_NC, _NS = 2, 16
_NW = _NC * _NS
_CH = 128
_IDX_ROWS = _N_EDGES // _CH
_NBODY = _IDX_ROWS // 8
_TILE_N = _N_PAD // _NS
_H = _N_PAD // 2
_CNT_SH = _H + 128


def _sc_body(idx_hbm, cidx_hbm, edges_hbm, acc_out, cnt_out,
             idx_v, cidx_v, rows_v, ones_v, lin_v, acc_sh, cnt_sh,
             ssem0, ssem1, csem0, csem1):
    cid = lax.axis_index("c")
    sid = lax.axis_index("s")
    wid = cid * _NS + sid
    base = sid * _TILE_N

    def _zero_rows(r, carry):
        rows_v[0, r, :] = jnp.zeros((16,), jnp.float32)
        return carry
    lax.fori_loop(0, 512, _zero_rows, None)

    def _zero_lin(i, carry):
        lin_v[pl.ds(i * 16, 16)] = jnp.zeros((16,), jnp.float32)
        return carry
    lax.fori_loop(0, 3200 // 16, _zero_lin, None)

    def _ones(i, carry):
        ones_v[pl.ds(i * 16, 16)] = jnp.ones((16,), jnp.float32)
        return carry
    lax.fori_loop(0, 8, _ones, None)

    for k in range(12):
        pltpu.sync_copy(rows_v.at[0], acc_sh.at[pl.ds(base + k * 512, 512)])
    pltpu.sync_copy(rows_v.at[0].at[pl.ds(0, 128)],
                    acc_sh.at[pl.ds(base + 6144, 128)])
    pltpu.sync_copy(lin_v.at[pl.ds(0, 3072)],
                    cnt_sh.at[pl.ds(sid * 3072, 3072)])

    @pl.when(sid == 0)
    def _zero_cnt_tail():
        pltpu.sync_copy(lin_v.at[pl.ds(0, _CNT_SH - 49152)],
                        cnt_sh.at[pl.ds(49152, _CNT_SH - 49152)])

    plsc.subcore_barrier()

    n_w = 48 + (wid < 26)
    pstart = 48 * wid + jnp.minimum(wid, 26)

    def _feat_drain(sem):
        pltpu.make_async_copy(edges_hbm.at[pl.ds(0, 512)],
                              rows_v.at[0], sem).wait()

    def _feat_fires(ib, half, sem):
        for j in range(4):
            pltpu.async_copy(rows_v.at[half].at[pl.ds(j * _CH, _CH)],
                             acc_sh.at[idx_v.at[ib].at[half * 4 + j]],
                             sem, add=True)

    def _pair(tt, carry):
        for b in range(2):
            t = 2 * tt + b

            @pl.when(t < n_w)
            def _body():
                p = pstart + t
                @pl.when(t >= 1)
                def _d0():
                    _feat_drain(ssem0)
                pltpu.sync_copy(idx_hbm.at[pl.ds(8 * p, 8)], idx_v.at[b])
                pltpu.sync_copy(edges_hbm.at[pl.ds(1024 * p, 512)],
                                rows_v.at[0])
                _feat_fires(b, 0, ssem0)
                @pl.when(t >= 1)
                def _d1():
                    _feat_drain(ssem1)
                pltpu.sync_copy(edges_hbm.at[pl.ds(1024 * p + 512, 512)],
                                rows_v.at[1])
                _feat_fires(b, 1, ssem1)
        return carry
    lax.fori_loop(0, 25, _pair, None)
    _feat_drain(ssem0)
    _feat_drain(ssem1)

    @pl.when(wid == _NW - 1)
    def _feat_tail():
        pltpu.sync_copy(idx_hbm.at[pl.ds(_IDX_ROWS - 4, 4)],
                        idx_v.at[0].at[pl.ds(0, 4)])
        pltpu.sync_copy(edges_hbm.at[pl.ds(_N_EDGES - 512, 512)],
                        rows_v.at[0])
        _feat_fires(0, 0, ssem0)
        _feat_drain(ssem0)

    n_c = 97 + (sid < 10)
    cstart = 97 * sid + jnp.minimum(sid, 10)

    def _cnt_drain(sem, nbytes_rows):
        pltpu.make_async_copy(cnt_out.at[pl.ds(0, nbytes_rows)],
                              lin_v.at[pl.ds(0, nbytes_rows)], sem).wait()

    def _cnt_fires(nrows, b, sem):
        for r in range(nrows):
            pltpu.async_copy(ones_v, cnt_sh.at[cidx_v.at[b].at[r]],
                             sem, add=True)

    def _cpair(tt, carry):
        for b in range(2):
            t = 2 * tt + b
            csem = (csem0, csem1)[b]

            @pl.when(t < n_c)
            def _cbody():
                cb = cstart + t
                @pl.when(t >= 2)
                def _cd():
                    _cnt_drain(csem, 1024)
                pltpu.sync_copy(cidx_hbm.at[cid].at[pl.ds(8 * cb, 8)],
                                cidx_v.at[b])
                _cnt_fires(8, b, csem)
        return carry
    lax.fori_loop(0, 49, _cpair, None)
    _cnt_drain(csem0, 1024)
    _cnt_drain(csem1, 1024)

    @pl.when(sid == _NS - 1)
    def _cnt_tail():
        pltpu.sync_copy(cidx_hbm.at[cid].at[pl.ds(_IDX_ROWS - 4, 4)],
                        cidx_v.at[0].at[pl.ds(0, 4)])
        _cnt_fires(4, 0, csem0)
        _cnt_drain(csem0, 512)

    plsc.subcore_barrier()

    for k in range(13):
        n = 512 if k < 12 else 128
        b = k % 2
        if k >= 2:
            pltpu.make_async_copy(edges_hbm.at[pl.ds(0, 512)],
                                  rows_v.at[b], (ssem0, ssem1)[b]).wait()
        pltpu.sync_copy(acc_sh.at[pl.ds(base + k * 512, n)],
                        rows_v.at[b].at[pl.ds(0, n)])
        pltpu.async_copy(rows_v.at[b].at[pl.ds(0, n)],
                         acc_out.at[cid].at[pl.ds(base + k * 512, n)],
                         (ssem0, ssem1)[b])
    pltpu.make_async_copy(edges_hbm.at[pl.ds(0, 512)],
                          rows_v.at[1], ssem1).wait()
    pltpu.make_async_copy(edges_hbm.at[pl.ds(0, 128)],
                          rows_v.at[0].at[pl.ds(0, 128)], ssem0).wait()

    @pl.when(sid < 8)
    def _cnt_writeout():
        off = sid * 6272
        pltpu.sync_copy(cnt_sh.at[pl.ds(off, 3200)], lin_v)
        pltpu.sync_copy(lin_v, cnt_out.at[pl.ds(cid * _H + off, 3200)])
        pltpu.sync_copy(cnt_sh.at[pl.ds(off + 3200, 3072)],
                        lin_v.at[pl.ds(0, 3072)])
        pltpu.sync_copy(lin_v.at[pl.ds(0, 3072)],
                        cnt_out.at[pl.ds(cid * _H + off + 3200, 3072)])


_sc_scatter = pl.kernel(
    _sc_body,
    mesh=plsc.VectorSubcoreMesh(core_axis_name="c", subcore_axis_name="s"),
    compiler_params=pltpu.CompilerParams(use_tc_tiling_on_sc=False),
    out_type=[
        jax.ShapeDtypeStruct((_NC, _N_PAD, _D_EDGE), jnp.float32),
        jax.ShapeDtypeStruct((_N_PAD,), jnp.float32),
    ],
    scratch_types=[
        pltpu.VMEM((2, 8, _CH), jnp.int32),
        pltpu.VMEM((2, 8, _CH), jnp.int32),
        pltpu.VMEM((2, 512, _D_EDGE), jnp.float32),
        pltpu.VMEM((_CH,), jnp.float32),
        pltpu.VMEM((3200,), jnp.float32),
        pltpu.VMEM_SHARED((_N_PAD, _D_EDGE), jnp.float32),
        pltpu.VMEM_SHARED((_CNT_SH,), jnp.float32),
        pltpu.SemaphoreType.DMA,
        pltpu.SemaphoreType.DMA,
        pltpu.SemaphoreType.DMA,
        pltpu.SemaphoreType.DMA,
    ],
)


def _tc_body(node_ref, acc_ref, cnt_ref, batch_ref, gf_ref, wnt_ref, wet_ref,
             wgt_ref, out_ref):
    h = jnp.dot(node_ref[...], wnt_ref[...], preferred_element_type=jnp.float32)
    sums = acc_ref[0] + acc_ref[1]
    mean = sums / jnp.maximum(cnt_ref[...], 1.0)
    h = h + jnp.dot(mean, wet_ref[...], preferred_element_type=jnp.float32)
    g = jnp.dot(gf_ref[...], wgt_ref[...], preferred_element_type=jnp.float32)
    iota = jax.lax.broadcasted_iota(jnp.int32, (_ROWS, _N_GRAPHS), 1)
    onehot = (batch_ref[...] == iota).astype(jnp.float32)
    h = h + jnp.dot(onehot, g, preferred_element_type=jnp.float32)
    out_ref[...] = (jnp.maximum(h, 0.0) + jnp.log1p(jnp.exp(-jnp.abs(h)))
                    - _LN2)


def _tc_call(node_feats, acc, cnt_col, batch_col, global_feats, wnt, wet, wgt):
    grid = (_N_NODES // _ROWS,)
    return pl.pallas_call(
        _tc_body,
        grid=grid,
        in_specs=[
            pl.BlockSpec((_ROWS, _D_NODE), lambda i: (i, 0)),
            pl.BlockSpec((_NC, _ROWS, _D_EDGE), lambda i: (0, i, 0)),
            pl.BlockSpec((_ROWS, 1), lambda i: (i, 0)),
            pl.BlockSpec((_ROWS, 1), lambda i: (i, 0)),
            pl.BlockSpec((_N_GRAPHS, _D_GLOBAL), lambda i: (0, 0)),
            pl.BlockSpec((_D_NODE, _HIDDEN), lambda i: (0, 0)),
            pl.BlockSpec((_D_EDGE, _HIDDEN), lambda i: (0, 0)),
            pl.BlockSpec((_D_GLOBAL, _HIDDEN), lambda i: (0, 0)),
        ],
        out_specs=pl.BlockSpec((_ROWS, _HIDDEN), lambda i: (i, 0)),
        out_shape=jax.ShapeDtypeStruct((_N_NODES, _HIDDEN), jnp.float32),
    )(node_feats, acc, cnt_col, batch_col, global_feats, wnt, wet, wgt)


def kernel(node_feats, edge_feats, global_feats, W, edge_index, batch):
    idx = edge_index[1]
    idx2d = idx.reshape(_IDX_ROWS, _CH)
    clo = jnp.where(idx < _H, idx, _H)
    chi = jnp.where(idx >= _H, idx - _H, _H)
    cidx = jnp.stack([clo, chi]).reshape(_NC, _IDX_ROWS, _CH)
    acc, cnt = _sc_scatter(idx2d, cidx, edge_feats)
    wnt = W[:, :_D_NODE].T
    wet = W[:, _D_NODE:_D_NODE + _D_EDGE].T
    wgt = W[:, _D_NODE + _D_EDGE:].T
    return _tc_call(node_feats, acc, cnt[:_N_NODES, None], batch[:, None],
                    global_feats, wnt, wet, wgt)

# --- scband reference (transcript-rebuilt; emitter-appended) ---
"""Pipeline reference for scband-node-model-65077344469531 (READ-ONLY COPY).

The authoritative reference and input builder live on the scoring server;
editing this copy changes nothing except your own understanding.
"""

import jax, jax.numpy as jnp
import numpy as np

N_NODES = 100000
N_EDGES = 1600000
D_NODE = 128
D_EDGE = 16
D_GLOBAL = 64
N_GRAPHS = 128
HIDDEN = 128
D_IN = D_NODE + D_EDGE + D_GLOBAL


def setup_inputs(seed: int = 0) -> dict:
    key = jax.random.key(seed)
    ks = jax.random.split(key, 6)
    node_feats = jax.random.normal(ks[0], (N_NODES, D_NODE), dtype=jnp.float32)
    edge_feats = jax.random.normal(ks[1], (N_EDGES, D_EDGE), dtype=jnp.float32)
    global_feats = jax.random.normal(ks[2], (N_GRAPHS, D_GLOBAL), dtype=jnp.float32)
    edge_index = jax.random.randint(ks[3], (2, N_EDGES), 0, N_NODES, dtype=jnp.int32)
    batch = jnp.sort(jax.random.randint(ks[4], (N_NODES,), 0, N_GRAPHS, dtype=jnp.int32))
    # Linear(D_IN -> HIDDEN, bias=False), torch weight layout [out, in]
    bound = 1.0 / np.sqrt(D_IN)
    W = jax.random.uniform(ks[5], (HIDDEN, D_IN), dtype=jnp.float32, minval=-bound, maxval=bound)
    return {"node_feats": node_feats, "edge_feats": edge_feats, "global_feats": global_feats, "W": W, "edge_index": edge_index, "batch": batch}


def reference(node_feats, edge_feats, global_feats, W, edge_index, batch):
    idx_dst = edge_index[1]
    # scatter(edge_feats, idx_dst, dim=0, reduce='mean') with output size N_NODES
    sums = jax.ops.segment_sum(edge_feats, idx_dst, num_segments=N_NODES)
    counts = jax.ops.segment_sum(jnp.ones((edge_feats.shape[0], 1), dtype=edge_feats.dtype), idx_dst, num_segments=N_NODES)
    edge_mean = sums / jnp.maximum(counts, 1.0)
    out = jnp.concatenate([node_feats, edge_mean, global_feats[batch]], axis=1)
    h = out @ W.T
    # ShiftedSoftplus: softplus(x) - log(2)
    return jax.nn.softplus(h) - jnp.log(2.0)

if __name__ == "__main__":
    import jax
    _d = setup_inputs()
    print(jax.jit(kernel)(*tuple(_d.values())))

</pallas_src>

<mosaic_0001>
#map = affine_map<(d0, d1) -> (0, 0)>
#map1 = affine_map<(d0, d1) -> (0, 0, 0)>
#map2 = affine_map<(d0, d1) -> (0)>
module attributes {stable_mosaic.version = 14 : i64} {
  func.func @_sc_body(%arg0: i32, %arg1: i32, %arg2: memref<12500x128xi32, #tpu.memory_space<hbm>>, %arg3: memref<2x12500x128xi32, #tpu.memory_space<hbm>>, %arg4: memref<1600000x16xf32, #tpu.memory_space<hbm>>, %arg5: memref<2x100352x16xf32, #tpu.memory_space<hbm>>, %arg6: memref<100352xf32, #tpu.memory_space<hbm>>, %arg7: memref<2x8x128xi32, #tpu.memory_space<vmem>>, %arg8: memref<2x8x128xi32, #tpu.memory_space<vmem>>, %arg9: memref<2x512x16xf32, #tpu.memory_space<vmem>>, %arg10: memref<128xf32, #tpu.memory_space<vmem>>, %arg11: memref<3200xf32, #tpu.memory_space<vmem>>, %arg12: memref<100352x16xf32, #tpu.memory_space<vmem_shared>>, %arg13: memref<50304xf32, #tpu.memory_space<vmem_shared>>, %arg14: memref<!tpu.dma_semaphore, #tpu.memory_space<semaphore_mem>>, %arg15: memref<!tpu.dma_semaphore, #tpu.memory_space<semaphore_mem>>, %arg16: memref<!tpu.dma_semaphore, #tpu.memory_space<semaphore_mem>>, %arg17: memref<!tpu.dma_semaphore, #tpu.memory_space<semaphore_mem>>) attributes {dimension_semantics = [#tpu.dimension_semantics<core_parallel>, #tpu.dimension_semantics<subcore_parallel>], iteration_bounds = array<i64: 2, 16>, scalar_prefetch = 0 : i64, scratch_operands = 11 : i64, tpu.core_type = #tpu.core_type<sc_vector_subcore>, window_params = [{transform_indices = #map}, {transform_indices = #map1}, {transform_indices = #map}, {transform_indices = #map1}, {transform_indices = #map2}]} {
    %mul3A = arith.constant 16 : i32
    %mul3A_0 = arith.muli %arg0, %mul3A : i32
    %add3A = arith.addi %mul3A_0, %arg1 : i32
    %mul3A_1 = arith.constant 6272 : i32
    %mul3A_2 = arith.muli %arg1, %mul3A_1 : i32
    %scan3A = arith.constant 0 : i32
    %scan3A_3 = arith.constant 512 : i32
    %scan3A_4 = arith.addi %scan3A, %scan3A_3 : i32
    %scan3A_5 = arith.constant 1 : i32
    scf.for %scan3A_764 = %scan3A to %scan3A_4 step %scan3A_5  : i32 {
      %broadcast_in_dim3A = arith.constant 0.000000e+00 : f32
      %broadcast_in_dim3A_765 = vector.broadcast %broadcast_in_dim3A : f32 to vector<16xf32>
      %swap3A = arith.constant 0 : i32
      %swap3A_766 = arith.index_cast %swap3A : i32 to index
      %swap3A_767 = arith.index_cast %scan3A_764 : i32 to index
      %swap3A_768 = arith.constant 0 : index
      %swap3A_769 = tpu.vector_load %arg9[%swap3A_766, %swap3A_767, %swap3A_768] {strides = array<i32>} : memref<2x512x16xf32, #tpu.memory_space<vmem>>, vector<1x1x16xf32>,
      %swap3A_770 = vector.shape_cast %swap3A_769 : vector<1x1x16xf32> to vector<16xf32>
      %swap3A_771 = vector.shape_cast %broadcast_in_dim3A_765 : vector<16xf32> to vector<1x1x16xf32>
      tpu.vector_store %arg9[%swap3A_766, %swap3A_767, %swap3A_768], %swap3A_771 {strides = array<i32>} : memref<2x512x16xf32, #tpu.memory_space<vmem>>, vector<1x1x16xf32>,
    }
    %scan3A_6 = arith.constant 512 : i32
    %scan3A_7 = arith.constant 0 : i32
    %scan3A_8 = arith.constant 200 : i32
    %scan3A_9 = arith.addi %scan3A_7, %scan3A_8 : i32
    %scan3A_10 = arith.constant 1 : i32
    scf.for %scan3A_764 = %scan3A_7 to %scan3A_9 step %scan3A_10  : i32 {
      %broadcast_in_dim3A = arith.constant 0.000000e+00 : f32
      %broadcast_in_dim3A_765 = vector.broadcast %broadcast_in_dim3A : f32 to vector<16xf32>
      %mul3A_766 = arith.constant 16 : i32
      %mul3A_767 = arith.muli %scan3A_764, %mul3A_766 : i32
      %swap3A = arith.index_cast %mul3A_767 : i32 to index
      %swap3A_768 = tpu.vector_load %arg11[%swap3A] {strides = array<i32>} : memref<3200xf32, #tpu.memory_space<vmem>>, vector<16xf32>,
      %swap3A_769 = vector.shape_cast %swap3A_768 : vector<16xf32> to vector<16xf32>
      %swap3A_770 = vector.shape_cast %broadcast_in_dim3A_765 : vector<16xf32> to vector<16xf32>
      tpu.vector_store %arg11[%swap3A], %swap3A_770 {strides = array<i32>} : memref<3200xf32, #tpu.memory_space<vmem>>, vector<16xf32>,
    }
    %scan3A_11 = arith.constant 200 : i32
    %scan3A_12 = arith.constant 0 : i32
    %scan3A_13 = arith.constant 8 : i32
    %scan3A_14 = arith.addi %scan3A_12, %scan3A_13 : i32
    %scan3A_15 = arith.constant 1 : i32
    scf.for %scan3A_764 = %scan3A_12 to %scan3A_14 step %scan3A_15  : i32 {
      %broadcast_in_dim3A = arith.constant 1.000000e+00 : f32
      %broadcast_in_dim3A_765 = vector.broadcast %broadcast_in_dim3A : f32 to vector<16xf32>
      %mul3A_766 = arith.constant 16 : i32
      %mul3A_767 = arith.muli %scan3A_764, %mul3A_766 : i32
      %swap3A = arith.index_cast %mul3A_767 : i32 to index
      %swap3A_768 = tpu.vector_load %arg10[%swap3A] {strides = array<i32>} : memref<128xf32, #tpu.memory_space<vmem>>, vector<16xf32>,
      %swap3A_769 = vector.shape_cast %swap3A_768 : vector<16xf32> to vector<16xf32>
      %swap3A_770 = vector.shape_cast %broadcast_in_dim3A_765 : vector<16xf32> to vector<16xf32>
      tpu.vector_store %arg10[%swap3A], %swap3A_770 {strides = array<i32>} : memref<128xf32, #tpu.memory_space<vmem>>, vector<16xf32>,
    }
    %scan3A_16 = arith.constant 8 : i32
    %add3A_17 = arith.constant 0 : i32
    %add3A_18 = arith.addi %mul3A_2, %add3A_17 : i32
    %run_scoped3A = arith.constant 0 : i32
    "tpu.region"() ({
      %run_scoped3A_764 = tpu.sem_alloc : memref<!tpu.dma_semaphore, #tpu.memory_space<semaphore_mem>>
      %dma_start3A_765 = arith.constant 0 : i32
      %dma_start3A_766 = arith.constant 0 : i32
      %dma_start3A_767 = tpu.memref_slice %arg9[%run_scoped3A, %dma_start3A_765, %dma_start3A_766] : memref<2x512x16xf32, #tpu.memory_space<vmem>> -> memref<1x512x16xf32, #tpu.memory_space<vmem>>
      %dma_start3A_768 = tpu.memref_squeeze %dma_start3A_767 : memref<1x512x16xf32, #tpu.memory_space<vmem>> -> memref<512x16xf32, #tpu.memory_space<vmem>>
      %dma_start3A_769 = arith.constant 0 : i32
      %dma_start3A_770 = tpu.memref_slice %arg12[%add3A_18, %dma_start3A_769] : memref<100352x16xf32, #tpu.memory_space<vmem_shared>> -> memref<512x16xf32, #tpu.memory_space<vmem_shared>>
      %dma_start3A_771 = arith.constant 0 : i32
      %dma_start3A_772 = tpu.memref_slice %arg12[%add3A_18, %dma_start3A_771] : memref<100352x16xf32, #tpu.memory_space<vmem_shared>> -> memref<512x16xf32, #tpu.memory_space<vmem_shared>>
      %dma_start3A_773 = arith.constant 0 : i32
      %dma_start3A_774 = arith.constant 0 : i32
      %dma_start3A_775 = tpu.memref_slice %arg9[%run_scoped3A, %dma_start3A_773, %dma_start3A_774] : memref<2x512x16xf32, #tpu.memory_space<vmem>> -> memref<1x512x16xf32, #tpu.memory_space<vmem>>
      %dma_start3A_776 = tpu.memref_squeeze %dma_start3A_775 : memref<1x512x16xf32, #tpu.memory_space<vmem>> -> memref<512x16xf32, #tpu.memory_space<vmem>>
      tpu.enqueue_dma source(%dma_start3A_776 : memref<512x16xf32, #tpu.memory_space<vmem>>) target(%dma_start3A_772 : memref<512x16xf32, #tpu.memory_space<vmem_shared>>) target_semaphore(%run_scoped3A_764 : memref<!tpu.dma_semaphore, #tpu.memory_space<semaphore_mem>>)
      %dma_wait3A_777 = arith.constant 0 : i32
      %dma_wait3A_778 = arith.constant 0 : i32
      %dma_wait3A_779 = tpu.memref_slice %arg9[%run_scoped3A, %dma_wait3A_777, %dma_wait3A_778] : memref<2x512x16xf32, #tpu.memory_space<vmem>> -> memref<1x512x16xf32, #tpu.memory_space<vmem>>
      %dma_wait3A_780 = tpu.memref_squeeze %dma_wait3A_779 : memref<1x512x16xf32, #tpu.memory_space<vmem>> -> memref<512x16xf32, #tpu.memory_space<vmem>>
      %dma_wait3A_781 = arith.constant 0 : i32
      %dma_wait3A_782 = tpu.memref_slice %arg12[%add3A_18, %dma_wait3A_781] : memref<100352x16xf32, #tpu.memory_space<vmem_shared>> -> memref<512x16xf32, #tpu.memory_space<vmem_shared>>
      %dma_wait3A_783 = arith.constant 0 : i32
      %dma_wait3A_784 = tpu.memref_slice %arg12[%add3A_18, %dma_wait3A_783] : memref<100352x16xf32, #tpu.memory_space<vmem_shared>> -> memref<512x16xf32, #tpu.memory_space<vmem_shared>>
      %dma_wait3A_785 = arith.constant 0 : i32
      %dma_wait3A_786 = arith.constant 0 : i32
      %dma_wait3A_787 = tpu.memref_slice %arg9[%run_scoped3A, %dma_wait3A_785, %dma_wait3A_786] : memref<2x512x16xf32, #tpu.memory_space<vmem>> -> memref<1x512x16xf32, #tpu.memory_space<vmem>>
      %dma_wait3A_788 = tpu.memref_squeeze %dma_wait3A_787 : memref<1x512x16xf32, #tpu.memory_space<vmem>> -> memref<512x16xf32, #tpu.memory_space<vmem>>
      tpu.wait_dma2 semaphore(%run_scoped3A_764 : memref<!tpu.dma_semaphore, #tpu.memory_space<semaphore_mem>>) src(%dma_wait3A_788 : memref<512x16xf32, #tpu.memory_space<vmem>>) dst(%dma_wait3A_784 : memref<512x16xf32, #tpu.memory_space<vmem_shared>>)
      tpu.yield
    }) : () -> ()
    %add3A_19 = arith.constant 512 : i32
    %add3A_20 = arith.addi %mul3A_2, %add3A_19 : i32
    %run_scoped3A_21 = arith.constant 0 : i32
    "tpu.region"() ({
      %run_scoped3A_764 = tpu.sem_alloc : memref<!tpu.dma_semaphore, #tpu.memory_space<semaphore_mem>>
      %dma_start3A_765 = arith.constant 0 : i32
      %dma_start3A_766 = arith.constant 0 : i32
      %dma_start3A_767 = tpu.memref_slice %arg9[%run_scoped3A_21, %dma_start3A_765, %dma_start3A_766] : memref<2x512x16xf32, #tpu.memory_space<vmem>> -> memref<1x512x16xf32, #tpu.memory_space<vmem>>
      %dma_start3A_768 = tpu.memref_squeeze %dma_start3A_767 : memref<1x512x16xf32, #tpu.memory_space<vmem>> -> memref<512x16xf32, #tpu.memory_space<vmem>>
      %dma_start3A_769 = arith.constant 0 : i32
      %dma_start3A_770 = tpu.memref_slice %arg12[%add3A_20, %dma_start3A_769] : memref<100352x16xf32, #tpu.memory_space<vmem_shared>> -> memref<512x16xf32, #tpu.memory_space<vmem_shared>>
      %dma_start3A_771 = arith.constant 0 : i32
      %dma_start3A_772 = tpu.memref_slice %arg12[%add3A_20, %dma_start3A_771] : memref<100352x16xf32, #tpu.memory_space<vmem_shared>> -> memref<512x16xf32, #tpu.memory_space<vmem_shared>>
      %dma_start3A_773 = arith.constant 0 : i32
      %dma_start3A_774 = arith.constant 0 : i32
      %dma_start3A_775 = tpu.memref_slice %arg9[%run_scoped3A_21, %dma_start3A_773, %dma_start3A_774] : memref<2x512x16xf32, #tpu.memory_space<vmem>> -> memref<1x512x16xf32, #tpu.memory_space<vmem>>
      %dma_start3A_776 = tpu.memref_squeeze %dma_start3A_775 : memref<1x512x16xf32, #tpu.memory_space<vmem>> -> memref<512x16xf32, #tpu.memory_space<vmem>>
      tpu.enqueue_dma source(%dma_start3A_776 : memref<512x16xf32, #tpu.memory_space<vmem>>) target(%dma_start3A_772 : memref<512x16xf32, #tpu.memory_space<vmem_shared>>) target_semaphore(%run_scoped3A_764 : memref<!tpu.dma_semaphore, #tpu.memory_space<semaphore_mem>>)
      %dma_wait3A_777 = arith.constant 0 : i32
      %dma_wait3A_778 = arith.constant 0 : i32
      %dma_wait3A_779 = tpu.memref_slice %arg9[%run_scoped3A_21, %dma_wait3A_777, %dma_wait3A_778] : memref<2x512x16xf32, #tpu.memory_space<vmem>> -> memref<1x512x16xf32, #tpu.memory_space<vmem>>
      %dma_wait3A_780 = tpu.memref_squeeze %dma_wait3A_779 : memref<1x512x16xf32, #tpu.memory_space<vmem>> -> memref<512x16xf32, #tpu.memory_space<vmem>>
      %dma_wait3A_781 = arith.constant 0 : i32
      %dma_wait3A_782 = tpu.memref_slice %arg12[%add3A_20, %dma_wait3A_781] : memref<100352x16xf32, #tpu.memory_space<vmem_shared>> -> memref<512x16xf32, #tpu.memory_space<vmem_shared>>
      %dma_wait3A_783 = arith.constant 0 : i32
      %dma_wait3A_784 = tpu.memref_slice %arg12[%add3A_20, %dma_wait3A_783] : memref<100352x16xf32, #tpu.memory_space<vmem_shared>> -> memref<512x16xf32, #tpu.memory_space<vmem_shared>>
      %dma_wait3A_785 = arith.constant 0 : i32
      %dma_wait3A_786 = arith.constant 0 : i32
      %dma_wait3A_787 = tpu.memref_slice %arg9[%run_scoped3A_21, %dma_wait3A_785, %dma_wait3A_786] : memref<2x512x16xf32, #tpu.memory_space<vmem>> -> memref<1x512x16xf32, #tpu.memory_space<vmem>>
      %dma_wait3A_788 = tpu.memref_squeeze %dma_wait3A_787 : memref<1x512x16xf32, #tpu.memory_space<vmem>> -> memref<512x16xf32, #tpu.memory_space<vmem>>
      tpu.wait_dma2 semaphore(%run_scoped3A_764 : memref<!tpu.dma_semaphore, #tpu.memory_space<semaphore_mem>>) src(%dma_wait3A_788 : memref<512x16xf32, #tpu.memory_space<vmem>>) dst(%dma_wait3A_784 : memref<512x16xf32, #tpu.memory_space<vmem_shared>>)
      tpu.yield
    }) : () -> ()
    %add3A_22 = arith.constant 1024 : i32
    %add3A_23 = arith.addi %mul3A_2, %add3A_22 : i32
    %run_scoped3A_24 = arith.constant 0 : i32
    "tpu.region"() ({
      %run_scoped3A_764 = tpu.sem_alloc : memref<!tpu.dma_semaphore, #tpu.memory_space<semaphore_mem>>
      %dma_start3A_765 = arith.constant 0 : i32
      %dma_start3A_766 = arith.constant 0 : i32
      %dma_start3A_767 = tpu.memref_slice %arg9[%run_scoped3A_24, %dma_start3A_765, %dma_start3A_766] : memref<2x512x16xf32, #tpu.memory_space<vmem>> -> memref<1x512x16xf32, #tpu.memory_space<vmem>>
      %dma_start3A_768 = tpu.memref_squeeze %dma_start3A_767 : memref<1x512x16xf32, #tpu.memory_space<vmem>> -> memref<512x16xf32, #tpu.memory_space<vmem>>
      %dma_start3A_769 = arith.constant 0 : i32
      %dma_start3A_770 = tpu.memref_slice %arg12[%add3A_23, %dma_start3A_769] : memref<100352x16xf32, #tpu.memory_space<vmem_shared>> -> memref<512x16xf32, #tpu.memory_space<vmem_shared>>
      %dma_start3A_771 = arith.constant 0 : i32
      %dma_start3A_772 = tpu.memref_slice %arg12[%add3A_23, %dma_start3A_771] : memref<100352x16xf32, #tpu.memory_space<vmem_shared>> -> memref<512x16xf32, #tpu.memory_space<vmem_shared>>
      %dma_start3A_773 = arith.constant 0 : i32
      %dma_start3A_774 = arith.constant 0 : i32
      %dma_start3A_775 = tpu.memref_slice %arg9[%run_scoped3A_24, %dma_start3A_773, %dma_start3A_774] : memref<2x512x16xf32, #tpu.memory_space<vmem>> -> memref<1x512x16xf32, #tpu.memory_space<vmem>>
      %dma_start3A_776 = tpu.memref_squeeze %dma_start3A_775 : memref<1x512x16xf32, #tpu.memory_space<vmem>> -> memref<512x16xf32, #tpu.memory_space<vmem>>
      tpu.enqueue_dma source(%dma_start3A_776 : memref<512x16xf32, #tpu.memory_space<vmem>>) target(%dma_start3A_772 : memref<512x16xf32, #tpu.memory_space<vmem_shared>>) target_semaphore(%run_scoped3A_764 : memref<!tpu.dma_semaphore, #tpu.memory_space<semaphore_mem>>)
      %dma_wait3A_777 = arith.constant 0 : i32
      %dma_wait3A_778 = arith.constant 0 : i32
      %dma_wait3A_779 = tpu.memref_slice %arg9[%run_scoped3A_24, %dma_wait3A_777, %dma_wait3A_778] : memref<2x512x16xf32, #tpu.memory_space<vmem>> -> memref<1x512x16xf32, #tpu.memory_space<vmem>>
      %dma_wait3A_780 = tpu.memref_squeeze %dma_wait3A_779 : memref<1x512x16xf32, #tpu.memory_space<vmem>> -> memref<512x16xf32, #tpu.memory_space<vmem>>
      %dma_wait3A_781 = arith.constant 0 : i32
      %dma_wait3A_782 = tpu.memref_slice %arg12[%add3A_23, %dma_wait3A_781] : memref<100352x16xf32, #tpu.memory_space<vmem_shared>> -> memref<512x16xf32, #tpu.memory_space<vmem_shared>>
      %dma_wait3A_783 = arith.constant 0 : i32
      %dma_wait3A_784 = tpu.memref_slice %arg12[%add3A_23, %dma_wait3A_783] : memref<100352x16xf32, #tpu.memory_space<vmem_shared>> -> memref<512x16xf32, #tpu.memory_space<vmem_shared>>
      %dma_wait3A_785 = arith.constant 0 : i32
      %dma_wait3A_786 = arith.constant 0 : i32
      %dma_wait3A_787 = tpu.memref_slice %arg9[%run_scoped3A_24, %dma_wait3A_785, %dma_wait3A_786] : memref<2x512x16xf32, #tpu.memory_space<vmem>> -> memref<1x512x16xf32, #tpu.memory_space<vmem>>
      %dma_wait3A_788 = tpu.memref_squeeze %dma_wait3A_787 : memref<1x512x16xf32, #tpu.memory_space<vmem>> -> memref<512x16xf32, #tpu.memory_space<vmem>>
      tpu.wait_dma2 semaphore(%run_scoped3A_764 : memref<!tpu.dma_semaphore, #tpu.memory_space<semaphore_mem>>) src(%dma_wait3A_788 : memref<512x16xf32, #tpu.memory_space<vmem>>) dst(%dma_wait3A_784 : memref<512x16xf32, #tpu.memory_space<vmem_shared>>)
      tpu.yield
    }) : () -> ()
    %add3A_25 = arith.constant 1536 : i32
    %add3A_26 = arith.addi %mul3A_2, %add3A_25 : i32
    %run_scoped3A_27 = arith.constant 0 : i32
    "tpu.region"() ({
      %run_scoped3A_764 = tpu.sem_alloc : memref<!tpu.dma_semaphore, #tpu.memory_space<semaphore_mem>>
      %dma_start3A_765 = arith.constant 0 : i32
      %dma_start3A_766 = arith.constant 0 : i32
      %dma_start3A_767 = tpu.memref_slice %arg9[%run_scoped3A_27, %dma_start3A_765, %dma_start3A_766] : memref<2x512x16xf32, #tpu.memory_space<vmem>> -> memref<1x512x16xf32, #tpu.memory_space<vmem>>
      %dma_start3A_768 = tpu.memref_squeeze %dma_start3A_767 : memref<1x512x16xf32, #tpu.memory_space<vmem>> -> memref<512x16xf32, #tpu.memory_space<vmem>>
      %dma_start3A_769 = arith.constant 0 : i32
      %dma_start3A_770 = tpu.memref_slice %arg12[%add3A_26, %dma_start3A_769] : memref<100352x16xf32, #tpu.memory_space<vmem_shared>> -> memref<512x16xf32, #tpu.memory_space<vmem_shared>>
      %dma_start3A_771 = arith.constant 0 : i32
      %dma_start3A_772 = tpu.memref_slice %arg12[%add3A_26, %dma_start3A_771] : memref<100352x16xf32, #tpu.memory_space<vmem_shared>> -> memref<512x16xf32, #tpu.memory_space<vmem_shared>>
      %dma_start3A_773 = arith.constant 0 : i32
      %dma_start3A_774 = arith.constant 0 : i32
      %dma_start3A_775 = tpu.memref_slice %arg9[%run_scoped3A_27, %dma_start3A_773, %dma_start3A_774] : memref<2x512x16xf32, #tpu.memory_space<vmem>> -> memref<1x512x16xf32, #tpu.memory_space<vmem>>
      %dma_start3A_776 = tpu.memref_squeeze %dma_start3A_775 : memref<1x512x16xf32, #tpu.memory_space<vmem>> -> memref<512x16xf32, #tpu.memory_space<vmem>>
      tpu.enqueue_dma source(%dma_start3A_776 : memref<512x16xf32, #tpu.memory_space<vmem>>) target(%dma_start3A_772 : memref<512x16xf32, #tpu.memory_space<vmem_shared>>) target_semaphore(%run_scoped3A_764 : memref<!tpu.dma_semaphore, #tpu.memory_space<semaphore_mem>>)
      %dma_wait3A_777 = arith.constant 0 : i32
      %dma_wait3A_778 = arith.constant 0 : i32
      %dma_wait3A_779 = tpu.memref_slice %arg9[%run_scoped3A_27, %dma_wait3A_777, %dma_wait3A_778] : memref<2x512x16xf32, #tpu.memory_space<vmem>> -> memref<1x512x16xf32, #tpu.memory_space<vmem>>
      %dma_wait3A_780 = tpu.memref_squeeze %dma_wait3A_779 : memref<1x512x16xf32, #tpu.memory_space<vmem>> -> memref<512x16xf32, #tpu.memory_space<vmem>>
      %dma_wait3A_781 = arith.constant 0 : i32
      %dma_wait3A_782 = tpu.memref_slice %arg12[%add3A_26, %dma_wait3A_781] : memref<100352x16xf32, #tpu.memory_space<vmem_shared>> -> memref<512x16xf32, #tpu.memory_space<vmem_shared>>
      %dma_wait3A_783 = arith.constant 0 : i32
      %dma_wait3A_784 = tpu.memref_slice %arg12[%add3A_26, %dma_wait3A_783] : memref<100352x16xf32, #tpu.memory_space<vmem_shared>> -> memref<512x16xf32, #tpu.memory_space<vmem_shared>>
      %dma_wait3A_785 = arith.constant 0 : i32
      %dma_wait3A_786 = arith.constant 0 : i32
      %dma_wait3A_787 = tpu.memref_slice %arg9[%run_scoped3A_27, %dma_wait3A_785, %dma_wait3A_786] : memref<2x512x16xf32, #tpu.memory_space<vmem>> -> memref<1x512x16xf32, #tpu.memory_space<vmem>>
      %dma_wait3A_788 = tpu.memref_squeeze %dma_wait3A_787 : memref<1x512x16xf32, #tpu.memory_space<vmem>> -> memref<512x16xf32, #tpu.memory_space<vmem>>
      tpu.wait_dma2 semaphore(%run_scoped3A_764 : memref<!tpu.dma_semaphore, #tpu.memory_space<semaphore_mem>>) src(%dma_wait3A_788 : memref<512x16xf32, #tpu.memory_space<vmem>>) dst(%dma_wait3A_784 : memref<512x16xf32, #tpu.memory_space<vmem_shared>>)
      tpu.yield
    }) : () -> ()
    %add3A_28 = arith.constant 2048 : i32
    %add3A_29 = arith.addi %mul3A_2, %add3A_28 : i32
    %run_scoped3A_30 = arith.constant 0 : i32
    "tpu.region"() ({
      %run_scoped3A_764 = tpu.sem_alloc : memref<!tpu.dma_semaphore, #tpu.memory_space<semaphore_mem>>
      %dma_start3A_765 = arith.constant 0 : i32
      %dma_start3A_766 = arith.constant 0 : i32
      %dma_start3A_767 = tpu.memref_slice %arg9[%run_scoped3A_30, %dma_start3A_765, %dma_start3A_766] : memref<2x512x16xf32, #tpu.memory_space<vmem>> -> memref<1x512x16xf32, #tpu.memory_space<vmem>>
      %dma_start3A_768 = tpu.memref_squeeze %dma_start3A_767 : memref<1x512x16xf32, #tpu.memory_space<vmem>> -> memref<512x16xf32, #tpu.memory_space<vmem>>
      %dma_start3A_769 = arith.constant 0 : i32
      %dma_start3A_770 = tpu.memref_slice %arg12[%add3A_29, %dma_start3A_769] : memref<100352x16xf32, #tpu.memory_space<vmem_shared>> -> memref<512x16xf32, #tpu.memory_space<vmem_shared>>
      %dma_start3A_771 = arith.constant 0 : i32
      %dma_start3A_772 = tpu.memref_slice %arg12[%add3A_29, %dma_start3A_771] : memref<100352x16xf32, #tpu.memory_space<vmem_shared>> -> memref<512x16xf32, #tpu.memory_space<vmem_shared>>
      %dma_start3A_773 = arith.constant 0 : i32
      %dma_start3A_774 = arith.constant 0 : i32
      %dma_start3A_775 = tpu.memref_slice %arg9[%run_scoped3A_30, %dma_start3A_773, %dma_start3A_774] : memref<2x512x16xf32, #tpu.memory_space<vmem>> -> memref<1x512x16xf32, #tpu.memory_space<vmem>>
      %dma_start3A_776 = tpu.memref_squeeze %dma_start3A_775 : memref<1x512x16xf32, #tpu.memory_space<vmem>> -> memref<512x16xf32, #tpu.memory_space<vmem>>
      tpu.enqueue_dma source(%dma_start3A_776 : memref<512x16xf32, #tpu.memory_space<vmem>>) target(%dma_start3A_772 : memref<512x16xf32, #tpu.memory_space<vmem_shared>>) target_semaphore(%run_scoped3A_764 : memref<!tpu.dma_semaphore, #tpu.memory_space<semaphore_mem>>)
      %dma_wait3A_777 = arith.constant 0 : i32
      %dma_wait3A_778 = arith.constant 0 : i32
      %dma_wait3A_779 = tpu.memref_slice %arg9[%run_scoped3A_30, %dma_wait3A_777, %dma_wait3A_778] : memref<2x512x16xf32, #tpu.memory_space<vmem>> -> memref<1x512x16xf32, #tpu.memory_space<vmem>>
      %dma_wait3A_780 = tpu.memref_squeeze %dma_wait3A_779 : memref<1x512x16xf32, #tpu.memory_space<vmem>> -> memref<512x16xf32, #tpu.memory_space<vmem>>
      %dma_wait3A_781 = arith.constant 0 : i32
      %dma_wait3A_782 = tpu.memref_slice %arg12[%add3A_29, %dma_wait3A_781] : memref<100352x16xf32, #tpu.memory_space<vmem_shared>> -> memref<512x16xf32, #tpu.memory_space<vmem_shared>>
      %dma_wait3A_783 = arith.constant 0 : i32
      %dma_wait3A_784 = tpu.memref_slice %arg12[%add3A_29, %dma_wait3A_783] : memref<100352x16xf32, #tpu.memory_space<vmem_shared>> -> memref<512x16xf32, #tpu.memory_space<vmem_shared>>
      %dma_wait3A_785 = arith.constant 0 : i32
      %dma_wait3A_786 = arith.constant 0 : i32
      %dma_wait3A_787 = tpu.memref_slice %arg9[%run_scoped3A_30, %dma_wait3A_785, %dma_wait3A_786] : memref<2x512x16xf32, #tpu.memory_space<vmem>> -> memref<1x512x16xf32, #tpu.memory_space<vmem>>
      %dma_wait3A_788 = tpu.memref_squeeze %dma_wait3A_787 : memref<1x512x16xf32, #tpu.memory_space<vmem>> -> memref<512x16xf32, #tpu.memory_space<vmem>>
      tpu.wait_dma2 semaphore(%run_scoped3A_764 : memref<!tpu.dma_semaphore, #tpu.memory_space<semaphore_mem>>) src(%dma_wait3A_788 : memref<512x16xf32, #tpu.memory_space<vmem>>) dst(%dma_wait3A_784 : memref<512x16xf32, #tpu.memory_space<vmem_shared>>)
      tpu.yield
    }) : () -> ()
    %add3A_31 = arith.constant 2560 : i32
    %add3A_32 = arith.addi %mul3A_2, %add3A_31 : i32
    %run_scoped3A_33 = arith.constant 0 : i32
    "tpu.region"() ({
      %run_scoped3A_764 = tpu.sem_alloc : memref<!tpu.dma_semaphore, #tpu.memory_space<semaphore_mem>>
      %dma_start3A_765 = arith.constant 0 : i32
      %dma_start3A_766 = arith.constant 0 : i32
      %dma_start3A_767 = tpu.memref_slice %arg9[%run_scoped3A_33, %dma_start3A_765, %dma_start3A_766] : memref<2x512x16xf32, #tpu.memory_space<vmem>> -> memref<1x512x16xf32, #tpu.memory_space<vmem>>
      %dma_start3A_768 = tpu.memref_squeeze %dma_start3A_767 : memref<1x512x16xf32, #tpu.memory_space<vmem>> -> memref<512x16xf32, #tpu.memory_space<vmem>>
      %dma_start3A_769 = arith.constant 0 : i32
      %dma_start3A_770 = tpu.memref_slice %arg12[%add3A_32, %dma_start3A_769] : memref<100352x16xf32, #tpu.memory_space<vmem_shared>> -> memref<512x16xf32, #tpu.memory_space<vmem_shared>>
      %dma_start3A_771 = arith.constant 0 : i32
      %dma_start3A_772 = tpu.memref_slice %arg12[%add3A_32, %dma_start3A_771] : memref<100352x16xf32, #tpu.memory_space<vmem_shared>> -> memref<512x16xf32, #tpu.memory_space<vmem_shared>>
      %dma_start3A_773 = arith.constant 0 : i32
      %dma_start3A_774 = arith.constant 0 : i32
      %dma_start3A_775 = tpu.memref_slice %arg9[%run_scoped3A_33, %dma_start3A_773, %dma_start3A_774] : memref<2x512x16xf32, #tpu.memory_space<vmem>> -> memref<1x512x16xf32, #tpu.memory_space<vmem>>
      %dma_start3A_776 = tpu.memref_squeeze %dma_start3A_775 : memref<1x512x16xf32, #tpu.memory_space<vmem>> -> memref<512x16xf32, #tpu.memory_space<vmem>>
      tpu.enqueue_dma source(%dma_start3A_776 : memref<512x16xf32, #tpu.memory_space<vmem>>) target(%dma_start3A_772 : memref<512x16xf32, #tpu.memory_space<vmem_shared>>) target_semaphore(%run_scoped3A_764 : memref<!tpu.dma_semaphore, #tpu.memory_space<semaphore_mem>>)
      %dma_wait3A_777 = arith.constant 0 : i32
      %dma_wait3A_778 = arith.constant 0 : i32
      %dma_wait3A_779 = tpu.memref_slice %arg9[%run_scoped3A_33, %dma_wait3A_777, %dma_wait3A_778] : memref<2x512x16xf32, #tpu.memory_space<vmem>> -> memref<1x512x16xf32, #tpu.memory_space<vmem>>
      %dma_wait3A_780 = tpu.memref_squeeze %dma_wait3A_779 : memref<1x512x16xf32, #tpu.memory_space<vmem>> -> memref<512x16xf32, #tpu.memory_space<vmem>>
      %dma_wait3A_781 = arith.constant 0 : i32
      %dma_wait3A_782 = tpu.memref_slice %arg12[%add3A_32, %dma_wait3A_781] : memref<100352x16xf32, #tpu.memory_space<vmem_shared>> -> memref<512x16xf32, #tpu.memory_space<vmem_shared>>
      %dma_wait3A_783 = arith.constant 0 : i32
      %dma_wait3A_784 = tpu.memref_slice %arg12[%add3A_32, %dma_wait3A_783] : memref<100352x16xf32, #tpu.memory_space<vmem_shared>> -> memref<512x16xf32, #tpu.memory_space<vmem_shared>>
      %dma_wait3A_785 = arith.constant 0 : i32
      %dma_wait3A_786 = arith.constant 0 : i32
      %dma_wait3A_787 = tpu.memref_slice %arg9[%run_scoped3A_33, %dma_wait3A_785, %dma_wait3A_786] : memref<2x512x16xf32, #tpu.memory_space<vmem>> -> memref<1x512x16xf32, #tpu.memory_space<vmem>>
      %dma_wait3A_788 = tpu.memref_squeeze %dma_wait3A_787 : memref<1x512x16xf32, #tpu.memory_space<vmem>> -> memref<512x16xf32, #tpu.memory_space<vmem>>
      tpu.wait_dma2 semaphore(%run_scoped3A_764 : memref<!tpu.dma_semaphore, #tpu.memory_space<semaphore_mem>>) src(%dma_wait3A_788 : memref<512x16xf32, #tpu.memory_space<vmem>>) dst(%dma_wait3A_784 : memref<512x16xf32, #tpu.memory_space<vmem_shared>>)
      tpu.yield
    }) : () -> ()
    %add3A_34 = arith.constant 3072 : i32
    %add3A_35 = arith.addi %mul3A_2, %add3A_34 : i32
    %run_scoped3A_36 = arith.constant 0 : i32
    "tpu.region"() ({
      %run_scoped3A_764 = tpu.sem_alloc : memref<!tpu.dma_semaphore, #tpu.memory_space<semaphore_mem>>
      %dma_start3A_765 = arith.constant 0 : i32
      %dma_start3A_766 = arith.constant 0 : i32
      %dma_start3A_767 = tpu.memref_slice %arg9[%run_scoped3A_36, %dma_start3A_765, %dma_start3A_766] : memref<2x512x16xf32, #tpu.memory_space<vmem>> -> memref<1x512x16xf32, #tpu.memory_space<vmem>>
      %dma_start3A_768 = tpu.memref_squeeze %dma_start3A_767 : memref<1x512x16xf32, #tpu.memory_space<vmem>> -> memref<512x16xf32, #tpu.memory_space<vmem>>
      %dma_start3A_769 = arith.constant 0 : i32
      %dma_start3A_770 = tpu.memref_slice %arg12[%add3A_35, %dma_start3A_769] : memref<100352x16xf32, #tpu.memory_space<vmem_shared>> -> memref<512x16xf32, #tpu.memory_space<vmem_shared>>
      %dma_start3A_771 = arith.constant 0 : i32
      %dma_start3A_772 = tpu.memref_slice %arg12[%add3A_35, %dma_start3A_771] : memref<100352x16xf32, #tpu.memory_space<vmem_shared>> -> memref<512x16xf32, #tpu.memory_space<vmem_shared>>
      %dma_start3A_773 = arith.constant 0 : i32
      %dma_start3A_774 = arith.constant 0 : i32
      %dma_start3A_775 = tpu.memref_slice %arg9[%run_scoped3A_36, %dma_start3A_773, %dma_start3A_774] : memref<2x512x16xf32, #tpu.memory_space<vmem>> -> memref<1x512x16xf32, #tpu.memory_space<vmem>>
      %dma_start3A_776 = tpu.memref_squeeze %dma_start3A_775 : memref<1x512x16xf32, #tpu.memory_space<vmem>> -> memref<512x16xf32, #tpu.memory_space<vmem>>
      tpu.enqueue_dma source(%dma_start3A_776 : memref<512x16xf32, #tpu.memory_space<vmem>>) target(%dma_start3A_772 : memref<512x16xf32, #tpu.memory_space<vmem_shared>>) target_semaphore(%run_scoped3A_764 : memref<!tpu.dma_semaphore, #tpu.memory_space<semaphore_mem>>)
      %dma_wait3A_777 = arith.constant 0 : i32
      %dma_wait3A_778 = arith.constant 0 : i32
      %dma_wait3A_779 = tpu.memref_slice %arg9[%run_scoped3A_36, %dma_wait3A_777, %dma_wait3A_778] : memref<2x512x16xf32, #tpu.memory_space<vmem>> -> memref<1x512x16xf32, #tpu.memory_space<vmem>>
      %dma_wait3A_780 = tpu.memref_squeeze %dma_wait3A_779 : memref<1x512x16xf32, #tpu.memory_space<vmem>> -> memref<512x16xf32, #tpu.memory_space<vmem>>
      %dma_wait3A_781 = arith.constant 0 : i32
      %dma_wait3A_782 = tpu.memref_slice %arg12[%add3A_35, %dma_wait3A_781] : memref<100352x16xf32, #tpu.memory_space<vmem_shared>> -> memref<512x16xf32, #tpu.memory_space<vmem_shared>>
      %dma_wait3A_783 = arith.constant 0 : i32
      %dma_wait3A_784 = tpu.memref_slice %arg12[%add3A_35, %dma_wait3A_783] : memref<100352x16xf32, #tpu.memory_space<vmem_shared>> -> memref<512x16xf32, #tpu.memory_space<vmem_shared>>
      %dma_wait3A_785 = arith.constant 0 : i32
      %dma_wait3A_786 = arith.constant 0 : i32
      %dma_wait3A_787 = tpu.memref_slice %arg9[%run_scoped3A_36, %dma_wait3A_785, %dma_wait3A_786] : memref<2x512x16xf32, #tpu.memory_space<vmem>> -> memref<1x512x16xf32, #tpu.memory_space<vmem>>
      %dma_wait3A_788 = tpu.memref_squeeze %dma_wait3A_787 : memref<1x512x16xf32, #tpu.memory_space<vmem>> -> memref<512x16xf32, #tpu.memory_space<vmem>>
      tpu.wait_dma2 semaphore(%run_scoped3A_764 : memref<!tpu.dma_semaphore, #tpu.memory_space<semaphore_mem>>) src(%dma_wait3A_788 : memref<512x16xf32, #tpu.memory_space<vmem>>) dst(%dma_wait3A_784 : memref<512x16xf32, #tpu.memory_space<vmem_shared>>)
      tpu.yield
    }) : () -> ()
    %add3A_37 = arith.constant 3584 : i32
    %add3A_38 = arith.addi %mul3A_2, %add3A_37 : i32
    %run_scoped3A_39 = arith.constant 0 : i32
    "tpu.region"() ({
      %run_scoped3A_764 = tpu.sem_alloc : memref<!tpu.dma_semaphore, #tpu.memory_space<semaphore_mem>>
      %dma_start3A_765 = arith.constant 0 : i32
      %dma_start3A_766 = arith.constant 0 : i32
      %dma_start3A_767 = tpu.memref_slice %arg9[%run_scoped3A_39, %dma_start3A_765, %dma_start3A_766] : memref<2x512x16xf32, #tpu.memory_space<vmem>> -> memref<1x512x16xf32, #tpu.memory_space<vmem>>
      %dma_start3A_768 = tpu.memref_squeeze %dma_start3A_767 : memref<1x512x16xf32, #tpu.memory_space<vmem>> -> memref<512x16xf32, #tpu.memory_space<vmem>>
      %dma_start3A_769 = arith.constant 0 : i32
      %dma_start3A_770 = tpu.memref_slice %arg12[%add3A_38, %dma_start3A_769] : memref<100352x16xf32, #tpu.memory_space<vmem_shared>> -> memref<512x16xf32, #tpu.memory_space<vmem_shared>>
      %dma_start3A_771 = arith.constant 0 : i32
      %dma_start3A_772 = tpu.memref_slice %arg12[%add3A_38, %dma_start3A_771] : memref<100352x16xf32, #tpu.memory_space<vmem_shared>> -> memref<512x16xf32, #tpu.memory_space<vmem_shared>>
      %dma_start3A_773 = arith.constant 0 : i32
      %dma_start3A_774 = arith.constant 0 : i32
      %dma_start3A_775 = tpu.memref_slice %arg9[%run_scoped3A_39, %dma_start3A_773, %dma_start3A_774] : memref<2x512x16xf32, #tpu.memory_space<vmem>> -> memref<1x512x16xf32, #tpu.memory_space<vmem>>
      %dma_start3A_776 = tpu.memref_squeeze %dma_start3A_775 : memref<1x512x16xf32, #tpu.memory_space<vmem>> -> memref<512x16xf32, #tpu.memory_space<vmem>>
      tpu.enqueue_dma source(%dma_start3A_776 : memref<512x16xf32, #tpu.memory_space<vmem>>) target(%dma_start3A_772 : memref<512x16xf32, #tpu.memory_space<vmem_shared>>) target_semaphore(%run_scoped3A_764 : memref<!tpu.dma_semaphore, #tpu.memory_space<semaphore_mem>>)
      %dma_wait3A_777 = arith.constant 0 : i32
      %dma_wait3A_778 = arith.constant 0 : i32
      %dma_wait3A_779 = tpu.memref_slice %arg9[%run_scoped3A_39, %dma_wait3A_777, %dma_wait3A_778] : memref<2x512x16xf32, #tpu.memory_space<vmem>> -> memref<1x512x16xf32, #tpu.memory_space<vmem>>
      %dma_wait3A_780 = tpu.memref_squeeze %dma_wait3A_779 : memref<1x512x16xf32, #tpu.memory_space<vmem>> -> memref<512x16xf32, #tpu.memory_space<vmem>>
      %dma_wait3A_781 = arith.constant 0 : i32
      %dma_wait3A_782 = tpu.memref_slice %arg12[%add3A_38, %dma_wait3A_781] : memref<100352x16xf32, #tpu.memory_space<vmem_shared>> -> memref<512x16xf32, #tpu.memory_space<vmem_shared>>
      %dma_wait3A_783 = arith.constant 0 : i32
      %dma_wait3A_784 = tpu.memref_slice %arg12[%add3A_38, %dma_wait3A_783] : memref<100352x16xf32, #tpu.memory_space<vmem_shared>> -> memref<512x16xf32, #tpu.memory_space<vmem_shared>>
      %dma_wait3A_785 = arith.constant 0 : i32
      %dma_wait3A_786 = arith.constant 0 : i32
      %dma_wait3A_787 = tpu.memref_slice %arg9[%run_scoped3A_39, %dma_wait3A_785, %dma_wait3A_786] : memref<2x512x16xf32, #tpu.memory_space<vmem>> -> memref<1x512x16xf32, #tpu.memory_space<vmem>>
      %dma_wait3A_788 = tpu.memref_squeeze %dma_wait3A_787 : memref<1x512x16xf32, #tpu.memory_space<vmem>> -> memref<512x16xf32, #tpu.memory_space<vmem>>
      tpu.wait_dma2 semaphore(%run_scoped3A_764 : memref<!tpu.dma_semaphore, #tpu.memory_space<semaphore_mem>>) src(%dma_wait3A_788 : memref<512x16xf32, #tpu.memory_space<vmem>>) dst(%dma_wait3A_784 : memref<512x16xf32, #tpu.memory_space<vmem_shared>>)
      tpu.yield
    }) : () -> ()
    %add3A_40 = arith.constant 4096 : i32
    %add3A_41 = arith.addi %mul3A_2, %add3A_40 : i32
    %run_scoped3A_42 = arith.constant 0 : i32
    "tpu.region"() ({
      %run_scoped3A_764 = tpu.sem_alloc : memref<!tpu.dma_semaphore, #tpu.memory_space<semaphore_mem>>
      %dma_start3A_765 = arith.constant 0 : i32
      %dma_start3A_766 = arith.constant 0 : i32
      %dma_start3A_767 = tpu.memref_slice %arg9[%run_scoped3A_42, %dma_start3A_765, %dma_start3A_766] : memref<2x512x16xf32, #tpu.memory_space<vmem>> -> memref<1x512x16xf32, #tpu.memory_space<vmem>>
      %dma_start3A_768 = tpu.memref_squeeze %dma_start3A_767 : memref<1x512x16xf32, #tpu.memory_space<vmem>> -> memref<512x16xf32, #tpu.memory_space<vmem>>
      %dma_start3A_769 = arith.constant 0 : i32
      %dma_start3A_770 = tpu.memref_slice %arg12[%add3A_41, %dma_start3A_769] : memref<100352x16xf32, #tpu.memory_space<vmem_shared>> -> memref<512x16xf32, #tpu.memory_space<vmem_shared>>
      %dma_start3A_771 = arith.constant 0 : i32
      %dma_start3A_772 = tpu.memref_slice %arg12[%add3A_41, %dma_start3A_771] : memref<100352x16xf32, #tpu.memory_space<vmem_shared>> -> memref<512x16xf32, #tpu.memory_space<vmem_shared>>
      %dma_start3A_773 = arith.constant 0 : i32
      %dma_start3A_774 = arith.constant 0 : i32
      %dma_start3A_775 = tpu.memref_slice %arg9[%run_scoped3A_42, %dma_start3A_773, %dma_start3A_774] : memref<2x512x16xf32, #tpu.memory_space<vmem>> -> memref<1x512x16xf32, #tpu.memory_space<vmem>>
      %dma_start3A_776 = tpu.memref_squeeze %dma_start3A_775 : memref<1x512x16xf32, #tpu.memory_space<vmem>> -> memref<512x16xf32, #tpu.memory_space<vmem>>
      tpu.enqueue_dma source(%dma_start3A_776 : memref<512x16xf32, #tpu.memory_space<vmem>>) target(%dma_start3A_772 : memref<512x16xf32, #tpu.memory_space<vmem_shared>>) target_semaphore(%run_scoped3A_764 : memref<!tpu.dma_semaphore, #tpu.memory_space<semaphore_mem>>)
      %dma_wait3A_777 = arith.constant 0 : i32
      %dma_wait3A_778 = arith.constant 0 : i32
      %dma_wait3A_779 = tpu.memref_slice %arg9[%run_scoped3A_42, %dma_wait3A_777, %dma_wait3A_778] : memref<2x512x16xf32, #tpu.memory_space<vmem>> -> memref<1x512x16xf32, #tpu.memory_space<vmem>>
      %dma_wait3A_780 = tpu.memref_squeeze %dma_wait3A_779 : memref<1x512x16xf32, #tpu.memory_space<vmem>> -> memref<512x16xf32, #tpu.memory_space<vmem>>
      %dma_wait3A_781 = arith.constant 0 : i32
      %dma_wait3A_782 = tpu.memref_slice %arg12[%add3A_41, %dma_wait3A_781] : memref<100352x16xf32, #tpu.memory_space<vmem_shared>> -> memref<512x16xf32, #tpu.memory_space<vmem_shared>>
      %dma_wait3A_783 = arith.constant 0 : i32
      %dma_wait3A_784 = tpu.memref_slice %arg12[%add3A_41, %dma_wait3A_783] : memref<100352x16xf32, #tpu.memory_space<vmem_shared>> -> memref<512x16xf32, #tpu.memory_space<vmem_shared>>
      %dma_wait3A_785 = arith.constant 0 : i32
      %dma_wait3A_786 = arith.constant 0 : i32
      %dma_wait3A_787 = tpu.memref_slice %arg9[%run_scoped3A_42, %dma_wait3A_785, %dma_wait3A_786] : memref<2x512x16xf32, #tpu.memory_space<vmem>> -> memref<1x512x16xf32, #tpu.memory_space<vmem>>
      %dma_wait3A_788 = tpu.memref_squeeze %dma_wait3A_787 : memref<1x512x16xf32, #tpu.memory_space<vmem>> -> memref<512x16xf32, #tpu.memory_space<vmem>>
      tpu.wait_dma2 semaphore(%run_scoped3A_764 : memref<!tpu.dma_semaphore, #tpu.memory_space<semaphore_mem>>) src(%dma_wait3A_788 : memref<512x16xf32, #tpu.memory_space<vmem>>) dst(%dma_wait3A_784 : memref<512x16xf32, #tpu.memory_space<vmem_shared>>)
      tpu.yield
    }) : () -> ()
    %add3A_43 = arith.constant 4608 : i32
    %add3A_44 = arith.addi %mul3A_2, %add3A_43 : i32
    %run_scoped3A_45 = arith.constant 0 : i32
    "tpu.region"() ({
      %run_scoped3A_764 = tpu.sem_alloc : memref<!tpu.dma_semaphore, #tpu.memory_space<semaphore_mem>>
      %dma_start3A_765 = arith.constant 0 : i32
      %dma_start3A_766 = arith.constant 0 : i32
      %dma_start3A_767 = tpu.memref_slice %arg9[%run_scoped3A_45, %dma_start3A_765, %dma_start3A_766] : memref<2x512x16xf32, #tpu.memory_space<vmem>> -> memref<1x512x16xf32, #tpu.memory_space<vmem>>
      %dma_start3A_768 = tpu.memref_squeeze %dma_start3A_767 : memref<1x512x16xf32, #tpu.memory_space<vmem>> -> memref<512x16xf32, #tpu.memory_space<vmem>>
      %dma_start3A_769 = arith.constant 0 : i32
      %dma_start3A_770 = tpu.memref_slice %arg12[%add3A_44, %dma_start3A_769] : memref<100352x16xf32, #tpu.memory_space<vmem_shared>> -> memref<512x16xf32, #tpu.memory_space<vmem_shared>>
      %dma_start3A_771 = arith.constant 0 : i32
      %dma_start3A_772 = tpu.memref_slice %arg12[%add3A_44, %dma_start3A_771] : memref<100352x16xf32, #tpu.memory_space<vmem_shared>> -> memref<512x16xf32, #tpu.memory_space<vmem_shared>>
      %dma_start3A_773 = arith.constant 0 : i32
      %dma_start3A_774 = arith.constant 0 : i32
      %dma_start3A_775 = tpu.memref_slice %arg9[%run_scoped3A_45, %dma_start3A_773, %dma_start3A_774] : memref<2x512x16xf32, #tpu.memory_space<vmem>> -> memref<1x512x16xf32, #tpu.memory_space<vmem>>
      %dma_start3A_776 = tpu.memref_squeeze %dma_start3A_775 : memref<1x512x16xf32, #tpu.memory_space<vmem>> -> memref<512x16xf32, #tpu.memory_space<vmem>>
      tpu.enqueue_dma source(%dma_start3A_776 : memref<512x16xf32, #tpu.memory_space<vmem>>) target(%dma_start3A_772 : memref<512x16xf32, #tpu.memory_space<vmem_shared>>) target_semaphore(%run_scoped3A_764 : memref<!tpu.dma_semaphore, #tpu.memory_space<semaphore_mem>>)
      %dma_wait3A_777 = arith.constant 0 : i32
      %dma_wait3A_778 = arith.constant 0 : i32
      %dma_wait3A_779 = tpu.memref_slice %arg9[%run_scoped3A_45, %dma_wait3A_777, %dma_wait3A_778] : memref<2x512x16xf32, #tpu.memory_space<vmem>> -> memref<1x512x16xf32, #tpu.memory_space<vmem>>
      %dma_wait3A_780 = tpu.memref_squeeze %dma_wait3A_779 : memref<1x512x16xf32, #tpu.memory_space<vmem>> -> memref<512x16xf32, #tpu.memory_space<vmem>>
      %dma_wait3A_781 = arith.constant 0 : i32
      %dma_wait3A_782 = tpu.memref_slice %arg12[%add3A_44, %dma_wait3A_781] : memref<100352x16xf32, #tpu.memory_space<vmem_shared>> -> memref<512x16xf32, #tpu.memory_space<vmem_shared>>
      %dma_wait3A_783 = arith.constant 0 : i32
      %dma_wait3A_784 = tpu.memref_slice %arg12[%add3A_44, %dma_wait3A_783] : memref<100352x16xf32, #tpu.memory_space<vmem_shared>> -> memref<512x16xf32, #tpu.memory_space<vmem_shared>>
      %dma_wait3A_785 = arith.constant 0 : i32
      %dma_wait3A_786 = arith.constant 0 : i32
      %dma_wait3A_787 = tpu.memref_slice %arg9[%run_scoped3A_45, %dma_wait3A_785, %dma_wait3A_786] : memref<2x512x16xf32, #tpu.memory_space<vmem>> -> memref<1x512x16xf32, #tpu.memory_space<vmem>>
      %dma_wait3A_788 = tpu.memref_squeeze %dma_wait3A_787 : memref<1x512x16xf32, #tpu.memory_space<vmem>> -> memref<512x16xf32, #tpu.memory_space<vmem>>
      tpu.wait_dma2 semaphore(%run_scoped3A_764 : memref<!tpu.dma_semaphore, #tpu.memory_space<semaphore_mem>>) src(%dma_wait3A_788 : memref<512x16xf32, #tpu.memory_space<vmem>>) dst(%dma_wait3A_784 : memref<512x16xf32, #tpu.memory_space<vmem_shared>>)
      tpu.yield
    }) : () -> ()
    %add3A_46 = arith.constant 5120 : i32
    %add3A_47 = arith.addi %mul3A_2, %add3A_46 : i32
    %run_scoped3A_48 = arith.constant 0 : i32
    "tpu.region"() ({
      %run_scoped3A_764 = tpu.sem_alloc : memref<!tpu.dma_semaphore, #tpu.memory_space<semaphore_mem>>
      %dma_start3A_765 = arith.constant 0 : i32
      %dma_start3A_766 = arith.constant 0 : i32
      %dma_start3A_767 = tpu.memref_slice %arg9[%run_scoped3A_48, %dma_start3A_765, %dma_start3A_766] : memref<2x512x16xf32, #tpu.memory_space<vmem>> -> memref<1x512x16xf32, #tpu.memory_space<vmem>>
      %dma_start3A_768 = tpu.memref_squeeze %dma_start3A_767 : memref<1x512x16xf32, #tpu.memory_space<vmem>> -> memref<512x16xf32, #tpu.memory_space<vmem>>
      %dma_start3A_769 = arith.constant 0 : i32
      %dma_start3A_770 = tpu.memref_slice %arg12[%add3A_47, %dma_start3A_769] : memref<100352x16xf32, #tpu.memory_space<vmem_shared>> -> memref<512x16xf32, #tpu.memory_space<vmem_shared>>
      %dma_start3A_771 = arith.constant 0 : i32
      %dma_start3A_772 = tpu.memref_slice %arg12[%add3A_47, %dma_start3A_771] : memref<100352x16xf32, #tpu.memory_space<vmem_shared>> -> memref<512x16xf32, #tpu.memory_space<vmem_shared>>
      %dma_start3A_773 = arith.constant 0 : i32
      %dma_start3A_774 = arith.constant 0 : i32
      %dma_start3A_775 = tpu.memref_slice %arg9[%run_scoped3A_48, %dma_start3A_773, %dma_start3A_774] : memref<2x512x16xf32, #tpu.memory_space<vmem>> -> memref<1x512x16xf32, #tpu.memory_space<vmem>>
      %dma_start3A_776 = tpu.memref_squeeze %dma_start3A_775 : memref<1x512x16xf32, #tpu.memory_space<vmem>> -> memref<512x16xf32, #tpu.memory_space<vmem>>
      tpu.enqueue_dma source(%dma_start3A_776 : memref<512x16xf32, #tpu.memory_space<vmem>>) target(%dma_start3A_772 : memref<512x16xf32, #tpu.memory_space<vmem_shared>>) target_semaphore(%run_scoped3A_764 : memref<!tpu.dma_semaphore, #tpu.memory_space<semaphore_mem>>)
      %dma_wait3A_777 = arith.constant 0 : i32
      %dma_wait3A_778 = arith.constant 0 : i32
      %dma_wait3A_779 = tpu.memref_slice %arg9[%run_scoped3A_48, %dma_wait3A_777, %dma_wait3A_778] : memref<2x512x16xf32, #tpu.memory_space<vmem>> -> memref<1x512x16xf32, #tpu.memory_space<vmem>>
      %dma_wait3A_780 = tpu.memref_squeeze %dma_wait3A_779 : memref<1x512x16xf32, #tpu.memory_space<vmem>> -> memref<512x16xf32, #tpu.memory_space<vmem>>
      %dma_wait3A_781 = arith.constant 0 : i32
      %dma_wait3A_782 = tpu.memref_slice %arg12[%add3A_47, %dma_wait3A_781] : memref<100352x16xf32, #tpu.memory_space<vmem_shared>> -> memref<512x16xf32, #tpu.memory_space<vmem_shared>>
      %dma_wait3A_783 = arith.constant 0 : i32
      %dma_wait3A_784 = tpu.memref_slice %arg12[%add3A_47, %dma_wait3A_783] : memref<100352x16xf32, #tpu.memory_space<vmem_shared>> -> memref<512x16xf32, #tpu.memory_space<vmem_shared>>
      %dma_wait3A_785 = arith.constant 0 : i32
      %dma_wait3A_786 = arith.constant 0 : i32
      %dma_wait3A_787 = tpu.memref_slice %arg9[%run_scoped3A_48, %dma_wait3A_785, %dma_wait3A_786] : memref<2x512x16xf32, #tpu.memory_space<vmem>> -> memref<1x512x16xf32, #tpu.memory_space<vmem>>
      %dma_wait3A_788 = tpu.memref_squeeze %dma_wait3A_787 : memref<1x512x16xf32, #tpu.memory_space<vmem>> -> memref<512x16xf32, #tpu.memory_space<vmem>>
      tpu.wait_dma2 semaphore(%run_scoped3A_764 : memref<!tpu.dma_semaphore, #tpu.memory_space<semaphore_mem>>) src(%dma_wait3A_788 : memref<512x16xf32, #tpu.memory_space<vmem>>) dst(%dma_wait3A_784 : memref<512x16xf32, #tpu.memory_space<vmem_shared>>)
      tpu.yield
    }) : () -> ()
    %add3A_49 = arith.constant 5632 : i32
    %add3A_50 = arith.addi %mul3A_2, %add3A_49 : i32
    %run_scoped3A_51 = arith.constant 0 : i32
    "tpu.region"() ({
      %run_scoped3A_764 = tpu.sem_alloc : memref<!tpu.dma_semaphore, #tpu.memory_space<semaphore_mem>>
      %dma_start3A_765 = arith.constant 0 : i32
      %dma_start3A_766 = arith.constant 0 : i32
      %dma_start3A_767 = tpu.memref_slice %arg9[%run_scoped3A_51, %dma_start3A_765, %dma_start3A_766] : memref<2x512x16xf32, #tpu.memory_space<vmem>> -> memref<1x512x16xf32, #tpu.memory_space<vmem>>
      %dma_start3A_768 = tpu.memref_squeeze %dma_start3A_767 : memref<1x512x16xf32, #tpu.memory_space<vmem>> -> memref<512x16xf32, #tpu.memory_space<vmem>>
      %dma_start3A_769 = arith.constant 0 : i32
      %dma_start3A_770 = tpu.memref_slice %arg12[%add3A_50, %dma_start3A_769] : memref<100352x16xf32, #tpu.memory_space<vmem_shared>> -> memref<512x16xf32, #tpu.memory_space<vmem_shared>>
      %dma_start3A_771 = arith.constant 0 : i32
      %dma_start3A_772 = tpu.memref_slice %arg12[%add3A_50, %dma_start3A_771] : memref<100352x16xf32, #tpu.memory_space<vmem_shared>> -> memref<512x16xf32, #tpu.memory_space<vmem_shared>>
      %dma_start3A_773 = arith.constant 0 : i32
      %dma_start3A_774 = arith.constant 0 : i32
      %dma_start3A_775 = tpu.memref_slice %arg9[%run_scoped3A_51, %dma_start3A_773, %dma_start3A_774] : memref<2x512x16xf32, #tpu.memory_space<vmem>> -> memref<1x512x16xf32, #tpu.memory_space<vmem>>
      %dma_start3A_776 = tpu.memref_squeeze %dma_start3A_775 : memref<1x512x16xf32, #tpu.memory_space<vmem>> -> memref<512x16xf32, #tpu.memory_space<vmem>>
      tpu.enqueue_dma source(%dma_start3A_776 : memref<512x16xf32, #tpu.memory_space<vmem>>) target(%dma_start3A_772 : memref<512x16xf32, #tpu.memory_space<vmem_shared>>) target_semaphore(%run_scoped3A_764 : memref<!tpu.dma_semaphore, #tpu.memory_space<semaphore_mem>>)
      %dma_wait3A_777 = arith.constant 0 : i32
      %dma_wait3A_778 = arith.constant 0 : i32
      %dma_wait3A_779 = tpu.memref_slice %arg9[%run_scoped3A_51, %dma_wait3A_777, %dma_wait3A_778] : memref<2x512x16xf32, #tpu.memory_space<vmem>> -> memref<1x512x16xf32, #tpu.memory_space<vmem>>
      %dma_wait3A_780 = tpu.memref_squeeze %dma_wait3A_779 : memref<1x512x16xf32, #tpu.memory_space<vmem>> -> memref<512x16xf32, #tpu.memory_space<vmem>>
      %dma_wait3A_781 = arith.constant 0 : i32
      %dma_wait3A_782 = tpu.memref_slice %arg12[%add3A_50, %dma_wait3A_781] : memref<100352x16xf32, #tpu.memory_space<vmem_shared>> -> memref<512x16xf32, #tpu.memory_space<vmem_shared>>
      %dma_wait3A_783 = arith.constant 0 : i32
      %dma_wait3A_784 = tpu.memref_slice %arg12[%add3A_50, %dma_wait3A_783] : memref<100352x16xf32, #tpu.memory_space<vmem_shared>> -> memref<512x16xf32, #tpu.memory_space<vmem_shared>>
      %dma_wait3A_785 = arith.constant 0 : i32
      %dma_wait3A_786 = arith.constant 0 : i32
      %dma_wait3A_787 = tpu.memref_slice %arg9[%run_scoped3A_51, %dma_wait3A_785, %dma_wait3A_786] : memref<2x512x16xf32, #tpu.memory_space<vmem>> -> memref<1x512x16xf32, #tpu.memory_space<vmem>>
      %dma_wait3A_788 = tpu.memref_squeeze %dma_wait3A_787 : memref<1x512x16xf32, #tpu.memory_space<vmem>> -> memref<512x16xf32, #tpu.memory_space<vmem>>
      tpu.wait_dma2 semaphore(%run_scoped3A_764 : memref<!tpu.dma_semaphore, #tpu.memory_space<semaphore_mem>>) src(%dma_wait3A_788 : memref<512x16xf32, #tpu.memory_space<vmem>>) dst(%dma_wait3A_784 : memref<512x16xf32, #tpu.memory_space<vmem_shared>>)
      tpu.yield
    }) : () -> ()
    %add3A_52 = arith.constant 6144 : i32
    %add3A_53 = arith.addi %mul3A_2, %add3A_52 : i32
    %run_scoped3A_54 = arith.constant 0 : i32
    "tpu.region"() ({
      %run_scoped3A_764 = tpu.sem_alloc : memref<!tpu.dma_semaphore, #tpu.memory_space<semaphore_mem>>
      %dma_start3A_765 = arith.constant 0 : i32
      %dma_start3A_766 = arith.constant 0 : i32
      %dma_start3A_767 = tpu.memref_slice %arg9[%run_scoped3A_54, %dma_start3A_765, %dma_start3A_766] : memref<2x512x16xf32, #tpu.memory_space<vmem>> -> memref<1x512x16xf32, #tpu.memory_space<vmem>>
      %dma_start3A_768 = tpu.memref_squeeze %dma_start3A_767 : memref<1x512x16xf32, #tpu.memory_space<vmem>> -> memref<512x16xf32, #tpu.memory_space<vmem>>
      %dma_start3A_769 = arith.constant 0 : i32
      %dma_start3A_770 = arith.constant 0 : i32
      %dma_start3A_771 = tpu.memref_slice %dma_start3A_768[%dma_start3A_769, %dma_start3A_770] : memref<512x16xf32, #tpu.memory_space<vmem>> -> memref<128x16xf32, #tpu.memory_space<vmem>>
      %dma_start3A_772 = arith.constant 0 : i32
      %dma_start3A_773 = tpu.memref_slice %arg12[%add3A_53, %dma_start3A_772] : memref<100352x16xf32, #tpu.memory_space<vmem_shared>> -> memref<128x16xf32, #tpu.memory_space<vmem_shared>>
      %dma_start3A_774 = arith.constant 0 : i32
      %dma_start3A_775 = tpu.memref_slice %arg12[%add3A_53, %dma_start3A_774] : memref<100352x16xf32, #tpu.memory_space<vmem_shared>> -> memref<128x16xf32, #tpu.memory_space<vmem_shared>>
      %dma_start3A_776 = arith.constant 0 : i32
      %dma_start3A_777 = arith.constant 0 : i32
      %dma_start3A_778 = tpu.memref_slice %arg9[%run_scoped3A_54, %dma_start3A_776, %dma_start3A_777] : memref<2x512x16xf32, #tpu.memory_space<vmem>> -> memref<1x512x16xf32, #tpu.memory_space<vmem>>
      %dma_start3A_779 = tpu.memref_squeeze %dma_start3A_778 : memref<1x512x16xf32, #tpu.memory_space<vmem>> -> memref<512x16xf32, #tpu.memory_space<vmem>>
      %dma_start3A_780 = arith.constant 0 : i32
      %dma_start3A_781 = arith.constant 0 : i32
      %dma_start3A_782 = tpu.memref_slice %dma_start3A_779[%dma_start3A_780, %dma_start3A_781] : memref<512x16xf32, #tpu.memory_space<vmem>> -> memref<128x16xf32, #tpu.memory_space<vmem>>
      tpu.enqueue_dma source(%dma_start3A_782 : memref<128x16xf32, #tpu.memory_space<vmem>>) target(%dma_start3A_775 : memref<128x16xf32, #tpu.memory_space<vmem_shared>>) target_semaphore(%run_scoped3A_764 : memref<!tpu.dma_semaphore, #tpu.memory_space<semaphore_mem>>)
      %dma_wait3A_783 = arith.constant 0 : i32
      %dma_wait3A_784 = arith.constant 0 : i32
      %dma_wait3A_785 = tpu.memref_slice %arg9[%run_scoped3A_54, %dma_wait3A_783, %dma_wait3A_784] : memref<2x512x16xf32, #tpu.memory_space<vmem>> -> memref<1x512x16xf32, #tpu.memory_space<vmem>>
      %dma_wait3A_786 = tpu.memref_squeeze %dma_wait3A_785 : memref<1x512x16xf32, #tpu.memory_space<vmem>> -> memref<512x16xf32, #tpu.memory_space<vmem>>
      %dma_wait3A_787 = arith.constant 0 : i32
      %dma_wait3A_788 = arith.constant 0 : i32
      %dma_wait3A_789 = tpu.memref_slice %dma_wait3A_786[%dma_wait3A_787, %dma_wait3A_788] : memref<512x16xf32, #tpu.memory_space<vmem>> -> memref<128x16xf32, #tpu.memory_space<vmem>>
      %dma_wait3A_790 = arith.constant 0 : i32
      %dma_wait3A_791 = tpu.memref_slice %arg12[%add3A_53, %dma_wait3A_790] : memref<100352x16xf32, #tpu.memory_space<vmem_shared>> -> memref<128x16xf32, #tpu.memory_space<vmem_shared>>
      %dma_wait3A_792 = arith.constant 0 : i32
      %dma_wait3A_793 = tpu.memref_slice %arg12[%add3A_53, %dma_wait3A_792] : memref<100352x16xf32, #tpu.memory_space<vmem_shared>> -> memref<128x16xf32, #tpu.memory_space<vmem_shared>>
      %dma_wait3A_794 = arith.constant 0 : i32
      %dma_wait3A_795 = arith.constant 0 : i32
      %dma_wait3A_796 = tpu.memref_slice %arg9[%run_scoped3A_54, %dma_wait3A_794, %dma_wait3A_795] : memref<2x512x16xf32, #tpu.memory_space<vmem>> -> memref<1x512x16xf32, #tpu.memory_space<vmem>>
      %dma_wait3A_797 = tpu.memref_squeeze %dma_wait3A_796 : memref<1x512x16xf32, #tpu.memory_space<vmem>> -> memref<512x16xf32, #tpu.memory_space<vmem>>
      %dma_wait3A_798 = arith.constant 0 : i32
      %dma_wait3A_799 = arith.constant 0 : i32
      %dma_wait3A_800 = tpu.memref_slice %dma_wait3A_797[%dma_wait3A_798, %dma_wait3A_799] : memref<512x16xf32, #tpu.memory_space<vmem>> -> memref<128x16xf32, #tpu.memory_space<vmem>>
      tpu.wait_dma2 semaphore(%run_scoped3A_764 : memref<!tpu.dma_semaphore, #tpu.memory_space<semaphore_mem>>) src(%dma_wait3A_800 : memref<128x16xf32, #tpu.memory_space<vmem>>) dst(%dma_wait3A_793 : memref<128x16xf32, #tpu.memory_space<vmem_shared>>)
      tpu.yield
    }) : () -> ()
    %mul3A_55 = arith.constant 3072 : i32
    %mul3A_56 = arith.muli %arg1, %mul3A_55 : i32
    "tpu.region"() ({
      %run_scoped3A_764 = tpu.sem_alloc : memref<!tpu.dma_semaphore, #tpu.memory_space<semaphore_mem>>
      %dma_start3A_765 = arith.constant 0 : i32
      %dma_start3A_766 = tpu.memref_slice %arg11[%dma_start3A_765] : memref<3200xf32, #tpu.memory_space<vmem>> -> memref<3072xf32, #tpu.memory_space<vmem>>
      %dma_start3A_767 = tpu.memref_slice %arg13[%mul3A_56] : memref<50304xf32, #tpu.memory_space<vmem_shared>> -> memref<3072xf32, #tpu.memory_space<vmem_shared>>
      %dma_start3A_768 = tpu.memref_slice %arg13[%mul3A_56] : memref<50304xf32, #tpu.memory_space<vmem_shared>> -> memref<3072xf32, #tpu.memory_space<vmem_shared>>
      %dma_start3A_769 = arith.constant 0 : i32
      %dma_start3A_770 = tpu.memref_slice %arg11[%dma_start3A_769] : memref<3200xf32, #tpu.memory_space<vmem>> -> memref<3072xf32, #tpu.memory_space<vmem>>
      tpu.enqueue_dma source(%dma_start3A_770 : memref<3072xf32, #tpu.memory_space<vmem>>) target(%dma_start3A_768 : memref<3072xf32, #tpu.memory_space<vmem_shared>>) target_semaphore(%run_scoped3A_764 : memref<!tpu.dma_semaphore, #tpu.memory_space<semaphore_mem>>)
      %dma_wait3A_771 = arith.constant 0 : i32
      %dma_wait3A_772 = tpu.memref_slice %arg11[%dma_wait3A_771] : memref<3200xf32, #tpu.memory_space<vmem>> -> memref<3072xf32, #tpu.memory_space<vmem>>
      %dma_wait3A_773 = tpu.memref_slice %arg13[%mul3A_56] : memref<50304xf32, #tpu.memory_space<vmem_shared>> -> memref<3072xf32, #tpu.memory_space<vmem_shared>>
      %dma_wait3A_774 = tpu.memref_slice %arg13[%mul3A_56] : memref<50304xf32, #tpu.memory_space<vmem_shared>> -> memref<3072xf32, #tpu.memory_space<vmem_shared>>
      %dma_wait3A_775 = arith.constant 0 : i32
      %dma_wait3A_776 = tpu.memref_slice %arg11[%dma_wait3A_775] : memref<3200xf32, #tpu.memory_space<vmem>> -> memref<3072xf32, #tpu.memory_space<vmem>>
      tpu.wait_dma2 semaphore(%run_scoped3A_764 : memref<!tpu.dma_semaphore, #tpu.memory_space<semaphore_mem>>) src(%dma_wait3A_776 : memref<3072xf32, #tpu.memory_space<vmem>>) dst(%dma_wait3A_774 : memref<3072xf32, #tpu.memory_space<vmem_shared>>)
      tpu.yield
    }) : () -> ()
    %eq3A = arith.constant 0 : i32
    %eq3A_57 = arith.cmpi eq, %arg1, %eq3A : i32
    %convert_element_type3A = arith.extui %eq3A_57 : i1 to i32
    %cond3A = arith.constant 0 : i32
    %cond3A_58 = arith.cmpi ne, %convert_element_type3A, %cond3A : i32
    scf.if %cond3A_58 {
      "tpu.region"() ({
        %run_scoped3A_764 = tpu.sem_alloc : memref<!tpu.dma_semaphore, #tpu.memory_space<semaphore_mem>>
        %dma_start3A_765 = arith.constant 0 : i32
        %dma_start3A_766 = tpu.memref_slice %arg11[%dma_start3A_765] : memref<3200xf32, #tpu.memory_space<vmem>> -> memref<1152xf32, #tpu.memory_space<vmem>>
        %dma_start3A_767 = arith.constant 49152 : i32
        %dma_start3A_768 = tpu.memref_slice %arg13[%dma_start3A_767] : memref<50304xf32, #tpu.memory_space<vmem_shared>> -> memref<1152xf32, #tpu.memory_space<vmem_shared>>
        %dma_start3A_769 = arith.constant 49152 : i32
        %dma_start3A_770 = tpu.memref_slice %arg13[%dma_start3A_769] : memref<50304xf32, #tpu.memory_space<vmem_shared>> -> memref<1152xf32, #tpu.memory_space<vmem_shared>>
        %dma_start3A_771 = arith.constant 0 : i32
        %dma_start3A_772 = tpu.memref_slice %arg11[%dma_start3A_771] : memref<3200xf32, #tpu.memory_space<vmem>> -> memref<1152xf32, #tpu.memory_space<vmem>>
        tpu.enqueue_dma source(%dma_start3A_772 : memref<1152xf32, #tpu.memory_space<vmem>>) target(%dma_start3A_770 : memref<1152xf32, #tpu.memory_space<vmem_shared>>) target_semaphore(%run_scoped3A_764 : memref<!tpu.dma_semaphore, #tpu.memory_space<semaphore_mem>>)
        %dma_wait3A_773 = arith.constant 0 : i32
        %dma_wait3A_774 = tpu.memref_slice %arg11[%dma_wait3A_773] : memref<3200xf32, #tpu.memory_space<vmem>> -> memref<1152xf32, #tpu.memory_space<vmem>>
        %dma_wait3A_775 = arith.constant 49152 : i32
        %dma_wait3A_776 = tpu.memref_slice %arg13[%dma_wait3A_775] : memref<50304xf32, #tpu.memory_space<vmem_shared>> -> memref<1152xf32, #tpu.memory_space<vmem_shared>>
        %dma_wait3A_777 = arith.constant 49152 : i32
        %dma_wait3A_778 = tpu.memref_slice %arg13[%dma_wait3A_777] : memref<50304xf32, #tpu.memory_space<vmem_shared>> -> memref<1152xf32, #tpu.memory_space<vmem_shared>>
        %dma_wait3A_779 = arith.constant 0 : i32
        %dma_wait3A_780 = tpu.memref_slice %arg11[%dma_wait3A_779] : memref<3200xf32, #tpu.memory_space<vmem>> -> memref<1152xf32, #tpu.memory_space<vmem>>
        tpu.wait_dma2 semaphore(%run_scoped3A_764 : memref<!tpu.dma_semaphore, #tpu.memory_space<semaphore_mem>>) src(%dma_wait3A_780 : memref<1152xf32, #tpu.memory_space<vmem>>) dst(%dma_wait3A_778 : memref<1152xf32, #tpu.memory_space<vmem_shared>>)
        tpu.yield
      }) : () -> ()
    } else {
    }
    %barrier3A = arith.constant 0 : index
    tpu.barrier barrier_id(%barrier3A)
    %lt3A = arith.constant 26 : i32
    %lt3A_59 = arith.cmpi slt, %add3A, %lt3A : i32
    %convert_element_type3A_60 = arith.extui %lt3A_59 : i1 to i32
    %add3A_61 = arith.constant 48 : i32
    %add3A_62 = arith.addi %add3A_61, %convert_element_type3A_60 : i32
    %mul3A_63 = arith.constant 48 : i32
    %mul3A_64 = arith.muli %mul3A_63, %add3A : i32
    %min3A = arith.constant 26 : i32
    %min3A_65 = arith.minsi %add3A, %min3A : i32
    %add3A_66 = arith.addi %mul3A_64, %min3A_65 : i32
    %scan3A_67 = arith.constant 0 : i32
    %scan3A_68 = arith.constant 25 : i32
    %scan3A_69 = arith.addi %scan3A_67, %scan3A_68 : i32
    %scan3A_70 = arith.constant 1 : i32
    scf.for %scan3A_764 = %scan3A_67 to %scan3A_69 step %scan3A_70  : i32 {
      %mul3A_765 = arith.constant 2 : i32
      %mul3A_766 = arith.muli %mul3A_765, %scan3A_764 : i32
      %add3A_767 = arith.constant 0 : i32
      %add3A_768 = arith.addi %mul3A_766, %add3A_767 : i32
      %lt3A_769 = arith.cmpi slt, %add3A_768, %add3A_62 : i32
      %convert_element_type3A_770 = arith.extui %lt3A_769 : i1 to i32
      %cond3A_771 = arith.constant 0 : i32
      %cond3A_772 = arith.cmpi ne, %convert_element_type3A_770, %cond3A_771 : i32
      scf.if %cond3A_772 {
        %add3A_781 = arith.addi %add3A_66, %add3A_768 : i32
        %ge3A = arith.constant 1 : i32
        %ge3A_782 = arith.cmpi sge, %add3A_768, %ge3A : i32
        %convert_element_type3A_783 = arith.extui %ge3A_782 : i1 to i32
        %cond3A_784 = arith.constant 0 : i32
        %cond3A_785 = arith.cmpi ne, %convert_element_type3A_783, %cond3A_784 : i32
        scf.if %cond3A_785 {
          %dma_wait3A_962 = arith.constant 0 : i32
          %dma_wait3A_963 = arith.constant 0 : i32
          %dma_wait3A_964 = arith.constant 0 : i32
          %dma_wait3A_965 = tpu.memref_slice %arg9[%dma_wait3A_962, %dma_wait3A_963, %dma_wait3A_964] : memref<2x512x16xf32, #tpu.memory_space<vmem>> -> memref<1x512x16xf32, #tpu.memory_space<vmem>>
          %dma_wait3A_966 = tpu.memref_squeeze %dma_wait3A_965 : memref<1x512x16xf32, #tpu.memory_space<vmem>> -> memref<512x16xf32, #tpu.memory_space<vmem>>
          %dma_wait3A_967 = arith.constant 0 : i32
          %dma_wait3A_968 = arith.constant 0 : i32
          %dma_wait3A_969 = tpu.memref_slice %arg4[%dma_wait3A_967, %dma_wait3A_968] : memref<1600000x16xf32, #tpu.memory_space<hbm>> -> memref<512x16xf32, #tpu.memory_space<hbm>>
          %dma_wait3A_970 = arith.constant 0 : i32
          %dma_wait3A_971 = arith.constant 0 : i32
          %dma_wait3A_972 = tpu.memref_slice %arg9[%dma_wait3A_962, %dma_wait3A_970, %dma_wait3A_971] : memref<2x512x16xf32, #tpu.memory_space<vmem>> -> memref<1x512x16xf32, #tpu.memory_space<vmem>>
          %dma_wait3A_973 = tpu.memref_squeeze %dma_wait3A_972 : memref<1x512x16xf32, #tpu.memory_space<vmem>> -> memref<512x16xf32, #tpu.memory_space<vmem>>
          %dma_wait3A_974 = arith.constant 0 : i32
          %dma_wait3A_975 = arith.constant 0 : i32
          %dma_wait3A_976 = tpu.memref_slice %arg4[%dma_wait3A_974, %dma_wait3A_975] : memref<1600000x16xf32, #tpu.memory_space<hbm>> -> memref<512x16xf32, #tpu.memory_space<hbm>>
          tpu.wait_dma2 semaphore(%arg14 : memref<!tpu.dma_semaphore, #tpu.memory_space<semaphore_mem>>) src(%dma_wait3A_976 : memref<512x16xf32, #tpu.memory_space<hbm>>) dst(%dma_wait3A_973 : memref<512x16xf32, #tpu.memory_space<vmem>>)
        } else {
        }
        %mul3A_786 = arith.constant 8 : i32
        %mul3A_787 = arith.muli %mul3A_786, %add3A_781 : i32
        %run_scoped3A_788 = arith.constant 0 : i32
        "tpu.region"() ({
          %run_scoped3A_962 = tpu.sem_alloc : memref<!tpu.dma_semaphore, #tpu.memory_space<semaphore_mem>>
          %dma_start3A_963 = arith.constant 0 : i32
          %dma_start3A_964 = arith.constant 0 : i32
          %dma_start3A_965 = tpu.memref_slice %arg7[%run_scoped3A_788, %dma_start3A_963, %dma_start3A_964] : memref<2x8x128xi32, #tpu.memory_space<vmem>> -> memref<1x8x128xi32, #tpu.memory_space<vmem>>
          %dma_start3A_966 = tpu.memref_squeeze %dma_start3A_965 : memref<1x8x128xi32, #tpu.memory_space<vmem>> -> memref<8x128xi32, #tpu.memory_space<vmem>>
          %dma_start3A_967 = arith.constant 0 : i32
          %dma_start3A_968 = tpu.memref_slice %arg2[%mul3A_787, %dma_start3A_967] : memref<12500x128xi32, #tpu.memory_space<hbm>> -> memref<8x128xi32, #tpu.memory_space<hbm>>
          %dma_start3A_969 = arith.constant 0 : i32
          %dma_start3A_970 = arith.constant 0 : i32
          %dma_start3A_971 = tpu.memref_slice %arg7[%run_scoped3A_788, %dma_start3A_969, %dma_start3A_970] : memref<2x8x128xi32, #tpu.memory_space<vmem>> -> memref<1x8x128xi32, #tpu.memory_space<vmem>>
          %dma_start3A_972 = tpu.memref_squeeze %dma_start3A_971 : memref<1x8x128xi32, #tpu.memory_space<vmem>> -> memref<8x128xi32, #tpu.memory_space<vmem>>
          %dma_start3A_973 = arith.constant 0 : i32
          %dma_start3A_974 = tpu.memref_slice %arg2[%mul3A_787, %dma_start3A_973] : memref<12500x128xi32, #tpu.memory_space<hbm>> -> memref<8x128xi32, #tpu.memory_space<hbm>>
          tpu.enqueue_dma source(%dma_start3A_974 : memref<8x128xi32, #tpu.memory_space<hbm>>) target(%dma_start3A_972 : memref<8x128xi32, #tpu.memory_space<vmem>>) target_semaphore(%run_scoped3A_962 : memref<!tpu.dma_semaphore, #tpu.memory_space<semaphore_mem>>)
          %dma_wait3A_975 = arith.constant 0 : i32
          %dma_wait3A_976 = arith.constant 0 : i32
          %dma_wait3A_977 = tpu.memref_slice %arg7[%run_scoped3A_788, %dma_wait3A_975, %dma_wait3A_976] : memref<2x8x128xi32, #tpu.memory_space<vmem>> -> memref<1x8x128xi32, #tpu.memory_space<vmem>>
          %dma_wait3A_978 = tpu.memref_squeeze %dma_wait3A_977 : memref<1x8x128xi32, #tpu.memory_space<vmem>> -> memref<8x128xi32, #tpu.memory_space<vmem>>
          %dma_wait3A_979 = arith.constant 0 : i32
          %dma_wait3A_980 = tpu.memref_slice %arg2[%mul3A_787, %dma_wait3A_979] : memref<12500x128xi32, #tpu.memory_space<hbm>> -> memref<8x128xi32, #tpu.memory_space<hbm>>
          %dma_wait3A_981 = arith.constant 0 : i32
          %dma_wait3A_982 = arith.constant 0 : i32
          %dma_wait3A_983 = tpu.memref_slice %arg7[%run_scoped3A_788, %dma_wait3A_981, %dma_wait3A_982] : memref<2x8x128xi32, #tpu.memory_space<vmem>> -> memref<1x8x128xi32, #tpu.memory_space<vmem>>
          %dma_wait3A_984 = tpu.memref_squeeze %dma_wait3A_983 : memref<1x8x128xi32, #tpu.memory_space<vmem>> -> memref<8x128xi32, #tpu.memory_space<vmem>>
          %dma_wait3A_985 = arith.constant 0 : i32
          %dma_wait3A_986 = tpu.memref_slice %arg2[%mul3A_787, %dma_wait3A_985] : memref<12500x128xi32, #tpu.memory_space<hbm>> -> memref<8x128xi32, #tpu.memory_space<hbm>>
          tpu.wait_dma2 semaphore(%run_scoped3A_962 : memref<!tpu.dma_semaphore, #tpu.memory_space<semaphore_mem>>) src(%dma_wait3A_986 : memref<8x128xi32, #tpu.memory_space<hbm>>) dst(%dma_wait3A_984 : memref<8x128xi32, #tpu.memory_space<vmem>>)
          tpu.yield
        }) : () -> ()
        %mul3A_789 = arith.constant 1024 : i32
        %mul3A_790 = arith.muli %mul3A_789, %add3A_781 : i32
        %run_scoped3A_791 = arith.constant 0 : i32
        "tpu.region"() ({
          %run_scoped3A_962 = tpu.sem_alloc : memref<!tpu.dma_semaphore, #tpu.memory_space<semaphore_mem>>
          %dma_start3A_963 = arith.constant 0 : i32
          %dma_start3A_964 = arith.constant 0 : i32
          %dma_start3A_965 = tpu.memref_slice %arg9[%run_scoped3A_791, %dma_start3A_963, %dma_start3A_964] : memref<2x512x16xf32, #tpu.memory_space<vmem>> -> memref<1x512x16xf32, #tpu.memory_space<vmem>>
          %dma_start3A_966 = tpu.memref_squeeze %dma_start3A_965 : memref<1x512x16xf32, #tpu.memory_space<vmem>> -> memref<512x16xf32, #tpu.memory_space<vmem>>
          %dma_start3A_967 = arith.constant 0 : i32
          %dma_start3A_968 = tpu.memref_slice %arg4[%mul3A_790, %dma_start3A_967] : memref<1600000x16xf32, #tpu.memory_space<hbm>> -> memref<512x16xf32, #tpu.memory_space<hbm>>
          %dma_start3A_969 = arith.constant 0 : i32
          %dma_start3A_970 = arith.constant 0 : i32
          %dma_start3A_971 = tpu.memref_slice %arg9[%run_scoped3A_791, %dma_start3A_969, %dma_start3A_970] : memref<2x512x16xf32, #tpu.memory_space<vmem>> -> memref<1x512x16xf32, #tpu.memory_space<vmem>>
          %dma_start3A_972 = tpu.memref_squeeze %dma_start3A_971 : memref<1x512x16xf32, #tpu.memory_space<vmem>> -> memref<512x16xf32, #tpu.memory_space<vmem>>
          %dma_start3A_973 = arith.constant 0 : i32
          %dma_start3A_974 = tpu.memref_slice %arg4[%mul3A_790, %dma_start3A_973] : memref<1600000x16xf32, #tpu.memory_space<hbm>> -> memref<512x16xf32, #tpu.memory_space<hbm>>
          tpu.enqueue_dma source(%dma_start3A_974 : memref<512x16xf32, #tpu.memory_space<hbm>>) target(%dma_start3A_972 : memref<512x16xf32, #tpu.memory_space<vmem>>) target_semaphore(%run_scoped3A_962 : memref<!tpu.dma_semaphore, #tpu.memory_space<semaphore_mem>>)
          %dma_wait3A_975 = arith.constant 0 : i32
          %dma_wait3A_976 = arith.constant 0 : i32
          %dma_wait3A_977 = tpu.memref_slice %arg9[%run_scoped3A_791, %dma_wait3A_975, %dma_wait3A_976] : memref<2x512x16xf32, #tpu.memory_space<vmem>> -> memref<1x512x16xf32, #tpu.memory_space<vmem>>
          %dma_wait3A_978 = tpu.memref_squeeze %dma_wait3A_977 : memref<1x512x16xf32, #tpu.memory_space<vmem>> -> memref<512x16xf32, #tpu.memory_space<vmem>>
          %dma_wait3A_979 = arith.constant 0 : i32
          %dma_wait3A_980 = tpu.memref_slice %arg4[%mul3A_790, %dma_wait3A_979] : memref<1600000x16xf32, #tpu.memory_space<hbm>> -> memref<512x16xf32, #tpu.memory_space<hbm>>
          %dma_wait3A_981 = arith.constant 0 : i32
          %dma_wait3A_982 = arith.constant 0 : i32
          %dma_wait3A_983 = tpu.memref_slice %arg9[%run_scoped3A_791, %dma_wait3A_981, %dma_wait3A_982] : memref<2x512x16xf32, #tpu.memory_space<vmem>> -> memref<1x512x16xf32, #tpu.memory_space<vmem>>
          %dma_wait3A_984 = tpu.memref_squeeze %dma_wait3A_983 : memref<1x512x16xf32, #tpu.memory_space<vmem>> -> memref<512x16xf32, #tpu.memory_space<vmem>>
          %dma_wait3A_985 = arith.constant 0 : i32
          %dma_wait3A_986 = tpu.memref_slice %arg4[%mul3A_790, %dma_wait3A_985] : memref<1600000x16xf32, #tpu.memory_space<hbm>> -> memref<512x16xf32, #tpu.memory_space<hbm>>
          tpu.wait_dma2 semaphore(%run_scoped3A_962 : memref<!tpu.dma_semaphore, #tpu.memory_space<semaphore_mem>>) src(%dma_wait3A_986 : memref<512x16xf32, #tpu.memory_space<hbm>>) dst(%dma_wait3A_984 : memref<512x16xf32, #tpu.memory_space<vmem>>)
          tpu.yield
        }) : () -> ()
        %dma_start3A_792 = arith.constant 0 : i32
        %dma_start3A_793 = arith.constant 0 : i32
        %dma_start3A_794 = arith.constant 0 : i32
        %dma_start3A_795 = arith.constant 0 : i32
        %dma_start3A_796 = arith.constant 0 : i32
        %dma_start3A_797 = tpu.memref_slice %arg9[%dma_start3A_792, %dma_start3A_795, %dma_start3A_796] : memref<2x512x16xf32, #tpu.memory_space<vmem>> -> memref<1x512x16xf32, #tpu.memory_space<vmem>>
        %dma_start3A_798 = tpu.memref_squeeze %dma_start3A_797 : memref<1x512x16xf32, #tpu.memory_space<vmem>> -> memref<512x16xf32, #tpu.memory_space<vmem>>
        %dma_start3A_799 = arith.constant 0 : i32
        %dma_start3A_800 = arith.constant 0 : i32
        %dma_start3A_801 = tpu.memref_slice %dma_start3A_798[%dma_start3A_799, %dma_start3A_800] : memref<512x16xf32, #tpu.memory_space<vmem>> -> memref<128x16xf32, #tpu.memory_space<vmem>>
        %dma_start3A_802 = arith.constant 0 : i32
        %dma_start3A_803 = arith.constant 0 : i32
        %dma_start3A_804 = tpu.memref_slice %arg7[%dma_start3A_793, %dma_start3A_802, %dma_start3A_803] : memref<2x8x128xi32, #tpu.memory_space<vmem>> -> memref<1x8x128xi32, #tpu.memory_space<vmem>>
        %dma_start3A_805 = tpu.memref_squeeze %dma_start3A_804 : memref<1x8x128xi32, #tpu.memory_space<vmem>> -> memref<8x128xi32, #tpu.memory_space<vmem>>
        %dma_start3A_806 = arith.constant 0 : i32
        %dma_start3A_807 = tpu.memref_slice %dma_start3A_805[%dma_start3A_794, %dma_start3A_806] : memref<8x128xi32, #tpu.memory_space<vmem>> -> memref<1x128xi32, #tpu.memory_space<vmem>>
        %dma_start3A_808 = tpu.memref_squeeze %dma_start3A_807 : memref<1x128xi32, #tpu.memory_space<vmem>> -> memref<128xi32, #tpu.memory_space<vmem>>
        %dma_start3A_809 = arith.constant 0 : i32
        %dma_start3A_810 = arith.constant 0 : i32
        %dma_start3A_811 = tpu.memref_slice %arg12[%dma_start3A_809, %dma_start3A_810] : memref<100352x16xf32, #tpu.memory_space<vmem_shared>> -> memref<100352x16xf32, #tpu.memory_space<vmem_shared>>
        tpu.enqueue_indirect_dma source(%dma_start3A_801 : memref<128x16xf32, #tpu.memory_space<vmem>>) target(%dma_start3A_811 : memref<100352x16xf32, #tpu.memory_space<vmem_shared>>) offsets(%dma_start3A_808 : memref<128xi32, #tpu.memory_space<vmem>>) semaphore(%arg14 : memref<!tpu.dma_semaphore, #tpu.memory_space<semaphore_mem>>) {add = true}
        %dma_start3A_812 = arith.constant 0 : i32
        %dma_start3A_813 = arith.constant 0 : i32
        %dma_start3A_814 = arith.constant 1 : i32
        %dma_start3A_815 = arith.constant 0 : i32
        %dma_start3A_816 = arith.constant 0 : i32
        %dma_start3A_817 = tpu.memref_slice %arg9[%dma_start3A_812, %dma_start3A_815, %dma_start3A_816] : memref<2x512x16xf32, #tpu.memory_space<vmem>> -> memref<1x512x16xf32, #tpu.memory_space<vmem>>
        %dma_start3A_818 = tpu.memref_squeeze %dma_start3A_817 : memref<1x512x16xf32, #tpu.memory_space<vmem>> -> memref<512x16xf32, #tpu.memory_space<vmem>>
        %dma_start3A_819 = arith.constant 128 : i32
        %dma_start3A_820 = arith.constant 0 : i32
        %dma_start3A_821 = tpu.memref_slice %dma_start3A_818[%dma_start3A_819, %dma_start3A_820] : memref<512x16xf32, #tpu.memory_space<vmem>> -> memref<128x16xf32, #tpu.memory_space<vmem>>
        %dma_start3A_822 = arith.constant 0 : i32
        %dma_start3A_823 = arith.constant 0 : i32
        %dma_start3A_824 = tpu.memref_slice %arg7[%dma_start3A_813, %dma_start3A_822, %dma_start3A_823] : memref<2x8x128xi32, #tpu.memory_space<vmem>> -> memref<1x8x128xi32, #tpu.memory_space<vmem>>
        %dma_start3A_825 = tpu.memref_squeeze %dma_start3A_824 : memref<1x8x128xi32, #tpu.memory_space<vmem>> -> memref<8x128xi32, #tpu.memory_space<vmem>>
        %dma_start3A_826 = arith.constant 0 : i32
        %dma_start3A_827 = tpu.memref_slice %dma_start3A_825[%dma_start3A_814, %dma_start3A_826] : memref<8x128xi32, #tpu.memory_space<vmem>> -> memref<1x128xi32, #tpu.memory_space<vmem>>
        %dma_start3A_828 = tpu.memref_squeeze %dma_start3A_827 : memref<1x128xi32, #tpu.memory_space<vmem>> -> memref<128xi32, #tpu.memory_space<vmem>>
        %dma_start3A_829 = arith.constant 0 : i32
        %dma_start3A_830 = arith.constant 0 : i32
        %dma_start3A_831 = tpu.memref_slice %arg12[%dma_start3A_829, %dma_start3A_830] : memref<100352x16xf32, #tpu.memory_space<vmem_shared>> -> memref<100352x16xf32, #tpu.memory_space<vmem_shared>>
        tpu.enqueue_indirect_dma source(%dma_start3A_821 : memref<128x16xf32, #tpu.memory_space<vmem>>) target(%dma_start3A_831 : memref<100352x16xf32, #tpu.memory_space<vmem_shared>>) offsets(%dma_start3A_828 : memref<128xi32, #tpu.memory_space<vmem>>) semaphore(%arg14 : memref<!tpu.dma_semaphore, #tpu.memory_space<semaphore_mem>>) {add = true}
        %dma_start3A_832 = arith.constant 0 : i32
        %dma_start3A_833 = arith.constant 0 : i32
        %dma_start3A_834 = arith.constant 2 : i32
        %dma_start3A_835 = arith.constant 0 : i32
        %dma_start3A_836 = arith.constant 0 : i32
        %dma_start3A_837 = tpu.memref_slice %arg9[%dma_start3A_832, %dma_start3A_835, %dma_start3A_836] : memref<2x512x16xf32, #tpu.memory_space<vmem>> -> memref<1x512x16xf32, #tpu.memory_space<vmem>>
        %dma_start3A_838 = tpu.memref_squeeze %dma_start3A_837 : memref<1x512x16xf32, #tpu.memory_space<vmem>> -> memref<512x16xf32, #tpu.memory_space<vmem>>
        %dma_start3A_839 = arith.constant 256 : i32
        %dma_start3A_840 = arith.constant 0 : i32
        %dma_start3A_841 = tpu.memref_slice %dma_start3A_838[%dma_start3A_839, %dma_start3A_840] : memref<512x16xf32, #tpu.memory_space<vmem>> -> memref<128x16xf32, #tpu.memory_space<vmem>>
        %dma_start3A_842 = arith.constant 0 : i32
        %dma_start3A_843 = arith.constant 0 : i32
        %dma_start3A_844 = tpu.memref_slice %arg7[%dma_start3A_833, %dma_start3A_842, %dma_start3A_843] : memref<2x8x128xi32, #tpu.memory_space<vmem>> -> memref<1x8x128xi32, #tpu.memory_space<vmem>>
        %dma_start3A_845 = tpu.memref_squeeze %dma_start3A_844 : memref<1x8x128xi32, #tpu.memory_space<vmem>> -> memref<8x128xi32, #tpu.memory_space<vmem>>
        %dma_start3A_846 = arith.constant 0 : i32
        %dma_start3A_847 = tpu.memref_slice %dma_start3A_845[%dma_start3A_834, %dma_start3A_846] : memref<8x128xi32, #tpu.memory_space<vmem>> -> memref<1x128xi32, #tpu.memory_space<vmem>>
        %dma_start3A_848 = tpu.memref_squeeze %dma_start3A_847 : memref<1x128xi32, #tpu.memory_space<vmem>> -> memref<128xi32, #tpu.memory_space<vmem>>
        %dma_start3A_849 = arith.constant 0 : i32
        %dma_start3A_850 = arith.constant 0 : i32
        %dma_start3A_851 = tpu.memref_slice %arg12[%dma_start3A_849, %dma_start3A_850] : memref<100352x16xf32, #tpu.memory_space<vmem_shared>> -> memref<100352x16xf32, #tpu.memory_space<vmem_shared>>
        tpu.enqueue_indirect_dma source(%dma_start3A_841 : memref<128x16xf32, #tpu.memory_space<vmem>>) target(%dma_start3A_851 : memref<100352x16xf32, #tpu.memory_space<vmem_shared>>) offsets(%dma_start3A_848 : memref<128xi32, #tpu.memory_space<vmem>>) semaphore(%arg14 : memref<!tpu.dma_semaphore, #tpu.memory_space<semaphore_mem>>) {add = true}
        %dma_start3A_852 = arith.constant 0 : i32
        %dma_start3A_853 = arith.constant 0 : i32
        %dma_start3A_854 = arith.constant 3 : i32
        %dma_start3A_855 = arith.constant 0 : i32
        %dma_start3A_856 = arith.constant 0 : i32
        %dma_start3A_857 = tpu.memref_slice %arg9[%dma_start3A_852, %dma_start3A_855, %dma_start3A_856] : memref<2x512x16xf32, #tpu.memory_space<vmem>> -> memref<1x512x16xf32, #tpu.memory_space<vmem>>
        %dma_start3A_858 = tpu.memref_squeeze %dma_start3A_857 : memref<1x512x16xf32, #tpu.memory_space<vmem>> -> memref<512x16xf32, #tpu.memory_space<vmem>>
        %dma_start3A_859 = arith.constant 384 : i32
        %dma_start3A_860 = arith.constant 0 : i32
        %dma_start3A_861 = tpu.memref_slice %dma_start3A_858[%dma_start3A_859, %dma_start3A_860] : memref<512x16xf32, #tpu.memory_space<vmem>> -> memref<128x16xf32, #tpu.memory_space<vmem>>
        %dma_start3A_862 = arith.constant 0 : i32
        %dma_start3A_863 = arith.constant 0 : i32
        %dma_start3A_864 = tpu.memref_slice %arg7[%dma_start3A_853, %dma_start3A_862, %dma_start3A_863] : memref<2x8x128xi32, #tpu.memory_space<vmem>> -> memref<1x8x128xi32, #tpu.memory_space<vmem>>
        %dma_start3A_865 = tpu.memref_squeeze %dma_start3A_864 : memref<1x8x128xi32, #tpu.memory_space<vmem>> -> memref<8x128xi32, #tpu.memory_space<vmem>>
        %dma_start3A_866 = arith.constant 0 : i32
        %dma_start3A_867 = tpu.memref_slice %dma_start3A_865[%dma_start3A_854, %dma_start3A_866] : memref<8x128xi32, #tpu.memory_space<vmem>> -> memref<1x128xi32, #tpu.memory_space<vmem>>
        %dma_start3A_868 = tpu.memref_squeeze %dma_start3A_867 : memref<1x128xi32, #tpu.memory_space<vmem>> -> memref<128xi32, #tpu.memory_space<vmem>>
        %dma_start3A_869 = arith.constant 0 : i32
        %dma_start3A_870 = arith.constant 0 : i32
        %dma_start3A_871 = tpu.memref_slice %arg12[%dma_start3A_869, %dma_start3A_870] : memref<100352x16xf32, #tpu.memory_space<vmem_shared>> -> memref<100352x16xf32, #tpu.memory_space<vmem_shared>>
        tpu.enqueue_indirect_dma source(%dma_start3A_861 : memref<128x16xf32, #tpu.memory_space<vmem>>) target(%dma_start3A_871 : memref<100352x16xf32, #tpu.memory_space<vmem_shared>>) offsets(%dma_start3A_868 : memref<128xi32, #tpu.memory_space<vmem>>) semaphore(%arg14 : memref<!tpu.dma_semaphore, #tpu.memory_space<semaphore_mem>>) {add = true}
        %ge3A_872 = arith.constant 1 : i32
        %ge3A_873 = arith.cmpi sge, %add3A_768, %ge3A_872 : i32
        %convert_element_type3A_874 = arith.extui %ge3A_873 : i1 to i32
        %cond3A_875 = arith.constant 0 : i32
        %cond3A_876 = arith.cmpi ne, %convert_element_type3A_874, %cond3A_875 : i32
        scf.if %cond3A_876 {
          %dma_wait3A_962 = arith.constant 0 : i32
          %dma_wait3A_963 = arith.constant 0 : i32
          %dma_wait3A_964 = arith.constant 0 : i32
          %dma_wait3A_965 = tpu.memref_slice %arg9[%dma_wait3A_962, %dma_wait3A_963, %dma_wait3A_964] : memref<2x512x16xf32, #tpu.memory_space<vmem>> -> memref<1x512x16xf32, #tpu.memory_space<vmem>>
          %dma_wait3A_966 = tpu.memref_squeeze %dma_wait3A_965 : memref<1x512x16xf32, #tpu.memory_space<vmem>> -> memref<512x16xf32, #tpu.memory_space<vmem>>
          %dma_wait3A_967 = arith.constant 0 : i32
          %dma_wait3A_968 = arith.constant 0 : i32
          %dma_wait3A_969 = tpu.memref_slice %arg4[%dma_wait3A_967, %dma_wait3A_968] : memref<1600000x16xf32, #tpu.memory_space<hbm>> -> memref<512x16xf32, #tpu.memory_space<hbm>>
          %dma_wait3A_970 = arith.constant 0 : i32
          %dma_wait3A_971 = arith.constant 0 : i32
          %dma_wait3A_972 = tpu.memref_slice %arg9[%dma_wait3A_962, %dma_wait3A_970, %dma_wait3A_971] : memref<2x512x16xf32, #tpu.memory_space<vmem>> -> memref<1x512x16xf32, #tpu.memory_space<vmem>>
          %dma_wait3A_973 = tpu.memref_squeeze %dma_wait3A_972 : memref<1x512x16xf32, #tpu.memory_space<vmem>> -> memref<512x16xf32, #tpu.memory_space<vmem>>
          %dma_wait3A_974 = arith.constant 0 : i32
          %dma_wait3A_975 = arith.constant 0 : i32
          %dma_wait3A_976 = tpu.memref_slice %arg4[%dma_wait3A_974, %dma_wait3A_975] : memref<1600000x16xf32, #tpu.memory_space<hbm>> -> memref<512x16xf32, #tpu.memory_space<hbm>>
          tpu.wait_dma2 semaphore(%arg15 : memref<!tpu.dma_semaphore, #tpu.memory_space<semaphore_mem>>) src(%dma_wait3A_976 : memref<512x16xf32, #tpu.memory_space<hbm>>) dst(%dma_wait3A_973 : memref<512x16xf32, #tpu.memory_space<vmem>>)
        } else {
        }
        %mul3A_877 = arith.constant 1024 : i32
        %mul3A_878 = arith.muli %mul3A_877, %add3A_781 : i32
        %add3A_879 = arith.constant 512 : i32
        %add3A_880 = arith.addi %mul3A_878, %add3A_879 : i32
        %run_scoped3A_881 = arith.constant 1 : i32
        "tpu.region"() ({
          %run_scoped3A_962 = tpu.sem_alloc : memref<!tpu.dma_semaphore, #tpu.memory_space<semaphore_mem>>
          %dma_start3A_963 = arith.constant 0 : i32
          %dma_start3A_964 = arith.constant 0 : i32
          %dma_start3A_965 = tpu.memref_slice %arg9[%run_scoped3A_881, %dma_start3A_963, %dma_start3A_964] : memref<2x512x16xf32, #tpu.memory_space<vmem>> -> memref<1x512x16xf32, #tpu.memory_space<vmem>>
          %dma_start3A_966 = tpu.memref_squeeze %dma_start3A_965 : memref<1x512x16xf32, #tpu.memory_space<vmem>> -> memref<512x16xf32, #tpu.memory_space<vmem>>
          %dma_start3A_967 = arith.constant 0 : i32
          %dma_start3A_968 = tpu.memref_slice %arg4[%add3A_880, %dma_start3A_967] : memref<1600000x16xf32, #tpu.memory_space<hbm>> -> memref<512x16xf32, #tpu.memory_space<hbm>>
          %dma_start3A_969 = arith.constant 0 : i32
          %dma_start3A_970 = arith.constant 0 : i32
          %dma_start3A_971 = tpu.memref_slice %arg9[%run_scoped3A_881, %dma_start3A_969, %dma_start3A_970] : memref<2x512x16xf32, #tpu.memory_space<vmem>> -> memref<1x512x16xf32, #tpu.memory_space<vmem>>
          %dma_start3A_972 = tpu.memref_squeeze %dma_start3A_971 : memref<1x512x16xf32, #tpu.memory_space<vmem>> -> memref<512x16xf32, #tpu.memory_space<vmem>>
          %dma_start3A_973 = arith.constant 0 : i32
          %dma_start3A_974 = tpu.memref_slice %arg4[%add3A_880, %dma_start3A_973] : memref<1600000x16xf32, #tpu.memory_space<hbm>> -> memref<512x16xf32, #tpu.memory_space<hbm>>
          tpu.enqueue_dma source(%dma_start3A_974 : memref<512x16xf32, #tpu.memory_space<hbm>>) target(%dma_start3A_972 : memref<512x16xf32, #tpu.memory_space<vmem>>) target_semaphore(%run_scoped3A_962 : memref<!tpu.dma_semaphore, #tpu.memory_space<semaphore_mem>>)
          %dma_wait3A_975 = arith.constant 0 : i32
          %dma_wait3A_976 = arith.constant 0 : i32
          %dma_wait3A_977 = tpu.memref_slice %arg9[%run_scoped3A_881, %dma_wait3A_975, %dma_wait3A_976] : memref<2x512x16xf32, #tpu.memory_space<vmem>> -> memref<1x512x16xf32, #tpu.memory_space<vmem>>
          %dma_wait3A_978 = tpu.memref_squeeze %dma_wait3A_977 : memref<1x512x16xf32, #tpu.memory_space<vmem>> -> memref<512x16xf32, #tpu.memory_space<vmem>>
          %dma_wait3A_979 = arith.constant 0 : i32
          %dma_wait3A_980 = tpu.memref_slice %arg4[%add3A_880, %dma_wait3A_979] : memref<1600000x16xf32, #tpu.memory_space<hbm>> -> memref<512x16xf32, #tpu.memory_space<hbm>>
          %dma_wait3A_981 = arith.constant 0 : i32
          %dma_wait3A_982 = arith.constant 0 : i32
          %dma_wait3A_983 = tpu.memref_slice %arg9[%run_scoped3A_881, %dma_wait3A_981, %dma_wait3A_982] : memref<2x512x16xf32, #tpu.memory_space<vmem>> -> memref<1x512x16xf32, #tpu.memory_space<vmem>>
          %dma_wait3A_984 = tpu.memref_squeeze %dma_wait3A_983 : memref<1x512x16xf32, #tpu.memory_space<vmem>> -> memref<512x16xf32, #tpu.memory_space<vmem>>
          %dma_wait3A_985 = arith.constant 0 : i32
          %dma_wait3A_986 = tpu.memref_slice %arg4[%add3A_880, %dma_wait3A_985] : memref<1600000x16xf32, #tpu.memory_space<hbm>> -> memref<512x16xf32, #tpu.memory_space<hbm>>
          tpu.wait_dma2 semaphore(%run_scoped3A_962 : memref<!tpu.dma_semaphore, #tpu.memory_space<semaphore_mem>>) src(%dma_wait3A_986 : memref<512x16xf32, #tpu.memory_space<hbm>>) dst(%dma_wait3A_984 : memref<512x16xf32, #tpu.memory_space<vmem>>)
          tpu.yield
        }) : () -> ()
        %dma_start3A_882 = arith.constant 1 : i32
        %dma_start3A_883 = arith.constant 0 : i32
        %dma_start3A_884 = arith.constant 4 : i32
        %dma_start3A_885 = arith.constant 0 : i32
        %dma_start3A_886 = arith.constant 0 : i32
        %dma_start3A_887 = tpu.memref_slice %arg9[%dma_start3A_882, %dma_start3A_885, %dma_start3A_886] : memref<2x512x16xf32, #tpu.memory_space<vmem>> -> memref<1x512x16xf32, #tpu.memory_space<vmem>>
        %dma_start3A_888 = tpu.memref_squeeze %dma_start3A_887 : memref<1x512x16xf32, #tpu.memory_space<vmem>> -> memref<512x16xf32, #tpu.memory_space<vmem>>
        %dma_start3A_889 = arith.constant 0 : i32
        %dma_start3A_890 = arith.constant 0 : i32
        %dma_start3A_891 = tpu.memref_slice %dma_start3A_888[%dma_start3A_889, %dma_start3A_890] : memref<512x16xf32, #tpu.memory_space<vmem>> -> memref<128x16xf32, #tpu.memory_space<vmem>>
        %dma_start3A_892 = arith.constant 0 : i32
        %dma_start3A_893 = arith.constant 0 : i32
        %dma_start3A_894 = tpu.memref_slice %arg7[%dma_start3A_883, %dma_start3A_892, %dma_start3A_893] : memref<2x8x128xi32, #tpu.memory_space<vmem>> -> memref<1x8x128xi32, #tpu.memory_space<vmem>>
        %dma_start3A_895 = tpu.memref_squeeze %dma_start3A_894 : memref<1x8x128xi32, #tpu.memory_space<vmem>> -> memref<8x128xi32, #tpu.memory_space<vmem>>
        %dma_start3A_896 = arith.constant 0 : i32
        %dma_start3A_897 = tpu.memref_slice %dma_start3A_895[%dma_start3A_884, %dma_start3A_896] : memref<8x128xi32, #tpu.memory_space<vmem>> -> memref<1x128xi32, #tpu.memory_space<vmem>>
        %dma_start3A_898 = tpu.memref_squeeze %dma_start3A_897 : memref<1x128xi32, #tpu.memory_space<vmem>> -> memref<128xi32, #tpu.memory_space<vmem>>
        %dma_start3A_899 = arith.constant 0 : i32
        %dma_start3A_900 = arith.constant 0 : i32
        %dma_start3A_901 = tpu.memref_slice %arg12[%dma_start3A_899, %dma_start3A_900] : memref<100352x16xf32, #tpu.memory_space<vmem_shared>> -> memref<100352x16xf32, #tpu.memory_space<vmem_shared>>
        tpu.enqueue_indirect_dma source(%dma_start3A_891 : memref<128x16xf32, #tpu.memory_space<vmem>>) target(%dma_start3A_901 : memref<100352x16xf32, #tpu.memory_space<vmem_shared>>) offsets(%dma_start3A_898 : memref<128xi32, #tpu.memory_space<vmem>>) semaphore(%arg15 : memref<!tpu.dma_semaphore, #tpu.memory_space<semaphore_mem>>) {add = true}
        %dma_start3A_902 = arith.constant 1 : i32
        %dma_start3A_903 = arith.constant 0 : i32
        %dma_start3A_904 = arith.constant 5 : i32
        %dma_start3A_905 = arith.constant 0 : i32
        %dma_start3A_906 = arith.constant 0 : i32
        %dma_start3A_907 = tpu.memref_slice %arg9[%dma_start3A_902, %dma_start3A_905, %dma_start3A_906] : memref<2x512x16xf32, #tpu.memory_space<vmem>> -> memref<1x512x16xf32, #tpu.memory_space<vmem>>
        %dma_start3A_908 = tpu.memref_squeeze %dma_start3A_907 : memref<1x512x16xf32, #tpu.memory_space<vmem>> -> memref<512x16xf32, #tpu.memory_space<vmem>>
        %dma_start3A_909 = arith.constant 128 : i32
        %dma_start3A_910 = arith.constant 0 : i32
        %dma_start3A_911 = tpu.memref_slice %dma_start3A_908[%dma_start3A_909, %dma_start3A_910] : memref<512x16xf32, #tpu.memory_space<vmem>> -> memref<128x16xf32, #tpu.memory_space<vmem>>
        %dma_start3A_912 = arith.constant 0 : i32
        %dma_start3A_913 = arith.constant 0 : i32
        %dma_start3A_914 = tpu.memref_slice %arg7[%dma_start3A_903, %dma_start3A_912, %dma_start3A_913] : memref<2x8x128xi32, #tpu.memory_space<vmem>> -> memref<1x8x128xi32, #tpu.memory_space<vmem>>
        %dma_start3A_915 = tpu.memref_squeeze %dma_start3A_914 : memref<1x8x128xi32, #tpu.memory_space<vmem>> -> memref<8x128xi32, #tpu.memory_space<vmem>>
        %dma_start3A_916 = arith.constant 0 : i32
        %dma_start3A_917 = tpu.memref_slice %dma_start3A_915[%dma_start3A_904, %dma_start3A_916] : memref<8x128xi32, #tpu.memory_space<vmem>> -> memref<1x128xi32, #tpu.memory_space<vmem>>
        %dma_start3A_918 = tpu.memref_squeeze %dma_start3A_917 : memref<1x128xi32, #tpu.memory_space<vmem>> -> memref<128xi32, #tpu.memory_space<vmem>>
        %dma_start3A_919 = arith.constant 0 : i32
        %dma_start3A_920 = arith.constant 0 : i32
        %dma_start3A_921 = tpu.memref_slice %arg12[%dma_start3A_919, %dma_start3A_920] : memref<100352x16xf32, #tpu.memory_space<vmem_shared>> -> memref<100352x16xf32, #tpu.memory_space<vmem_shared>>
        tpu.enqueue_indirect_dma source(%dma_start3A_911 : memref<128x16xf32, #tpu.memory_space<vmem>>) target(%dma_start3A_921 : memref<100352x16xf32, #tpu.memory_space<vmem_shared>>) offsets(%dma_start3A_918 : memref<128xi32, #tpu.memory_space<vmem>>) semaphore(%arg15 : memref<!tpu.dma_semaphore, #tpu.memory_space<semaphore_mem>>) {add = true}
        %dma_start3A_922 = arith.constant 1 : i32
        %dma_start3A_923 = arith.constant 0 : i32
        %dma_start3A_924 = arith.constant 6 : i32
        %dma_start3A_925 = arith.constant 0 : i32
        %dma_start3A_926 = arith.constant 0 : i32
        %dma_start3A_927 = tpu.memref_slice %arg9[%dma_start3A_922, %dma_start3A_925, %dma_start3A_926] : memref<2x512x16xf32, #tpu.memory_space<vmem>> -> memref<1x512x16xf32, #tpu.memory_space<vmem>>
        %dma_start3A_928 = tpu.memref_squeeze %dma_start3A_927 : memref<1x512x16xf32, #tpu.memory_space<vmem>> -> memref<512x16xf32, #tpu.memory_space<vmem>>
        %dma_start3A_929 = arith.constant 256 : i32
        %dma_start3A_930 = arith.constant 0 : i32
        %dma_start3A_931 = tpu.memref_slice %dma_start3A_928[%dma_start3A_929, %dma_start3A_930] : memref<512x16xf32, #tpu.memory_space<vmem>> -> memref<128x16xf32, #tpu.memory_space<vmem>>
        %dma_start3A_932 = arith.constant 0 : i32
        %dma_start3A_933 = arith.constant 0 : i32
        %dma_start3A_934 = tpu.memref_slice %arg7[%dma_start3A_923, %dma_start3A_932, %dma_start3A_933] : memref<2x8x128xi32, #tpu.memory_space<vmem>> -> memref<1x8x128xi32, #tpu.memory_space<vmem>>
        %dma_start3A_935 = tpu.memref_squeeze %dma_start3A_934 : memref<1x8x128xi32, #tpu.memory_space<vmem>> -> memref<8x128xi32, #tpu.memory_space<vmem>>
        %dma_start3A_936 = arith.constant 0 : i32
        %dma_start3A_937 = tpu.memref_slice %dma_start3A_935[%dma_start3A_924, %dma_start3A_936] : memref<8x128xi32, #tpu.memory_space<vmem>> -> memref<1x128xi32, #tpu.memory_space<vmem>>
        %dma_start3A_938 = tpu.memref_squeeze %dma_start3A_937 : memref<1x128xi32, #tpu.memory_space<vmem>> -> memref<128xi32, #tpu.memory_space<vmem>>
        %dma_start3A_939 = arith.constant 0 : i32
        %dma_start3A_940 = arith.constant 0 : i32
        %dma_start3A_941 = tpu.memref_slice %arg12[%dma_start3A_939, %dma_start3A_940] : memref<100352x16xf32, #tpu.memory_space<vmem_shared>> -> memref<100352x16xf32, #tpu.memory_space<vmem_shared>>
        tpu.enqueue_indirect_dma source(%dma_start3A_931 : memref<128x16xf32, #tpu.memory_space<vmem>>) target(%dma_start3A_941 : memref<100352x16xf32, #tpu.memory_space<vmem_shared>>) offsets(%dma_start3A_938 : memref<128xi32, #tpu.memory_space<vmem>>) semaphore(%arg15 : memref<!tpu.dma_semaphore, #tpu.memory_space<semaphore_mem>>) {add = true}
        %dma_start3A_942 = arith.constant 1 : i32
        %dma_start3A_943 = arith.constant 0 : i32
        %dma_start3A_944 = arith.constant 7 : i32
        %dma_start3A_945 = arith.constant 0 : i32
        %dma_start3A_946 = arith.constant 0 : i32
        %dma_start3A_947 = tpu.memref_slice %arg9[%dma_start3A_942, %dma_start3A_945, %dma_start3A_946] : memref<2x512x16xf32, #tpu.memory_space<vmem>> -> memref<1x512x16xf32, #tpu.memory_space<vmem>>
        %dma_start3A_948 = tpu.memref_squeeze %dma_start3A_947 : memref<1x512x16xf32, #tpu.memory_space<vmem>> -> memref<512x16xf32, #tpu.memory_space<vmem>>
        %dma_start3A_949 = arith.constant 384 : i32
        %dma_start3A_950 = arith.constant 0 : i32
        %dma_start3A_951 = tpu.memref_slice %dma_start3A_948[%dma_start3A_949, %dma_start3A_950] : memref<512x16xf32, #tpu.memory_space<vmem>> -> memref<128x16xf32, #tpu.memory_space<vmem>>
        %dma_start3A_952 = arith.constant 0 : i32
        %dma_start3A_953 = arith.constant 0 : i32
        %dma_start3A_954 = tpu.memref_slice %arg7[%dma_start3A_943, %dma_start3A_952, %dma_start3A_953] : memref<2x8x128xi32, #tpu.memory_space<vmem>> -> memref<1x8x128xi32, #tpu.memory_space<vmem>>
        %dma_start3A_955 = tpu.memref_squeeze %dma_start3A_954 : memref<1x8x128xi32, #tpu.memory_space<vmem>> -> memref<8x128xi32, #tpu.memory_space<vmem>>
        %dma_start3A_956 = arith.constant 0 : i32
        %dma_start3A_957 = tpu.memref_slice %dma_start3A_955[%dma_start3A_944, %dma_start3A_956] : memref<8x128xi32, #tpu.memory_space<vmem>> -> memref<1x128xi32, #tpu.memory_space<vmem>>
        %dma_start3A_958 = tpu.memref_squeeze %dma_start3A_957 : memref<1x128xi32, #tpu.memory_space<vmem>> -> memref<128xi32, #tpu.memory_space<vmem>>
        %dma_start3A_959 = arith.constant 0 : i32
        %dma_start3A_960 = arith.constant 0 : i32
        %dma_start3A_961 = tpu.memref_slice %arg12[%dma_start3A_959, %dma_start3A_960] : memref<100352x16xf32, #tpu.memory_space<vmem_shared>> -> memref<100352x16xf32, #tpu.memory_space<vmem_shared>>
        tpu.enqueue_indirect_dma source(%dma_start3A_951 : memref<128x16xf32, #tpu.memory_space<vmem>>) target(%dma_start3A_961 : memref<100352x16xf32, #tpu.memory_space<vmem_shared>>) offsets(%dma_start3A_958 : memref<128xi32, #tpu.memory_space<vmem>>) semaphore(%arg15 : memref<!tpu.dma_semaphore, #tpu.memory_space<semaphore_mem>>) {add = true}
      } else {
      }
      %mul3A_773 = arith.constant 2 : i32
      %mul3A_774 = arith.muli %mul3A_773, %scan3A_764 : i32
      %add3A_775 = arith.constant 1 : i32
      %add3A_776 = arith.addi %mul3A_774, %add3A_775 : i32
      %lt3A_777 = arith.cmpi slt, %add3A_776, %add3A_62 : i32
      %convert_element_type3A_778 = arith.extui %lt3A_777 : i1 to i32
      %cond3A_779 = arith.constant 0 : i32
      %cond3A_780 = arith.cmpi ne, %convert_element_type3A_778, %cond3A_779 : i32
      scf.if %cond3A_780 {
        %add3A_781 = arith.addi %add3A_66, %add3A_776 : i32
        %ge3A = arith.constant 1 : i32
        %ge3A_782 = arith.cmpi sge, %add3A_776, %ge3A : i32
        %convert_element_type3A_783 = arith.extui %ge3A_782 : i1 to i32
        %cond3A_784 = arith.constant 0 : i32
        %cond3A_785 = arith.cmpi ne, %convert_element_type3A_783, %cond3A_784 : i32
        scf.if %cond3A_785 {
          %dma_wait3A_962 = arith.constant 0 : i32
          %dma_wait3A_963 = arith.constant 0 : i32
          %dma_wait3A_964 = arith.constant 0 : i32
          %dma_wait3A_965 = tpu.memref_slice %arg9[%dma_wait3A_962, %dma_wait3A_963, %dma_wait3A_964] : memref<2x512x16xf32, #tpu.memory_space<vmem>> -> memref<1x512x16xf32, #tpu.memory_space<vmem>>
          %dma_wait3A_966 = tpu.memref_squeeze %dma_wait3A_965 : memref<1x512x16xf32, #tpu.memory_space<vmem>> -> memref<512x16xf32, #tpu.memory_space<vmem>>
          %dma_wait3A_967 = arith.constant 0 : i32
          %dma_wait3A_968 = arith.constant 0 : i32
          %dma_wait3A_969 = tpu.memref_slice %arg4[%dma_wait3A_967, %dma_wait3A_968] : memref<1600000x16xf32, #tpu.memory_space<hbm>> -> memref<512x16xf32, #tpu.memory_space<hbm>>
          %dma_wait3A_970 = arith.constant 0 : i32
          %dma_wait3A_971 = arith.constant 0 : i32
          %dma_wait3A_972 = tpu.memref_slice %arg9[%dma_wait3A_962, %dma_wait3A_970, %dma_wait3A_971] : memref<2x512x16xf32, #tpu.memory_space<vmem>> -> memref<1x512x16xf32, #tpu.memory_space<vmem>>
          %dma_wait3A_973 = tpu.memref_squeeze %dma_wait3A_972 : memref<1x512x16xf32, #tpu.memory_space<vmem>> -> memref<512x16xf32, #tpu.memory_space<vmem>>
          %dma_wait3A_974 = arith.constant 0 : i32
          %dma_wait3A_975 = arith.constant 0 : i32
          %dma_wait3A_976 = tpu.memref_slice %arg4[%dma_wait3A_974, %dma_wait3A_975] : memref<1600000x16xf32, #tpu.memory_space<hbm>> -> memref<512x16xf32, #tpu.memory_space<hbm>>
          tpu.wait_dma2 semaphore(%arg14 : memref<!tpu.dma_semaphore, #tpu.memory_space<semaphore_mem>>) src(%dma_wait3A_976 : memref<512x16xf32, #tpu.memory_space<hbm>>) dst(%dma_wait3A_973 : memref<512x16xf32, #tpu.memory_space<vmem>>)
        } else {
        }
        %mul3A_786 = arith.constant 8 : i32
        %mul3A_787 = arith.muli %mul3A_786, %add3A_781 : i32
        %run_scoped3A_788 = arith.constant 1 : i32
        "tpu.region"() ({
          %run_scoped3A_962 = tpu.sem_alloc : memref<!tpu.dma_semaphore, #tpu.memory_space<semaphore_mem>>
          %dma_start3A_963 = arith.constant 0 : i32
          %dma_start3A_964 = arith.constant 0 : i32
          %dma_start3A_965 = tpu.memref_slice %arg7[%run_scoped3A_788, %dma_start3A_963, %dma_start3A_964] : memref<2x8x128xi32, #tpu.memory_space<vmem>> -> memref<1x8x128xi32, #tpu.memory_space<vmem>>
          %dma_start3A_966 = tpu.memref_squeeze %dma_start3A_965 : memref<1x8x128xi32, #tpu.memory_space<vmem>> -> memref<8x128xi32, #tpu.memory_space<vmem>>
          %dma_start3A_967 = arith.constant 0 : i32
          %dma_start3A_968 = tpu.memref_slice %arg2[%mul3A_787, %dma_start3A_967] : memref<12500x128xi32, #tpu.memory_space<hbm>> -> memref<8x128xi32, #tpu.memory_space<hbm>>
          %dma_start3A_969 = arith.constant 0 : i32
          %dma_start3A_970 = arith.constant 0 : i32
          %dma_start3A_971 = tpu.memref_slice %arg7[%run_scoped3A_788, %dma_start3A_969, %dma_start3A_970] : memref<2x8x128xi32, #tpu.memory_space<vmem>> -> memref<1x8x128xi32, #tpu.memory_space<vmem>>
          %dma_start3A_972 = tpu.memref_squeeze %dma_start3A_971 : memref<1x8x128xi32, #tpu.memory_space<vmem>> -> memref<8x128xi32, #tpu.memory_space<vmem>>
          %dma_start3A_973 = arith.constant 0 : i32
          %dma_start3A_974 = tpu.memref_slice %arg2[%mul3A_787, %dma_start3A_973] : memref<12500x128xi32, #tpu.memory_space<hbm>> -> memref<8x128xi32, #tpu.memory_space<hbm>>
          tpu.enqueue_dma source(%dma_start3A_974 : memref<8x128xi32, #tpu.memory_space<hbm>>) target(%dma_start3A_972 : memref<8x128xi32, #tpu.memory_space<vmem>>) target_semaphore(%run_scoped3A_962 : memref<!tpu.dma_semaphore, #tpu.memory_space<semaphore_mem>>)
          %dma_wait3A_975 = arith.constant 0 : i32
          %dma_wait3A_976 = arith.constant 0 : i32
          %dma_wait3A_977 = tpu.memref_slice %arg7[%run_scoped3A_788, %dma_wait3A_975, %dma_wait3A_976] : memref<2x8x128xi32, #tpu.memory_space<vmem>> -> memref<1x8x128xi32, #tpu.memory_space<vmem>>
          %dma_wait3A_978 = tpu.memref_squeeze %dma_wait3A_977 : memref<1x8x128xi32, #tpu.memory_space<vmem>> -> memref<8x128xi32, #tpu.memory_space<vmem>>
          %dma_wait3A_979 = arith.constant 0 : i32
          %dma_wait3A_980 = tpu.memref_slice %arg2[%mul3A_787, %dma_wait3A_979] : memref<12500x128xi32, #tpu.memory_space<hbm>> -> memref<8x128xi32, #tpu.memory_space<hbm>>
          %dma_wait3A_981 = arith.constant 0 : i32
          %dma_wait3A_982 = arith.constant 0 : i32
          %dma_wait3A_983 = tpu.memref_slice %arg7[%run_scoped3A_788, %dma_wait3A_981, %dma_wait3A_982] : memref<2x8x128xi32, #tpu.memory_space<vmem>> -> memref<1x8x128xi32, #tpu.memory_space<vmem>>
          %dma_wait3A_984 = tpu.memref_squeeze %dma_wait3A_983 : memref<1x8x128xi32, #tpu.memory_space<vmem>> -> memref<8x128xi32, #tpu.memory_space<vmem>>
          %dma_wait3A_985 = arith.constant 0 : i32
          %dma_wait3A_986 = tpu.memref_slice %arg2[%mul3A_787, %dma_wait3A_985] : memref<12500x128xi32, #tpu.memory_space<hbm>> -> memref<8x128xi32, #tpu.memory_space<hbm>>
          tpu.wait_dma2 semaphore(%run_scoped3A_962 : memref<!tpu.dma_semaphore, #tpu.memory_space<semaphore_mem>>) src(%dma_wait3A_986 : memref<8x128xi32, #tpu.memory_space<hbm>>) dst(%dma_wait3A_984 : memref<8x128xi32, #tpu.memory_space<vmem>>)
          tpu.yield
        }) : () -> ()
        %mul3A_789 = arith.constant 1024 : i32
        %mul3A_790 = arith.muli %mul3A_789, %add3A_781 : i32
        %run_scoped3A_791 = arith.constant 0 : i32
        "tpu.region"() ({
          %run_scoped3A_962 = tpu.sem_alloc : memref<!tpu.dma_semaphore, #tpu.memory_space<semaphore_mem>>
          %dma_start3A_963 = arith.constant 0 : i32
          %dma_start3A_964 = arith.constant 0 : i32
          %dma_start3A_965 = tpu.memref_slice %arg9[%run_scoped3A_791, %dma_start3A_963, %dma_start3A_964] : memref<2x512x16xf32, #tpu.memory_space<vmem>> -> memref<1x512x16xf32, #tpu.memory_space<vmem>>
          %dma_start3A_966 = tpu.memref_squeeze %dma_start3A_965 : memref<1x512x16xf32, #tpu.memory_space<vmem>> -> memref<512x16xf32, #tpu.memory_space<vmem>>
          %dma_start3A_967 = arith.constant 0 : i32
          %dma_start3A_968 = tpu.memref_slice %arg4[%mul3A_790, %dma_start3A_967] : memref<1600000x16xf32, #tpu.memory_space<hbm>> -> memref<512x16xf32, #tpu.memory_space<hbm>>
          %dma_start3A_969 = arith.constant 0 : i32
          %dma_start3A_970 = arith.constant 0 : i32
          %dma_start3A_971 = tpu.memref_slice %arg9[%run_scoped3A_791, %dma_start3A_969, %dma_start3A_970] : memref<2x512x16xf32, #tpu.memory_space<vmem>> -> memref<1x512x16xf32, #tpu.memory_space<vmem>>
          %dma_start3A_972 = tpu.memref_squeeze %dma_start3A_971 : memref<1x512x16xf32, #tpu.memory_space<vmem>> -> memref<512x16xf32, #tpu.memory_space<vmem>>
          %dma_start3A_973 = arith.constant 0 : i32
          %dma_start3A_974 = tpu.memref_slice %arg4[%mul3A_790, %dma_start3A_973] : memref<1600000x16xf32, #tpu.memory_space<hbm>> -> memref<512x16xf32, #tpu.memory_space<hbm>>
          tpu.enqueue_dma source(%dma_start3A_974 : memref<512x16xf32, #tpu.memory_space<hbm>>) target(%dma_start3A_972 : memref<512x16xf32, #tpu.memory_space<vmem>>) target_semaphore(%run_scoped3A_962 : memref<!tpu.dma_semaphore, #tpu.memory_space<semaphore_mem>>)
          %dma_wait3A_975 = arith.constant 0 : i32
          %dma_wait3A_976 = arith.constant 0 : i32
          %dma_wait3A_977 = tpu.memref_slice %arg9[%run_scoped3A_791, %dma_wait3A_975, %dma_wait3A_976] : memref<2x512x16xf32, #tpu.memory_space<vmem>> -> memref<1x512x16xf32, #tpu.memory_space<vmem>>
          %dma_wait3A_978 = tpu.memref_squeeze %dma_wait3A_977 : memref<1x512x16xf32, #tpu.memory_space<vmem>> -> memref<512x16xf32, #tpu.memory_space<vmem>>
          %dma_wait3A_979 = arith.constant 0 : i32
          %dma_wait3A_980 = tpu.memref_slice %arg4[%mul3A_790, %dma_wait3A_979] : memref<1600000x16xf32, #tpu.memory_space<hbm>> -> memref<512x16xf32, #tpu.memory_space<hbm>>
          %dma_wait3A_981 = arith.constant 0 : i32
          %dma_wait3A_982 = arith.constant 0 : i32
          %dma_wait3A_983 = tpu.memref_slice %arg9[%run_scoped3A_791, %dma_wait3A_981, %dma_wait3A_982] : memref<2x512x16xf32, #tpu.memory_space<vmem>> -> memref<1x512x16xf32, #tpu.memory_space<vmem>>
          %dma_wait3A_984 = tpu.memref_squeeze %dma_wait3A_983 : memref<1x512x16xf32, #tpu.memory_space<vmem>> -> memref<512x16xf32, #tpu.memory_space<vmem>>
          %dma_wait3A_985 = arith.constant 0 : i32
          %dma_wait3A_986 = tpu.memref_slice %arg4[%mul3A_790, %dma_wait3A_985] : memref<1600000x16xf32, #tpu.memory_space<hbm>> -> memref<512x16xf32, #tpu.memory_space<hbm>>
          tpu.wait_dma2 semaphore(%run_scoped3A_962 : memref<!tpu.dma_semaphore, #tpu.memory_space<semaphore_mem>>) src(%dma_wait3A_986 : memref<512x16xf32, #tpu.memory_space<hbm>>) dst(%dma_wait3A_984 : memref<512x16xf32, #tpu.memory_space<vmem>>)
          tpu.yield
        }) : () -> ()
        %dma_start3A_792 = arith.constant 0 : i32
        %dma_start3A_793 = arith.constant 1 : i32
        %dma_start3A_794 = arith.constant 0 : i32
        %dma_start3A_795 = arith.constant 0 : i32
        %dma_start3A_796 = arith.constant 0 : i32
        %dma_start3A_797 = tpu.memref_slice %arg9[%dma_start3A_792, %dma_start3A_795, %dma_start3A_796] : memref<2x512x16xf32, #tpu.memory_space<vmem>> -> memref<1x512x16xf32, #tpu.memory_space<vmem>>
        %dma_start3A_798 = tpu.memref_squeeze %dma_start3A_797 : memref<1x512x16xf32, #tpu.memory_space<vmem>> -> memref<512x16xf32, #tpu.memory_space<vmem>>
        %dma_start3A_799 = arith.constant 0 : i32
        %dma_start3A_800 = arith.constant 0 : i32
        %dma_start3A_801 = tpu.memref_slice %dma_start3A_798[%dma_start3A_799, %dma_start3A_800] : memref<512x16xf32, #tpu.memory_space<vmem>> -> memref<128x16xf32, #tpu.memory_space<vmem>>
        %dma_start3A_802 = arith.constant 0 : i32
        %dma_start3A_803 = arith.constant 0 : i32
        %dma_start3A_804 = tpu.memref_slice %arg7[%dma_start3A_793, %dma_start3A_802, %dma_start3A_803] : memref<2x8x128xi32, #tpu.memory_space<vmem>> -> memref<1x8x128xi32, #tpu.memory_space<vmem>>
        %dma_start3A_805 = tpu.memref_squeeze %dma_start3A_804 : memref<1x8x128xi32, #tpu.memory_space<vmem>> -> memref<8x128xi32, #tpu.memory_space<vmem>>
        %dma_start3A_806 = arith.constant 0 : i32
        %dma_start3A_807 = tpu.memref_slice %dma_start3A_805[%dma_start3A_794, %dma_start3A_806] : memref<8x128xi32, #tpu.memory_space<vmem>> -> memref<1x128xi32, #tpu.memory_space<vmem>>
        %dma_start3A_808 = tpu.memref_squeeze %dma_start3A_807 : memref<1x128xi32, #tpu.memory_space<vmem>> -> memref<128xi32, #tpu.memory_space<vmem>>
        %dma_start3A_809 = arith.constant 0 : i32
        %dma_start3A_810 = arith.constant 0 : i32
        %dma_start3A_811 = tpu.memref_slice %arg12[%dma_start3A_809, %dma_start3A_810] : memref<100352x16xf32, #tpu.memory_space<vmem_shared>> -> memref<100352x16xf32, #tpu.memory_space<vmem_shared>>
        tpu.enqueue_indirect_dma source(%dma_start3A_801 : memref<128x16xf32, #tpu.memory_space<vmem>>) target(%dma_start3A_811 : memref<100352x16xf32, #tpu.memory_space<vmem_shared>>) offsets(%dma_start3A_808 : memref<128xi32, #tpu.memory_space<vmem>>) semaphore(%arg14 : memref<!tpu.dma_semaphore, #tpu.memory_space<semaphore_mem>>) {add = true}
        %dma_start3A_812 = arith.constant 0 : i32
        %dma_start3A_813 = arith.constant 1 : i32
        %dma_start3A_814 = arith.constant 1 : i32
        %dma_start3A_815 = arith.constant 0 : i32
        %dma_start3A_816 = arith.constant 0 : i32
        %dma_start3A_817 = tpu.memref_slice %arg9[%dma_start3A_812, %dma_start3A_815, %dma_start3A_816] : memref<2x512x16xf32, #tpu.memory_space<vmem>> -> memref<1x512x16xf32, #tpu.memory_space<vmem>>
        %dma_start3A_818 = tpu.memref_squeeze %dma_start3A_817 : memref<1x512x16xf32, #tpu.memory_space<vmem>> -> memref<512x16xf32, #tpu.memory_space<vmem>>
        %dma_start3A_819 = arith.constant 128 : i32
        %dma_start3A_820 = arith.constant 0 : i32
        %dma_start3A_821 = tpu.memref_slice %dma_start3A_818[%dma_start3A_819, %dma_start3A_820] : memref<512x16xf32, #tpu.memory_space<vmem>> -> memref<128x16xf32, #tpu.memory_space<vmem>>
        %dma_start3A_822 = arith.constant 0 : i32
        %dma_start3A_823 = arith.constant 0 : i32
        %dma_start3A_824 = tpu.memref_slice %arg7[%dma_start3A_813, %dma_start3A_822, %dma_start3A_823] : memref<2x8x128xi32, #tpu.memory_space<vmem>> -> memref<1x8x128xi32, #tpu.memory_space<vmem>>
        %dma_start3A_825 = tpu.memref_squeeze %dma_start3A_824 : memref<1x8x128xi32, #tpu.memory_space<vmem>> -> memref<8x128xi32, #tpu.memory_space<vmem>>
        %dma_start3A_826 = arith.constant 0 : i32
        %dma_start3A_827 = tpu.memref_slice %dma_start3A_825[%dma_start3A_814, %dma_start3A_826] : memref<8x128xi32, #tpu.memory_space<vmem>> -> memref<1x128xi32, #tpu.memory_space<vmem>>
        %dma_start3A_828 = tpu.memref_squeeze %dma_start3A_827 : memref<1x128xi32, #tpu.memory_space<vmem>> -> memref<128xi32, #tpu.memory_space<vmem>>
        %dma_start3A_829 = arith.constant 0 : i32
        %dma_start3A_830 = arith.constant 0 : i32
        %dma_start3A_831 = tpu.memref_slice %arg12[%dma_start3A_829, %dma_start3A_830] : memref<100352x16xf32, #tpu.memory_space<vmem_shared>> -> memref<100352x16xf32, #tpu.memory_space<vmem_shared>>
        tpu.enqueue_indirect_dma source(%dma_start3A_821 : memref<128x16xf32, #tpu.memory_space<vmem>>) target(%dma_start3A_831 : memref<100352x16xf32, #tpu.memory_space<vmem_shared>>) offsets(%dma_start3A_828 : memref<128xi32, #tpu.memory_space<vmem>>) semaphore(%arg14 : memref<!tpu.dma_semaphore, #tpu.memory_space<semaphore_mem>>) {add = true}
        %dma_start3A_832 = arith.constant 0 : i32
        %dma_start3A_833 = arith.constant 1 : i32
        %dma_start3A_834 = arith.constant 2 : i32
        %dma_start3A_835 = arith.constant 0 : i32
        %dma_start3A_836 = arith.constant 0 : i32
        %dma_start3A_837 = tpu.memref_slice %arg9[%dma_start3A_832, %dma_start3A_835, %dma_start3A_836] : memref<2x512x16xf32, #tpu.memory_space<vmem>> -> memref<1x512x16xf32, #tpu.memory_space<vmem>>
        %dma_start3A_838 = tpu.memref_squeeze %dma_start3A_837 : memref<1x512x16xf32, #tpu.memory_space<vmem>> -> memref<512x16xf32, #tpu.memory_space<vmem>>
        %dma_start3A_839 = arith.constant 256 : i32
        %dma_start3A_840 = arith.constant 0 : i32
        %dma_start3A_841 = tpu.memref_slice %dma_start3A_838[%dma_start3A_839, %dma_start3A_840] : memref<512x16xf32, #tpu.memory_space<vmem>> -> memref<128x16xf32, #tpu.memory_space<vmem>>
        %dma_start3A_842 = arith.constant 0 : i32
        %dma_start3A_843 = arith.constant 0 : i32
        %dma_start3A_844 = tpu.memref_slice %arg7[%dma_start3A_833, %dma_start3A_842, %dma_start3A_843] : memref<2x8x128xi32, #tpu.memory_space<vmem>> -> memref<1x8x128xi32, #tpu.memory_space<vmem>>
        %dma_start3A_845 = tpu.memref_squeeze %dma_start3A_844 : memref<1x8x128xi32, #tpu.memory_space<vmem>> -> memref<8x128xi32, #tpu.memory_space<vmem>>
        %dma_start3A_846 = arith.constant 0 : i32
        %dma_start3A_847 = tpu.memref_slice %dma_start3A_845[%dma_start3A_834, %dma_start3A_846] : memref<8x128xi32, #tpu.memory_space<vmem>> -> memref<1x128xi32, #tpu.memory_space<vmem>>
        %dma_start3A_848 = tpu.memref_squeeze %dma_start3A_847 : memref<1x128xi32, #tpu.memory_space<vmem>> -> memref<128xi32, #tpu.memory_space<vmem>>
        %dma_start3A_849 = arith.constant 0 : i32
        %dma_start3A_850 = arith.constant 0 : i32
        %dma_start3A_851 = tpu.memref_slice %arg12[%dma_start3A_849, %dma_start3A_850] : memref<100352x16xf32, #tpu.memory_space<vmem_shared>> -> memref<100352x16xf32, #tpu.memory_space<vmem_shared>>
        tpu.enqueue_indirect_dma source(%dma_start3A_841 : memref<128x16xf32, #tpu.memory_space<vmem>>) target(%dma_start3A_851 : memref<100352x16xf32, #tpu.memory_space<vmem_shared>>) offsets(%dma_start3A_848 : memref<128xi32, #tpu.memory_space<vmem>>) semaphore(%arg14 : memref<!tpu.dma_semaphore, #tpu.memory_space<semaphore_mem>>) {add = true}
        %dma_start3A_852 = arith.constant 0 : i32
        %dma_start3A_853 = arith.constant 1 : i32
        %dma_start3A_854 = arith.constant 3 : i32
        %dma_start3A_855 = arith.constant 0 : i32
        %dma_start3A_856 = arith.constant 0 : i32
        %dma_start3A_857 = tpu.memref_slice %arg9[%dma_start3A_852, %dma_start3A_855, %dma_start3A_856] : memref<2x512x16xf32, #tpu.memory_space<vmem>> -> memref<1x512x16xf32, #tpu.memory_space<vmem>>
        %dma_start3A_858 = tpu.memref_squeeze %dma_start3A_857 : memref<1x512x16xf32, #tpu.memory_space<vmem>> -> memref<512x16xf32, #tpu.memory_space<vmem>>
        %dma_start3A_859 = arith.constant 384 : i32
        %dma_start3A_860 = arith.constant 0 : i32
        %dma_start3A_861 = tpu.memref_slice %dma_start3A_858[%dma_start3A_859, %dma_start3A_860] : memref<512x16xf32, #tpu.memory_space<vmem>> -> memref<128x16xf32, #tpu.memory_space<vmem>>
        %dma_start3A_862 = arith.constant 0 : i32
        %dma_start3A_863 = arith.constant 0 : i32
        %dma_start3A_864 = tpu.memref_slice %arg7[%dma_start3A_853, %dma_start3A_862, %dma_start3A_863] : memref<2x8x128xi32, #tpu.memory_space<vmem>> -> memref<1x8x128xi32, #tpu.memory_space<vmem>>
        %dma_start3A_865 = tpu.memref_squeeze %dma_start3A_864 : memref<1x8x128xi32, #tpu.memory_space<vmem>> -> memref<8x128xi32, #tpu.memory_space<vmem>>
        %dma_start3A_866 = arith.constant 0 : i32
        %dma_start3A_867 = tpu.memref_slice %dma_start3A_865[%dma_start3A_854, %dma_start3A_866] : memref<8x128xi32, #tpu.memory_space<vmem>> -> memref<1x128xi32, #tpu.memory_space<vmem>>
        %dma_start3A_868 = tpu.memref_squeeze %dma_start3A_867 : memref<1x128xi32, #tpu.memory_space<vmem>> -> memref<128xi32, #tpu.memory_space<vmem>>
        %dma_start3A_869 = arith.constant 0 : i32
        %dma_start3A_870 = arith.constant 0 : i32
        %dma_start3A_871 = tpu.memref_slice %arg12[%dma_start3A_869, %dma_start3A_870] : memref<100352x16xf32, #tpu.memory_space<vmem_shared>> -> memref<100352x16xf32, #tpu.memory_space<vmem_shared>>
        tpu.enqueue_indirect_dma source(%dma_start3A_861 : memref<128x16xf32, #tpu.memory_space<vmem>>) target(%dma_start3A_871 : memref<100352x16xf32, #tpu.memory_space<vmem_shared>>) offsets(%dma_start3A_868 : memref<128xi32, #tpu.memory_space<vmem>>) semaphore(%arg14 : memref<!tpu.dma_semaphore, #tpu.memory_space<semaphore_mem>>) {add = true}
        %ge3A_872 = arith.constant 1 : i32
        %ge3A_873 = arith.cmpi sge, %add3A_776, %ge3A_872 : i32
        %convert_element_type3A_874 = arith.extui %ge3A_873 : i1 to i32
        %cond3A_875 = arith.constant 0 : i32
        %cond3A_876 = arith.cmpi ne, %convert_element_type3A_874, %cond3A_875 : i32
        scf.if %cond3A_876 {
          %dma_wait3A_962 = arith.constant 0 : i32
          %dma_wait3A_963 = arith.constant 0 : i32
          %dma_wait3A_964 = arith.constant 0 : i32
          %dma_wait3A_965 = tpu.memref_slice %arg9[%dma_wait3A_962, %dma_wait3A_963, %dma_wait3A_964] : memref<2x512x16xf32, #tpu.memory_space<vmem>> -> memref<1x512x16xf32, #tpu.memory_space<vmem>>
          %dma_wait3A_966 = tpu.memref_squeeze %dma_wait3A_965 : memref<1x512x16xf32, #tpu.memory_space<vmem>> -> memref<512x16xf32, #tpu.memory_space<vmem>>
          %dma_wait3A_967 = arith.constant 0 : i32
          %dma_wait3A_968 = arith.constant 0 : i32
          %dma_wait3A_969 = tpu.memref_slice %arg4[%dma_wait3A_967, %dma_wait3A_968] : memref<1600000x16xf32, #tpu.memory_space<hbm>> -> memref<512x16xf32, #tpu.memory_space<hbm>>
          %dma_wait3A_970 = arith.constant 0 : i32
          %dma_wait3A_971 = arith.constant 0 : i32
          %dma_wait3A_972 = tpu.memref_slice %arg9[%dma_wait3A_962, %dma_wait3A_970, %dma_wait3A_971] : memref<2x512x16xf32, #tpu.memory_space<vmem>> -> memref<1x512x16xf32, #tpu.memory_space<vmem>>
          %dma_wait3A_973 = tpu.memref_squeeze %dma_wait3A_972 : memref<1x512x16xf32, #tpu.memory_space<vmem>> -> memref<512x16xf32, #tpu.memory_space<vmem>>
          %dma_wait3A_974 = arith.constant 0 : i32
          %dma_wait3A_975 = arith.constant 0 : i32
          %dma_wait3A_976 = tpu.memref_slice %arg4[%dma_wait3A_974, %dma_wait3A_975] : memref<1600000x16xf32, #tpu.memory_space<hbm>> -> memref<512x16xf32, #tpu.memory_space<hbm>>
          tpu.wait_dma2 semaphore(%arg15 : memref<!tpu.dma_semaphore, #tpu.memory_space<semaphore_mem>>) src(%dma_wait3A_976 : memref<512x16xf32, #tpu.memory_space<hbm>>) dst(%dma_wait3A_973 : memref<512x16xf32, #tpu.memory_space<vmem>>)
        } else {
        }
        %mul3A_877 = arith.constant 1024 : i32
        %mul3A_878 = arith.muli %mul3A_877, %add3A_781 : i32
        %add3A_879 = arith.constant 512 : i32
        %add3A_880 = arith.addi %mul3A_878, %add3A_879 : i32
        %run_scoped3A_881 = arith.constant 1 : i32
        "tpu.region"() ({
          %run_scoped3A_962 = tpu.sem_alloc : memref<!tpu.dma_semaphore, #tpu.memory_space<semaphore_mem>>
          %dma_start3A_963 = arith.constant 0 : i32
          %dma_start3A_964 = arith.constant 0 : i32
          %dma_start3A_965 = tpu.memref_slice %arg9[%run_scoped3A_881, %dma_start3A_963, %dma_start3A_964] : memref<2x512x16xf32, #tpu.memory_space<vmem>> -> memref<1x512x16xf32, #tpu.memory_space<vmem>>
          %dma_start3A_966 = tpu.memref_squeeze %dma_start3A_965 : memref<1x512x16xf32, #tpu.memory_space<vmem>> -> memref<512x16xf32, #tpu.memory_space<vmem>>
          %dma_start3A_967 = arith.constant 0 : i32
          %dma_start3A_968 = tpu.memref_slice %arg4[%add3A_880, %dma_start3A_967] : memref<1600000x16xf32, #tpu.memory_space<hbm>> -> memref<512x16xf32, #tpu.memory_space<hbm>>
          %dma_start3A_969 = arith.constant 0 : i32
          %dma_start3A_970 = arith.constant 0 : i32
          %dma_start3A_971 = tpu.memref_slice %arg9[%run_scoped3A_881, %dma_start3A_969, %dma_start3A_970] : memref<2x512x16xf32, #tpu.memory_space<vmem>> -> memref<1x512x16xf32, #tpu.memory_space<vmem>>
          %dma_start3A_972 = tpu.memref_squeeze %dma_start3A_971 : memref<1x512x16xf32, #tpu.memory_space<vmem>> -> memref<512x16xf32, #tpu.memory_space<vmem>>
          %dma_start3A_973 = arith.constant 0 : i32
          %dma_start3A_974 = tpu.memref_slice %arg4[%add3A_880, %dma_start3A_973] : memref<1600000x16xf32, #tpu.memory_space<hbm>> -> memref<512x16xf32, #tpu.memory_space<hbm>>
          tpu.enqueue_dma source(%dma_start3A_974 : memref<512x16xf32, #tpu.memory_space<hbm>>) target(%dma_start3A_972 : memref<512x16xf32, #tpu.memory_space<vmem>>) target_semaphore(%run_scoped3A_962 : memref<!tpu.dma_semaphore, #tpu.memory_space<semaphore_mem>>)
          %dma_wait3A_975 = arith.constant 0 : i32
          %dma_wait3A_976 = arith.constant 0 : i32
          %dma_wait3A_977 = tpu.memref_slice %arg9[%run_scoped3A_881, %dma_wait3A_975, %dma_wait3A_976] : memref<2x512x16xf32, #tpu.memory_space<vmem>> -> memref<1x512x16xf32, #tpu.memory_space<vmem>>
          %dma_wait3A_978 = tpu.memref_squeeze %dma_wait3A_977 : memref<1x512x16xf32, #tpu.memory_space<vmem>> -> memref<512x16xf32, #tpu.memory_space<vmem>>
          %dma_wait3A_979 = arith.constant 0 : i32
          %dma_wait3A_980 = tpu.memref_slice %arg4[%add3A_880, %dma_wait3A_979] : memref<1600000x16xf32, #tpu.memory_space<hbm>> -> memref<512x16xf32, #tpu.memory_space<hbm>>
          %dma_wait3A_981 = arith.constant 0 : i32
          %dma_wait3A_982 = arith.constant 0 : i32
          %dma_wait3A_983 = tpu.memref_slice %arg9[%run_scoped3A_881, %dma_wait3A_981, %dma_wait3A_982] : memref<2x512x16xf32, #tpu.memory_space<vmem>> -> memref<1x512x16xf32, #tpu.memory_space<vmem>>
          %dma_wait3A_984 = tpu.memref_squeeze %dma_wait3A_983 : memref<1x512x16xf32, #tpu.memory_space<vmem>> -> memref<512x16xf32, #tpu.memory_space<vmem>>
          %dma_wait3A_985 = arith.constant 0 : i32
          %dma_wait3A_986 = tpu.memref_slice %arg4[%add3A_880, %dma_wait3A_985] : memref<1600000x16xf32, #tpu.memory_space<hbm>> -> memref<512x16xf32, #tpu.memory_space<hbm>>
          tpu.wait_dma2 semaphore(%run_scoped3A_962 : memref<!tpu.dma_semaphore, #tpu.memory_space<semaphore_mem>>) src(%dma_wait3A_986 : memref<512x16xf32, #tpu.memory_space<hbm>>) dst(%dma_wait3A_984 : memref<512x16xf32, #tpu.memory_space<vmem>>)
          tpu.yield
        }) : () -> ()
        %dma_start3A_882 = arith.constant 1 : i32
        %dma_start3A_883 = arith.constant 1 : i32
        %dma_start3A_884 = arith.constant 4 : i32
        %dma_start3A_885 = arith.constant 0 : i32
        %dma_start3A_886 = arith.constant 0 : i32
        %dma_start3A_887 = tpu.memref_slice %arg9[%dma_start3A_882, %dma_start3A_885, %dma_start3A_886] : memref<2x512x16xf32, #tpu.memory_space<vmem>> -> memref<1x512x16xf32, #tpu.memory_space<vmem>>
        %dma_start3A_888 = tpu.memref_squeeze %dma_start3A_887 : memref<1x512x16xf32, #tpu.memory_space<vmem>> -> memref<512x16xf32, #tpu.memory_space<vmem>>
        %dma_start3A_889 = arith.constant 0 : i32
        %dma_start3A_890 = arith.constant 0 : i32
        %dma_start3A_891 = tpu.memref_slice %dma_start3A_888[%dma_start3A_889, %dma_start3A_890] : memref<512x16xf32, #tpu.memory_space<vmem>> -> memref<128x16xf32, #tpu.memory_space<vmem>>
        %dma_start3A_892 = arith.constant 0 : i32
        %dma_start3A_893 = arith.constant 0 : i32
        %dma_start3A_894 = tpu.memref_slice %arg7[%dma_start3A_883, %dma_start3A_892, %dma_start3A_893] : memref<2x8x128xi32, #tpu.memory_space<vmem>> -> memref<1x8x128xi32, #tpu.memory_space<vmem>>
        %dma_start3A_895 = tpu.memref_squeeze %dma_start3A_894 : memref<1x8x128xi32, #tpu.memory_space<vmem>> -> memref<8x128xi32, #tpu.memory_space<vmem>>
        %dma_start3A_896 = arith.constant 0 : i32
        %dma_start3A_897 = tpu.memref_slice %dma_start3A_895[%dma_start3A_884, %dma_start3A_896] : memref<8x128xi32, #tpu.memory_space<vmem>> -> memref<1x128xi32, #tpu.memory_space<vmem>>
        %dma_start3A_898 = tpu.memref_squeeze %dma_start3A_897 : memref<1x128xi32, #tpu.memory_space<vmem>> -> memref<128xi32, #tpu.memory_space<vmem>>
        %dma_start3A_899 = arith.constant 0 : i32
        %dma_start3A_900 = arith.constant 0 : i32
        %dma_start3A_901 = tpu.memref_slice %arg12[%dma_start3A_899, %dma_start3A_900] : memref<100352x16xf32, #tpu.memory_space<vmem_shared>> -> memref<100352x16xf32, #tpu.memory_space<vmem_shared>>
        tpu.enqueue_indirect_dma source(%dma_start3A_891 : memref<128x16xf32, #tpu.memory_space<vmem>>) target(%dma_start3A_901 : memref<100352x16xf32, #tpu.memory_space<vmem_shared>>) offsets(%dma_start3A_898 : memref<128xi32, #tpu.memory_space<vmem>>) semaphore(%arg15 : memref<!tpu.dma_semaphore, #tpu.memory_space<semaphore_mem>>) {add = true}
        %dma_start3A_902 = arith.constant 1 : i32
        %dma_start3A_903 = arith.constant 1 : i32
        %dma_start3A_904 = arith.constant 5 : i32
        %dma_start3A_905 = arith.constant 0 : i32
        %dma_start3A_906 = arith.constant 0 : i32
        %dma_start3A_907 = tpu.memref_slice %arg9[%dma_start3A_902, %dma_start3A_905, %dma_start3A_906] : memref<2x512x16xf32, #tpu.memory_space<vmem>> -> memref<1x512x16xf32, #tpu.memory_space<vmem>>
        %dma_start3A_908 = tpu.memref_squeeze %dma_start3A_907 : memref<1x512x16xf32, #tpu.memory_space<vmem>> -> memref<512x16xf32, #tpu.memory_space<vmem>>
        %dma_start3A_909 = arith.constant 128 : i32
        %dma_start3A_910 = arith.constant 0 : i32
        %dma_start3A_911 = tpu.memref_slice %dma_start3A_908[%dma_start3A_909, %dma_start3A_910] : memref<512x16xf32, #tpu.memory_space<vmem>> -> memref<128x16xf32, #tpu.memory_space<vmem>>
        %dma_start3A_912 = arith.constant 0 : i32
        %dma_start3A_913 = arith.constant 0 : i32
        %dma_start3A_914 = tpu.memref_slice %arg7[%dma_start3A_903, %dma_start3A_912, %dma_start3A_913] : memref<2x8x128xi32, #tpu.memory_space<vmem>> -> memref<1x8x128xi32, #tpu.memory_space<vmem>>
        %dma_start3A_915 = tpu.memref_squeeze %dma_start3A_914 : memref<1x8x128xi32, #tpu.memory_space<vmem>> -> memref<8x128xi32, #tpu.memory_space<vmem>>
        %dma_start3A_916 = arith.constant 0 : i32
        %dma_start3A_917 = tpu.memref_slice %dma_start3A_915[%dma_start3A_904, %dma_start3A_916] : memref<8x128xi32, #tpu.memory_space<vmem>> -> memref<1x128xi32, #tpu.memory_space<vmem>>
        %dma_start3A_918 = tpu.memref_squeeze %dma_start3A_917 : memref<1x128xi32, #tpu.memory_space<vmem>> -> memref<128xi32, #tpu.memory_space<vmem>>
        %dma_start3A_919 = arith.constant 0 : i32
        %dma_start3A_920 = arith.constant 0 : i32
        %dma_start3A_921 = tpu.memref_slice %arg12[%dma_start3A_919, %dma_start3A_920] : memref<100352x16xf32, #tpu.memory_space<vmem_shared>> -> memref<100352x16xf32, #tpu.memory_space<vmem_shared>>
        tpu.enqueue_indirect_dma source(%dma_start3A_911 : memref<128x16xf32, #tpu.memory_space<vmem>>) target(%dma_start3A_921 : memref<100352x16xf32, #tpu.memory_space<vmem_shared>>) offsets(%dma_start3A_918 : memref<128xi32, #tpu.memory_space<vmem>>) semaphore(%arg15 : memref<!tpu.dma_semaphore, #tpu.memory_space<semaphore_mem>>) {add = true}
        %dma_start3A_922 = arith.constant 1 : i32
        %dma_start3A_923 = arith.constant 1 : i32
        %dma_start3A_924 = arith.constant 6 : i32
        %dma_start3A_925 = arith.constant 0 : i32
        %dma_start3A_926 = arith.constant 0 : i32
        %dma_start3A_927 = tpu.memref_slice %arg9[%dma_start3A_922, %dma_start3A_925, %dma_start3A_926] : memref<2x512x16xf32, #tpu.memory_space<vmem>> -> memref<1x512x16xf32, #tpu.memory_space<vmem>>
        %dma_start3A_928 = tpu.memref_squeeze %dma_start3A_927 : memref<1x512x16xf32, #tpu.memory_space<vmem>> -> memref<512x16xf32, #tpu.memory_space<vmem>>
        %dma_start3A_929 = arith.constant 256 : i32
        %dma_start3A_930 = arith.constant 0 : i32
        %dma_start3A_931 = tpu.memref_slice %dma_start3A_928[%dma_start3A_929, %dma_start3A_930] : memref<512x16xf32, #tpu.memory_space<vmem>> -> memref<128x16xf32, #tpu.memory_space<vmem>>
        %dma_start3A_932 = arith.constant 0 : i32
        %dma_start3A_933 = arith.constant 0 : i32
        %dma_start3A_934 = tpu.memref_slice %arg7[%dma_start3A_923, %dma_start3A_932, %dma_start3A_933] : memref<2x8x128xi32, #tpu.memory_space<vmem>> -> memref<1x8x128xi32, #tpu.memory_space<vmem>>
        %dma_start3A_935 = tpu.memref_squeeze %dma_start3A_934 : memref<1x8x128xi32, #tpu.memory_space<vmem>> -> memref<8x128xi32, #tpu.memory_space<vmem>>
        %dma_start3A_936 = arith.constant 0 : i32
        %dma_start3A_937 = tpu.memref_slice %dma_start3A_935[%dma_start3A_924, %dma_start3A_936] : memref<8x128xi32, #tpu.memory_space<vmem>> -> memref<1x128xi32, #tpu.memory_space<vmem>>
        %dma_start3A_938 = tpu.memref_squeeze %dma_start3A_937 : memref<1x128xi32, #tpu.memory_space<vmem>> -> memref<128xi32, #tpu.memory_space<vmem>>
        %dma_start3A_939 = arith.constant 0 : i32
        %dma_start3A_940 = arith.constant 0 : i32
        %dma_start3A_941 = tpu.memref_slice %arg12[%dma_start3A_939, %dma_start3A_940] : memref<100352x16xf32, #tpu.memory_space<vmem_shared>> -> memref<100352x16xf32, #tpu.memory_space<vmem_shared>>
        tpu.enqueue_indirect_dma source(%dma_start3A_931 : memref<128x16xf32, #tpu.memory_space<vmem>>) target(%dma_start3A_941 : memref<100352x16xf32, #tpu.memory_space<vmem_shared>>) offsets(%dma_start3A_938 : memref<128xi32, #tpu.memory_space<vmem>>) semaphore(%arg15 : memref<!tpu.dma_semaphore, #tpu.memory_space<semaphore_mem>>) {add = true}
        %dma_start3A_942 = arith.constant 1 : i32
        %dma_start3A_943 = arith.constant 1 : i32
        %dma_start3A_944 = arith.constant 7 : i32
        %dma_start3A_945 = arith.constant 0 : i32
        %dma_start3A_946 = arith.constant 0 : i32
        %dma_start3A_947 = tpu.memref_slice %arg9[%dma_start3A_942, %dma_start3A_945, %dma_start3A_946] : memref<2x512x16xf32, #tpu.memory_space<vmem>> -> memref<1x512x16xf32, #tpu.memory_space<vmem>>
        %dma_start3A_948 = tpu.memref_squeeze %dma_start3A_947 : memref<1x512x16xf32, #tpu.memory_space<vmem>> -> memref<512x16xf32, #tpu.memory_space<vmem>>
        %dma_start3A_949 = arith.constant 384 : i32
        %dma_start3A_950 = arith.constant 0 : i32
        %dma_start3A_951 = tpu.memref_slice %dma_start3A_948[%dma_start3A_949, %dma_start3A_950] : memref<512x16xf32, #tpu.memory_space<vmem>> -> memref<128x16xf32, #tpu.memory_space<vmem>>
        %dma_start3A_952 = arith.constant 0 : i32
        %dma_start3A_953 = arith.constant 0 : i32
        %dma_start3A_954 = tpu.memref_slice %arg7[%dma_start3A_943, %dma_start3A_952, %dma_start3A_953] : memref<2x8x128xi32, #tpu.memory_space<vmem>> -> memref<1x8x128xi32, #tpu.memory_space<vmem>>
        %dma_start3A_955 = tpu.memref_squeeze %dma_start3A_954 : memref<1x8x128xi32, #tpu.memory_space<vmem>> -> memref<8x128xi32, #tpu.memory_space<vmem>>
        %dma_start3A_956 = arith.constant 0 : i32
        %dma_start3A_957 = tpu.memref_slice %dma_start3A_955[%dma_start3A_944, %dma_start3A_956] : memref<8x128xi32, #tpu.memory_space<vmem>> -> memref<1x128xi32, #tpu.memory_space<vmem>>
        %dma_start3A_958 = tpu.memref_squeeze %dma_start3A_957 : memref<1x128xi32, #tpu.memory_space<vmem>> -> memref<128xi32, #tpu.memory_space<vmem>>
        %dma_start3A_959 = arith.constant 0 : i32
        %dma_start3A_960 = arith.constant 0 : i32
        %dma_start3A_961 = tpu.memref_slice %arg12[%dma_start3A_959, %dma_start3A_960] : memref<100352x16xf32, #tpu.memory_space<vmem_shared>> -> memref<100352x16xf32, #tpu.memory_space<vmem_shared>>
        tpu.enqueue_indirect_dma source(%dma_start3A_951 : memref<128x16xf32, #tpu.memory_space<vmem>>) target(%dma_start3A_961 : memref<100352x16xf32, #tpu.memory_space<vmem_shared>>) offsets(%dma_start3A_958 : memref<128xi32, #tpu.memory_space<vmem>>) semaphore(%arg15 : memref<!tpu.dma_semaphore, #tpu.memory_space<semaphore_mem>>) {add = true}
      } else {
      }
    }
    %scan3A_71 = arith.constant 25 : i32
    %dma_wait3A = arith.constant 0 : i32
    %dma_wait3A_72 = arith.constant 0 : i32
    %dma_wait3A_73 = arith.constant 0 : i32
    %dma_wait3A_74 = tpu.memref_slice %arg9[%dma_wait3A, %dma_wait3A_72, %dma_wait3A_73] : memref<2x512x16xf32, #tpu.memory_space<vmem>> -> memref<1x512x16xf32, #tpu.memory_space<vmem>>
    %dma_wait3A_75 = tpu.memref_squeeze %dma_wait3A_74 : memref<1x512x16xf32, #tpu.memory_space<vmem>> -> memref<512x16xf32, #tpu.memory_space<vmem>>
    %dma_wait3A_76 = arith.constant 0 : i32
    %dma_wait3A_77 = arith.constant 0 : i32
    %dma_wait3A_78 = tpu.memref_slice %arg4[%dma_wait3A_76, %dma_wait3A_77] : memref<1600000x16xf32, #tpu.memory_space<hbm>> -> memref<512x16xf32, #tpu.memory_space<hbm>>
    %dma_wait3A_79 = arith.constant 0 : i32
    %dma_wait3A_80 = arith.constant 0 : i32
    %dma_wait3A_81 = tpu.memref_slice %arg9[%dma_wait3A, %dma_wait3A_79, %dma_wait3A_80] : memref<2x512x16xf32, #tpu.memory_space<vmem>> -> memref<1x512x16xf32, #tpu.memory_space<vmem>>
    %dma_wait3A_82 = tpu.memref_squeeze %dma_wait3A_81 : memref<1x512x16xf32, #tpu.memory_space<vmem>> -> memref<512x16xf32, #tpu.memory_space<vmem>>
    %dma_wait3A_83 = arith.constant 0 : i32
    %dma_wait3A_84 = arith.constant 0 : i32
    %dma_wait3A_85 = tpu.memref_slice %arg4[%dma_wait3A_83, %dma_wait3A_84] : memref<1600000x16xf32, #tpu.memory_space<hbm>> -> memref<512x16xf32, #tpu.memory_space<hbm>>
    tpu.wait_dma2 semaphore(%arg14 : memref<!tpu.dma_semaphore, #tpu.memory_space<semaphore_mem>>) src(%dma_wait3A_85 : memref<512x16xf32, #tpu.memory_space<hbm>>) dst(%dma_wait3A_82 : memref<512x16xf32, #tpu.memory_space<vmem>>)
    %dma_wait3A_86 = arith.constant 0 : i32
    %dma_wait3A_87 = arith.constant 0 : i32
    %dma_wait3A_88 = arith.constant 0 : i32
    %dma_wait3A_89 = tpu.memref_slice %arg9[%dma_wait3A_86, %dma_wait3A_87, %dma_wait3A_88] : memref<2x512x16xf32, #tpu.memory_space<vmem>> -> memref<1x512x16xf32, #tpu.memory_space<vmem>>
    %dma_wait3A_90 = tpu.memref_squeeze %dma_wait3A_89 : memref<1x512x16xf32, #tpu.memory_space<vmem>> -> memref<512x16xf32, #tpu.memory_space<vmem>>
    %dma_wait3A_91 = arith.constant 0 : i32
    %dma_wait3A_92 = arith.constant 0 : i32
    %dma_wait3A_93 = tpu.memref_slice %arg4[%dma_wait3A_91, %dma_wait3A_92] : memref<1600000x16xf32, #tpu.memory_space<hbm>> -> memref<512x16xf32, #tpu.memory_space<hbm>>
    %dma_wait3A_94 = arith.constant 0 : i32
    %dma_wait3A_95 = arith.constant 0 : i32
    %dma_wait3A_96 = tpu.memref_slice %arg9[%dma_wait3A_86, %dma_wait3A_94, %dma_wait3A_95] : memref<2x512x16xf32, #tpu.memory_space<vmem>> -> memref<1x512x16xf32, #tpu.memory_space<vmem>>
    %dma_wait3A_97 = tpu.memref_squeeze %dma_wait3A_96 : memref<1x512x16xf32, #tpu.memory_space<vmem>> -> memref<512x16xf32, #tpu.memory_space<vmem>>
    %dma_wait3A_98 = arith.constant 0 : i32
    %dma_wait3A_99 = arith.constant 0 : i32
    %dma_wait3A_100 = tpu.memref_slice %arg4[%dma_wait3A_98, %dma_wait3A_99] : memref<1600000x16xf32, #tpu.memory_space<hbm>> -> memref<512x16xf32, #tpu.memory_space<hbm>>
    tpu.wait_dma2 semaphore(%arg15 : memref<!tpu.dma_semaphore, #tpu.memory_space<semaphore_mem>>) src(%dma_wait3A_100 : memref<512x16xf32, #tpu.memory_space<hbm>>) dst(%dma_wait3A_97 : memref<512x16xf32, #tpu.memory_space<vmem>>)
    %eq3A_101 = arith.constant 31 : i32
    %eq3A_102 = arith.cmpi eq, %add3A, %eq3A_101 : i32
    %convert_element_type3A_103 = arith.extui %eq3A_102 : i1 to i32
    %cond3A_104 = arith.constant 0 : i32
    %cond3A_105 = arith.cmpi ne, %convert_element_type3A_103, %cond3A_104 : i32
    scf.if %cond3A_105 {
      %run_scoped3A_764 = arith.constant 0 : i32
      "tpu.region"() ({
        %run_scoped3A_861 = tpu.sem_alloc : memref<!tpu.dma_semaphore, #tpu.memory_space<semaphore_mem>>
        %dma_start3A_862 = arith.constant 0 : i32
        %dma_start3A_863 = arith.constant 0 : i32
        %dma_start3A_864 = tpu.memref_slice %arg7[%run_scoped3A_764, %dma_start3A_862, %dma_start3A_863] : memref<2x8x128xi32, #tpu.memory_space<vmem>> -> memref<1x8x128xi32, #tpu.memory_space<vmem>>
        %dma_start3A_865 = tpu.memref_squeeze %dma_start3A_864 : memref<1x8x128xi32, #tpu.memory_space<vmem>> -> memref<8x128xi32, #tpu.memory_space<vmem>>
        %dma_start3A_866 = arith.constant 0 : i32
        %dma_start3A_867 = arith.constant 0 : i32
        %dma_start3A_868 = tpu.memref_slice %dma_start3A_865[%dma_start3A_866, %dma_start3A_867] : memref<8x128xi32, #tpu.memory_space<vmem>> -> memref<4x128xi32, #tpu.memory_space<vmem>>
        %dma_start3A_869 = arith.constant 12496 : i32
        %dma_start3A_870 = arith.constant 0 : i32
        %dma_start3A_871 = tpu.memref_slice %arg2[%dma_start3A_869, %dma_start3A_870] : memref<12500x128xi32, #tpu.memory_space<hbm>> -> memref<4x128xi32, #tpu.memory_space<hbm>>
        %dma_start3A_872 = arith.constant 0 : i32
        %dma_start3A_873 = arith.constant 0 : i32
        %dma_start3A_874 = tpu.memref_slice %arg7[%run_scoped3A_764, %dma_start3A_872, %dma_start3A_873] : memref<2x8x128xi32, #tpu.memory_space<vmem>> -> memref<1x8x128xi32, #tpu.memory_space<vmem>>
        %dma_start3A_875 = tpu.memref_squeeze %dma_start3A_874 : memref<1x8x128xi32, #tpu.memory_space<vmem>> -> memref<8x128xi32, #tpu.memory_space<vmem>>
        %dma_start3A_876 = arith.constant 0 : i32
        %dma_start3A_877 = arith.constant 0 : i32
        %dma_start3A_878 = tpu.memref_slice %dma_start3A_875[%dma_start3A_876, %dma_start3A_877] : memref<8x128xi32, #tpu.memory_space<vmem>> -> memref<4x128xi32, #tpu.memory_space<vmem>>
        %dma_start3A_879 = arith.constant 12496 : i32
        %dma_start3A_880 = arith.constant 0 : i32
        %dma_start3A_881 = tpu.memref_slice %arg2[%dma_start3A_879, %dma_start3A_880] : memref<12500x128xi32, #tpu.memory_space<hbm>> -> memref<4x128xi32, #tpu.memory_space<hbm>>
        tpu.enqueue_dma source(%dma_start3A_881 : memref<4x128xi32, #tpu.memory_space<hbm>>) target(%dma_start3A_878 : memref<4x128xi32, #tpu.memory_space<vmem>>) target_semaphore(%run_scoped3A_861 : memref<!tpu.dma_semaphore, #tpu.memory_space<semaphore_mem>>)
        %dma_wait3A_882 = arith.constant 0 : i32
        %dma_wait3A_883 = arith.constant 0 : i32
        %dma_wait3A_884 = tpu.memref_slice %arg7[%run_scoped3A_764, %dma_wait3A_882, %dma_wait3A_883] : memref<2x8x128xi32, #tpu.memory_space<vmem>> -> memref<1x8x128xi32, #tpu.memory_space<vmem>>
        %dma_wait3A_885 = tpu.memref_squeeze %dma_wait3A_884 : memref<1x8x128xi32, #tpu.memory_space<vmem>> -> memref<8x128xi32, #tpu.memory_space<vmem>>
        %dma_wait3A_886 = arith.constant 0 : i32
        %dma_wait3A_887 = arith.constant 0 : i32
        %dma_wait3A_888 = tpu.memref_slice %dma_wait3A_885[%dma_wait3A_886, %dma_wait3A_887] : memref<8x128xi32, #tpu.memory_space<vmem>> -> memref<4x128xi32, #tpu.memory_space<vmem>>
        %dma_wait3A_889 = arith.constant 12496 : i32
        %dma_wait3A_890 = arith.constant 0 : i32
        %dma_wait3A_891 = tpu.memref_slice %arg2[%dma_wait3A_889, %dma_wait3A_890] : memref<12500x128xi32, #tpu.memory_space<hbm>> -> memref<4x128xi32, #tpu.memory_space<hbm>>
        %dma_wait3A_892 = arith.constant 0 : i32
        %dma_wait3A_893 = arith.constant 0 : i32
        %dma_wait3A_894 = tpu.memref_slice %arg7[%run_scoped3A_764, %dma_wait3A_892, %dma_wait3A_893] : memref<2x8x128xi32, #tpu.memory_space<vmem>> -> memref<1x8x128xi32, #tpu.memory_space<vmem>>
        %dma_wait3A_895 = tpu.memref_squeeze %dma_wait3A_894 : memref<1x8x128xi32, #tpu.memory_space<vmem>> -> memref<8x128xi32, #tpu.memory_space<vmem>>
        %dma_wait3A_896 = arith.constant 0 : i32
        %dma_wait3A_897 = arith.constant 0 : i32
        %dma_wait3A_898 = tpu.memref_slice %dma_wait3A_895[%dma_wait3A_896, %dma_wait3A_897] : memref<8x128xi32, #tpu.memory_space<vmem>> -> memref<4x128xi32, #tpu.memory_space<vmem>>
        %dma_wait3A_899 = arith.constant 12496 : i32
        %dma_wait3A_900 = arith.constant 0 : i32
        %dma_wait3A_901 = tpu.memref_slice %arg2[%dma_wait3A_899, %dma_wait3A_900] : memref<12500x128xi32, #tpu.memory_space<hbm>> -> memref<4x128xi32, #tpu.memory_space<hbm>>
        tpu.wait_dma2 semaphore(%run_scoped3A_861 : memref<!tpu.dma_semaphore, #tpu.memory_space<semaphore_mem>>) src(%dma_wait3A_901 : memref<4x128xi32, #tpu.memory_space<hbm>>) dst(%dma_wait3A_898 : memref<4x128xi32, #tpu.memory_space<vmem>>)
        tpu.yield
      }) : () -> ()
      %run_scoped3A_765 = arith.constant 0 : i32
      "tpu.region"() ({
        %run_scoped3A_861 = tpu.sem_alloc : memref<!tpu.dma_semaphore, #tpu.memory_space<semaphore_mem>>
        %dma_start3A_862 = arith.constant 0 : i32
        %dma_start3A_863 = arith.constant 0 : i32
        %dma_start3A_864 = tpu.memref_slice %arg9[%run_scoped3A_765, %dma_start3A_862, %dma_start3A_863] : memref<2x512x16xf32, #tpu.memory_space<vmem>> -> memref<1x512x16xf32, #tpu.memory_space<vmem>>
        %dma_start3A_865 = tpu.memref_squeeze %dma_start3A_864 : memref<1x512x16xf32, #tpu.memory_space<vmem>> -> memref<512x16xf32, #tpu.memory_space<vmem>>
        %dma_start3A_866 = arith.constant 1599488 : i32
        %dma_start3A_867 = arith.constant 0 : i32
        %dma_start3A_868 = tpu.memref_slice %arg4[%dma_start3A_866, %dma_start3A_867] : memref<1600000x16xf32, #tpu.memory_space<hbm>> -> memref<512x16xf32, #tpu.memory_space<hbm>>
        %dma_start3A_869 = arith.constant 0 : i32
        %dma_start3A_870 = arith.constant 0 : i32
        %dma_start3A_871 = tpu.memref_slice %arg9[%run_scoped3A_765, %dma_start3A_869, %dma_start3A_870] : memref<2x512x16xf32, #tpu.memory_space<vmem>> -> memref<1x512x16xf32, #tpu.memory_space<vmem>>
        %dma_start3A_872 = tpu.memref_squeeze %dma_start3A_871 : memref<1x512x16xf32, #tpu.memory_space<vmem>> -> memref<512x16xf32, #tpu.memory_space<vmem>>
        %dma_start3A_873 = arith.constant 1599488 : i32
        %dma_start3A_874 = arith.constant 0 : i32
        %dma_start3A_875 = tpu.memref_slice %arg4[%dma_start3A_873, %dma_start3A_874] : memref<1600000x16xf32, #tpu.memory_space<hbm>> -> memref<512x16xf32, #tpu.memory_space<hbm>>
        tpu.enqueue_dma source(%dma_start3A_875 : memref<512x16xf32, #tpu.memory_space<hbm>>) target(%dma_start3A_872 : memref<512x16xf32, #tpu.memory_space<vmem>>) target_semaphore(%run_scoped3A_861 : memref<!tpu.dma_semaphore, #tpu.memory_space<semaphore_mem>>)
        %dma_wait3A_876 = arith.constant 0 : i32
        %dma_wait3A_877 = arith.constant 0 : i32
        %dma_wait3A_878 = tpu.memref_slice %arg9[%run_scoped3A_765, %dma_wait3A_876, %dma_wait3A_877] : memref<2x512x16xf32, #tpu.memory_space<vmem>> -> memref<1x512x16xf32, #tpu.memory_space<vmem>>
        %dma_wait3A_879 = tpu.memref_squeeze %dma_wait3A_878 : memref<1x512x16xf32, #tpu.memory_space<vmem>> -> memref<512x16xf32, #tpu.memory_space<vmem>>
        %dma_wait3A_880 = arith.constant 1599488 : i32
        %dma_wait3A_881 = arith.constant 0 : i32
        %dma_wait3A_882 = tpu.memref_slice %arg4[%dma_wait3A_880, %dma_wait3A_881] : memref<1600000x16xf32, #tpu.memory_space<hbm>> -> memref<512x16xf32, #tpu.memory_space<hbm>>
        %dma_wait3A_883 = arith.constant 0 : i32
        %dma_wait3A_884 = arith.constant 0 : i32
        %dma_wait3A_885 = tpu.memref_slice %arg9[%run_scoped3A_765, %dma_wait3A_883, %dma_wait3A_884] : memref<2x512x16xf32, #tpu.memory_space<vmem>> -> memref<1x512x16xf32, #tpu.memory_space<vmem>>
        %dma_wait3A_886 = tpu.memref_squeeze %dma_wait3A_885 : memref<1x512x16xf32, #tpu.memory_space<vmem>> -> memref<512x16xf32, #tpu.memory_space<vmem>>
        %dma_wait3A_887 = arith.constant 1599488 : i32
        %dma_wait3A_888 = arith.constant 0 : i32
        %dma_wait3A_889 = tpu.memref_slice %arg4[%dma_wait3A_887, %dma_wait3A_888] : memref<1600000x16xf32, #tpu.memory_space<hbm>> -> memref<512x16xf32, #tpu.memory_space<hbm>>
        tpu.wait_dma2 semaphore(%run_scoped3A_861 : memref<!tpu.dma_semaphore, #tpu.memory_space<semaphore_mem>>) src(%dma_wait3A_889 : memref<512x16xf32, #tpu.memory_space<hbm>>) dst(%dma_wait3A_886 : memref<512x16xf32, #tpu.memory_space<vmem>>)
        tpu.yield
      }) : () -> ()
      %dma_start3A_766 = arith.constant 0 : i32
      %dma_start3A_767 = arith.constant 0 : i32
      %dma_start3A_768 = arith.constant 0 : i32
      %dma_start3A_769 = arith.constant 0 : i32
      %dma_start3A_770 = arith.constant 0 : i32
      %dma_start3A_771 = tpu.memref_slice %arg9[%dma_start3A_766, %dma_start3A_769, %dma_start3A_770] : memref<2x512x16xf32, #tpu.memory_space<vmem>> -> memref<1x512x16xf32, #tpu.memory_space<vmem>>
      %dma_start3A_772 = tpu.memref_squeeze %dma_start3A_771 : memref<1x512x16xf32, #tpu.memory_space<vmem>> -> memref<512x16xf32, #tpu.memory_space<vmem>>
      %dma_start3A_773 = arith.constant 0 : i32
      %dma_start3A_774 = arith.constant 0 : i32
      %dma_start3A_775 = tpu.memref_slice %dma_start3A_772[%dma_start3A_773, %dma_start3A_774] : memref<512x16xf32, #tpu.memory_space<vmem>> -> memref<128x16xf32, #tpu.memory_space<vmem>>
      %dma_start3A_776 = arith.constant 0 : i32
      %dma_start3A_777 = arith.constant 0 : i32
      %dma_start3A_778 = tpu.memref_slice %arg7[%dma_start3A_767, %dma_start3A_776, %dma_start3A_777] : memref<2x8x128xi32, #tpu.memory_space<vmem>> -> memref<1x8x128xi32, #tpu.memory_space<vmem>>
      %dma_start3A_779 = tpu.memref_squeeze %dma_start3A_778 : memref<1x8x128xi32, #tpu.memory_space<vmem>> -> memref<8x128xi32, #tpu.memory_space<vmem>>
      %dma_start3A_780 = arith.constant 0 : i32
      %dma_start3A_781 = tpu.memref_slice %dma_start3A_779[%dma_start3A_768, %dma_start3A_780] : memref<8x128xi32, #tpu.memory_space<vmem>> -> memref<1x128xi32, #tpu.memory_space<vmem>>
      %dma_start3A_782 = tpu.memref_squeeze %dma_start3A_781 : memref<1x128xi32, #tpu.memory_space<vmem>> -> memref<128xi32, #tpu.memory_space<vmem>>
      %dma_start3A_783 = arith.constant 0 : i32
      %dma_start3A_784 = arith.constant 0 : i32
      %dma_start3A_785 = tpu.memref_slice %arg12[%dma_start3A_783, %dma_start3A_784] : memref<100352x16xf32, #tpu.memory_space<vmem_shared>> -> memref<100352x16xf32, #tpu.memory_space<vmem_shared>>
      tpu.enqueue_indirect_dma source(%dma_start3A_775 : memref<128x16xf32, #tpu.memory_space<vmem>>) target(%dma_start3A_785 : memref<100352x16xf32, #tpu.memory_space<vmem_shared>>) offsets(%dma_start3A_782 : memref<128xi32, #tpu.memory_space<vmem>>) semaphore(%arg14 : memref<!tpu.dma_semaphore, #tpu.memory_space<semaphore_mem>>) {add = true}
      %dma_start3A_786 = arith.constant 0 : i32
      %dma_start3A_787 = arith.constant 0 : i32
      %dma_start3A_788 = arith.constant 1 : i32
      %dma_start3A_789 = arith.constant 0 : i32
      %dma_start3A_790 = arith.constant 0 : i32
      %dma_start3A_791 = tpu.memref_slice %arg9[%dma_start3A_786, %dma_start3A_789, %dma_start3A_790] : memref<2x512x16xf32, #tpu.memory_space<vmem>> -> memref<1x512x16xf32, #tpu.memory_space<vmem>>
      %dma_start3A_792 = tpu.memref_squeeze %dma_start3A_791 : memref<1x512x16xf32, #tpu.memory_space<vmem>> -> memref<512x16xf32, #tpu.memory_space<vmem>>
      %dma_start3A_793 = arith.constant 128 : i32
      %dma_start3A_794 = arith.constant 0 : i32
      %dma_start3A_795 = tpu.memref_slice %dma_start3A_792[%dma_start3A_793, %dma_start3A_794] : memref<512x16xf32, #tpu.memory_space<vmem>> -> memref<128x16xf32, #tpu.memory_space<vmem>>
      %dma_start3A_796 = arith.constant 0 : i32
      %dma_start3A_797 = arith.constant 0 : i32
      %dma_start3A_798 = tpu.memref_slice %arg7[%dma_start3A_787, %dma_start3A_796, %dma_start3A_797] : memref<2x8x128xi32, #tpu.memory_space<vmem>> -> memref<1x8x128xi32, #tpu.memory_space<vmem>>
      %dma_start3A_799 = tpu.memref_squeeze %dma_start3A_798 : memref<1x8x128xi32, #tpu.memory_space<vmem>> -> memref<8x128xi32, #tpu.memory_space<vmem>>
      %dma_start3A_800 = arith.constant 0 : i32
      %dma_start3A_801 = tpu.memref_slice %dma_start3A_799[%dma_start3A_788, %dma_start3A_800] : memref<8x128xi32, #tpu.memory_space<vmem>> -> memref<1x128xi32, #tpu.memory_space<vmem>>
      %dma_start3A_802 = tpu.memref_squeeze %dma_start3A_801 : memref<1x128xi32, #tpu.memory_space<vmem>> -> memref<128xi32, #tpu.memory_space<vmem>>
      %dma_start3A_803 = arith.constant 0 : i32
      %dma_start3A_804 = arith.constant 0 : i32
      %dma_start3A_805 = tpu.memref_slice %arg12[%dma_start3A_803, %dma_start3A_804] : memref<100352x16xf32, #tpu.memory_space<vmem_shared>> -> memref<100352x16xf32, #tpu.memory_space<vmem_shared>>
      tpu.enqueue_indirect_dma source(%dma_start3A_795 : memref<128x16xf32, #tpu.memory_space<vmem>>) target(%dma_start3A_805 : memref<100352x16xf32, #tpu.memory_space<vmem_shared>>) offsets(%dma_start3A_802 : memref<128xi32, #tpu.memory_space<vmem>>) semaphore(%arg14 : memref<!tpu.dma_semaphore, #tpu.memory_space<semaphore_mem>>) {add = true}
      %dma_start3A_806 = arith.constant 0 : i32
      %dma_start3A_807 = arith.constant 0 : i32
      %dma_start3A_808 = arith.constant 2 : i32
      %dma_start3A_809 = arith.constant 0 : i32
      %dma_start3A_810 = arith.constant 0 : i32
      %dma_start3A_811 = tpu.memref_slice %arg9[%dma_start3A_806, %dma_start3A_809, %dma_start3A_810] : memref<2x512x16xf32, #tpu.memory_space<vmem>> -> memref<1x512x16xf32, #tpu.memory_space<vmem>>
      %dma_start3A_812 = tpu.memref_squeeze %dma_start3A_811 : memref<1x512x16xf32, #tpu.memory_space<vmem>> -> memref<512x16xf32, #tpu.memory_space<vmem>>
      %dma_start3A_813 = arith.constant 256 : i32
      %dma_start3A_814 = arith.constant 0 : i32
      %dma_start3A_815 = tpu.memref_slice %dma_start3A_812[%dma_start3A_813, %dma_start3A_814] : memref<512x16xf32, #tpu.memory_space<vmem>> -> memref<128x16xf32, #tpu.memory_space<vmem>>
      %dma_start3A_816 = arith.constant 0 : i32
      %dma_start3A_817 = arith.constant 0 : i32
      %dma_start3A_818 = tpu.memref_slice %arg7[%dma_start3A_807, %dma_start3A_816, %dma_start3A_817] : memref<2x8x128xi32, #tpu.memory_space<vmem>> -> memref<1x8x128xi32, #tpu.memory_space<vmem>>
      %dma_start3A_819 = tpu.memref_squeeze %dma_start3A_818 : memref<1x8x128xi32, #tpu.memory_space<vmem>> -> memref<8x128xi32, #tpu.memory_space<vmem>>
      %dma_start3A_820 = arith.constant 0 : i32
      %dma_start3A_821 = tpu.memref_slice %dma_start3A_819[%dma_start3A_808, %dma_start3A_820] : memref<8x128xi32, #tpu.memory_space<vmem>> -> memref<1x128xi32, #tpu.memory_space<vmem>>
      %dma_start3A_822 = tpu.memref_squeeze %dma_start3A_821 : memref<1x128xi32, #tpu.memory_space<vmem>> -> memref<128xi32, #tpu.memory_space<vmem>>
      %dma_start3A_823 = arith.constant 0 : i32
      %dma_start3A_824 = arith.constant 0 : i32
      %dma_start3A_825 = tpu.memref_slice %arg12[%dma_start3A_823, %dma_start3A_824] : memref<100352x16xf32, #tpu.memory_space<vmem_shared>> -> memref<100352x16xf32, #tpu.memory_space<vmem_shared>>
      tpu.enqueue_indirect_dma source(%dma_start3A_815 : memref<128x16xf32, #tpu.memory_space<vmem>>) target(%dma_start3A_825 : memref<100352x16xf32, #tpu.memory_space<vmem_shared>>) offsets(%dma_start3A_822 : memref<128xi32, #tpu.memory_space<vmem>>) semaphore(%arg14 : memref<!tpu.dma_semaphore, #tpu.memory_space<semaphore_mem>>) {add = true}
      %dma_start3A_826 = arith.constant 0 : i32
      %dma_start3A_827 = arith.constant 0 : i32
      %dma_start3A_828 = arith.constant 3 : i32
      %dma_start3A_829 = arith.constant 0 : i32
      %dma_start3A_830 = arith.constant 0 : i32
      %dma_start3A_831 = tpu.memref_slice %arg9[%dma_start3A_826, %dma_start3A_829, %dma_start3A_830] : memref<2x512x16xf32, #tpu.memory_space<vmem>> -> memref<1x512x16xf32, #tpu.memory_space<vmem>>
      %dma_start3A_832 = tpu.memref_squeeze %dma_start3A_831 : memref<1x512x16xf32, #tpu.memory_space<vmem>> -> memref<512x16xf32, #tpu.memory_space<vmem>>
      %dma_start3A_833 = arith.constant 384 : i32
      %dma_start3A_834 = arith.constant 0 : i32
      %dma_start3A_835 = tpu.memref_slice %dma_start3A_832[%dma_start3A_833, %dma_start3A_834] : memref<512x16xf32, #tpu.memory_space<vmem>> -> memref<128x16xf32, #tpu.memory_space<vmem>>
      %dma_start3A_836 = arith.constant 0 : i32
      %dma_start3A_837 = arith.constant 0 : i32
      %dma_start3A_838 = tpu.memref_slice %arg7[%dma_start3A_827, %dma_start3A_836, %dma_start3A_837] : memref<2x8x128xi32, #tpu.memory_space<vmem>> -> memref<1x8x128xi32, #tpu.memory_space<vmem>>
      %dma_start3A_839 = tpu.memref_squeeze %dma_start3A_838 : memref<1x8x128xi32, #tpu.memory_space<vmem>> -> memref<8x128xi32, #tpu.memory_space<vmem>>
      %dma_start3A_840 = arith.constant 0 : i32
      %dma_start3A_841 = tpu.memref_slice %dma_start3A_839[%dma_start3A_828, %dma_start3A_840] : memref<8x128xi32, #tpu.memory_space<vmem>> -> memref<1x128xi32, #tpu.memory_space<vmem>>
      %dma_start3A_842 = tpu.memref_squeeze %dma_start3A_841 : memref<1x128xi32, #tpu.memory_space<vmem>> -> memref<128xi32, #tpu.memory_space<vmem>>
      %dma_start3A_843 = arith.constant 0 : i32
      %dma_start3A_844 = arith.constant 0 : i32
      %dma_start3A_845 = tpu.memref_slice %arg12[%dma_start3A_843, %dma_start3A_844] : memref<100352x16xf32, #tpu.memory_space<vmem_shared>> -> memref<100352x16xf32, #tpu.memory_space<vmem_shared>>
      tpu.enqueue_indirect_dma source(%dma_start3A_835 : memref<128x16xf32, #tpu.memory_space<vmem>>) target(%dma_start3A_845 : memref<100352x16xf32, #tpu.memory_space<vmem_shared>>) offsets(%dma_start3A_842 : memref<128xi32, #tpu.memory_space<vmem>>) semaphore(%arg14 : memref<!tpu.dma_semaphore, #tpu.memory_space<semaphore_mem>>) {add = true}
      %dma_wait3A_846 = arith.constant 0 : i32
      %dma_wait3A_847 = arith.constant 0 : i32
      %dma_wait3A_848 = arith.constant 0 : i32
      %dma_wait3A_849 = tpu.memref_slice %arg9[%dma_wait3A_846, %dma_wait3A_847, %dma_wait3A_848] : memref<2x512x16xf32, #tpu.memory_space<vmem>> -> memref<1x512x16xf32, #tpu.memory_space<vmem>>
      %dma_wait3A_850 = tpu.memref_squeeze %dma_wait3A_849 : memref<1x512x16xf32, #tpu.memory_space<vmem>> -> memref<512x16xf32, #tpu.memory_space<vmem>>
      %dma_wait3A_851 = arith.constant 0 : i32
      %dma_wait3A_852 = arith.constant 0 : i32
      %dma_wait3A_853 = tpu.memref_slice %arg4[%dma_wait3A_851, %dma_wait3A_852] : memref<1600000x16xf32, #tpu.memory_space<hbm>> -> memref<512x16xf32, #tpu.memory_space<hbm>>
      %dma_wait3A_854 = arith.constant 0 : i32
      %dma_wait3A_855 = arith.constant 0 : i32
      %dma_wait3A_856 = tpu.memref_slice %arg9[%dma_wait3A_846, %dma_wait3A_854, %dma_wait3A_855] : memref<2x512x16xf32, #tpu.memory_space<vmem>> -> memref<1x512x16xf32, #tpu.memory_space<vmem>>
      %dma_wait3A_857 = tpu.memref_squeeze %dma_wait3A_856 : memref<1x512x16xf32, #tpu.memory_space<vmem>> -> memref<512x16xf32, #tpu.memory_space<vmem>>
      %dma_wait3A_858 = arith.constant 0 : i32
      %dma_wait3A_859 = arith.constant 0 : i32
      %dma_wait3A_860 = tpu.memref_slice %arg4[%dma_wait3A_858, %dma_wait3A_859] : memref<1600000x16xf32, #tpu.memory_space<hbm>> -> memref<512x16xf32, #tpu.memory_space<hbm>>
      tpu.wait_dma2 semaphore(%arg14 : memref<!tpu.dma_semaphore, #tpu.memory_space<semaphore_mem>>) src(%dma_wait3A_860 : memref<512x16xf32, #tpu.memory_space<hbm>>) dst(%dma_wait3A_857 : memref<512x16xf32, #tpu.memory_space<vmem>>)
    } else {
    }
    %lt3A_106 = arith.constant 10 : i32
    %lt3A_107 = arith.cmpi slt, %arg1, %lt3A_106 : i32
    %convert_element_type3A_108 = arith.extui %lt3A_107 : i1 to i32
    %add3A_109 = arith.constant 97 : i32
    %add3A_110 = arith.addi %add3A_109, %convert_element_type3A_108 : i32
    %mul3A_111 = arith.constant 97 : i32
    %mul3A_112 = arith.muli %mul3A_111, %arg1 : i32
    %min3A_113 = arith.constant 10 : i32
    %min3A_114 = arith.minsi %arg1, %min3A_113 : i32
    %add3A_115 = arith.addi %mul3A_112, %min3A_114 : i32
    %scan3A_116 = arith.constant 0 : i32
    %scan3A_117 = arith.constant 49 : i32
    %scan3A_118 = arith.addi %scan3A_116, %scan3A_117 : i32
    %scan3A_119 = arith.constant 1 : i32
    scf.for %scan3A_764 = %scan3A_116 to %scan3A_118 step %scan3A_119  : i32 {
      %mul3A_765 = arith.constant 2 : i32
      %mul3A_766 = arith.muli %mul3A_765, %scan3A_764 : i32
      %add3A_767 = arith.constant 0 : i32
      %add3A_768 = arith.addi %mul3A_766, %add3A_767 : i32
      %lt3A_769 = arith.cmpi slt, %add3A_768, %add3A_110 : i32
      %convert_element_type3A_770 = arith.extui %lt3A_769 : i1 to i32
      %cond3A_771 = arith.constant 0 : i32
      %cond3A_772 = arith.cmpi ne, %convert_element_type3A_770, %cond3A_771 : i32
      scf.if %cond3A_772 {
        %add3A_781 = arith.addi %add3A_115, %add3A_768 : i32
        %ge3A = arith.constant 2 : i32
        %ge3A_782 = arith.cmpi sge, %add3A_768, %ge3A : i32
        %convert_element_type3A_783 = arith.extui %ge3A_782 : i1 to i32
        %cond3A_784 = arith.constant 0 : i32
        %cond3A_785 = arith.cmpi ne, %convert_element_type3A_783, %cond3A_784 : i32
        scf.if %cond3A_785 {
          %dma_wait3A_877 = arith.constant 0 : i32
          %dma_wait3A_878 = tpu.memref_slice %arg11[%dma_wait3A_877] : memref<3200xf32, #tpu.memory_space<vmem>> -> memref<1024xf32, #tpu.memory_space<vmem>>
          %dma_wait3A_879 = arith.constant 0 : i32
          %dma_wait3A_880 = tpu.memref_slice %arg6[%dma_wait3A_879] : memref<100352xf32, #tpu.memory_space<hbm>> -> memref<1024xf32, #tpu.memory_space<hbm>>
          %dma_wait3A_881 = arith.constant 0 : i32
          %dma_wait3A_882 = tpu.memref_slice %arg11[%dma_wait3A_881] : memref<3200xf32, #tpu.memory_space<vmem>> -> memref<1024xf32, #tpu.memory_space<vmem>>
          %dma_wait3A_883 = arith.constant 0 : i32
          %dma_wait3A_884 = tpu.memref_slice %arg6[%dma_wait3A_883] : memref<100352xf32, #tpu.memory_space<hbm>> -> memref<1024xf32, #tpu.memory_space<hbm>>
          tpu.wait_dma2 semaphore(%arg16 : memref<!tpu.dma_semaphore, #tpu.memory_space<semaphore_mem>>) src(%dma_wait3A_884 : memref<1024xf32, #tpu.memory_space<hbm>>) dst(%dma_wait3A_882 : memref<1024xf32, #tpu.memory_space<vmem>>)
        } else {
        }
        %mul3A_786 = arith.constant 8 : i32
        %mul3A_787 = arith.muli %mul3A_786, %add3A_781 : i32
        %run_scoped3A_788 = arith.constant 0 : i32
        "tpu.region"() ({
          %run_scoped3A_877 = tpu.sem_alloc : memref<!tpu.dma_semaphore, #tpu.memory_space<semaphore_mem>>
          %dma_start3A_878 = arith.constant 0 : i32
          %dma_start3A_879 = arith.constant 0 : i32
          %dma_start3A_880 = tpu.memref_slice %arg8[%run_scoped3A_788, %dma_start3A_878, %dma_start3A_879] : memref<2x8x128xi32, #tpu.memory_space<vmem>> -> memref<1x8x128xi32, #tpu.memory_space<vmem>>
          %dma_start3A_881 = tpu.memref_squeeze %dma_start3A_880 : memref<1x8x128xi32, #tpu.memory_space<vmem>> -> memref<8x128xi32, #tpu.memory_space<vmem>>
          %dma_start3A_882 = arith.constant 0 : i32
          %dma_start3A_883 = arith.constant 0 : i32
          %dma_start3A_884 = tpu.memref_slice %arg3[%arg0, %dma_start3A_882, %dma_start3A_883] : memref<2x12500x128xi32, #tpu.memory_space<hbm>> -> memref<1x12500x128xi32, #tpu.memory_space<hbm>>
          %dma_start3A_885 = tpu.memref_squeeze %dma_start3A_884 : memref<1x12500x128xi32, #tpu.memory_space<hbm>> -> memref<12500x128xi32, #tpu.memory_space<hbm>>
          %dma_start3A_886 = arith.constant 0 : i32
          %dma_start3A_887 = tpu.memref_slice %dma_start3A_885[%mul3A_787, %dma_start3A_886] : memref<12500x128xi32, #tpu.memory_space<hbm>> -> memref<8x128xi32, #tpu.memory_space<hbm>>
          %dma_start3A_888 = arith.constant 0 : i32
          %dma_start3A_889 = arith.constant 0 : i32
          %dma_start3A_890 = tpu.memref_slice %arg8[%run_scoped3A_788, %dma_start3A_888, %dma_start3A_889] : memref<2x8x128xi32, #tpu.memory_space<vmem>> -> memref<1x8x128xi32, #tpu.memory_space<vmem>>
          %dma_start3A_891 = tpu.memref_squeeze %dma_start3A_890 : memref<1x8x128xi32, #tpu.memory_space<vmem>> -> memref<8x128xi32, #tpu.memory_space<vmem>>
          %dma_start3A_892 = arith.constant 0 : i32
          %dma_start3A_893 = arith.constant 0 : i32
          %dma_start3A_894 = tpu.memref_slice %arg3[%arg0, %dma_start3A_892, %dma_start3A_893] : memref<2x12500x128xi32, #tpu.memory_space<hbm>> -> memref<1x12500x128xi32, #tpu.memory_space<hbm>>
          %dma_start3A_895 = tpu.memref_squeeze %dma_start3A_894 : memref<1x12500x128xi32, #tpu.memory_space<hbm>> -> memref<12500x128xi32, #tpu.memory_space<hbm>>
          %dma_start3A_896 = arith.constant 0 : i32
          %dma_start3A_897 = tpu.memref_slice %dma_start3A_895[%mul3A_787, %dma_start3A_896] : memref<12500x128xi32, #tpu.memory_space<hbm>> -> memref<8x128xi32, #tpu.memory_space<hbm>>
          tpu.enqueue_dma source(%dma_start3A_897 : memref<8x128xi32, #tpu.memory_space<hbm>>) target(%dma_start3A_891 : memref<8x128xi32, #tpu.memory_space<vmem>>) target_semaphore(%run_scoped3A_877 : memref<!tpu.dma_semaphore, #tpu.memory_space<semaphore_mem>>)
          %dma_wait3A_898 = arith.constant 0 : i32
          %dma_wait3A_899 = arith.constant 0 : i32
          %dma_wait3A_900 = tpu.memref_slice %arg8[%run_scoped3A_788, %dma_wait3A_898, %dma_wait3A_899] : memref<2x8x128xi32, #tpu.memory_space<vmem>> -> memref<1x8x128xi32, #tpu.memory_space<vmem>>
          %dma_wait3A_901 = tpu.memref_squeeze %dma_wait3A_900 : memref<1x8x128xi32, #tpu.memory_space<vmem>> -> memref<8x128xi32, #tpu.memory_space<vmem>>
          %dma_wait3A_902 = arith.constant 0 : i32
          %dma_wait3A_903 = arith.constant 0 : i32
          %dma_wait3A_904 = tpu.memref_slice %arg3[%arg0, %dma_wait3A_902, %dma_wait3A_903] : memref<2x12500x128xi32, #tpu.memory_space<hbm>> -> memref<1x12500x128xi32, #tpu.memory_space<hbm>>
          %dma_wait3A_905 = tpu.memref_squeeze %dma_wait3A_904 : memref<1x12500x128xi32, #tpu.memory_space<hbm>> -> memref<12500x128xi32, #tpu.memory_space<hbm>>
          %dma_wait3A_906 = arith.constant 0 : i32
          %dma_wait3A_907 = tpu.memref_slice %dma_wait3A_905[%mul3A_787, %dma_wait3A_906] : memref<12500x128xi32, #tpu.memory_space<hbm>> -> memref<8x128xi32, #tpu.memory_space<hbm>>
          %dma_wait3A_908 = arith.constant 0 : i32
          %dma_wait3A_909 = arith.constant 0 : i32
          %dma_wait3A_910 = tpu.memref_slice %arg8[%run_scoped3A_788, %dma_wait3A_908, %dma_wait3A_909] : memref<2x8x128xi32, #tpu.memory_space<vmem>> -> memref<1x8x128xi32, #tpu.memory_space<vmem>>
          %dma_wait3A_911 = tpu.memref_squeeze %dma_wait3A_910 : memref<1x8x128xi32, #tpu.memory_space<vmem>> -> memref<8x128xi32, #tpu.memory_space<vmem>>
          %dma_wait3A_912 = arith.constant 0 : i32
          %dma_wait3A_913 = arith.constant 0 : i32
          %dma_wait3A_914 = tpu.memref_slice %arg3[%arg0, %dma_wait3A_912, %dma_wait3A_913] : memref<2x12500x128xi32, #tpu.memory_space<hbm>> -> memref<1x12500x128xi32, #tpu.memory_space<hbm>>
          %dma_wait3A_915 = tpu.memref_squeeze %dma_wait3A_914 : memref<1x12500x128xi32, #tpu.memory_space<hbm>> -> memref<12500x128xi32, #tpu.memory_space<hbm>>
          %dma_wait3A_916 = arith.constant 0 : i32
          %dma_wait3A_917 = tpu.memref_slice %dma_wait3A_915[%mul3A_787, %dma_wait3A_916] : memref<12500x128xi32, #tpu.memory_space<hbm>> -> memref<8x128xi32, #tpu.memory_space<hbm>>
          tpu.wait_dma2 semaphore(%run_scoped3A_877 : memref<!tpu.dma_semaphore, #tpu.memory_space<semaphore_mem>>) src(%dma_wait3A_917 : memref<8x128xi32, #tpu.memory_space<hbm>>) dst(%dma_wait3A_911 : memref<8x128xi32, #tpu.memory_space<vmem>>)
          tpu.yield
        }) : () -> ()
        %dma_start3A_789 = arith.constant 0 : i32
        %dma_start3A_790 = arith.constant 0 : i32
        %dma_start3A_791 = arith.constant 0 : i32
        %dma_start3A_792 = arith.constant 0 : i32
        %dma_start3A_793 = tpu.memref_slice %arg8[%dma_start3A_789, %dma_start3A_791, %dma_start3A_792] : memref<2x8x128xi32, #tpu.memory_space<vmem>> -> memref<1x8x128xi32, #tpu.memory_space<vmem>>
        %dma_start3A_794 = tpu.memref_squeeze %dma_start3A_793 : memref<1x8x128xi32, #tpu.memory_space<vmem>> -> memref<8x128xi32, #tpu.memory_space<vmem>>
        %dma_start3A_795 = arith.constant 0 : i32
        %dma_start3A_796 = tpu.memref_slice %dma_start3A_794[%dma_start3A_790, %dma_start3A_795] : memref<8x128xi32, #tpu.memory_space<vmem>> -> memref<1x128xi32, #tpu.memory_space<vmem>>
        %dma_start3A_797 = tpu.memref_squeeze %dma_start3A_796 : memref<1x128xi32, #tpu.memory_space<vmem>> -> memref<128xi32, #tpu.memory_space<vmem>>
        %dma_start3A_798 = arith.constant 0 : i32
        %dma_start3A_799 = tpu.memref_slice %arg13[%dma_start3A_798] : memref<50304xf32, #tpu.memory_space<vmem_shared>> -> memref<50304xf32, #tpu.memory_space<vmem_shared>>
        tpu.enqueue_indirect_dma source(%arg10 : memref<128xf32, #tpu.memory_space<vmem>>) target(%dma_start3A_799 : memref<50304xf32, #tpu.memory_space<vmem_shared>>) offsets(%dma_start3A_797 : memref<128xi32, #tpu.memory_space<vmem>>) semaphore(%arg16 : memref<!tpu.dma_semaphore, #tpu.memory_space<semaphore_mem>>) {add = true}
        %dma_start3A_800 = arith.constant 0 : i32
        %dma_start3A_801 = arith.constant 1 : i32
        %dma_start3A_802 = arith.constant 0 : i32
        %dma_start3A_803 = arith.constant 0 : i32
        %dma_start3A_804 = tpu.memref_slice %arg8[%dma_start3A_800, %dma_start3A_802, %dma_start3A_803] : memref<2x8x128xi32, #tpu.memory_space<vmem>> -> memref<1x8x128xi32, #tpu.memory_space<vmem>>
        %dma_start3A_805 = tpu.memref_squeeze %dma_start3A_804 : memref<1x8x128xi32, #tpu.memory_space<vmem>> -> memref<8x128xi32, #tpu.memory_space<vmem>>
        %dma_start3A_806 = arith.constant 0 : i32
        %dma_start3A_807 = tpu.memref_slice %dma_start3A_805[%dma_start3A_801, %dma_start3A_806] : memref<8x128xi32, #tpu.memory_space<vmem>> -> memref<1x128xi32, #tpu.memory_space<vmem>>
        %dma_start3A_808 = tpu.memref_squeeze %dma_start3A_807 : memref<1x128xi32, #tpu.memory_space<vmem>> -> memref<128xi32, #tpu.memory_space<vmem>>
        %dma_start3A_809 = arith.constant 0 : i32
        %dma_start3A_810 = tpu.memref_slice %arg13[%dma_start3A_809] : memref<50304xf32, #tpu.memory_space<vmem_shared>> -> memref<50304xf32, #tpu.memory_space<vmem_shared>>
        tpu.enqueue_indirect_dma source(%arg10 : memref<128xf32, #tpu.memory_space<vmem>>) target(%dma_start3A_810 : memref<50304xf32, #tpu.memory_space<vmem_shared>>) offsets(%dma_start3A_808 : memref<128xi32, #tpu.memory_space<vmem>>) semaphore(%arg16 : memref<!tpu.dma_semaphore, #tpu.memory_space<semaphore_mem>>) {add = true}
        %dma_start3A_811 = arith.constant 0 : i32
        %dma_start3A_812 = arith.constant 2 : i32
        %dma_start3A_813 = arith.constant 0 : i32
        %dma_start3A_814 = arith.constant 0 : i32
        %dma_start3A_815 = tpu.memref_slice %arg8[%dma_start3A_811, %dma_start3A_813, %dma_start3A_814] : memref<2x8x128xi32, #tpu.memory_space<vmem>> -> memref<1x8x128xi32, #tpu.memory_space<vmem>>
        %dma_start3A_816 = tpu.memref_squeeze %dma_start3A_815 : memref<1x8x128xi32, #tpu.memory_space<vmem>> -> memref<8x128xi32, #tpu.memory_space<vmem>>
        %dma_start3A_817 = arith.constant 0 : i32
        %dma_start3A_818 = tpu.memref_slice %dma_start3A_816[%dma_start3A_812, %dma_start3A_817] : memref<8x128xi32, #tpu.memory_space<vmem>> -> memref<1x128xi32, #tpu.memory_space<vmem>>
        %dma_start3A_819 = tpu.memref_squeeze %dma_start3A_818 : memref<1x128xi32, #tpu.memory_space<vmem>> -> memref<128xi32, #tpu.memory_space<vmem>>
        %dma_start3A_820 = arith.constant 0 : i32
        %dma_start3A_821 = tpu.memref_slice %arg13[%dma_start3A_820] : memref<50304xf32, #tpu.memory_space<vmem_shared>> -> memref<50304xf32, #tpu.memory_space<vmem_shared>>
        tpu.enqueue_indirect_dma source(%arg10 : memref<128xf32, #tpu.memory_space<vmem>>) target(%dma_start3A_821 : memref<50304xf32, #tpu.memory_space<vmem_shared>>) offsets(%dma_start3A_819 : memref<128xi32, #tpu.memory_space<vmem>>) semaphore(%arg16 : memref<!tpu.dma_semaphore, #tpu.memory_space<semaphore_mem>>) {add = true}
        %dma_start3A_822 = arith.constant 0 : i32
        %dma_start3A_823 = arith.constant 3 : i32
        %dma_start3A_824 = arith.constant 0 : i32
        %dma_start3A_825 = arith.constant 0 : i32
        %dma_start3A_826 = tpu.memref_slice %arg8[%dma_start3A_822, %dma_start3A_824, %dma_start3A_825] : memref<2x8x128xi32, #tpu.memory_space<vmem>> -> memref<1x8x128xi32, #tpu.memory_space<vmem>>
        %dma_start3A_827 = tpu.memref_squeeze %dma_start3A_826 : memref<1x8x128xi32, #tpu.memory_space<vmem>> -> memref<8x128xi32, #tpu.memory_space<vmem>>
        %dma_start3A_828 = arith.constant 0 : i32
        %dma_start3A_829 = tpu.memref_slice %dma_start3A_827[%dma_start3A_823, %dma_start3A_828] : memref<8x128xi32, #tpu.memory_space<vmem>> -> memref<1x128xi32, #tpu.memory_space<vmem>>
        %dma_start3A_830 = tpu.memref_squeeze %dma_start3A_829 : memref<1x128xi32, #tpu.memory_space<vmem>> -> memref<128xi32, #tpu.memory_space<vmem>>
        %dma_start3A_831 = arith.constant 0 : i32
        %dma_start3A_832 = tpu.memref_slice %arg13[%dma_start3A_831] : memref<50304xf32, #tpu.memory_space<vmem_shared>> -> memref<50304xf32, #tpu.memory_space<vmem_shared>>
        tpu.enqueue_indirect_dma source(%arg10 : memref<128xf32, #tpu.memory_space<vmem>>) target(%dma_start3A_832 : memref<50304xf32, #tpu.memory_space<vmem_shared>>) offsets(%dma_start3A_830 : memref<128xi32, #tpu.memory_space<vmem>>) semaphore(%arg16 : memref<!tpu.dma_semaphore, #tpu.memory_space<semaphore_mem>>) {add = true}
        %dma_start3A_833 = arith.constant 0 : i32
        %dma_start3A_834 = arith.constant 4 : i32
        %dma_start3A_835 = arith.constant 0 : i32
        %dma_start3A_836 = arith.constant 0 : i32
        %dma_start3A_837 = tpu.memref_slice %arg8[%dma_start3A_833, %dma_start3A_835, %dma_start3A_836] : memref<2x8x128xi32, #tpu.memory_space<vmem>> -> memref<1x8x128xi32, #tpu.memory_space<vmem>>
        %dma_start3A_838 = tpu.memref_squeeze %dma_start3A_837 : memref<1x8x128xi32, #tpu.memory_space<vmem>> -> memref<8x128xi32, #tpu.memory_space<vmem>>
        %dma_start3A_839 = arith.constant 0 : i32
        %dma_start3A_840 = tpu.memref_slice %dma_start3A_838[%dma_start3A_834, %dma_start3A_839] : memref<8x128xi32, #tpu.memory_space<vmem>> -> memref<1x128xi32, #tpu.memory_space<vmem>>
        %dma_start3A_841 = tpu.memref_squeeze %dma_start3A_840 : memref<1x128xi32, #tpu.memory_space<vmem>> -> memref<128xi32, #tpu.memory_space<vmem>>
        %dma_start3A_842 = arith.constant 0 : i32
        %dma_start3A_843 = tpu.memref_slice %arg13[%dma_start3A_842] : memref<50304xf32, #tpu.memory_space<vmem_shared>> -> memref<50304xf32, #tpu.memory_space<vmem_shared>>
        tpu.enqueue_indirect_dma source(%arg10 : memref<128xf32, #tpu.memory_space<vmem>>) target(%dma_start3A_843 : memref<50304xf32, #tpu.memory_space<vmem_shared>>) offsets(%dma_start3A_841 : memref<128xi32, #tpu.memory_space<vmem>>) semaphore(%arg16 : memref<!tpu.dma_semaphore, #tpu.memory_space<semaphore_mem>>) {add = true}
        %dma_start3A_844 = arith.constant 0 : i32
        %dma_start3A_845 = arith.constant 5 : i32
        %dma_start3A_846 = arith.constant 0 : i32
        %dma_start3A_847 = arith.constant 0 : i32
        %dma_start3A_848 = tpu.memref_slice %arg8[%dma_start3A_844, %dma_start3A_846, %dma_start3A_847] : memref<2x8x128xi32, #tpu.memory_space<vmem>> -> memref<1x8x128xi32, #tpu.memory_space<vmem>>
        %dma_start3A_849 = tpu.memref_squeeze %dma_start3A_848 : memref<1x8x128xi32, #tpu.memory_space<vmem>> -> memref<8x128xi32, #tpu.memory_space<vmem>>
        %dma_start3A_850 = arith.constant 0 : i32
        %dma_start3A_851 = tpu.memref_slice %dma_start3A_849[%dma_start3A_845, %dma_start3A_850] : memref<8x128xi32, #tpu.memory_space<vmem>> -> memref<1x128xi32, #tpu.memory_space<vmem>>
        %dma_start3A_852 = tpu.memref_squeeze %dma_start3A_851 : memref<1x128xi32, #tpu.memory_space<vmem>> -> memref<128xi32, #tpu.memory_space<vmem>>
        %dma_start3A_853 = arith.constant 0 : i32
        %dma_start3A_854 = tpu.memref_slice %arg13[%dma_start3A_853] : memref<50304xf32, #tpu.memory_space<vmem_shared>> -> memref<50304xf32, #tpu.memory_space<vmem_shared>>
        tpu.enqueue_indirect_dma source(%arg10 : memref<128xf32, #tpu.memory_space<vmem>>) target(%dma_start3A_854 : memref<50304xf32, #tpu.memory_space<vmem_shared>>) offsets(%dma_start3A_852 : memref<128xi32, #tpu.memory_space<vmem>>) semaphore(%arg16 : memref<!tpu.dma_semaphore, #tpu.memory_space<semaphore_mem>>) {add = true}
        %dma_start3A_855 = arith.constant 0 : i32
        %dma_start3A_856 = arith.constant 6 : i32
        %dma_start3A_857 = arith.constant 0 : i32
        %dma_start3A_858 = arith.constant 0 : i32
        %dma_start3A_859 = tpu.memref_slice %arg8[%dma_start3A_855, %dma_start3A_857, %dma_start3A_858] : memref<2x8x128xi32, #tpu.memory_space<vmem>> -> memref<1x8x128xi32, #tpu.memory_space<vmem>>
        %dma_start3A_860 = tpu.memref_squeeze %dma_start3A_859 : memref<1x8x128xi32, #tpu.memory_space<vmem>> -> memref<8x128xi32, #tpu.memory_space<vmem>>
        %dma_start3A_861 = arith.constant 0 : i32
        %dma_start3A_862 = tpu.memref_slice %dma_start3A_860[%dma_start3A_856, %dma_start3A_861] : memref<8x128xi32, #tpu.memory_space<vmem>> -> memref<1x128xi32, #tpu.memory_space<vmem>>
        %dma_start3A_863 = tpu.memref_squeeze %dma_start3A_862 : memref<1x128xi32, #tpu.memory_space<vmem>> -> memref<128xi32, #tpu.memory_space<vmem>>
        %dma_start3A_864 = arith.constant 0 : i32
        %dma_start3A_865 = tpu.memref_slice %arg13[%dma_start3A_864] : memref<50304xf32, #tpu.memory_space<vmem_shared>> -> memref<50304xf32, #tpu.memory_space<vmem_shared>>
        tpu.enqueue_indirect_dma source(%arg10 : memref<128xf32, #tpu.memory_space<vmem>>) target(%dma_start3A_865 : memref<50304xf32, #tpu.memory_space<vmem_shared>>) offsets(%dma_start3A_863 : memref<128xi32, #tpu.memory_space<vmem>>) semaphore(%arg16 : memref<!tpu.dma_semaphore, #tpu.memory_space<semaphore_mem>>) {add = true}
        %dma_start3A_866 = arith.constant 0 : i32
        %dma_start3A_867 = arith.constant 7 : i32
        %dma_start3A_868 = arith.constant 0 : i32
        %dma_start3A_869 = arith.constant 0 : i32
        %dma_start3A_870 = tpu.memref_slice %arg8[%dma_start3A_866, %dma_start3A_868, %dma_start3A_869] : memref<2x8x128xi32, #tpu.memory_space<vmem>> -> memref<1x8x128xi32, #tpu.memory_space<vmem>>
        %dma_start3A_871 = tpu.memref_squeeze %dma_start3A_870 : memref<1x8x128xi32, #tpu.memory_space<vmem>> -> memref<8x128xi32, #tpu.memory_space<vmem>>
        %dma_start3A_872 = arith.constant 0 : i32
        %dma_start3A_873 = tpu.memref_slice %dma_start3A_871[%dma_start3A_867, %dma_start3A_872] : memref<8x128xi32, #tpu.memory_space<vmem>> -> memref<1x128xi32, #tpu.memory_space<vmem>>
        %dma_start3A_874 = tpu.memref_squeeze %dma_start3A_873 : memref<1x128xi32, #tpu.memory_space<vmem>> -> memref<128xi32, #tpu.memory_space<vmem>>
        %dma_start3A_875 = arith.constant 0 : i32
        %dma_start3A_876 = tpu.memref_slice %arg13[%dma_start3A_875] : memref<50304xf32, #tpu.memory_space<vmem_shared>> -> memref<50304xf32, #tpu.memory_space<vmem_shared>>
        tpu.enqueue_indirect_dma source(%arg10 : memref<128xf32, #tpu.memory_space<vmem>>) target(%dma_start3A_876 : memref<50304xf32, #tpu.memory_space<vmem_shared>>) offsets(%dma_start3A_874 : memref<128xi32, #tpu.memory_space<vmem>>) semaphore(%arg16 : memref<!tpu.dma_semaphore, #tpu.memory_space<semaphore_mem>>) {add = true}
      } else {
      }
      %mul3A_773 = arith.constant 2 : i32
      %mul3A_774 = arith.muli %mul3A_773, %scan3A_764 : i32
      %add3A_775 = arith.constant 1 : i32
      %add3A_776 = arith.addi %mul3A_774, %add3A_775 : i32
      %lt3A_777 = arith.cmpi slt, %add3A_776, %add3A_110 : i32
      %convert_element_type3A_778 = arith.extui %lt3A_777 : i1 to i32
      %cond3A_779 = arith.constant 0 : i32
      %cond3A_780 = arith.cmpi ne, %convert_element_type3A_778, %cond3A_779 : i32
      scf.if %cond3A_780 {
        %add3A_781 = arith.addi %add3A_115, %add3A_776 : i32
        %ge3A = arith.constant 2 : i32
        %ge3A_782 = arith.cmpi sge, %add3A_776, %ge3A : i32
        %convert_element_type3A_783 = arith.extui %ge3A_782 : i1 to i32
        %cond3A_784 = arith.constant 0 : i32
        %cond3A_785 = arith.cmpi ne, %convert_element_type3A_783, %cond3A_784 : i32
        scf.if %cond3A_785 {
          %dma_wait3A_877 = arith.constant 0 : i32
          %dma_wait3A_878 = tpu.memref_slice %arg11[%dma_wait3A_877] : memref<3200xf32, #tpu.memory_space<vmem>> -> memref<1024xf32, #tpu.memory_space<vmem>>
          %dma_wait3A_879 = arith.constant 0 : i32
          %dma_wait3A_880 = tpu.memref_slice %arg6[%dma_wait3A_879] : memref<100352xf32, #tpu.memory_space<hbm>> -> memref<1024xf32, #tpu.memory_space<hbm>>
          %dma_wait3A_881 = arith.constant 0 : i32
          %dma_wait3A_882 = tpu.memref_slice %arg11[%dma_wait3A_881] : memref<3200xf32, #tpu.memory_space<vmem>> -> memref<1024xf32, #tpu.memory_space<vmem>>
          %dma_wait3A_883 = arith.constant 0 : i32
          %dma_wait3A_884 = tpu.memref_slice %arg6[%dma_wait3A_883] : memref<100352xf32, #tpu.memory_space<hbm>> -> memref<1024xf32, #tpu.memory_space<hbm>>
          tpu.wait_dma2 semaphore(%arg17 : memref<!tpu.dma_semaphore, #tpu.memory_space<semaphore_mem>>) src(%dma_wait3A_884 : memref<1024xf32, #tpu.memory_space<hbm>>) dst(%dma_wait3A_882 : memref<1024xf32, #tpu.memory_space<vmem>>)
        } else {
        }
        %mul3A_786 = arith.constant 8 : i32
        %mul3A_787 = arith.muli %mul3A_786, %add3A_781 : i32
        %run_scoped3A_788 = arith.constant 1 : i32
        "tpu.region"() ({
          %run_scoped3A_877 = tpu.sem_alloc : memref<!tpu.dma_semaphore, #tpu.memory_space<semaphore_mem>>
          %dma_start3A_878 = arith.constant 0 : i32
          %dma_start3A_879 = arith.constant 0 : i32
          %dma_start3A_880 = tpu.memref_slice %arg8[%run_scoped3A_788, %dma_start3A_878, %dma_start3A_879] : memref<2x8x128xi32, #tpu.memory_space<vmem>> -> memref<1x8x128xi32, #tpu.memory_space<vmem>>
          %dma_start3A_881 = tpu.memref_squeeze %dma_start3A_880 : memref<1x8x128xi32, #tpu.memory_space<vmem>> -> memref<8x128xi32, #tpu.memory_space<vmem>>
          %dma_start3A_882 = arith.constant 0 : i32
          %dma_start3A_883 = arith.constant 0 : i32
          %dma_start3A_884 = tpu.memref_slice %arg3[%arg0, %dma_start3A_882, %dma_start3A_883] : memref<2x12500x128xi32, #tpu.memory_space<hbm>> -> memref<1x12500x128xi32, #tpu.memory_space<hbm>>
          %dma_start3A_885 = tpu.memref_squeeze %dma_start3A_884 : memref<1x12500x128xi32, #tpu.memory_space<hbm>> -> memref<12500x128xi32, #tpu.memory_space<hbm>>
          %dma_start3A_886 = arith.constant 0 : i32
          %dma_start3A_887 = tpu.memref_slice %dma_start3A_885[%mul3A_787, %dma_start3A_886] : memref<12500x128xi32, #tpu.memory_space<hbm>> -> memref<8x128xi32, #tpu.memory_space<hbm>>
          %dma_start3A_888 = arith.constant 0 : i32
          %dma_start3A_889 = arith.constant 0 : i32
          %dma_start3A_890 = tpu.memref_slice %arg8[%run_scoped3A_788, %dma_start3A_888, %dma_start3A_889] : memref<2x8x128xi32, #tpu.memory_space<vmem>> -> memref<1x8x128xi32, #tpu.memory_space<vmem>>
          %dma_start3A_891 = tpu.memref_squeeze %dma_start3A_890 : memref<1x8x128xi32, #tpu.memory_space<vmem>> -> memref<8x128xi32, #tpu.memory_space<vmem>>
          %dma_start3A_892 = arith.constant 0 : i32
          %dma_start3A_893 = arith.constant 0 : i32
          %dma_start3A_894 = tpu.memref_slice %arg3[%arg0, %dma_start3A_892, %dma_start3A_893] : memref<2x12500x128xi32, #tpu.memory_space<hbm>> -> memref<1x12500x128xi32, #tpu.memory_space<hbm>>
          %dma_start3A_895 = tpu.memref_squeeze %dma_start3A_894 : memref<1x12500x128xi32, #tpu.memory_space<hbm>> -> memref<12500x128xi32, #tpu.memory_space<hbm>>
          %dma_start3A_896 = arith.constant 0 : i32
          %dma_start3A_897 = tpu.memref_slice %dma_start3A_895[%mul3A_787, %dma_start3A_896] : memref<12500x128xi32, #tpu.memory_space<hbm>> -> memref<8x128xi32, #tpu.memory_space<hbm>>
          tpu.enqueue_dma source(%dma_start3A_897 : memref<8x128xi32, #tpu.memory_space<hbm>>) target(%dma_start3A_891 : memref<8x128xi32, #tpu.memory_space<vmem>>) target_semaphore(%run_scoped3A_877 : memref<!tpu.dma_semaphore, #tpu.memory_space<semaphore_mem>>)
          %dma_wait3A_898 = arith.constant 0 : i32
          %dma_wait3A_899 = arith.constant 0 : i32
          %dma_wait3A_900 = tpu.memref_slice %arg8[%run_scoped3A_788, %dma_wait3A_898, %dma_wait3A_899] : memref<2x8x128xi32, #tpu.memory_space<vmem>> -> memref<1x8x128xi32, #tpu.memory_space<vmem>>
          %dma_wait3A_901 = tpu.memref_squeeze %dma_wait3A_900 : memref<1x8x128xi32, #tpu.memory_space<vmem>> -> memref<8x128xi32, #tpu.memory_space<vmem>>
          %dma_wait3A_902 = arith.constant 0 : i32
          %dma_wait3A_903 = arith.constant 0 : i32
          %dma_wait3A_904 = tpu.memref_slice %arg3[%arg0, %dma_wait3A_902, %dma_wait3A_903] : memref<2x12500x128xi32, #tpu.memory_space<hbm>> -> memref<1x12500x128xi32, #tpu.memory_space<hbm>>
          %dma_wait3A_905 = tpu.memref_squeeze %dma_wait3A_904 : memref<1x12500x128xi32, #tpu.memory_space<hbm>> -> memref<12500x128xi32, #tpu.memory_space<hbm>>
          %dma_wait3A_906 = arith.constant 0 : i32
          %dma_wait3A_907 = tpu.memref_slice %dma_wait3A_905[%mul3A_787, %dma_wait3A_906] : memref<12500x128xi32, #tpu.memory_space<hbm>> -> memref<8x128xi32, #tpu.memory_space<hbm>>
          %dma_wait3A_908 = arith.constant 0 : i32
          %dma_wait3A_909 = arith.constant 0 : i32
          %dma_wait3A_910 = tpu.memref_slice %arg8[%run_scoped3A_788, %dma_wait3A_908, %dma_wait3A_909] : memref<2x8x128xi32, #tpu.memory_space<vmem>> -> memref<1x8x128xi32, #tpu.memory_space<vmem>>
          %dma_wait3A_911 = tpu.memref_squeeze %dma_wait3A_910 : memref<1x8x128xi32, #tpu.memory_space<vmem>> -> memref<8x128xi32, #tpu.memory_space<vmem>>
          %dma_wait3A_912 = arith.constant 0 : i32
          %dma_wait3A_913 = arith.constant 0 : i32
          %dma_wait3A_914 = tpu.memref_slice %arg3[%arg0, %dma_wait3A_912, %dma_wait3A_913] : memref<2x12500x128xi32, #tpu.memory_space<hbm>> -> memref<1x12500x128xi32, #tpu.memory_space<hbm>>
          %dma_wait3A_915 = tpu.memref_squeeze %dma_wait3A_914 : memref<1x12500x128xi32, #tpu.memory_space<hbm>> -> memref<12500x128xi32, #tpu.memory_space<hbm>>
          %dma_wait3A_916 = arith.constant 0 : i32
          %dma_wait3A_917 = tpu.memref_slice %dma_wait3A_915[%mul3A_787, %dma_wait3A_916] : memref<12500x128xi32, #tpu.memory_space<hbm>> -> memref<8x128xi32, #tpu.memory_space<hbm>>
          tpu.wait_dma2 semaphore(%run_scoped3A_877 : memref<!tpu.dma_semaphore, #tpu.memory_space<semaphore_mem>>) src(%dma_wait3A_917 : memref<8x128xi32, #tpu.memory_space<hbm>>) dst(%dma_wait3A_911 : memref<8x128xi32, #tpu.memory_space<vmem>>)
          tpu.yield
        }) : () -> ()
        %dma_start3A_789 = arith.constant 1 : i32
        %dma_start3A_790 = arith.constant 0 : i32
        %dma_start3A_791 = arith.constant 0 : i32
        %dma_start3A_792 = arith.constant 0 : i32
        %dma_start3A_793 = tpu.memref_slice %arg8[%dma_start3A_789, %dma_start3A_791, %dma_start3A_792] : memref<2x8x128xi32, #tpu.memory_space<vmem>> -> memref<1x8x128xi32, #tpu.memory_space<vmem>>
        %dma_start3A_794 = tpu.memref_squeeze %dma_start3A_793 : memref<1x8x128xi32, #tpu.memory_space<vmem>> -> memref<8x128xi32, #tpu.memory_space<vmem>>
        %dma_start3A_795 = arith.constant 0 : i32
        %dma_start3A_796 = tpu.memref_slice %dma_start3A_794[%dma_start3A_790, %dma_start3A_795] : memref<8x128xi32, #tpu.memory_space<vmem>> -> memref<1x128xi32, #tpu.memory_space<vmem>>
        %dma_start3A_797 = tpu.memref_squeeze %dma_start3A_796 : memref<1x128xi32, #tpu.memory_space<vmem>> -> memref<128xi32, #tpu.memory_space<vmem>>
        %dma_start3A_798 = arith.constant 0 : i32
        %dma_start3A_799 = tpu.memref_slice %arg13[%dma_start3A_798] : memref<50304xf32, #tpu.memory_space<vmem_shared>> -> memref<50304xf32, #tpu.memory_space<vmem_shared>>
        tpu.enqueue_indirect_dma source(%arg10 : memref<128xf32, #tpu.memory_space<vmem>>) target(%dma_start3A_799 : memref<50304xf32, #tpu.memory_space<vmem_shared>>) offsets(%dma_start3A_797 : memref<128xi32, #tpu.memory_space<vmem>>) semaphore(%arg17 : memref<!tpu.dma_semaphore, #tpu.memory_space<semaphore_mem>>) {add = true}
        %dma_start3A_800 = arith.constant 1 : i32
        %dma_start3A_801 = arith.constant 1 : i32
        %dma_start3A_802 = arith.constant 0 : i32
        %dma_start3A_803 = arith.constant 0 : i32
        %dma_start3A_804 = tpu.memref_slice %arg8[%dma_start3A_800, %dma_start3A_802, %dma_start3A_803] : memref<2x8x128xi32, #tpu.memory_space<vmem>> -> memref<1x8x128xi32, #tpu.memory_space<vmem>>
        %dma_start3A_805 = tpu.memref_squeeze %dma_start3A_804 : memref<1x8x128xi32, #tpu.memory_space<vmem>> -> memref<8x128xi32, #tpu.memory_space<vmem>>
        %dma_start3A_806 = arith.constant 0 : i32
        %dma_start3A_807 = tpu.memref_slice %dma_start3A_805[%dma_start3A_801, %dma_start3A_806] : memref<8x128xi32, #tpu.memory_space<vmem>> -> memref<1x128xi32, #tpu.memory_space<vmem>>
        %dma_start3A_808 = tpu.memref_squeeze %dma_start3A_807 : memref<1x128xi32, #tpu.memory_space<vmem>> -> memref<128xi32, #tpu.memory_space<vmem>>
        %dma_start3A_809 = arith.constant 0 : i32
        %dma_start3A_810 = tpu.memref_slice %arg13[%dma_start3A_809] : memref<50304xf32, #tpu.memory_space<vmem_shared>> -> memref<50304xf32, #tpu.memory_space<vmem_shared>>
        tpu.enqueue_indirect_dma source(%arg10 : memref<128xf32, #tpu.memory_space<vmem>>) target(%dma_start3A_810 : memref<50304xf32, #tpu.memory_space<vmem_shared>>) offsets(%dma_start3A_808 : memref<128xi32, #tpu.memory_space<vmem>>) semaphore(%arg17 : memref<!tpu.dma_semaphore, #tpu.memory_space<semaphore_mem>>) {add = true}
        %dma_start3A_811 = arith.constant 1 : i32
        %dma_start3A_812 = arith.constant 2 : i32
        %dma_start3A_813 = arith.constant 0 : i32
        %dma_start3A_814 = arith.constant 0 : i32
        %dma_start3A_815 = tpu.memref_slice %arg8[%dma_start3A_811, %dma_start3A_813, %dma_start3A_814] : memref<2x8x128xi32, #tpu.memory_space<vmem>> -> memref<1x8x128xi32, #tpu.memory_space<vmem>>
        %dma_start3A_816 = tpu.memref_squeeze %dma_start3A_815 : memref<1x8x128xi32, #tpu.memory_space<vmem>> -> memref<8x128xi32, #tpu.memory_space<vmem>>
        %dma_start3A_817 = arith.constant 0 : i32
        %dma_start3A_818 = tpu.memref_slice %dma_start3A_816[%dma_start3A_812, %dma_start3A_817] : memref<8x128xi32, #tpu.memory_space<vmem>> -> memref<1x128xi32, #tpu.memory_space<vmem>>
        %dma_start3A_819 = tpu.memref_squeeze %dma_start3A_818 : memref<1x128xi32, #tpu.memory_space<vmem>> -> memref<128xi32, #tpu.memory_space<vmem>>
        %dma_start3A_820 = arith.constant 0 : i32
        %dma_start3A_821 = tpu.memref_slice %arg13[%dma_start3A_820] : memref<50304xf32, #tpu.memory_space<vmem_shared>> -> memref<50304xf32, #tpu.memory_space<vmem_shared>>
        tpu.enqueue_indirect_dma source(%arg10 : memref<128xf32, #tpu.memory_space<vmem>>) target(%dma_start3A_821 : memref<50304xf32, #tpu.memory_space<vmem_shared>>) offsets(%dma_start3A_819 : memref<128xi32, #tpu.memory_space<vmem>>) semaphore(%arg17 : memref<!tpu.dma_semaphore, #tpu.memory_space<semaphore_mem>>) {add = true}
        %dma_start3A_822 = arith.constant 1 : i32
        %dma_start3A_823 = arith.constant 3 : i32
        %dma_start3A_824 = arith.constant 0 : i32
        %dma_start3A_825 = arith.constant 0 : i32
        %dma_start3A_826 = tpu.memref_slice %arg8[%dma_start3A_822, %dma_start3A_824, %dma_start3A_825] : memref<2x8x128xi32, #tpu.memory_space<vmem>> -> memref<1x8x128xi32, #tpu.memory_space<vmem>>
        %dma_start3A_827 = tpu.memref_squeeze %dma_start3A_826 : memref<1x8x128xi32, #tpu.memory_space<vmem>> -> memref<8x128xi32, #tpu.memory_space<vmem>>
        %dma_start3A_828 = arith.constant 0 : i32
        %dma_start3A_829 = tpu.memref_slice %dma_start3A_827[%dma_start3A_823, %dma_start3A_828] : memref<8x128xi32, #tpu.memory_space<vmem>> -> memref<1x128xi32, #tpu.memory_space<vmem>>
        %dma_start3A_830 = tpu.memref_squeeze %dma_start3A_829 : memref<1x128xi32, #tpu.memory_space<vmem>> -> memref<128xi32, #tpu.memory_space<vmem>>
        %dma_start3A_831 = arith.constant 0 : i32
        %dma_start3A_832 = tpu.memref_slice %arg13[%dma_start3A_831] : memref<50304xf32, #tpu.memory_space<vmem_shared>> -> memref<50304xf32, #tpu.memory_space<vmem_shared>>
        tpu.enqueue_indirect_dma source(%arg10 : memref<128xf32, #tpu.memory_space<vmem>>) target(%dma_start3A_832 : memref<50304xf32, #tpu.memory_space<vmem_shared>>) offsets(%dma_start3A_830 : memref<128xi32, #tpu.memory_space<vmem>>) semaphore(%arg17 : memref<!tpu.dma_semaphore, #tpu.memory_space<semaphore_mem>>) {add = true}
        %dma_start3A_833 = arith.constant 1 : i32
        %dma_start3A_834 = arith.constant 4 : i32
        %dma_start3A_835 = arith.constant 0 : i32
        %dma_start3A_836 = arith.constant 0 : i32
        %dma_start3A_837 = tpu.memref_slice %arg8[%dma_start3A_833, %dma_start3A_835, %dma_start3A_836] : memref<2x8x128xi32, #tpu.memory_space<vmem>> -> memref<1x8x128xi32, #tpu.memory_space<vmem>>
        %dma_start3A_838 = tpu.memref_squeeze %dma_start3A_837 : memref<1x8x128xi32, #tpu.memory_space<vmem>> -> memref<8x128xi32, #tpu.memory_space<vmem>>
        %dma_start3A_839 = arith.constant 0 : i32
        %dma_start3A_840 = tpu.memref_slice %dma_start3A_838[%dma_start3A_834, %dma_start3A_839] : memref<8x128xi32, #tpu.memory_space<vmem>> -> memref<1x128xi32, #tpu.memory_space<vmem>>
        %dma_start3A_841 = tpu.memref_squeeze %dma_start3A_840 : memref<1x128xi32, #tpu.memory_space<vmem>> -> memref<128xi32, #tpu.memory_space<vmem>>
        %dma_start3A_842 = arith.constant 0 : i32
        %dma_start3A_843 = tpu.memref_slice %arg13[%dma_start3A_842] : memref<50304xf32, #tpu.memory_space<vmem_shared>> -> memref<50304xf32, #tpu.memory_space<vmem_shared>>
        tpu.enqueue_indirect_dma source(%arg10 : memref<128xf32, #tpu.memory_space<vmem>>) target(%dma_start3A_843 : memref<50304xf32, #tpu.memory_space<vmem_shared>>) offsets(%dma_start3A_841 : memref<128xi32, #tpu.memory_space<vmem>>) semaphore(%arg17 : memref<!tpu.dma_semaphore, #tpu.memory_space<semaphore_mem>>) {add = true}
        %dma_start3A_844 = arith.constant 1 : i32
        %dma_start3A_845 = arith.constant 5 : i32
        %dma_start3A_846 = arith.constant 0 : i32
        %dma_start3A_847 = arith.constant 0 : i32
        %dma_start3A_848 = tpu.memref_slice %arg8[%dma_start3A_844, %dma_start3A_846, %dma_start3A_847] : memref<2x8x128xi32, #tpu.memory_space<vmem>> -> memref<1x8x128xi32, #tpu.memory_space<vmem>>
        %dma_start3A_849 = tpu.memref_squeeze %dma_start3A_848 : memref<1x8x128xi32, #tpu.memory_space<vmem>> -> memref<8x128xi32, #tpu.memory_space<vmem>>
        %dma_start3A_850 = arith.constant 0 : i32
        %dma_start3A_851 = tpu.memref_slice %dma_start3A_849[%dma_start3A_845, %dma_start3A_850] : memref<8x128xi32, #tpu.memory_space<vmem>> -> memref<1x128xi32, #tpu.memory_space<vmem>>
        %dma_start3A_852 = tpu.memref_squeeze %dma_start3A_851 : memref<1x128xi32, #tpu.memory_space<vmem>> -> memref<128xi32, #tpu.memory_space<vmem>>
        %dma_start3A_853 = arith.constant 0 : i32
        %dma_start3A_854 = tpu.memref_slice %arg13[%dma_start3A_853] : memref<50304xf32, #tpu.memory_space<vmem_shared>> -> memref<50304xf32, #tpu.memory_space<vmem_shared>>
        tpu.enqueue_indirect_dma source(%arg10 : memref<128xf32, #tpu.memory_space<vmem>>) target(%dma_start3A_854 : memref<50304xf32, #tpu.memory_space<vmem_shared>>) offsets(%dma_start3A_852 : memref<128xi32, #tpu.memory_space<vmem>>) semaphore(%arg17 : memref<!tpu.dma_semaphore, #tpu.memory_space<semaphore_mem>>) {add = true}
        %dma_start3A_855 = arith.constant 1 : i32
        %dma_start3A_856 = arith.constant 6 : i32
        %dma_start3A_857 = arith.constant 0 : i32
        %dma_start3A_858 = arith.constant 0 : i32
        %dma_start3A_859 = tpu.memref_slice %arg8[%dma_start3A_855, %dma_start3A_857, %dma_start3A_858] : memref<2x8x128xi32, #tpu.memory_space<vmem>> -> memref<1x8x128xi32, #tpu.memory_space<vmem>>
        %dma_start3A_860 = tpu.memref_squeeze %dma_start3A_859 : memref<1x8x128xi32, #tpu.memory_space<vmem>> -> memref<8x128xi32, #tpu.memory_space<vmem>>
        %dma_start3A_861 = arith.constant 0 : i32
        %dma_start3A_862 = tpu.memref_slice %dma_start3A_860[%dma_start3A_856, %dma_start3A_861] : memref<8x128xi32, #tpu.memory_space<vmem>> -> memref<1x128xi32, #tpu.memory_space<vmem>>
        %dma_start3A_863 = tpu.memref_squeeze %dma_start3A_862 : memref<1x128xi32, #tpu.memory_space<vmem>> -> memref<128xi32, #tpu.memory_space<vmem>>
        %dma_start3A_864 = arith.constant 0 : i32
        %dma_start3A_865 = tpu.memref_slice %arg13[%dma_start3A_864] : memref<50304xf32, #tpu.memory_space<vmem_shared>> -> memref<50304xf32, #tpu.memory_space<vmem_shared>>
        tpu.enqueue_indirect_dma source(%arg10 : memref<128xf32, #tpu.memory_space<vmem>>) target(%dma_start3A_865 : memref<50304xf32, #tpu.memory_space<vmem_shared>>) offsets(%dma_start3A_863 : memref<128xi32, #tpu.memory_space<vmem>>) semaphore(%arg17 : memref<!tpu.dma_semaphore, #tpu.memory_space<semaphore_mem>>) {add = true}
        %dma_start3A_866 = arith.constant 1 : i32
        %dma_start3A_867 = arith.constant 7 : i32
        %dma_start3A_868 = arith.constant 0 : i32
        %dma_start3A_869 = arith.constant 0 : i32
        %dma_start3A_870 = tpu.memref_slice %arg8[%dma_start3A_866, %dma_start3A_868, %dma_start3A_869] : memref<2x8x128xi32, #tpu.memory_space<vmem>> -> memref<1x8x128xi32, #tpu.memory_space<vmem>>
        %dma_start3A_871 = tpu.memref_squeeze %dma_start3A_870 : memref<1x8x128xi32, #tpu.memory_space<vmem>> -> memref<8x128xi32, #tpu.memory_space<vmem>>
        %dma_start3A_872 = arith.constant 0 : i32
        %dma_start3A_873 = tpu.memref_slice %dma_start3A_871[%dma_start3A_867, %dma_start3A_872] : memref<8x128xi32, #tpu.memory_space<vmem>> -> memref<1x128xi32, #tpu.memory_space<vmem>>
        %dma_start3A_874 = tpu.memref_squeeze %dma_start3A_873 : memref<1x128xi32, #tpu.memory_space<vmem>> -> memref<128xi32, #tpu.memory_space<vmem>>
        %dma_start3A_875 = arith.constant 0 : i32
        %dma_start3A_876 = tpu.memref_slice %arg13[%dma_start3A_875] : memref<50304xf32, #tpu.memory_space<vmem_shared>> -> memref<50304xf32, #tpu.memory_space<vmem_shared>>
        tpu.enqueue_indirect_dma source(%arg10 : memref<128xf32, #tpu.memory_space<vmem>>) target(%dma_start3A_876 : memref<50304xf32, #tpu.memory_space<vmem_shared>>) offsets(%dma_start3A_874 : memref<128xi32, #tpu.memory_space<vmem>>) semaphore(%arg17 : memref<!tpu.dma_semaphore, #tpu.memory_space<semaphore_mem>>) {add = true}
      } else {
      }
    }
    %scan3A_120 = arith.constant 49 : i32
    %dma_wait3A_121 = arith.constant 0 : i32
    %dma_wait3A_122 = tpu.memref_slice %arg11[%dma_wait3A_121] : memref<3200xf32, #tpu.memory_space<vmem>> -> memref<1024xf32, #tpu.memory_space<vmem>>
    %dma_wait3A_123 = arith.constant 0 : i32
    %dma_wait3A_124 = tpu.memref_slice %arg6[%dma_wait3A_123] : memref<100352xf32, #tpu.memory_space<hbm>> -> memref<1024xf32, #tpu.memory_space<hbm>>
    %dma_wait3A_125 = arith.constant 0 : i32
    %dma_wait3A_126 = tpu.memref_slice %arg11[%dma_wait3A_125] : memref<3200xf32, #tpu.memory_space<vmem>> -> memref<1024xf32, #tpu.memory_space<vmem>>
    %dma_wait3A_127 = arith.constant 0 : i32
    %dma_wait3A_128 = tpu.memref_slice %arg6[%dma_wait3A_127] : memref<100352xf32, #tpu.memory_space<hbm>> -> memref<1024xf32, #tpu.memory_space<hbm>>
    tpu.wait_dma2 semaphore(%arg16 : memref<!tpu.dma_semaphore, #tpu.memory_space<semaphore_mem>>) src(%dma_wait3A_128 : memref<1024xf32, #tpu.memory_space<hbm>>) dst(%dma_wait3A_126 : memref<1024xf32, #tpu.memory_space<vmem>>)
    %dma_wait3A_129 = arith.constant 0 : i32
    %dma_wait3A_130 = tpu.memref_slice %arg11[%dma_wait3A_129] : memref<3200xf32, #tpu.memory_space<vmem>> -> memref<1024xf32, #tpu.memory_space<vmem>>
    %dma_wait3A_131 = arith.constant 0 : i32
    %dma_wait3A_132 = tpu.memref_slice %arg6[%dma_wait3A_131] : memref<100352xf32, #tpu.memory_space<hbm>> -> memref<1024xf32, #tpu.memory_space<hbm>>
    %dma_wait3A_133 = arith.constant 0 : i32
    %dma_wait3A_134 = tpu.memref_slice %arg11[%dma_wait3A_133] : memref<3200xf32, #tpu.memory_space<vmem>> -> memref<1024xf32, #tpu.memory_space<vmem>>
    %dma_wait3A_135 = arith.constant 0 : i32
    %dma_wait3A_136 = tpu.memref_slice %arg6[%dma_wait3A_135] : memref<100352xf32, #tpu.memory_space<hbm>> -> memref<1024xf32, #tpu.memory_space<hbm>>
    tpu.wait_dma2 semaphore(%arg17 : memref<!tpu.dma_semaphore, #tpu.memory_space<semaphore_mem>>) src(%dma_wait3A_136 : memref<1024xf32, #tpu.memory_space<hbm>>) dst(%dma_wait3A_134 : memref<1024xf32, #tpu.memory_space<vmem>>)
    %eq3A_137 = arith.constant 15 : i32
    %eq3A_138 = arith.cmpi eq, %arg1, %eq3A_137 : i32
    %convert_element_type3A_139 = arith.extui %eq3A_138 : i1 to i32
    %cond3A_140 = arith.constant 0 : i32
    %cond3A_141 = arith.cmpi ne, %convert_element_type3A_139, %cond3A_140 : i32
    scf.if %cond3A_141 {
      %run_scoped3A_764 = arith.constant 0 : i32
      "tpu.region"() ({
        %run_scoped3A_817 = tpu.sem_alloc : memref<!tpu.dma_semaphore, #tpu.memory_space<semaphore_mem>>
        %dma_start3A_818 = arith.constant 0 : i32
        %dma_start3A_819 = arith.constant 0 : i32
        %dma_start3A_820 = tpu.memref_slice %arg8[%run_scoped3A_764, %dma_start3A_818, %dma_start3A_819] : memref<2x8x128xi32, #tpu.memory_space<vmem>> -> memref<1x8x128xi32, #tpu.memory_space<vmem>>
        %dma_start3A_821 = tpu.memref_squeeze %dma_start3A_820 : memref<1x8x128xi32, #tpu.memory_space<vmem>> -> memref<8x128xi32, #tpu.memory_space<vmem>>
        %dma_start3A_822 = arith.constant 0 : i32
        %dma_start3A_823 = arith.constant 0 : i32
        %dma_start3A_824 = tpu.memref_slice %dma_start3A_821[%dma_start3A_822, %dma_start3A_823] : memref<8x128xi32, #tpu.memory_space<vmem>> -> memref<4x128xi32, #tpu.memory_space<vmem>>
        %dma_start3A_825 = arith.constant 0 : i32
        %dma_start3A_826 = arith.constant 0 : i32
        %dma_start3A_827 = tpu.memref_slice %arg3[%arg0, %dma_start3A_825, %dma_start3A_826] : memref<2x12500x128xi32, #tpu.memory_space<hbm>> -> memref<1x12500x128xi32, #tpu.memory_space<hbm>>
        %dma_start3A_828 = tpu.memref_squeeze %dma_start3A_827 : memref<1x12500x128xi32, #tpu.memory_space<hbm>> -> memref<12500x128xi32, #tpu.memory_space<hbm>>
        %dma_start3A_829 = arith.constant 12496 : i32
        %dma_start3A_830 = arith.constant 0 : i32
        %dma_start3A_831 = tpu.memref_slice %dma_start3A_828[%dma_start3A_829, %dma_start3A_830] : memref<12500x128xi32, #tpu.memory_space<hbm>> -> memref<4x128xi32, #tpu.memory_space<hbm>>
        %dma_start3A_832 = arith.constant 0 : i32
        %dma_start3A_833 = arith.constant 0 : i32
        %dma_start3A_834 = tpu.memref_slice %arg8[%run_scoped3A_764, %dma_start3A_832, %dma_start3A_833] : memref<2x8x128xi32, #tpu.memory_space<vmem>> -> memref<1x8x128xi32, #tpu.memory_space<vmem>>
        %dma_start3A_835 = tpu.memref_squeeze %dma_start3A_834 : memref<1x8x128xi32, #tpu.memory_space<vmem>> -> memref<8x128xi32, #tpu.memory_space<vmem>>
        %dma_start3A_836 = arith.constant 0 : i32
        %dma_start3A_837 = arith.constant 0 : i32
        %dma_start3A_838 = tpu.memref_slice %dma_start3A_835[%dma_start3A_836, %dma_start3A_837] : memref<8x128xi32, #tpu.memory_space<vmem>> -> memref<4x128xi32, #tpu.memory_space<vmem>>
        %dma_start3A_839 = arith.constant 0 : i32
        %dma_start3A_840 = arith.constant 0 : i32
        %dma_start3A_841 = tpu.memref_slice %arg3[%arg0, %dma_start3A_839, %dma_start3A_840] : memref<2x12500x128xi32, #tpu.memory_space<hbm>> -> memref<1x12500x128xi32, #tpu.memory_space<hbm>>
        %dma_start3A_842 = tpu.memref_squeeze %dma_start3A_841 : memref<1x12500x128xi32, #tpu.memory_space<hbm>> -> memref<12500x128xi32, #tpu.memory_space<hbm>>
        %dma_start3A_843 = arith.constant 12496 : i32
        %dma_start3A_844 = arith.constant 0 : i32
        %dma_start3A_845 = tpu.memref_slice %dma_start3A_842[%dma_start3A_843, %dma_start3A_844] : memref<12500x128xi32, #tpu.memory_space<hbm>> -> memref<4x128xi32, #tpu.memory_space<hbm>>
        tpu.enqueue_dma source(%dma_start3A_845 : memref<4x128xi32, #tpu.memory_space<hbm>>) target(%dma_start3A_838 : memref<4x128xi32, #tpu.memory_space<vmem>>) target_semaphore(%run_scoped3A_817 : memref<!tpu.dma_semaphore, #tpu.memory_space<semaphore_mem>>)
        %dma_wait3A_846 = arith.constant 0 : i32
        %dma_wait3A_847 = arith.constant 0 : i32
        %dma_wait3A_848 = tpu.memref_slice %arg8[%run_scoped3A_764, %dma_wait3A_846, %dma_wait3A_847] : memref<2x8x128xi32, #tpu.memory_space<vmem>> -> memref<1x8x128xi32, #tpu.memory_space<vmem>>
        %dma_wait3A_849 = tpu.memref_squeeze %dma_wait3A_848 : memref<1x8x128xi32, #tpu.memory_space<vmem>> -> memref<8x128xi32, #tpu.memory_space<vmem>>
        %dma_wait3A_850 = arith.constant 0 : i32
        %dma_wait3A_851 = arith.constant 0 : i32
        %dma_wait3A_852 = tpu.memref_slice %dma_wait3A_849[%dma_wait3A_850, %dma_wait3A_851] : memref<8x128xi32, #tpu.memory_space<vmem>> -> memref<4x128xi32, #tpu.memory_space<vmem>>
        %dma_wait3A_853 = arith.constant 0 : i32
        %dma_wait3A_854 = arith.constant 0 : i32
        %dma_wait3A_855 = tpu.memref_slice %arg3[%arg0, %dma_wait3A_853, %dma_wait3A_854] : memref<2x12500x128xi32, #tpu.memory_space<hbm>> -> memref<1x12500x128xi32, #tpu.memory_space<hbm>>
        %dma_wait3A_856 = tpu.memref_squeeze %dma_wait3A_855 : memref<1x12500x128xi32, #tpu.memory_space<hbm>> -> memref<12500x128xi32, #tpu.memory_space<hbm>>
        %dma_wait3A_857 = arith.constant 12496 : i32
        %dma_wait3A_858 = arith.constant 0 : i32
        %dma_wait3A_859 = tpu.memref_slice %dma_wait3A_856[%dma_wait3A_857, %dma_wait3A_858] : memref<12500x128xi32, #tpu.memory_space<hbm>> -> memref<4x128xi32, #tpu.memory_space<hbm>>
        %dma_wait3A_860 = arith.constant 0 : i32
        %dma_wait3A_861 = arith.constant 0 : i32
        %dma_wait3A_862 = tpu.memref_slice %arg8[%run_scoped3A_764, %dma_wait3A_860, %dma_wait3A_861] : memref<2x8x128xi32, #tpu.memory_space<vmem>> -> memref<1x8x128xi32, #tpu.memory_space<vmem>>
        %dma_wait3A_863 = tpu.memref_squeeze %dma_wait3A_862 : memref<1x8x128xi32, #tpu.memory_space<vmem>> -> memref<8x128xi32, #tpu.memory_space<vmem>>
        %dma_wait3A_864 = arith.constant 0 : i32
        %dma_wait3A_865 = arith.constant 0 : i32
        %dma_wait3A_866 = tpu.memref_slice %dma_wait3A_863[%dma_wait3A_864, %dma_wait3A_865] : memref<8x128xi32, #tpu.memory_space<vmem>> -> memref<4x128xi32, #tpu.memory_space<vmem>>
        %dma_wait3A_867 = arith.constant 0 : i32
        %dma_wait3A_868 = arith.constant 0 : i32
        %dma_wait3A_869 = tpu.memref_slice %arg3[%arg0, %dma_wait3A_867, %dma_wait3A_868] : memref<2x12500x128xi32, #tpu.memory_space<hbm>> -> memref<1x12500x128xi32, #tpu.memory_space<hbm>>
        %dma_wait3A_870 = tpu.memref_squeeze %dma_wait3A_869 : memref<1x12500x128xi32, #tpu.memory_space<hbm>> -> memref<12500x128xi32, #tpu.memory_space<hbm>>
        %dma_wait3A_871 = arith.constant 12496 : i32
        %dma_wait3A_872 = arith.constant 0 : i32
        %dma_wait3A_873 = tpu.memref_slice %dma_wait3A_870[%dma_wait3A_871, %dma_wait3A_872] : memref<12500x128xi32, #tpu.memory_space<hbm>> -> memref<4x128xi32, #tpu.memory_space<hbm>>
        tpu.wait_dma2 semaphore(%run_scoped3A_817 : memref<!tpu.dma_semaphore, #tpu.memory_space<semaphore_mem>>) src(%dma_wait3A_873 : memref<4x128xi32, #tpu.memory_space<hbm>>) dst(%dma_wait3A_866 : memref<4x128xi32, #tpu.memory_space<vmem>>)
        tpu.yield
      }) : () -> ()
      %dma_start3A_765 = arith.constant 0 : i32
      %dma_start3A_766 = arith.constant 0 : i32
      %dma_start3A_767 = arith.constant 0 : i32
      %dma_start3A_768 = arith.constant 0 : i32
      %dma_start3A_769 = tpu.memref_slice %arg8[%dma_start3A_765, %dma_start3A_767, %dma_start3A_768] : memref<2x8x128xi32, #tpu.memory_space<vmem>> -> memref<1x8x128xi32, #tpu.memory_space<vmem>>
      %dma_start3A_770 = tpu.memref_squeeze %dma_start3A_769 : memref<1x8x128xi32, #tpu.memory_space<vmem>> -> memref<8x128xi32, #tpu.memory_space<vmem>>
      %dma_start3A_771 = arith.constant 0 : i32
      %dma_start3A_772 = tpu.memref_slice %dma_start3A_770[%dma_start3A_766, %dma_start3A_771] : memref<8x128xi32, #tpu.memory_space<vmem>> -> memref<1x128xi32, #tpu.memory_space<vmem>>
      %dma_start3A_773 = tpu.memref_squeeze %dma_start3A_772 : memref<1x128xi32, #tpu.memory_space<vmem>> -> memref<128xi32, #tpu.memory_space<vmem>>
      %dma_start3A_774 = arith.constant 0 : i32
      %dma_start3A_775 = tpu.memref_slice %arg13[%dma_start3A_774] : memref<50304xf32, #tpu.memory_space<vmem_shared>> -> memref<50304xf32, #tpu.memory_space<vmem_shared>>
      tpu.enqueue_indirect_dma source(%arg10 : memref<128xf32, #tpu.memory_space<vmem>>) target(%dma_start3A_775 : memref<50304xf32, #tpu.memory_space<vmem_shared>>) offsets(%dma_start3A_773 : memref<128xi32, #tpu.memory_space<vmem>>) semaphore(%arg16 : memref<!tpu.dma_semaphore, #tpu.memory_space<semaphore_mem>>) {add = true}
      %dma_start3A_776 = arith.constant 0 : i32
      %dma_start3A_777 = arith.constant 1 : i32
      %dma_start3A_778 = arith.constant 0 : i32
      %dma_start3A_779 = arith.constant 0 : i32
      %dma_start3A_780 = tpu.memref_slice %arg8[%dma_start3A_776, %dma_start3A_778, %dma_start3A_779] : memref<2x8x128xi32, #tpu.memory_space<vmem>> -> memref<1x8x128xi32, #tpu.memory_space<vmem>>
      %dma_start3A_781 = tpu.memref_squeeze %dma_start3A_780 : memref<1x8x128xi32, #tpu.memory_space<vmem>> -> memref<8x128xi32, #tpu.memory_space<vmem>>
      %dma_start3A_782 = arith.constant 0 : i32
      %dma_start3A_783 = tpu.memref_slice %dma_start3A_781[%dma_start3A_777, %dma_start3A_782] : memref<8x128xi32, #tpu.memory_space<vmem>> -> memref<1x128xi32, #tpu.memory_space<vmem>>
      %dma_start3A_784 = tpu.memref_squeeze %dma_start3A_783 : memref<1x128xi32, #tpu.memory_space<vmem>> -> memref<128xi32, #tpu.memory_space<vmem>>
      %dma_start3A_785 = arith.constant 0 : i32
      %dma_start3A_786 = tpu.memref_slice %arg13[%dma_start3A_785] : memref<50304xf32, #tpu.memory_space<vmem_shared>> -> memref<50304xf32, #tpu.memory_space<vmem_shared>>
      tpu.enqueue_indirect_dma source(%arg10 : memref<128xf32, #tpu.memory_space<vmem>>) target(%dma_start3A_786 : memref<50304xf32, #tpu.memory_space<vmem_shared>>) offsets(%dma_start3A_784 : memref<128xi32, #tpu.memory_space<vmem>>) semaphore(%arg16 : memref<!tpu.dma_semaphore, #tpu.memory_space<semaphore_mem>>) {add = true}
      %dma_start3A_787 = arith.constant 0 : i32
      %dma_start3A_788 = arith.constant 2 : i32
      %dma_start3A_789 = arith.constant 0 : i32
      %dma_start3A_790 = arith.constant 0 : i32
      %dma_start3A_791 = tpu.memref_slice %arg8[%dma_start3A_787, %dma_start3A_789, %dma_start3A_790] : memref<2x8x128xi32, #tpu.memory_space<vmem>> -> memref<1x8x128xi32, #tpu.memory_space<vmem>>
      %dma_start3A_792 = tpu.memref_squeeze %dma_start3A_791 : memref<1x8x128xi32, #tpu.memory_space<vmem>> -> memref<8x128xi32, #tpu.memory_space<vmem>>
      %dma_start3A_793 = arith.constant 0 : i32
      %dma_start3A_794 = tpu.memref_slice %dma_start3A_792[%dma_start3A_788, %dma_start3A_793] : memref<8x128xi32, #tpu.memory_space<vmem>> -> memref<1x128xi32, #tpu.memory_space<vmem>>
      %dma_start3A_795 = tpu.memref_squeeze %dma_start3A_794 : memref<1x128xi32, #tpu.memory_space<vmem>> -> memref<128xi32, #tpu.memory_space<vmem>>
      %dma_start3A_796 = arith.constant 0 : i32
      %dma_start3A_797 = tpu.memref_slice %arg13[%dma_start3A_796] : memref<50304xf32, #tpu.memory_space<vmem_shared>> -> memref<50304xf32, #tpu.memory_space<vmem_shared>>
      tpu.enqueue_indirect_dma source(%arg10 : memref<128xf32, #tpu.memory_space<vmem>>) target(%dma_start3A_797 : memref<50304xf32, #tpu.memory_space<vmem_shared>>) offsets(%dma_start3A_795 : memref<128xi32, #tpu.memory_space<vmem>>) semaphore(%arg16 : memref<!tpu.dma_semaphore, #tpu.memory_space<semaphore_mem>>) {add = true}
      %dma_start3A_798 = arith.constant 0 : i32
      %dma_start3A_799 = arith.constant 3 : i32
      %dma_start3A_800 = arith.constant 0 : i32
      %dma_start3A_801 = arith.constant 0 : i32
      %dma_start3A_802 = tpu.memref_slice %arg8[%dma_start3A_798, %dma_start3A_800, %dma_start3A_801] : memref<2x8x128xi32, #tpu.memory_space<vmem>> -> memref<1x8x128xi32, #tpu.memory_space<vmem>>
      %dma_start3A_803 = tpu.memref_squeeze %dma_start3A_802 : memref<1x8x128xi32, #tpu.memory_space<vmem>> -> memref<8x128xi32, #tpu.memory_space<vmem>>
      %dma_start3A_804 = arith.constant 0 : i32
      %dma_start3A_805 = tpu.memref_slice %dma_start3A_803[%dma_start3A_799, %dma_start3A_804] : memref<8x128xi32, #tpu.memory_space<vmem>> -> memref<1x128xi32, #tpu.memory_space<vmem>>
      %dma_start3A_806 = tpu.memref_squeeze %dma_start3A_805 : memref<1x128xi32, #tpu.memory_space<vmem>> -> memref<128xi32, #tpu.memory_space<vmem>>
      %dma_start3A_807 = arith.constant 0 : i32
      %dma_start3A_808 = tpu.memref_slice %arg13[%dma_start3A_807] : memref<50304xf32, #tpu.memory_space<vmem_shared>> -> memref<50304xf32, #tpu.memory_space<vmem_shared>>
      tpu.enqueue_indirect_dma source(%arg10 : memref<128xf32, #tpu.memory_space<vmem>>) target(%dma_start3A_808 : memref<50304xf32, #tpu.memory_space<vmem_shared>>) offsets(%dma_start3A_806 : memref<128xi32, #tpu.memory_space<vmem>>) semaphore(%arg16 : memref<!tpu.dma_semaphore, #tpu.memory_space<semaphore_mem>>) {add = true}
      %dma_wait3A_809 = arith.constant 0 : i32
      %dma_wait3A_810 = tpu.memref_slice %arg11[%dma_wait3A_809] : memref<3200xf32, #tpu.memory_space<vmem>> -> memref<512xf32, #tpu.memory_space<vmem>>
      %dma_wait3A_811 = arith.constant 0 : i32
      %dma_wait3A_812 = tpu.memref_slice %arg6[%dma_wait3A_811] : memref<100352xf32, #tpu.memory_space<hbm>> -> memref<512xf32, #tpu.memory_space<hbm>>
      %dma_wait3A_813 = arith.constant 0 : i32
      %dma_wait3A_814 = tpu.memref_slice %arg11[%dma_wait3A_813] : memref<3200xf32, #tpu.memory_space<vmem>> -> memref<512xf32, #tpu.memory_space<vmem>>
      %dma_wait3A_815 = arith.constant 0 : i32
      %dma_wait3A_816 = tpu.memref_slice %arg6[%dma_wait3A_815] : memref<100352xf32, #tpu.memory_space<hbm>> -> memref<512xf32, #tpu.memory_space<hbm>>
      tpu.wait_dma2 semaphore(%arg16 : memref<!tpu.dma_semaphore, #tpu.memory_space<semaphore_mem>>) src(%dma_wait3A_816 : memref<512xf32, #tpu.memory_space<hbm>>) dst(%dma_wait3A_814 : memref<512xf32, #tpu.memory_space<vmem>>)
    } else {
    }
    %barrier3A_142 = arith.constant 0 : index
    tpu.barrier barrier_id(%barrier3A_142)
    %add3A_143 = arith.constant 0 : i32
    %add3A_144 = arith.addi %mul3A_2, %add3A_143 : i32
    %run_scoped3A_145 = arith.constant 0 : i32
    "tpu.region"() ({
      %run_scoped3A_764 = tpu.sem_alloc : memref<!tpu.dma_semaphore, #tpu.memory_space<semaphore_mem>>
      %dma_start3A_765 = arith.constant 0 : i32
      %dma_start3A_766 = arith.constant 0 : i32
      %dma_start3A_767 = tpu.memref_slice %arg9[%run_scoped3A_145, %dma_start3A_765, %dma_start3A_766] : memref<2x512x16xf32, #tpu.memory_space<vmem>> -> memref<1x512x16xf32, #tpu.memory_space<vmem>>
      %dma_start3A_768 = tpu.memref_squeeze %dma_start3A_767 : memref<1x512x16xf32, #tpu.memory_space<vmem>> -> memref<512x16xf32, #tpu.memory_space<vmem>>
      %dma_start3A_769 = arith.constant 0 : i32
      %dma_start3A_770 = arith.constant 0 : i32
      %dma_start3A_771 = tpu.memref_slice %dma_start3A_768[%dma_start3A_769, %dma_start3A_770] : memref<512x16xf32, #tpu.memory_space<vmem>> -> memref<512x16xf32, #tpu.memory_space<vmem>>
      %dma_start3A_772 = arith.constant 0 : i32
      %dma_start3A_773 = tpu.memref_slice %arg12[%add3A_144, %dma_start3A_772] : memref<100352x16xf32, #tpu.memory_space<vmem_shared>> -> memref<512x16xf32, #tpu.memory_space<vmem_shared>>
      %dma_start3A_774 = arith.constant 0 : i32
      %dma_start3A_775 = arith.constant 0 : i32
      %dma_start3A_776 = tpu.memref_slice %arg9[%run_scoped3A_145, %dma_start3A_774, %dma_start3A_775] : memref<2x512x16xf32, #tpu.memory_space<vmem>> -> memref<1x512x16xf32, #tpu.memory_space<vmem>>
      %dma_start3A_777 = tpu.memref_squeeze %dma_start3A_776 : memref<1x512x16xf32, #tpu.memory_space<vmem>> -> memref<512x16xf32, #tpu.memory_space<vmem>>
      %dma_start3A_778 = arith.constant 0 : i32
      %dma_start3A_779 = arith.constant 0 : i32
      %dma_start3A_780 = tpu.memref_slice %dma_start3A_777[%dma_start3A_778, %dma_start3A_779] : memref<512x16xf32, #tpu.memory_space<vmem>> -> memref<512x16xf32, #tpu.memory_space<vmem>>
      %dma_start3A_781 = arith.constant 0 : i32
      %dma_start3A_782 = tpu.memref_slice %arg12[%add3A_144, %dma_start3A_781] : memref<100352x16xf32, #tpu.memory_space<vmem_shared>> -> memref<512x16xf32, #tpu.memory_space<vmem_shared>>
      tpu.enqueue_dma source(%dma_start3A_782 : memref<512x16xf32, #tpu.memory_space<vmem_shared>>) target(%dma_start3A_780 : memref<512x16xf32, #tpu.memory_space<vmem>>) target_semaphore(%run_scoped3A_764 : memref<!tpu.dma_semaphore, #tpu.memory_space<semaphore_mem>>)
      %dma_wait3A_783 = arith.constant 0 : i32
      %dma_wait3A_784 = arith.constant 0 : i32
      %dma_wait3A_785 = tpu.memref_slice %arg9[%run_scoped3A_145, %dma_wait3A_783, %dma_wait3A_784] : memref<2x512x16xf32, #tpu.memory_space<vmem>> -> memref<1x512x16xf32, #tpu.memory_space<vmem>>
      %dma_wait3A_786 = tpu.memref_squeeze %dma_wait3A_785 : memref<1x512x16xf32, #tpu.memory_space<vmem>> -> memref<512x16xf32, #tpu.memory_space<vmem>>
      %dma_wait3A_787 = arith.constant 0 : i32
      %dma_wait3A_788 = arith.constant 0 : i32
      %dma_wait3A_789 = tpu.memref_slice %dma_wait3A_786[%dma_wait3A_787, %dma_wait3A_788] : memref<512x16xf32, #tpu.memory_space<vmem>> -> memref<512x16xf32, #tpu.memory_space<vmem>>
      %dma_wait3A_790 = arith.constant 0 : i32
      %dma_wait3A_791 = tpu.memref_slice %arg12[%add3A_144, %dma_wait3A_790] : memref<100352x16xf32, #tpu.memory_space<vmem_shared>> -> memref<512x16xf32, #tpu.memory_space<vmem_shared>>
      %dma_wait3A_792 = arith.constant 0 : i32
      %dma_wait3A_793 = arith.constant 0 : i32
      %dma_wait3A_794 = tpu.memref_slice %arg9[%run_scoped3A_145, %dma_wait3A_792, %dma_wait3A_793] : memref<2x512x16xf32, #tpu.memory_space<vmem>> -> memref<1x512x16xf32, #tpu.memory_space<vmem>>
      %dma_wait3A_795 = tpu.memref_squeeze %dma_wait3A_794 : memref<1x512x16xf32, #tpu.memory_space<vmem>> -> memref<512x16xf32, #tpu.memory_space<vmem>>
      %dma_wait3A_796 = arith.constant 0 : i32
      %dma_wait3A_797 = arith.constant 0 : i32
      %dma_wait3A_798 = tpu.memref_slice %dma_wait3A_795[%dma_wait3A_796, %dma_wait3A_797] : memref<512x16xf32, #tpu.memory_space<vmem>> -> memref<512x16xf32, #tpu.memory_space<vmem>>
      %dma_wait3A_799 = arith.constant 0 : i32
      %dma_wait3A_800 = tpu.memref_slice %arg12[%add3A_144, %dma_wait3A_799] : memref<100352x16xf32, #tpu.memory_space<vmem_shared>> -> memref<512x16xf32, #tpu.memory_space<vmem_shared>>
      tpu.wait_dma2 semaphore(%run_scoped3A_764 : memref<!tpu.dma_semaphore, #tpu.memory_space<semaphore_mem>>) src(%dma_wait3A_800 : memref<512x16xf32, #tpu.memory_space<vmem_shared>>) dst(%dma_wait3A_798 : memref<512x16xf32, #tpu.memory_space<vmem>>)
      tpu.yield
    }) : () -> ()
    %add3A_146 = arith.constant 0 : i32
    %add3A_147 = arith.addi %mul3A_2, %add3A_146 : i32
    %dma_start3A = arith.constant 0 : i32
    %dma_start3A_148 = arith.constant 0 : i32
    %dma_start3A_149 = arith.constant 0 : i32
    %dma_start3A_150 = tpu.memref_slice %arg9[%dma_start3A, %dma_start3A_148, %dma_start3A_149] : memref<2x512x16xf32, #tpu.memory_space<vmem>> -> memref<1x512x16xf32, #tpu.memory_space<vmem>>
    %dma_start3A_151 = tpu.memref_squeeze %dma_start3A_150 : memref<1x512x16xf32, #tpu.memory_space<vmem>> -> memref<512x16xf32, #tpu.memory_space<vmem>>
    %dma_start3A_152 = arith.constant 0 : i32
    %dma_start3A_153 = arith.constant 0 : i32
    %dma_start3A_154 = tpu.memref_slice %dma_start3A_151[%dma_start3A_152, %dma_start3A_153] : memref<512x16xf32, #tpu.memory_space<vmem>> -> memref<512x16xf32, #tpu.memory_space<vmem>>
    %dma_start3A_155 = arith.constant 0 : i32
    %dma_start3A_156 = arith.constant 0 : i32
    %dma_start3A_157 = tpu.memref_slice %arg5[%arg0, %dma_start3A_155, %dma_start3A_156] : memref<2x100352x16xf32, #tpu.memory_space<hbm>> -> memref<1x100352x16xf32, #tpu.memory_space<hbm>>
    %dma_start3A_158 = tpu.memref_squeeze %dma_start3A_157 : memref<1x100352x16xf32, #tpu.memory_space<hbm>> -> memref<100352x16xf32, #tpu.memory_space<hbm>>
    %dma_start3A_159 = arith.constant 0 : i32
    %dma_start3A_160 = tpu.memref_slice %dma_start3A_158[%add3A_147, %dma_start3A_159] : memref<100352x16xf32, #tpu.memory_space<hbm>> -> memref<512x16xf32, #tpu.memory_space<hbm>>
    %dma_start3A_161 = arith.constant 0 : i32
    %dma_start3A_162 = arith.constant 0 : i32
    %dma_start3A_163 = tpu.memref_slice %arg5[%arg0, %dma_start3A_161, %dma_start3A_162] : memref<2x100352x16xf32, #tpu.memory_space<hbm>> -> memref<1x100352x16xf32, #tpu.memory_space<hbm>>
    %dma_start3A_164 = tpu.memref_squeeze %dma_start3A_163 : memref<1x100352x16xf32, #tpu.memory_space<hbm>> -> memref<100352x16xf32, #tpu.memory_space<hbm>>
    %dma_start3A_165 = arith.constant 0 : i32
    %dma_start3A_166 = tpu.memref_slice %dma_start3A_164[%add3A_147, %dma_start3A_165] : memref<100352x16xf32, #tpu.memory_space<hbm>> -> memref<512x16xf32, #tpu.memory_space<hbm>>
    %dma_start3A_167 = arith.constant 0 : i32
    %dma_start3A_168 = arith.constant 0 : i32
    %dma_start3A_169 = tpu.memref_slice %arg9[%dma_start3A, %dma_start3A_167, %dma_start3A_168] : memref<2x512x16xf32, #tpu.memory_space<vmem>> -> memref<1x512x16xf32, #tpu.memory_space<vmem>>
    %dma_start3A_170 = tpu.memref_squeeze %dma_start3A_169 : memref<1x512x16xf32, #tpu.memory_space<vmem>> -> memref<512x16xf32, #tpu.memory_space<vmem>>
    %dma_start3A_171 = arith.constant 0 : i32
    %dma_start3A_172 = arith.constant 0 : i32
    %dma_start3A_173 = tpu.memref_slice %dma_start3A_170[%dma_start3A_171, %dma_start3A_172] : memref<512x16xf32, #tpu.memory_space<vmem>> -> memref<512x16xf32, #tpu.memory_space<vmem>>
    tpu.enqueue_dma source(%dma_start3A_173 : memref<512x16xf32, #tpu.memory_space<vmem>>) target(%dma_start3A_166 : memref<512x16xf32, #tpu.memory_space<hbm>>) target_semaphore(%arg14 : memref<!tpu.dma_semaphore, #tpu.memory_space<semaphore_mem>>)
    %add3A_174 = arith.constant 512 : i32
    %add3A_175 = arith.addi %mul3A_2, %add3A_174 : i32
    %run_scoped3A_176 = arith.constant 1 : i32
    "tpu.region"() ({
      %run_scoped3A_764 = tpu.sem_alloc : memref<!tpu.dma_semaphore, #tpu.memory_space<semaphore_mem>>
      %dma_start3A_765 = arith.constant 0 : i32
      %dma_start3A_766 = arith.constant 0 : i32
      %dma_start3A_767 = tpu.memref_slice %arg9[%run_scoped3A_176, %dma_start3A_765, %dma_start3A_766] : memref<2x512x16xf32, #tpu.memory_space<vmem>> -> memref<1x512x16xf32, #tpu.memory_space<vmem>>
      %dma_start3A_768 = tpu.memref_squeeze %dma_start3A_767 : memref<1x512x16xf32, #tpu.memory_space<vmem>> -> memref<512x16xf32, #tpu.memory_space<vmem>>
      %dma_start3A_769 = arith.constant 0 : i32
      %dma_start3A_770 = arith.constant 0 : i32
      %dma_start3A_771 = tpu.memref_slice %dma_start3A_768[%dma_start3A_769, %dma_start3A_770] : memref<512x16xf32, #tpu.memory_space<vmem>> -> memref<512x16xf32, #tpu.memory_space<vmem>>
      %dma_start3A_772 = arith.constant 0 : i32
      %dma_start3A_773 = tpu.memref_slice %arg12[%add3A_175, %dma_start3A_772] : memref<100352x16xf32, #tpu.memory_space<vmem_shared>> -> memref<512x16xf32, #tpu.memory_space<vmem_shared>>
      %dma_start3A_774 = arith.constant 0 : i32
      %dma_start3A_775 = arith.constant 0 : i32
      %dma_start3A_776 = tpu.memref_slice %arg9[%run_scoped3A_176, %dma_start3A_774, %dma_start3A_775] : memref<2x512x16xf32, #tpu.memory_space<vmem>> -> memref<1x512x16xf32, #tpu.memory_space<vmem>>
      %dma_start3A_777 = tpu.memref_squeeze %dma_start3A_776 : memref<1x512x16xf32, #tpu.memory_space<vmem>> -> memref<512x16xf32, #tpu.memory_space<vmem>>
      %dma_start3A_778 = arith.constant 0 : i32
      %dma_start3A_779 = arith.constant 0 : i32
      %dma_start3A_780 = tpu.memref_slice %dma_start3A_777[%dma_start3A_778, %dma_start3A_779] : memref<512x16xf32, #tpu.memory_space<vmem>> -> memref<512x16xf32, #tpu.memory_space<vmem>>
      %dma_start3A_781 = arith.constant 0 : i32
      %dma_start3A_782 = tpu.memref_slice %arg12[%add3A_175, %dma_start3A_781] : memref<100352x16xf32, #tpu.memory_space<vmem_shared>> -> memref<512x16xf32, #tpu.memory_space<vmem_shared>>
      tpu.enqueue_dma source(%dma_start3A_782 : memref<512x16xf32, #tpu.memory_space<vmem_shared>>) target(%dma_start3A_780 : memref<512x16xf32, #tpu.memory_space<vmem>>) target_semaphore(%run_scoped3A_764 : memref<!tpu.dma_semaphore, #tpu.memory_space<semaphore_mem>>)
      %dma_wait3A_783 = arith.constant 0 : i32
      %dma_wait3A_784 = arith.constant 0 : i32
      %dma_wait3A_785 = tpu.memref_slice %arg9[%run_scoped3A_176, %dma_wait3A_783, %dma_wait3A_784] : memref<2x512x16xf32, #tpu.memory_space<vmem>> -> memref<1x512x16xf32, #tpu.memory_space<vmem>>
      %dma_wait3A_786 = tpu.memref_squeeze %dma_wait3A_785 : memref<1x512x16xf32, #tpu.memory_space<vmem>> -> memref<512x16xf32, #tpu.memory_space<vmem>>
      %dma_wait3A_787 = arith.constant 0 : i32
      %dma_wait3A_788 = arith.constant 0 : i32
      %dma_wait3A_789 = tpu.memref_slice %dma_wait3A_786[%dma_wait3A_787, %dma_wait3A_788] : memref<512x16xf32, #tpu.memory_space<vmem>> -> memref<512x16xf32, #tpu.memory_space<vmem>>
      %dma_wait3A_790 = arith.constant 0 : i32
      %dma_wait3A_791 = tpu.memref_slice %arg12[%add3A_175, %dma_wait3A_790] : memref<100352x16xf32, #tpu.memory_space<vmem_shared>> -> memref<512x16xf32, #tpu.memory_space<vmem_shared>>
      %dma_wait3A_792 = arith.constant 0 : i32
      %dma_wait3A_793 = arith.constant 0 : i32
      %dma_wait3A_794 = tpu.memref_slice %arg9[%run_scoped3A_176, %dma_wait3A_792, %dma_wait3A_793] : memref<2x512x16xf32, #tpu.memory_space<vmem>> -> memref<1x512x16xf32, #tpu.memory_space<vmem>>
      %dma_wait3A_795 = tpu.memref_squeeze %dma_wait3A_794 : memref<1x512x16xf32, #tpu.memory_space<vmem>> -> memref<512x16xf32, #tpu.memory_space<vmem>>
      %dma_wait3A_796 = arith.constant 0 : i32
      %dma_wait3A_797 = arith.constant 0 : i32
      %dma_wait3A_798 = tpu.memref_slice %dma_wait3A_795[%dma_wait3A_796, %dma_wait3A_797] : memref<512x16xf32, #tpu.memory_space<vmem>> -> memref<512x16xf32, #tpu.memory_space<vmem>>
      %dma_wait3A_799 = arith.constant 0 : i32
      %dma_wait3A_800 = tpu.memref_slice %arg12[%add3A_175, %dma_wait3A_799] : memref<100352x16xf32, #tpu.memory_space<vmem_shared>> -> memref<512x16xf32, #tpu.memory_space<vmem_shared>>
      tpu.wait_dma2 semaphore(%run_scoped3A_764 : memref<!tpu.dma_semaphore, #tpu.memory_space<semaphore_mem>>) src(%dma_wait3A_800 : memref<512x16xf32, #tpu.memory_space<vmem_shared>>) dst(%dma_wait3A_798 : memref<512x16xf32, #tpu.memory_space<vmem>>)
      tpu.yield
    }) : () -> ()
    %add3A_177 = arith.constant 512 : i32
    %add3A_178 = arith.addi %mul3A_2, %add3A_177 : i32
    %dma_start3A_179 = arith.constant 1 : i32
    %dma_start3A_180 = arith.constant 0 : i32
    %dma_start3A_181 = arith.constant 0 : i32
    %dma_start3A_182 = tpu.memref_slice %arg9[%dma_start3A_179, %dma_start3A_180, %dma_start3A_181] : memref<2x512x16xf32, #tpu.memory_space<vmem>> -> memref<1x512x16xf32, #tpu.memory_space<vmem>>
    %dma_start3A_183 = tpu.memref_squeeze %dma_start3A_182 : memref<1x512x16xf32, #tpu.memory_space<vmem>> -> memref<512x16xf32, #tpu.memory_space<vmem>>
    %dma_start3A_184 = arith.constant 0 : i32
    %dma_start3A_185 = arith.constant 0 : i32
    %dma_start3A_186 = tpu.memref_slice %dma_start3A_183[%dma_start3A_184, %dma_start3A_185] : memref<512x16xf32, #tpu.memory_space<vmem>> -> memref<512x16xf32, #tpu.memory_space<vmem>>
    %dma_start3A_187 = arith.constant 0 : i32
    %dma_start3A_188 = arith.constant 0 : i32
    %dma_start3A_189 = tpu.memref_slice %arg5[%arg0, %dma_start3A_187, %dma_start3A_188] : memref<2x100352x16xf32, #tpu.memory_space<hbm>> -> memref<1x100352x16xf32, #tpu.memory_space<hbm>>
    %dma_start3A_190 = tpu.memref_squeeze %dma_start3A_189 : memref<1x100352x16xf32, #tpu.memory_space<hbm>> -> memref<100352x16xf32, #tpu.memory_space<hbm>>
    %dma_start3A_191 = arith.constant 0 : i32
    %dma_start3A_192 = tpu.memref_slice %dma_start3A_190[%add3A_178, %dma_start3A_191] : memref<100352x16xf32, #tpu.memory_space<hbm>> -> memref<512x16xf32, #tpu.memory_space<hbm>>
    %dma_start3A_193 = arith.constant 0 : i32
    %dma_start3A_194 = arith.constant 0 : i32
    %dma_start3A_195 = tpu.memref_slice %arg5[%arg0, %dma_start3A_193, %dma_start3A_194] : memref<2x100352x16xf32, #tpu.memory_space<hbm>> -> memref<1x100352x16xf32, #tpu.memory_space<hbm>>
    %dma_start3A_196 = tpu.memref_squeeze %dma_start3A_195 : memref<1x100352x16xf32, #tpu.memory_space<hbm>> -> memref<100352x16xf32, #tpu.memory_space<hbm>>
    %dma_start3A_197 = arith.constant 0 : i32
    %dma_start3A_198 = tpu.memref_slice %dma_start3A_196[%add3A_178, %dma_start3A_197] : memref<100352x16xf32, #tpu.memory_space<hbm>> -> memref<512x16xf32, #tpu.memory_space<hbm>>
    %dma_start3A_199 = arith.constant 0 : i32
    %dma_start3A_200 = arith.constant 0 : i32
    %dma_start3A_201 = tpu.memref_slice %arg9[%dma_start3A_179, %dma_start3A_199, %dma_start3A_200] : memref<2x512x16xf32, #tpu.memory_space<vmem>> -> memref<1x512x16xf32, #tpu.memory_space<vmem>>
    %dma_start3A_202 = tpu.memref_squeeze %dma_start3A_201 : memref<1x512x16xf32, #tpu.memory_space<vmem>> -> memref<512x16xf32, #tpu.memory_space<vmem>>
    %dma_start3A_203 = arith.constant 0 : i32
    %dma_start3A_204 = arith.constant 0 : i32
    %dma_start3A_205 = tpu.memref_slice %dma_start3A_202[%dma_start3A_203, %dma_start3A_204] : memref<512x16xf32, #tpu.memory_space<vmem>> -> memref<512x16xf32, #tpu.memory_space<vmem>>
    tpu.enqueue_dma source(%dma_start3A_205 : memref<512x16xf32, #tpu.memory_space<vmem>>) target(%dma_start3A_198 : memref<512x16xf32, #tpu.memory_space<hbm>>) target_semaphore(%arg15 : memref<!tpu.dma_semaphore, #tpu.memory_space<semaphore_mem>>)
    %dma_wait3A_206 = arith.constant 0 : i32
    %dma_wait3A_207 = arith.constant 0 : i32
    %dma_wait3A_208 = arith.constant 0 : i32
    %dma_wait3A_209 = tpu.memref_slice %arg9[%dma_wait3A_206, %dma_wait3A_207, %dma_wait3A_208] : memref<2x512x16xf32, #tpu.memory_space<vmem>> -> memref<1x512x16xf32, #tpu.memory_space<vmem>>
    %dma_wait3A_210 = tpu.memref_squeeze %dma_wait3A_209 : memref<1x512x16xf32, #tpu.memory_space<vmem>> -> memref<512x16xf32, #tpu.memory_space<vmem>>
    %dma_wait3A_211 = arith.constant 0 : i32
    %dma_wait3A_212 = arith.constant 0 : i32
    %dma_wait3A_213 = tpu.memref_slice %arg4[%dma_wait3A_211, %dma_wait3A_212] : memref<1600000x16xf32, #tpu.memory_space<hbm>> -> memref<512x16xf32, #tpu.memory_space<hbm>>
    %dma_wait3A_214 = arith.constant 0 : i32
    %dma_wait3A_215 = arith.constant 0 : i32
    %dma_wait3A_216 = tpu.memref_slice %arg9[%dma_wait3A_206, %dma_wait3A_214, %dma_wait3A_215] : memref<2x512x16xf32, #tpu.memory_space<vmem>> -> memref<1x512x16xf32, #tpu.memory_space<vmem>>
    %dma_wait3A_217 = tpu.memref_squeeze %dma_wait3A_216 : memref<1x512x16xf32, #tpu.memory_space<vmem>> -> memref<512x16xf32, #tpu.memory_space<vmem>>
    %dma_wait3A_218 = arith.constant 0 : i32
    %dma_wait3A_219 = arith.constant 0 : i32
    %dma_wait3A_220 = tpu.memref_slice %arg4[%dma_wait3A_218, %dma_wait3A_219] : memref<1600000x16xf32, #tpu.memory_space<hbm>> -> memref<512x16xf32, #tpu.memory_space<hbm>>
    tpu.wait_dma2 semaphore(%arg14 : memref<!tpu.dma_semaphore, #tpu.memory_space<semaphore_mem>>) src(%dma_wait3A_220 : memref<512x16xf32, #tpu.memory_space<hbm>>) dst(%dma_wait3A_217 : memref<512x16xf32, #tpu.memory_space<vmem>>)
    %add3A_221 = arith.constant 1024 : i32
    %add3A_222 = arith.addi %mul3A_2, %add3A_221 : i32
    %run_scoped3A_223 = arith.constant 0 : i32
    "tpu.region"() ({
      %run_scoped3A_764 = tpu.sem_alloc : memref<!tpu.dma_semaphore, #tpu.memory_space<semaphore_mem>>
      %dma_start3A_765 = arith.constant 0 : i32
      %dma_start3A_766 = arith.constant 0 : i32
      %dma_start3A_767 = tpu.memref_slice %arg9[%run_scoped3A_223, %dma_start3A_765, %dma_start3A_766] : memref<2x512x16xf32, #tpu.memory_space<vmem>> -> memref<1x512x16xf32, #tpu.memory_space<vmem>>
      %dma_start3A_768 = tpu.memref_squeeze %dma_start3A_767 : memref<1x512x16xf32, #tpu.memory_space<vmem>> -> memref<512x16xf32, #tpu.memory_space<vmem>>
      %dma_start3A_769 = arith.constant 0 : i32
      %dma_start3A_770 = arith.constant 0 : i32
      %dma_start3A_771 = tpu.memref_slice %dma_start3A_768[%dma_start3A_769, %dma_start3A_770] : memref<512x16xf32, #tpu.memory_space<vmem>> -> memref<512x16xf32, #tpu.memory_space<vmem>>
      %dma_start3A_772 = arith.constant 0 : i32
      %dma_start3A_773 = tpu.memref_slice %arg12[%add3A_222, %dma_start3A_772] : memref<100352x16xf32, #tpu.memory_space<vmem_shared>> -> memref<512x16xf32, #tpu.memory_space<vmem_shared>>
      %dma_start3A_774 = arith.constant 0 : i32
      %dma_start3A_775 = arith.constant 0 : i32
      %dma_start3A_776 = tpu.memref_slice %arg9[%run_scoped3A_223, %dma_start3A_774, %dma_start3A_775] : memref<2x512x16xf32, #tpu.memory_space<vmem>> -> memref<1x512x16xf32, #tpu.memory_space<vmem>>
      %dma_start3A_777 = tpu.memref_squeeze %dma_start3A_776 : memref<1x512x16xf32, #tpu.memory_space<vmem>> -> memref<512x16xf32, #tpu.memory_space<vmem>>
      %dma_start3A_778 = arith.constant 0 : i32
      %dma_start3A_779 = arith.constant 0 : i32
      %dma_start3A_780 = tpu.memref_slice %dma_start3A_777[%dma_start3A_778, %dma_start3A_779] : memref<512x16xf32, #tpu.memory_space<vmem>> -> memref<512x16xf32, #tpu.memory_space<vmem>>
      %dma_start3A_781 = arith.constant 0 : i32
      %dma_start3A_782 = tpu.memref_slice %arg12[%add3A_222, %dma_start3A_781] : memref<100352x16xf32, #tpu.memory_space<vmem_shared>> -> memref<512x16xf32, #tpu.memory_space<vmem_shared>>
      tpu.enqueue_dma source(%dma_start3A_782 : memref<512x16xf32, #tpu.memory_space<vmem_shared>>) target(%dma_start3A_780 : memref<512x16xf32, #tpu.memory_space<vmem>>) target_semaphore(%run_scoped3A_764 : memref<!tpu.dma_semaphore, #tpu.memory_space<semaphore_mem>>)
      %dma_wait3A_783 = arith.constant 0 : i32
      %dma_wait3A_784 = arith.constant 0 : i32
      %dma_wait3A_785 = tpu.memref_slice %arg9[%run_scoped3A_223, %dma_wait3A_783, %dma_wait3A_784] : memref<2x512x16xf32, #tpu.memory_space<vmem>> -> memref<1x512x16xf32, #tpu.memory_space<vmem>>
      %dma_wait3A_786 = tpu.memref_squeeze %dma_wait3A_785 : memref<1x512x16xf32, #tpu.memory_space<vmem>> -> memref<512x16xf32, #tpu.memory_space<vmem>>
      %dma_wait3A_787 = arith.constant 0 : i32
      %dma_wait3A_788 = arith.constant 0 : i32
      %dma_wait3A_789 = tpu.memref_slice %dma_wait3A_786[%dma_wait3A_787, %dma_wait3A_788] : memref<512x16xf32, #tpu.memory_space<vmem>> -> memref<512x16xf32, #tpu.memory_space<vmem>>
      %dma_wait3A_790 = arith.constant 0 : i32
      %dma_wait3A_791 = tpu.memref_slice %arg12[%add3A_222, %dma_wait3A_790] : memref<100352x16xf32, #tpu.memory_space<vmem_shared>> -> memref<512x16xf32, #tpu.memory_space<vmem_shared>>
      %dma_wait3A_792 = arith.constant 0 : i32
      %dma_wait3A_793 = arith.constant 0 : i32
      %dma_wait3A_794 = tpu.memref_slice %arg9[%run_scoped3A_223, %dma_wait3A_792, %dma_wait3A_793] : memref<2x512x16xf32, #tpu.memory_space<vmem>> -> memref<1x512x16xf32, #tpu.memory_space<vmem>>
      %dma_wait3A_795 = tpu.memref_squeeze %dma_wait3A_794 : memref<1x512x16xf32, #tpu.memory_space<vmem>> -> memref<512x16xf32, #tpu.memory_space<vmem>>
      %dma_wait3A_796 = arith.constant 0 : i32
      %dma_wait3A_797 = arith.constant 0 : i32
      %dma_wait3A_798 = tpu.memref_slice %dma_wait3A_795[%dma_wait3A_796, %dma_wait3A_797] : memref<512x16xf32, #tpu.memory_space<vmem>> -> memref<512x16xf32, #tpu.memory_space<vmem>>
      %dma_wait3A_799 = arith.constant 0 : i32
      %dma_wait3A_800 = tpu.memref_slice %arg12[%add3A_222, %dma_wait3A_799] : memref<100352x16xf32, #tpu.memory_space<vmem_shared>> -> memref<512x16xf32, #tpu.memory_space<vmem_shared>>
      tpu.wait_dma2 semaphore(%run_scoped3A_764 : memref<!tpu.dma_semaphore, #tpu.memory_space<semaphore_mem>>) src(%dma_wait3A_800 : memref<512x16xf32, #tpu.memory_space<vmem_shared>>) dst(%dma_wait3A_798 : memref<512x16xf32, #tpu.memory_space<vmem>>)
      tpu.yield
    }) : () -> ()
    %add3A_224 = arith.constant 1024 : i32
    %add3A_225 = arith.addi %mul3A_2, %add3A_224 : i32
    %dma_start3A_226 = arith.constant 0 : i32
    %dma_start3A_227 = arith.constant 0 : i32
    %dma_start3A_228 = arith.constant 0 : i32
    %dma_start3A_229 = tpu.memref_slice %arg9[%dma_start3A_226, %dma_start3A_227, %dma_start3A_228] : memref<2x512x16xf32, #tpu.memory_space<vmem>> -> memref<1x512x16xf32, #tpu.memory_space<vmem>>
    %dma_start3A_230 = tpu.memref_squeeze %dma_start3A_229 : memref<1x512x16xf32, #tpu.memory_space<vmem>> -> memref<512x16xf32, #tpu.memory_space<vmem>>
    %dma_start3A_231 = arith.constant 0 : i32
    %dma_start3A_232 = arith.constant 0 : i32
    %dma_start3A_233 = tpu.memref_slice %dma_start3A_230[%dma_start3A_231, %dma_start3A_232] : memref<512x16xf32, #tpu.memory_space<vmem>> -> memref<512x16xf32, #tpu.memory_space<vmem>>
    %dma_start3A_234 = arith.constant 0 : i32
    %dma_start3A_235 = arith.constant 0 : i32
    %dma_start3A_236 = tpu.memref_slice %arg5[%arg0, %dma_start3A_234, %dma_start3A_235] : memref<2x100352x16xf32, #tpu.memory_space<hbm>> -> memref<1x100352x16xf32, #tpu.memory_space<hbm>>
    %dma_start3A_237 = tpu.memref_squeeze %dma_start3A_236 : memref<1x100352x16xf32, #tpu.memory_space<hbm>> -> memref<100352x16xf32, #tpu.memory_space<hbm>>
    %dma_start3A_238 = arith.constant 0 : i32
    %dma_start3A_239 = tpu.memref_slice %dma_start3A_237[%add3A_225, %dma_start3A_238] : memref<100352x16xf32, #tpu.memory_space<hbm>> -> memref<512x16xf32, #tpu.memory_space<hbm>>
    %dma_start3A_240 = arith.constant 0 : i32
    %dma_start3A_241 = arith.constant 0 : i32
    %dma_start3A_242 = tpu.memref_slice %arg5[%arg0, %dma_start3A_240, %dma_start3A_241] : memref<2x100352x16xf32, #tpu.memory_space<hbm>> -> memref<1x100352x16xf32, #tpu.memory_space<hbm>>
    %dma_start3A_243 = tpu.memref_squeeze %dma_start3A_242 : memref<1x100352x16xf32, #tpu.memory_space<hbm>> -> memref<100352x16xf32, #tpu.memory_space<hbm>>
    %dma_start3A_244 = arith.constant 0 : i32
    %dma_start3A_245 = tpu.memref_slice %dma_start3A_243[%add3A_225, %dma_start3A_244] : memref<100352x16xf32, #tpu.memory_space<hbm>> -> memref<512x16xf32, #tpu.memory_space<hbm>>
    %dma_start3A_246 = arith.constant 0 : i32
    %dma_start3A_247 = arith.constant 0 : i32
    %dma_start3A_248 = tpu.memref_slice %arg9[%dma_start3A_226, %dma_start3A_246, %dma_start3A_247] : memref<2x512x16xf32, #tpu.memory_space<vmem>> -> memref<1x512x16xf32, #tpu.memory_space<vmem>>
    %dma_start3A_249 = tpu.memref_squeeze %dma_start3A_248 : memref<1x512x16xf32, #tpu.memory_space<vmem>> -> memref<512x16xf32, #tpu.memory_space<vmem>>
    %dma_start3A_250 = arith.constant 0 : i32
    %dma_start3A_251 = arith.constant 0 : i32
    %dma_start3A_252 = tpu.memref_slice %dma_start3A_249[%dma_start3A_250, %dma_start3A_251] : memref<512x16xf32, #tpu.memory_space<vmem>> -> memref<512x16xf32, #tpu.memory_space<vmem>>
    tpu.enqueue_dma source(%dma_start3A_252 : memref<512x16xf32, #tpu.memory_space<vmem>>) target(%dma_start3A_245 : memref<512x16xf32, #tpu.memory_space<hbm>>) target_semaphore(%arg14 : memref<!tpu.dma_semaphore, #tpu.memory_space<semaphore_mem>>)
    %dma_wait3A_253 = arith.constant 1 : i32
    %dma_wait3A_254 = arith.constant 0 : i32
    %dma_wait3A_255 = arith.constant 0 : i32
    %dma_wait3A_256 = tpu.memref_slice %arg9[%dma_wait3A_253, %dma_wait3A_254, %dma_wait3A_255] : memref<2x512x16xf32, #tpu.memory_space<vmem>> -> memref<1x512x16xf32, #tpu.memory_space<vmem>>
    %dma_wait3A_257 = tpu.memref_squeeze %dma_wait3A_256 : memref<1x512x16xf32, #tpu.memory_space<vmem>> -> memref<512x16xf32, #tpu.memory_space<vmem>>
    %dma_wait3A_258 = arith.constant 0 : i32
    %dma_wait3A_259 = arith.constant 0 : i32
    %dma_wait3A_260 = tpu.memref_slice %arg4[%dma_wait3A_258, %dma_wait3A_259] : memref<1600000x16xf32, #tpu.memory_space<hbm>> -> memref<512x16xf32, #tpu.memory_space<hbm>>
    %dma_wait3A_261 = arith.constant 0 : i32
    %dma_wait3A_262 = arith.constant 0 : i32
    %dma_wait3A_263 = tpu.memref_slice %arg9[%dma_wait3A_253, %dma_wait3A_261, %dma_wait3A_262] : memref<2x512x16xf32, #tpu.memory_space<vmem>> -> memref<1x512x16xf32, #tpu.memory_space<vmem>>
    %dma_wait3A_264 = tpu.memref_squeeze %dma_wait3A_263 : memref<1x512x16xf32, #tpu.memory_space<vmem>> -> memref<512x16xf32, #tpu.memory_space<vmem>>
    %dma_wait3A_265 = arith.constant 0 : i32
    %dma_wait3A_266 = arith.constant 0 : i32
    %dma_wait3A_267 = tpu.memref_slice %arg4[%dma_wait3A_265, %dma_wait3A_266] : memref<1600000x16xf32, #tpu.memory_space<hbm>> -> memref<512x16xf32, #tpu.memory_space<hbm>>
    tpu.wait_dma2 semaphore(%arg15 : memref<!tpu.dma_semaphore, #tpu.memory_space<semaphore_mem>>) src(%dma_wait3A_267 : memref<512x16xf32, #tpu.memory_space<hbm>>) dst(%dma_wait3A_264 : memref<512x16xf32, #tpu.memory_space<vmem>>)
    %add3A_268 = arith.constant 1536 : i32
    %add3A_269 = arith.addi %mul3A_2, %add3A_268 : i32
    %run_scoped3A_270 = arith.constant 1 : i32
    "tpu.region"() ({
      %run_scoped3A_764 = tpu.sem_alloc : memref<!tpu.dma_semaphore, #tpu.memory_space<semaphore_mem>>
      %dma_start3A_765 = arith.constant 0 : i32
      %dma_start3A_766 = arith.constant 0 : i32
      %dma_start3A_767 = tpu.memref_slice %arg9[%run_scoped3A_270, %dma_start3A_765, %dma_start3A_766] : memref<2x512x16xf32, #tpu.memory_space<vmem>> -> memref<1x512x16xf32, #tpu.memory_space<vmem>>
      %dma_start3A_768 = tpu.memref_squeeze %dma_start3A_767 : memref<1x512x16xf32, #tpu.memory_space<vmem>> -> memref<512x16xf32, #tpu.memory_space<vmem>>
      %dma_start3A_769 = arith.constant 0 : i32
      %dma_start3A_770 = arith.constant 0 : i32
      %dma_start3A_771 = tpu.memref_slice %dma_start3A_768[%dma_start3A_769, %dma_start3A_770] : memref<512x16xf32, #tpu.memory_space<vmem>> -> memref<512x16xf32, #tpu.memory_space<vmem>>
      %dma_start3A_772 = arith.constant 0 : i32
      %dma_start3A_773 = tpu.memref_slice %arg12[%add3A_269, %dma_start3A_772] : memref<100352x16xf32, #tpu.memory_space<vmem_shared>> -> memref<512x16xf32, #tpu.memory_space<vmem_shared>>
      %dma_start3A_774 = arith.constant 0 : i32
      %dma_start3A_775 = arith.constant 0 : i32
      %dma_start3A_776 = tpu.memref_slice %arg9[%run_scoped3A_270, %dma_start3A_774, %dma_start3A_775] : memref<2x512x16xf32, #tpu.memory_space<vmem>> -> memref<1x512x16xf32, #tpu.memory_space<vmem>>
      %dma_start3A_777 = tpu.memref_squeeze %dma_start3A_776 : memref<1x512x16xf32, #tpu.memory_space<vmem>> -> memref<512x16xf32, #tpu.memory_space<vmem>>
      %dma_start3A_778 = arith.constant 0 : i32
      %dma_start3A_779 = arith.constant 0 : i32
      %dma_start3A_780 = tpu.memref_slice %dma_start3A_777[%dma_start3A_778, %dma_start3A_779] : memref<512x16xf32, #tpu.memory_space<vmem>> -> memref<512x16xf32, #tpu.memory_space<vmem>>
      %dma_start3A_781 = arith.constant 0 : i32
      %dma_start3A_782 = tpu.memref_slice %arg12[%add3A_269, %dma_start3A_781] : memref<100352x16xf32, #tpu.memory_space<vmem_shared>> -> memref<512x16xf32, #tpu.memory_space<vmem_shared>>
      tpu.enqueue_dma source(%dma_start3A_782 : memref<512x16xf32, #tpu.memory_space<vmem_shared>>) target(%dma_start3A_780 : memref<512x16xf32, #tpu.memory_space<vmem>>) target_semaphore(%run_scoped3A_764 : memref<!tpu.dma_semaphore, #tpu.memory_space<semaphore_mem>>)
      %dma_wait3A_783 = arith.constant 0 : i32
      %dma_wait3A_784 = arith.constant 0 : i32
      %dma_wait3A_785 = tpu.memref_slice %arg9[%run_scoped3A_270, %dma_wait3A_783, %dma_wait3A_784] : memref<2x512x16xf32, #tpu.memory_space<vmem>> -> memref<1x512x16xf32, #tpu.memory_space<vmem>>
      %dma_wait3A_786 = tpu.memref_squeeze %dma_wait3A_785 : memref<1x512x16xf32, #tpu.memory_space<vmem>> -> memref<512x16xf32, #tpu.memory_space<vmem>>
      %dma_wait3A_787 = arith.constant 0 : i32
      %dma_wait3A_788 = arith.constant 0 : i32
      %dma_wait3A_789 = tpu.memref_slice %dma_wait3A_786[%dma_wait3A_787, %dma_wait3A_788] : memref<512x16xf32, #tpu.memory_space<vmem>> -> memref<512x16xf32, #tpu.memory_space<vmem>>
      %dma_wait3A_790 = arith.constant 0 : i32
      %dma_wait3A_791 = tpu.memref_slice %arg12[%add3A_269, %dma_wait3A_790] : memref<100352x16xf32, #tpu.memory_space<vmem_shared>> -> memref<512x16xf32, #tpu.memory_space<vmem_shared>>
      %dma_wait3A_792 = arith.constant 0 : i32
      %dma_wait3A_793 = arith.constant 0 : i32
      %dma_wait3A_794 = tpu.memref_slice %arg9[%run_scoped3A_270, %dma_wait3A_792, %dma_wait3A_793] : memref<2x512x16xf32, #tpu.memory_space<vmem>> -> memref<1x512x16xf32, #tpu.memory_space<vmem>>
      %dma_wait3A_795 = tpu.memref_squeeze %dma_wait3A_794 : memref<1x512x16xf32, #tpu.memory_space<vmem>> -> memref<512x16xf32, #tpu.memory_space<vmem>>
      %dma_wait3A_796 = arith.constant 0 : i32
      %dma_wait3A_797 = arith.constant 0 : i32
      %dma_wait3A_798 = tpu.memref_slice %dma_wait3A_795[%dma_wait3A_796, %dma_wait3A_797] : memref<512x16xf32, #tpu.memory_space<vmem>> -> memref<512x16xf32, #tpu.memory_space<vmem>>
      %dma_wait3A_799 = arith.constant 0 : i32
      %dma_wait3A_800 = tpu.memref_slice %arg12[%add3A_269, %dma_wait3A_799] : memref<100352x16xf32, #tpu.memory_space<vmem_shared>> -> memref<512x16xf32, #tpu.memory_space<vmem_shared>>
      tpu.wait_dma2 semaphore(%run_scoped3A_764 : memref<!tpu.dma_semaphore, #tpu.memory_space<semaphore_mem>>) src(%dma_wait3A_800 : memref<512x16xf32, #tpu.memory_space<vmem_shared>>) dst(%dma_wait3A_798 : memref<512x16xf32, #tpu.memory_space<vmem>>)
      tpu.yield
    }) : () -> ()
    %add3A_271 = arith.constant 1536 : i32
    %add3A_272 = arith.addi %mul3A_2, %add3A_271 : i32
    %dma_start3A_273 = arith.constant 1 : i32
    %dma_start3A_274 = arith.constant 0 : i32
    %dma_start3A_275 = arith.constant 0 : i32
    %dma_start3A_276 = tpu.memref_slice %arg9[%dma_start3A_273, %dma_start3A_274, %dma_start3A_275] : memref<2x512x16xf32, #tpu.memory_space<vmem>> -> memref<1x512x16xf32, #tpu.memory_space<vmem>>
    %dma_start3A_277 = tpu.memref_squeeze %dma_start3A_276 : memref<1x512x16xf32, #tpu.memory_space<vmem>> -> memref<512x16xf32, #tpu.memory_space<vmem>>
    %dma_start3A_278 = arith.constant 0 : i32
    %dma_start3A_279 = arith.constant 0 : i32
    %dma_start3A_280 = tpu.memref_slice %dma_start3A_277[%dma_start3A_278, %dma_start3A_279] : memref<512x16xf32, #tpu.memory_space<vmem>> -> memref<512x16xf32, #tpu.memory_space<vmem>>
    %dma_start3A_281 = arith.constant 0 : i32
    %dma_start3A_282 = arith.constant 0 : i32
    %dma_start3A_283 = tpu.memref_slice %arg5[%arg0, %dma_start3A_281, %dma_start3A_282] : memref<2x100352x16xf32, #tpu.memory_space<hbm>> -> memref<1x100352x16xf32, #tpu.memory_space<hbm>>
    %dma_start3A_284 = tpu.memref_squeeze %dma_start3A_283 : memref<1x100352x16xf32, #tpu.memory_space<hbm>> -> memref<100352x16xf32, #tpu.memory_space<hbm>>
    %dma_start3A_285 = arith.constant 0 : i32
    %dma_start3A_286 = tpu.memref_slice %dma_start3A_284[%add3A_272, %dma_start3A_285] : memref<100352x16xf32, #tpu.memory_space<hbm>> -> memref<512x16xf32, #tpu.memory_space<hbm>>
    %dma_start3A_287 = arith.constant 0 : i32
    %dma_start3A_288 = arith.constant 0 : i32
    %dma_start3A_289 = tpu.memref_slice %arg5[%arg0, %dma_start3A_287, %dma_start3A_288] : memref<2x100352x16xf32, #tpu.memory_space<hbm>> -> memref<1x100352x16xf32, #tpu.memory_space<hbm>>
    %dma_start3A_290 = tpu.memref_squeeze %dma_start3A_289 : memref<1x100352x16xf32, #tpu.memory_space<hbm>> -> memref<100352x16xf32, #tpu.memory_space<hbm>>
    %dma_start3A_291 = arith.constant 0 : i32
    %dma_start3A_292 = tpu.memref_slice %dma_start3A_290[%add3A_272, %dma_start3A_291] : memref<100352x16xf32, #tpu.memory_space<hbm>> -> memref<512x16xf32, #tpu.memory_space<hbm>>
    %dma_start3A_293 = arith.constant 0 : i32
    %dma_start3A_294 = arith.constant 0 : i32
    %dma_start3A_295 = tpu.memref_slice %arg9[%dma_start3A_273, %dma_start3A_293, %dma_start3A_294] : memref<2x512x16xf32, #tpu.memory_space<vmem>> -> memref<1x512x16xf32, #tpu.memory_space<vmem>>
    %dma_start3A_296 = tpu.memref_squeeze %dma_start3A_295 : memref<1x512x16xf32, #tpu.memory_space<vmem>> -> memref<512x16xf32, #tpu.memory_space<vmem>>
    %dma_start3A_297 = arith.constant 0 : i32
    %dma_start3A_298 = arith.constant 0 : i32
    %dma_start3A_299 = tpu.memref_slice %dma_start3A_296[%dma_start3A_297, %dma_start3A_298] : memref<512x16xf32, #tpu.memory_space<vmem>> -> memref<512x16xf32, #tpu.memory_space<vmem>>
    tpu.enqueue_dma source(%dma_start3A_299 : memref<512x16xf32, #tpu.memory_space<vmem>>) target(%dma_start3A_292 : memref<512x16xf32, #tpu.memory_space<hbm>>) target_semaphore(%arg15 : memref<!tpu.dma_semaphore, #tpu.memory_space<semaphore_mem>>)
    %dma_wait3A_300 = arith.constant 0 : i32
    %dma_wait3A_301 = arith.constant 0 : i32
    %dma_wait3A_302 = arith.constant 0 : i32
    %dma_wait3A_303 = tpu.memref_slice %arg9[%dma_wait3A_300, %dma_wait3A_301, %dma_wait3A_302] : memref<2x512x16xf32, #tpu.memory_space<vmem>> -> memref<1x512x16xf32, #tpu.memory_space<vmem>>
    %dma_wait3A_304 = tpu.memref_squeeze %dma_wait3A_303 : memref<1x512x16xf32, #tpu.memory_space<vmem>> -> memref<512x16xf32, #tpu.memory_space<vmem>>
    %dma_wait3A_305 = arith.constant 0 : i32
    %dma_wait3A_306 = arith.constant 0 : i32
    %dma_wait3A_307 = tpu.memref_slice %arg4[%dma_wait3A_305, %dma_wait3A_306] : memref<1600000x16xf32, #tpu.memory_space<hbm>> -> memref<512x16xf32, #tpu.memory_space<hbm>>
    %dma_wait3A_308 = arith.constant 0 : i32
    %dma_wait3A_309 = arith.constant 0 : i32
    %dma_wait3A_310 = tpu.memref_slice %arg9[%dma_wait3A_300, %dma_wait3A_308, %dma_wait3A_309] : memref<2x512x16xf32, #tpu.memory_space<vmem>> -> memref<1x512x16xf32, #tpu.memory_space<vmem>>
    %dma_wait3A_311 = tpu.memref_squeeze %dma_wait3A_310 : memref<1x512x16xf32, #tpu.memory_space<vmem>> -> memref<512x16xf32, #tpu.memory_space<vmem>>
    %dma_wait3A_312 = arith.constant 0 : i32
    %dma_wait3A_313 = arith.constant 0 : i32
    %dma_wait3A_314 = tpu.memref_slice %arg4[%dma_wait3A_312, %dma_wait3A_313] : memref<1600000x16xf32, #tpu.memory_space<hbm>> -> memref<512x16xf32, #tpu.memory_space<hbm>>
    tpu.wait_dma2 semaphore(%arg14 : memref<!tpu.dma_semaphore, #tpu.memory_space<semaphore_mem>>) src(%dma_wait3A_314 : memref<512x16xf32, #tpu.memory_space<hbm>>) dst(%dma_wait3A_311 : memref<512x16xf32, #tpu.memory_space<vmem>>)
    %add3A_315 = arith.constant 2048 : i32
    %add3A_316 = arith.addi %mul3A_2, %add3A_315 : i32
    %run_scoped3A_317 = arith.constant 0 : i32
    "tpu.region"() ({
      %run_scoped3A_764 = tpu.sem_alloc : memref<!tpu.dma_semaphore, #tpu.memory_space<semaphore_mem>>
      %dma_start3A_765 = arith.constant 0 : i32
      %dma_start3A_766 = arith.constant 0 : i32
      %dma_start3A_767 = tpu.memref_slice %arg9[%run_scoped3A_317, %dma_start3A_765, %dma_start3A_766] : memref<2x512x16xf32, #tpu.memory_space<vmem>> -> memref<1x512x16xf32, #tpu.memory_space<vmem>>
      %dma_start3A_768 = tpu.memref_squeeze %dma_start3A_767 : memref<1x512x16xf32, #tpu.memory_space<vmem>> -> memref<512x16xf32, #tpu.memory_space<vmem>>
      %dma_start3A_769 = arith.constant 0 : i32
      %dma_start3A_770 = arith.constant 0 : i32
      %dma_start3A_771 = tpu.memref_slice %dma_start3A_768[%dma_start3A_769, %dma_start3A_770] : memref<512x16xf32, #tpu.memory_space<vmem>> -> memref<512x16xf32, #tpu.memory_space<vmem>>
      %dma_start3A_772 = arith.constant 0 : i32
      %dma_start3A_773 = tpu.memref_slice %arg12[%add3A_316, %dma_start3A_772] : memref<100352x16xf32, #tpu.memory_space<vmem_shared>> -> memref<512x16xf32, #tpu.memory_space<vmem_shared>>
      %dma_start3A_774 = arith.constant 0 : i32
      %dma_start3A_775 = arith.constant 0 : i32
      %dma_start3A_776 = tpu.memref_slice %arg9[%run_scoped3A_317, %dma_start3A_774, %dma_start3A_775] : memref<2x512x16xf32, #tpu.memory_space<vmem>> -> memref<1x512x16xf32, #tpu.memory_space<vmem>>
      %dma_start3A_777 = tpu.memref_squeeze %dma_start3A_776 : memref<1x512x16xf32, #tpu.memory_space<vmem>> -> memref<512x16xf32, #tpu.memory_space<vmem>>
      %dma_start3A_778 = arith.constant 0 : i32
      %dma_start3A_779 = arith.constant 0 : i32
      %dma_start3A_780 = tpu.memref_slice %dma_start3A_777[%dma_start3A_778, %dma_start3A_779] : memref<512x16xf32, #tpu.memory_space<vmem>> -> memref<512x16xf32, #tpu.memory_space<vmem>>
      %dma_start3A_781 = arith.constant 0 : i32
      %dma_start3A_782 = tpu.memref_slice %arg12[%add3A_316, %dma_start3A_781] : memref<100352x16xf32, #tpu.memory_space<vmem_shared>> -> memref<512x16xf32, #tpu.memory_space<vmem_shared>>
      tpu.enqueue_dma source(%dma_start3A_782 : memref<512x16xf32, #tpu.memory_space<vmem_shared>>) target(%dma_start3A_780 : memref<512x16xf32, #tpu.memory_space<vmem>>) target_semaphore(%run_scoped3A_764 : memref<!tpu.dma_semaphore, #tpu.memory_space<semaphore_mem>>)
      %dma_wait3A_783 = arith.constant 0 : i32
      %dma_wait3A_784 = arith.constant 0 : i32
      %dma_wait3A_785 = tpu.memref_slice %arg9[%run_scoped3A_317, %dma_wait3A_783, %dma_wait3A_784] : memref<2x512x16xf32, #tpu.memory_space<vmem>> -> memref<1x512x16xf32, #tpu.memory_space<vmem>>
      %dma_wait3A_786 = tpu.memref_squeeze %dma_wait3A_785 : memref<1x512x16xf32, #tpu.memory_space<vmem>> -> memref<512x16xf32, #tpu.memory_space<vmem>>
      %dma_wait3A_787 = arith.constant 0 : i32
      %dma_wait3A_788 = arith.constant 0 : i32
      %dma_wait3A_789 = tpu.memref_slice %dma_wait3A_786[%dma_wait3A_787, %dma_wait3A_788] : memref<512x16xf32, #tpu.memory_space<vmem>> -> memref<512x16xf32, #tpu.memory_space<vmem>>
      %dma_wait3A_790 = arith.constant 0 : i32
      %dma_wait3A_791 = tpu.memref_slice %arg12[%add3A_316, %dma_wait3A_790] : memref<100352x16xf32, #tpu.memory_space<vmem_shared>> -> memref<512x16xf32, #tpu.memory_space<vmem_shared>>
      %dma_wait3A_792 = arith.constant 0 : i32
      %dma_wait3A_793 = arith.constant 0 : i32
      %dma_wait3A_794 = tpu.memref_slice %arg9[%run_scoped3A_317, %dma_wait3A_792, %dma_wait3A_793] : memref<2x512x16xf32, #tpu.memory_space<vmem>> -> memref<1x512x16xf32, #tpu.memory_space<vmem>>
      %dma_wait3A_795 = tpu.memref_squeeze %dma_wait3A_794 : memref<1x512x16xf32, #tpu.memory_space<vmem>> -> memref<512x16xf32, #tpu.memory_space<vmem>>
      %dma_wait3A_796 = arith.constant 0 : i32
      %dma_wait3A_797 = arith.constant 0 : i32
      %dma_wait3A_798 = tpu.memref_slice %dma_wait3A_795[%dma_wait3A_796, %dma_wait3A_797] : memref<512x16xf32, #tpu.memory_space<vmem>> -> memref<512x16xf32, #tpu.memory_space<vmem>>
      %dma_wait3A_799 = arith.constant 0 : i32
      %dma_wait3A_800 = tpu.memref_slice %arg12[%add3A_316, %dma_wait3A_799] : memref<100352x16xf32, #tpu.memory_space<vmem_shared>> -> memref<512x16xf32, #tpu.memory_space<vmem_shared>>
      tpu.wait_dma2 semaphore(%run_scoped3A_764 : memref<!tpu.dma_semaphore, #tpu.memory_space<semaphore_mem>>) src(%dma_wait3A_800 : memref<512x16xf32, #tpu.memory_space<vmem_shared>>) dst(%dma_wait3A_798 : memref<512x16xf32, #tpu.memory_space<vmem>>)
      tpu.yield
    }) : () -> ()
    %add3A_318 = arith.constant 2048 : i32
    %add3A_319 = arith.addi %mul3A_2, %add3A_318 : i32
    %dma_start3A_320 = arith.constant 0 : i32
    %dma_start3A_321 = arith.constant 0 : i32
    %dma_start3A_322 = arith.constant 0 : i32
    %dma_start3A_323 = tpu.memref_slice %arg9[%dma_start3A_320, %dma_start3A_321, %dma_start3A_322] : memref<2x512x16xf32, #tpu.memory_space<vmem>> -> memref<1x512x16xf32, #tpu.memory_space<vmem>>
    %dma_start3A_324 = tpu.memref_squeeze %dma_start3A_323 : memref<1x512x16xf32, #tpu.memory_space<vmem>> -> memref<512x16xf32, #tpu.memory_space<vmem>>
    %dma_start3A_325 = arith.constant 0 : i32
    %dma_start3A_326 = arith.constant 0 : i32
    %dma_start3A_327 = tpu.memref_slice %dma_start3A_324[%dma_start3A_325, %dma_start3A_326] : memref<512x16xf32, #tpu.memory_space<vmem>> -> memref<512x16xf32, #tpu.memory_space<vmem>>
    %dma_start3A_328 = arith.constant 0 : i32
    %dma_start3A_329 = arith.constant 0 : i32
    %dma_start3A_330 = tpu.memref_slice %arg5[%arg0, %dma_start3A_328, %dma_start3A_329] : memref<2x100352x16xf32, #tpu.memory_space<hbm>> -> memref<1x100352x16xf32, #tpu.memory_space<hbm>>
    %dma_start3A_331 = tpu.memref_squeeze %dma_start3A_330 : memref<1x100352x16xf32, #tpu.memory_space<hbm>> -> memref<100352x16xf32, #tpu.memory_space<hbm>>
    %dma_start3A_332 = arith.constant 0 : i32
    %dma_start3A_333 = tpu.memref_slice %dma_start3A_331[%add3A_319, %dma_start3A_332] : memref<100352x16xf32, #tpu.memory_space<hbm>> -> memref<512x16xf32, #tpu.memory_space<hbm>>
    %dma_start3A_334 = arith.constant 0 : i32
    %dma_start3A_335 = arith.constant 0 : i32
    %dma_start3A_336 = tpu.memref_slice %arg5[%arg0, %dma_start3A_334, %dma_start3A_335] : memref<2x100352x16xf32, #tpu.memory_space<hbm>> -> memref<1x100352x16xf32, #tpu.memory_space<hbm>>
    %dma_start3A_337 = tpu.memref_squeeze %dma_start3A_336 : memref<1x100352x16xf32, #tpu.memory_space<hbm>> -> memref<100352x16xf32, #tpu.memory_space<hbm>>
    %dma_start3A_338 = arith.constant 0 : i32
    %dma_start3A_339 = tpu.memref_slice %dma_start3A_337[%add3A_319, %dma_start3A_338] : memref<100352x16xf32, #tpu.memory_space<hbm>> -> memref<512x16xf32, #tpu.memory_space<hbm>>
    %dma_start3A_340 = arith.constant 0 : i32
    %dma_start3A_341 = arith.constant 0 : i32
    %dma_start3A_342 = tpu.memref_slice %arg9[%dma_start3A_320, %dma_start3A_340, %dma_start3A_341] : memref<2x512x16xf32, #tpu.memory_space<vmem>> -> memref<1x512x16xf32, #tpu.memory_space<vmem>>
    %dma_start3A_343 = tpu.memref_squeeze %dma_start3A_342 : memref<1x512x16xf32, #tpu.memory_space<vmem>> -> memref<512x16xf32, #tpu.memory_space<vmem>>
    %dma_start3A_344 = arith.constant 0 : i32
    %dma_start3A_345 = arith.constant 0 : i32
    %dma_start3A_346 = tpu.memref_slice %dma_start3A_343[%dma_start3A_344, %dma_start3A_345] : memref<512x16xf32, #tpu.memory_space<vmem>> -> memref<512x16xf32, #tpu.memory_space<vmem>>
    tpu.enqueue_dma source(%dma_start3A_346 : memref<512x16xf32, #tpu.memory_space<vmem>>) target(%dma_start3A_339 : memref<512x16xf32, #tpu.memory_space<hbm>>) target_semaphore(%arg14 : memref<!tpu.dma_semaphore, #tpu.memory_space<semaphore_mem>>)
    %dma_wait3A_347 = arith.constant 1 : i32
    %dma_wait3A_348 = arith.constant 0 : i32
    %dma_wait3A_349 = arith.constant 0 : i32
    %dma_wait3A_350 = tpu.memref_slice %arg9[%dma_wait3A_347, %dma_wait3A_348, %dma_wait3A_349] : memref<2x512x16xf32, #tpu.memory_space<vmem>> -> memref<1x512x16xf32, #tpu.memory_space<vmem>>
    %dma_wait3A_351 = tpu.memref_squeeze %dma_wait3A_350 : memref<1x512x16xf32, #tpu.memory_space<vmem>> -> memref<512x16xf32, #tpu.memory_space<vmem>>
    %dma_wait3A_352 = arith.constant 0 : i32
    %dma_wait3A_353 = arith.constant 0 : i32
    %dma_wait3A_354 = tpu.memref_slice %arg4[%dma_wait3A_352, %dma_wait3A_353] : memref<1600000x16xf32, #tpu.memory_space<hbm>> -> memref<512x16xf32, #tpu.memory_space<hbm>>
    %dma_wait3A_355 = arith.constant 0 : i32
    %dma_wait3A_356 = arith.constant 0 : i32
    %dma_wait3A_357 = tpu.memref_slice %arg9[%dma_wait3A_347, %dma_wait3A_355, %dma_wait3A_356] : memref<2x512x16xf32, #tpu.memory_space<vmem>> -> memref<1x512x16xf32, #tpu.memory_space<vmem>>
    %dma_wait3A_358 = tpu.memref_squeeze %dma_wait3A_357 : memref<1x512x16xf32, #tpu.memory_space<vmem>> -> memref<512x16xf32, #tpu.memory_space<vmem>>
    %dma_wait3A_359 = arith.constant 0 : i32
    %dma_wait3A_360 = arith.constant 0 : i32
    %dma_wait3A_361 = tpu.memref_slice %arg4[%dma_wait3A_359, %dma_wait3A_360] : memref<1600000x16xf32, #tpu.memory_space<hbm>> -> memref<512x16xf32, #tpu.memory_space<hbm>>
    tpu.wait_dma2 semaphore(%arg15 : memref<!tpu.dma_semaphore, #tpu.memory_space<semaphore_mem>>) src(%dma_wait3A_361 : memref<512x16xf32, #tpu.memory_space<hbm>>) dst(%dma_wait3A_358 : memref<512x16xf32, #tpu.memory_space<vmem>>)
    %add3A_362 = arith.constant 2560 : i32
    %add3A_363 = arith.addi %mul3A_2, %add3A_362 : i32
    %run_scoped3A_364 = arith.constant 1 : i32
    "tpu.region"() ({
      %run_scoped3A_764 = tpu.sem_alloc : memref<!tpu.dma_semaphore, #tpu.memory_space<semaphore_mem>>
      %dma_start3A_765 = arith.constant 0 : i32
      %dma_start3A_766 = arith.constant 0 : i32
      %dma_start3A_767 = tpu.memref_slice %arg9[%run_scoped3A_364, %dma_start3A_765, %dma_start3A_766] : memref<2x512x16xf32, #tpu.memory_space<vmem>> -> memref<1x512x16xf32, #tpu.memory_space<vmem>>
      %dma_start3A_768 = tpu.memref_squeeze %dma_start3A_767 : memref<1x512x16xf32, #tpu.memory_space<vmem>> -> memref<512x16xf32, #tpu.memory_space<vmem>>
      %dma_start3A_769 = arith.constant 0 : i32
      %dma_start3A_770 = arith.constant 0 : i32
      %dma_start3A_771 = tpu.memref_slice %dma_start3A_768[%dma_start3A_769, %dma_start3A_770] : memref<512x16xf32, #tpu.memory_space<vmem>> -> memref<512x16xf32, #tpu.memory_space<vmem>>
      %dma_start3A_772 = arith.constant 0 : i32
      %dma_start3A_773 = tpu.memref_slice %arg12[%add3A_363, %dma_start3A_772] : memref<100352x16xf32, #tpu.memory_space<vmem_shared>> -> memref<512x16xf32, #tpu.memory_space<vmem_shared>>
      %dma_start3A_774 = arith.constant 0 : i32
      %dma_start3A_775 = arith.constant 0 : i32
      %dma_start3A_776 = tpu.memref_slice %arg9[%run_scoped3A_364, %dma_start3A_774, %dma_start3A_775] : memref<2x512x16xf32, #tpu.memory_space<vmem>> -> memref<1x512x16xf32, #tpu.memory_space<vmem>>
      %dma_start3A_777 = tpu.memref_squeeze %dma_start3A_776 : memref<1x512x16xf32, #tpu.memory_space<vmem>> -> memref<512x16xf32, #tpu.memory_space<vmem>>
      %dma_start3A_778 = arith.constant 0 : i32
      %dma_start3A_779 = arith.constant 0 : i32
      %dma_start3A_780 = tpu.memref_slice %dma_start3A_777[%dma_start3A_778, %dma_start3A_779] : memref<512x16xf32, #tpu.memory_space<vmem>> -> memref<512x16xf32, #tpu.memory_space<vmem>>
      %dma_start3A_781 = arith.constant 0 : i32
      %dma_start3A_782 = tpu.memref_slice %arg12[%add3A_363, %dma_start3A_781] : memref<100352x16xf32, #tpu.memory_space<vmem_shared>> -> memref<512x16xf32, #tpu.memory_space<vmem_shared>>
      tpu.enqueue_dma source(%dma_start3A_782 : memref<512x16xf32, #tpu.memory_space<vmem_shared>>) target(%dma_start3A_780 : memref<512x16xf32, #tpu.memory_space<vmem>>) target_semaphore(%run_scoped3A_764 : memref<!tpu.dma_semaphore, #tpu.memory_space<semaphore_mem>>)
      %dma_wait3A_783 = arith.constant 0 : i32
      %dma_wait3A_784 = arith.constant 0 : i32
      %dma_wait3A_785 = tpu.memref_slice %arg9[%run_scoped3A_364, %dma_wait3A_783, %dma_wait3A_784] : memref<2x512x16xf32, #tpu.memory_space<vmem>> -> memref<1x512x16xf32, #tpu.memory_space<vmem>>
      %dma_wait3A_786 = tpu.memref_squeeze %dma_wait3A_785 : memref<1x512x16xf32, #tpu.memory_space<vmem>> -> memref<512x16xf32, #tpu.memory_space<vmem>>
      %dma_wait3A_787 = arith.constant 0 : i32
      %dma_wait3A_788 = arith.constant 0 : i32
      %dma_wait3A_789 = tpu.memref_slice %dma_wait3A_786[%dma_wait3A_787, %dma_wait3A_788] : memref<512x16xf32, #tpu.memory_space<vmem>> -> memref<512x16xf32, #tpu.memory_space<vmem>>
      %dma_wait3A_790 = arith.constant 0 : i32
      %dma_wait3A_791 = tpu.memref_slice %arg12[%add3A_363, %dma_wait3A_790] : memref<100352x16xf32, #tpu.memory_space<vmem_shared>> -> memref<512x16xf32, #tpu.memory_space<vmem_shared>>
      %dma_wait3A_792 = arith.constant 0 : i32
      %dma_wait3A_793 = arith.constant 0 : i32
      %dma_wait3A_794 = tpu.memref_slice %arg9[%run_scoped3A_364, %dma_wait3A_792, %dma_wait3A_793] : memref<2x512x16xf32, #tpu.memory_space<vmem>> -> memref<1x512x16xf32, #tpu.memory_space<vmem>>
      %dma_wait3A_795 = tpu.memref_squeeze %dma_wait3A_794 : memref<1x512x16xf32, #tpu.memory_space<vmem>> -> memref<512x16xf32, #tpu.memory_space<vmem>>
      %dma_wait3A_796 = arith.constant 0 : i32
      %dma_wait3A_797 = arith.constant 0 : i32
      %dma_wait3A_798 = tpu.memref_slice %dma_wait3A_795[%dma_wait3A_796, %dma_wait3A_797] : memref<512x16xf32, #tpu.memory_space<vmem>> -> memref<512x16xf32, #tpu.memory_space<vmem>>
      %dma_wait3A_799 = arith.constant 0 : i32
      %dma_wait3A_800 = tpu.memref_slice %arg12[%add3A_363, %dma_wait3A_799] : memref<100352x16xf32, #tpu.memory_space<vmem_shared>> -> memref<512x16xf32, #tpu.memory_space<vmem_shared>>
      tpu.wait_dma2 semaphore(%run_scoped3A_764 : memref<!tpu.dma_semaphore, #tpu.memory_space<semaphore_mem>>) src(%dma_wait3A_800 : memref<512x16xf32, #tpu.memory_space<vmem_shared>>) dst(%dma_wait3A_798 : memref<512x16xf32, #tpu.memory_space<vmem>>)
      tpu.yield
    }) : () -> ()
    %add3A_365 = arith.constant 2560 : i32
    %add3A_366 = arith.addi %mul3A_2, %add3A_365 : i32
    %dma_start3A_367 = arith.constant 1 : i32
    %dma_start3A_368 = arith.constant 0 : i32
    %dma_start3A_369 = arith.constant 0 : i32
    %dma_start3A_370 = tpu.memref_slice %arg9[%dma_start3A_367, %dma_start3A_368, %dma_start3A_369] : memref<2x512x16xf32, #tpu.memory_space<vmem>> -> memref<1x512x16xf32, #tpu.memory_space<vmem>>
    %dma_start3A_371 = tpu.memref_squeeze %dma_start3A_370 : memref<1x512x16xf32, #tpu.memory_space<vmem>> -> memref<512x16xf32, #tpu.memory_space<vmem>>
    %dma_start3A_372 = arith.constant 0 : i32
    %dma_start3A_373 = arith.constant 0 : i32
    %dma_start3A_374 = tpu.memref_slice %dma_start3A_371[%dma_start3A_372, %dma_start3A_373] : memref<512x16xf32, #tpu.memory_space<vmem>> -> memref<512x16xf32, #tpu.memory_space<vmem>>
    %dma_start3A_375 = arith.constant 0 : i32
    %dma_start3A_376 = arith.constant 0 : i32
    %dma_start3A_377 = tpu.memref_slice %arg5[%arg0, %dma_start3A_375, %dma_start3A_376] : memref<2x100352x16xf32, #tpu.memory_space<hbm>> -> memref<1x100352x16xf32, #tpu.memory_space<hbm>>
    %dma_start3A_378 = tpu.memref_squeeze %dma_start3A_377 : memref<1x100352x16xf32, #tpu.memory_space<hbm>> -> memref<100352x16xf32, #tpu.memory_space<hbm>>
    %dma_start3A_379 = arith.constant 0 : i32
    %dma_start3A_380 = tpu.memref_slice %dma_start3A_378[%add3A_366, %dma_start3A_379] : memref<100352x16xf32, #tpu.memory_space<hbm>> -> memref<512x16xf32, #tpu.memory_space<hbm>>
    %dma_start3A_381 = arith.constant 0 : i32
    %dma_start3A_382 = arith.constant 0 : i32
    %dma_start3A_383 = tpu.memref_slice %arg5[%arg0, %dma_start3A_381, %dma_start3A_382] : memref<2x100352x16xf32, #tpu.memory_space<hbm>> -> memref<1x100352x16xf32, #tpu.memory_space<hbm>>
    %dma_start3A_384 = tpu.memref_squeeze %dma_start3A_383 : memref<1x100352x16xf32, #tpu.memory_space<hbm>> -> memref<100352x16xf32, #tpu.memory_space<hbm>>
    %dma_start3A_385 = arith.constant 0 : i32
    %dma_start3A_386 = tpu.memref_slice %dma_start3A_384[%add3A_366, %dma_start3A_385] : memref<100352x16xf32, #tpu.memory_space<hbm>> -> memref<512x16xf32, #tpu.memory_space<hbm>>
    %dma_start3A_387 = arith.constant 0 : i32
    %dma_start3A_388 = arith.constant 0 : i32
    %dma_start3A_389 = tpu.memref_slice %arg9[%dma_start3A_367, %dma_start3A_387, %dma_start3A_388] : memref<2x512x16xf32, #tpu.memory_space<vmem>> -> memref<1x512x16xf32, #tpu.memory_space<vmem>>
    %dma_start3A_390 = tpu.memref_squeeze %dma_start3A_389 : memref<1x512x16xf32, #tpu.memory_space<vmem>> -> memref<512x16xf32, #tpu.memory_space<vmem>>
    %dma_start3A_391 = arith.constant 0 : i32
    %dma_start3A_392 = arith.constant 0 : i32
    %dma_start3A_393 = tpu.memref_slice %dma_start3A_390[%dma_start3A_391, %dma_start3A_392] : memref<512x16xf32, #tpu.memory_space<vmem>> -> memref<512x16xf32, #tpu.memory_space<vmem>>
    tpu.enqueue_dma source(%dma_start3A_393 : memref<512x16xf32, #tpu.memory_space<vmem>>) target(%dma_start3A_386 : memref<512x16xf32, #tpu.memory_space<hbm>>) target_semaphore(%arg15 : memref<!tpu.dma_semaphore, #tpu.memory_space<semaphore_mem>>)
    %dma_wait3A_394 = arith.constant 0 : i32
    %dma_wait3A_395 = arith.constant 0 : i32
    %dma_wait3A_396 = arith.constant 0 : i32
    %dma_wait3A_397 = tpu.memref_slice %arg9[%dma_wait3A_394, %dma_wait3A_395, %dma_wait3A_396] : memref<2x512x16xf32, #tpu.memory_space<vmem>> -> memref<1x512x16xf32, #tpu.memory_space<vmem>>
    %dma_wait3A_398 = tpu.memref_squeeze %dma_wait3A_397 : memref<1x512x16xf32, #tpu.memory_space<vmem>> -> memref<512x16xf32, #tpu.memory_space<vmem>>
    %dma_wait3A_399 = arith.constant 0 : i32
    %dma_wait3A_400 = arith.constant 0 : i32
    %dma_wait3A_401 = tpu.memref_slice %arg4[%dma_wait3A_399, %dma_wait3A_400] : memref<1600000x16xf32, #tpu.memory_space<hbm>> -> memref<512x16xf32, #tpu.memory_space<hbm>>
    %dma_wait3A_402 = arith.constant 0 : i32
    %dma_wait3A_403 = arith.constant 0 : i32
    %dma_wait3A_404 = tpu.memref_slice %arg9[%dma_wait3A_394, %dma_wait3A_402, %dma_wait3A_403] : memref<2x512x16xf32, #tpu.memory_space<vmem>> -> memref<1x512x16xf32, #tpu.memory_space<vmem>>
    %dma_wait3A_405 = tpu.memref_squeeze %dma_wait3A_404 : memref<1x512x16xf32, #tpu.memory_space<vmem>> -> memref<512x16xf32, #tpu.memory_space<vmem>>
    %dma_wait3A_406 = arith.constant 0 : i32
    %dma_wait3A_407 = arith.constant 0 : i32
    %dma_wait3A_408 = tpu.memref_slice %arg4[%dma_wait3A_406, %dma_wait3A_407] : memref<1600000x16xf32, #tpu.memory_space<hbm>> -> memref<512x16xf32, #tpu.memory_space<hbm>>
    tpu.wait_dma2 semaphore(%arg14 : memref<!tpu.dma_semaphore, #tpu.memory_space<semaphore_mem>>) src(%dma_wait3A_408 : memref<512x16xf32, #tpu.memory_space<hbm>>) dst(%dma_wait3A_405 : memref<512x16xf32, #tpu.memory_space<vmem>>)
    %add3A_409 = arith.constant 3072 : i32
    %add3A_410 = arith.addi %mul3A_2, %add3A_409 : i32
    %run_scoped3A_411 = arith.constant 0 : i32
    "tpu.region"() ({
      %run_scoped3A_764 = tpu.sem_alloc : memref<!tpu.dma_semaphore, #tpu.memory_space<semaphore_mem>>
      %dma_start3A_765 = arith.constant 0 : i32
      %dma_start3A_766 = arith.constant 0 : i32
      %dma_start3A_767 = tpu.memref_slice %arg9[%run_scoped3A_411, %dma_start3A_765, %dma_start3A_766] : memref<2x512x16xf32, #tpu.memory_space<vmem>> -> memref<1x512x16xf32, #tpu.memory_space<vmem>>
      %dma_start3A_768 = tpu.memref_squeeze %dma_start3A_767 : memref<1x512x16xf32, #tpu.memory_space<vmem>> -> memref<512x16xf32, #tpu.memory_space<vmem>>
      %dma_start3A_769 = arith.constant 0 : i32
      %dma_start3A_770 = arith.constant 0 : i32
      %dma_start3A_771 = tpu.memref_slice %dma_start3A_768[%dma_start3A_769, %dma_start3A_770] : memref<512x16xf32, #tpu.memory_space<vmem>> -> memref<512x16xf32, #tpu.memory_space<vmem>>
      %dma_start3A_772 = arith.constant 0 : i32
      %dma_start3A_773 = tpu.memref_slice %arg12[%add3A_410, %dma_start3A_772] : memref<100352x16xf32, #tpu.memory_space<vmem_shared>> -> memref<512x16xf32, #tpu.memory_space<vmem_shared>>
      %dma_start3A_774 = arith.constant 0 : i32
      %dma_start3A_775 = arith.constant 0 : i32
      %dma_start3A_776 = tpu.memref_slice %arg9[%run_scoped3A_411, %dma_start3A_774, %dma_start3A_775] : memref<2x512x16xf32, #tpu.memory_space<vmem>> -> memref<1x512x16xf32, #tpu.memory_space<vmem>>
      %dma_start3A_777 = tpu.memref_squeeze %dma_start3A_776 : memref<1x512x16xf32, #tpu.memory_space<vmem>> -> memref<512x16xf32, #tpu.memory_space<vmem>>
      %dma_start3A_778 = arith.constant 0 : i32
      %dma_start3A_779 = arith.constant 0 : i32
      %dma_start3A_780 = tpu.memref_slice %dma_start3A_777[%dma_start3A_778, %dma_start3A_779] : memref<512x16xf32, #tpu.memory_space<vmem>> -> memref<512x16xf32, #tpu.memory_space<vmem>>
      %dma_start3A_781 = arith.constant 0 : i32
      %dma_start3A_782 = tpu.memref_slice %arg12[%add3A_410, %dma_start3A_781] : memref<100352x16xf32, #tpu.memory_space<vmem_shared>> -> memref<512x16xf32, #tpu.memory_space<vmem_shared>>
      tpu.enqueue_dma source(%dma_start3A_782 : memref<512x16xf32, #tpu.memory_space<vmem_shared>>) target(%dma_start3A_780 : memref<512x16xf32, #tpu.memory_space<vmem>>) target_semaphore(%run_scoped3A_764 : memref<!tpu.dma_semaphore, #tpu.memory_space<semaphore_mem>>)
      %dma_wait3A_783 = arith.constant 0 : i32
      %dma_wait3A_784 = arith.constant 0 : i32
      %dma_wait3A_785 = tpu.memref_slice %arg9[%run_scoped3A_411, %dma_wait3A_783, %dma_wait3A_784] : memref<2x512x16xf32, #tpu.memory_space<vmem>> -> memref<1x512x16xf32, #tpu.memory_space<vmem>>
      %dma_wait3A_786 = tpu.memref_squeeze %dma_wait3A_785 : memref<1x512x16xf32, #tpu.memory_space<vmem>> -> memref<512x16xf32, #tpu.memory_space<vmem>>
      %dma_wait3A_787 = arith.constant 0 : i32
      %dma_wait3A_788 = arith.constant 0 : i32
      %dma_wait3A_789 = tpu.memref_slice %dma_wait3A_786[%dma_wait3A_787, %dma_wait3A_788] : memref<512x16xf32, #tpu.memory_space<vmem>> -> memref<512x16xf32, #tpu.memory_space<vmem>>
      %dma_wait3A_790 = arith.constant 0 : i32
      %dma_wait3A_791 = tpu.memref_slice %arg12[%add3A_410, %dma_wait3A_790] : memref<100352x16xf32, #tpu.memory_space<vmem_shared>> -> memref<512x16xf32, #tpu.memory_space<vmem_shared>>
      %dma_wait3A_792 = arith.constant 0 : i32
      %dma_wait3A_793 = arith.constant 0 : i32
      %dma_wait3A_794 = tpu.memref_slice %arg9[%run_scoped3A_411, %dma_wait3A_792, %dma_wait3A_793] : memref<2x512x16xf32, #tpu.memory_space<vmem>> -> memref<1x512x16xf32, #tpu.memory_space<vmem>>
      %dma_wait3A_795 = tpu.memref_squeeze %dma_wait3A_794 : memref<1x512x16xf32, #tpu.memory_space<vmem>> -> memref<512x16xf32, #tpu.memory_space<vmem>>
      %dma_wait3A_796 = arith.constant 0 : i32
      %dma_wait3A_797 = arith.constant 0 : i32
      %dma_wait3A_798 = tpu.memref_slice %dma_wait3A_795[%dma_wait3A_796, %dma_wait3A_797] : memref<512x16xf32, #tpu.memory_space<vmem>> -> memref<512x16xf32, #tpu.memory_space<vmem>>
      %dma_wait3A_799 = arith.constant 0 : i32
      %dma_wait3A_800 = tpu.memref_slice %arg12[%add3A_410, %dma_wait3A_799] : memref<100352x16xf32, #tpu.memory_space<vmem_shared>> -> memref<512x16xf32, #tpu.memory_space<vmem_shared>>
      tpu.wait_dma2 semaphore(%run_scoped3A_764 : memref<!tpu.dma_semaphore, #tpu.memory_space<semaphore_mem>>) src(%dma_wait3A_800 : memref<512x16xf32, #tpu.memory_space<vmem_shared>>) dst(%dma_wait3A_798 : memref<512x16xf32, #tpu.memory_space<vmem>>)
      tpu.yield
    }) : () -> ()
    %add3A_412 = arith.constant 3072 : i32
    %add3A_413 = arith.addi %mul3A_2, %add3A_412 : i32
    %dma_start3A_414 = arith.constant 0 : i32
    %dma_start3A_415 = arith.constant 0 : i32
    %dma_start3A_416 = arith.constant 0 : i32
    %dma_start3A_417 = tpu.memref_slice %arg9[%dma_start3A_414, %dma_start3A_415, %dma_start3A_416] : memref<2x512x16xf32, #tpu.memory_space<vmem>> -> memref<1x512x16xf32, #tpu.memory_space<vmem>>
    %dma_start3A_418 = tpu.memref_squeeze %dma_start3A_417 : memref<1x512x16xf32, #tpu.memory_space<vmem>> -> memref<512x16xf32, #tpu.memory_space<vmem>>
    %dma_start3A_419 = arith.constant 0 : i32
    %dma_start3A_420 = arith.constant 0 : i32
    %dma_start3A_421 = tpu.memref_slice %dma_start3A_418[%dma_start3A_419, %dma_start3A_420] : memref<512x16xf32, #tpu.memory_space<vmem>> -> memref<512x16xf32, #tpu.memory_space<vmem>>
    %dma_start3A_422 = arith.constant 0 : i32
    %dma_start3A_423 = arith.constant 0 : i32
    %dma_start3A_424 = tpu.memref_slice %arg5[%arg0, %dma_start3A_422, %dma_start3A_423] : memref<2x100352x16xf32, #tpu.memory_space<hbm>> -> memref<1x100352x16xf32, #tpu.memory_space<hbm>>
    %dma_start3A_425 = tpu.memref_squeeze %dma_start3A_424 : memref<1x100352x16xf32, #tpu.memory_space<hbm>> -> memref<100352x16xf32, #tpu.memory_space<hbm>>
    %dma_start3A_426 = arith.constant 0 : i32
    %dma_start3A_427 = tpu.memref_slice %dma_start3A_425[%add3A_413, %dma_start3A_426] : memref<100352x16xf32, #tpu.memory_space<hbm>> -> memref<512x16xf32, #tpu.memory_space<hbm>>
    %dma_start3A_428 = arith.constant 0 : i32
    %dma_start3A_429 = arith.constant 0 : i32
    %dma_start3A_430 = tpu.memref_slice %arg5[%arg0, %dma_start3A_428, %dma_start3A_429] : memref<2x100352x16xf32, #tpu.memory_space<hbm>> -> memref<1x100352x16xf32, #tpu.memory_space<hbm>>
    %dma_start3A_431 = tpu.memref_squeeze %dma_start3A_430 : memref<1x100352x16xf32, #tpu.memory_space<hbm>> -> memref<100352x16xf32, #tpu.memory_space<hbm>>
    %dma_start3A_432 = arith.constant 0 : i32
    %dma_start3A_433 = tpu.memref_slice %dma_start3A_431[%add3A_413, %dma_start3A_432] : memref<100352x16xf32, #tpu.memory_space<hbm>> -> memref<512x16xf32, #tpu.memory_space<hbm>>
    %dma_start3A_434 = arith.constant 0 : i32
    %dma_start3A_435 = arith.constant 0 : i32
    %dma_start3A_436 = tpu.memref_slice %arg9[%dma_start3A_414, %dma_start3A_434, %dma_start3A_435] : memref<2x512x16xf32, #tpu.memory_space<vmem>> -> memref<1x512x16xf32, #tpu.memory_space<vmem>>
    %dma_start3A_437 = tpu.memref_squeeze %dma_start3A_436 : memref<1x512x16xf32, #tpu.memory_space<vmem>> -> memref<512x16xf32, #tpu.memory_space<vmem>>
    %dma_start3A_438 = arith.constant 0 : i32
    %dma_start3A_439 = arith.constant 0 : i32
    %dma_start3A_440 = tpu.memref_slice %dma_start3A_437[%dma_start3A_438, %dma_start3A_439] : memref<512x16xf32, #tpu.memory_space<vmem>> -> memref<512x16xf32, #tpu.memory_space<vmem>>
    tpu.enqueue_dma source(%dma_start3A_440 : memref<512x16xf32, #tpu.memory_space<vmem>>) target(%dma_start3A_433 : memref<512x16xf32, #tpu.memory_space<hbm>>) target_semaphore(%arg14 : memref<!tpu.dma_semaphore, #tpu.memory_space<semaphore_mem>>)
    %dma_wait3A_441 = arith.constant 1 : i32
    %dma_wait3A_442 = arith.constant 0 : i32
    %dma_wait3A_443 = arith.constant 0 : i32
    %dma_wait3A_444 = tpu.memref_slice %arg9[%dma_wait3A_441, %dma_wait3A_442, %dma_wait3A_443] : memref<2x512x16xf32, #tpu.memory_space<vmem>> -> memref<1x512x16xf32, #tpu.memory_space<vmem>>
    %dma_wait3A_445 = tpu.memref_squeeze %dma_wait3A_444 : memref<1x512x16xf32, #tpu.memory_space<vmem>> -> memref<512x16xf32, #tpu.memory_space<vmem>>
    %dma_wait3A_446 = arith.constant 0 : i32
    %dma_wait3A_447 = arith.constant 0 : i32
    %dma_wait3A_448 = tpu.memref_slice %arg4[%dma_wait3A_446, %dma_wait3A_447] : memref<1600000x16xf32, #tpu.memory_space<hbm>> -> memref<512x16xf32, #tpu.memory_space<hbm>>
    %dma_wait3A_449 = arith.constant 0 : i32
    %dma_wait3A_450 = arith.constant 0 : i32
    %dma_wait3A_451 = tpu.memref_slice %arg9[%dma_wait3A_441, %dma_wait3A_449, %dma_wait3A_450] : memref<2x512x16xf32, #tpu.memory_space<vmem>> -> memref<1x512x16xf32, #tpu.memory_space<vmem>>
    %dma_wait3A_452 = tpu.memref_squeeze %dma_wait3A_451 : memref<1x512x16xf32, #tpu.memory_space<vmem>> -> memref<512x16xf32, #tpu.memory_space<vmem>>
    %dma_wait3A_453 = arith.constant 0 : i32
    %dma_wait3A_454 = arith.constant 0 : i32
    %dma_wait3A_455 = tpu.memref_slice %arg4[%dma_wait3A_453, %dma_wait3A_454] : memref<1600000x16xf32, #tpu.memory_space<hbm>> -> memref<512x16xf32, #tpu.memory_space<hbm>>
    tpu.wait_dma2 semaphore(%arg15 : memref<!tpu.dma_semaphore, #tpu.memory_space<semaphore_mem>>) src(%dma_wait3A_455 : memref<512x16xf32, #tpu.memory_space<hbm>>) dst(%dma_wait3A_452 : memref<512x16xf32, #tpu.memory_space<vmem>>)
    %add3A_456 = arith.constant 3584 : i32
    %add3A_457 = arith.addi %mul3A_2, %add3A_456 : i32
    %run_scoped3A_458 = arith.constant 1 : i32
    "tpu.region"() ({
      %run_scoped3A_764 = tpu.sem_alloc : memref<!tpu.dma_semaphore, #tpu.memory_space<semaphore_mem>>
      %dma_start3A_765 = arith.constant 0 : i32
      %dma_start3A_766 = arith.constant 0 : i32
      %dma_start3A_767 = tpu.memref_slice %arg9[%run_scoped3A_458, %dma_start3A_765, %dma_start3A_766] : memref<2x512x16xf32, #tpu.memory_space<vmem>> -> memref<1x512x16xf32, #tpu.memory_space<vmem>>
      %dma_start3A_768 = tpu.memref_squeeze %dma_start3A_767 : memref<1x512x16xf32, #tpu.memory_space<vmem>> -> memref<512x16xf32, #tpu.memory_space<vmem>>
      %dma_start3A_769 = arith.constant 0 : i32
      %dma_start3A_770 = arith.constant 0 : i32
      %dma_start3A_771 = tpu.memref_slice %dma_start3A_768[%dma_start3A_769, %dma_start3A_770] : memref<512x16xf32, #tpu.memory_space<vmem>> -> memref<512x16xf32, #tpu.memory_space<vmem>>
      %dma_start3A_772 = arith.constant 0 : i32
      %dma_start3A_773 = tpu.memref_slice %arg12[%add3A_457, %dma_start3A_772] : memref<100352x16xf32, #tpu.memory_space<vmem_shared>> -> memref<512x16xf32, #tpu.memory_space<vmem_shared>>
      %dma_start3A_774 = arith.constant 0 : i32
      %dma_start3A_775 = arith.constant 0 : i32
      %dma_start3A_776 = tpu.memref_slice %arg9[%run_scoped3A_458, %dma_start3A_774, %dma_start3A_775] : memref<2x512x16xf32, #tpu.memory_space<vmem>> -> memref<1x512x16xf32, #tpu.memory_space<vmem>>
      %dma_start3A_777 = tpu.memref_squeeze %dma_start3A_776 : memref<1x512x16xf32, #tpu.memory_space<vmem>> -> memref<512x16xf32, #tpu.memory_space<vmem>>
      %dma_start3A_778 = arith.constant 0 : i32
      %dma_start3A_779 = arith.constant 0 : i32
      %dma_start3A_780 = tpu.memref_slice %dma_start3A_777[%dma_start3A_778, %dma_start3A_779] : memref<512x16xf32, #tpu.memory_space<vmem>> -> memref<512x16xf32, #tpu.memory_space<vmem>>
      %dma_start3A_781 = arith.constant 0 : i32
      %dma_start3A_782 = tpu.memref_slice %arg12[%add3A_457, %dma_start3A_781] : memref<100352x16xf32, #tpu.memory_space<vmem_shared>> -> memref<512x16xf32, #tpu.memory_space<vmem_shared>>
      tpu.enqueue_dma source(%dma_start3A_782 : memref<512x16xf32, #tpu.memory_space<vmem_shared>>) target(%dma_start3A_780 : memref<512x16xf32, #tpu.memory_space<vmem>>) target_semaphore(%run_scoped3A_764 : memref<!tpu.dma_semaphore, #tpu.memory_space<semaphore_mem>>)
      %dma_wait3A_783 = arith.constant 0 : i32
      %dma_wait3A_784 = arith.constant 0 : i32
      %dma_wait3A_785 = tpu.memref_slice %arg9[%run_scoped3A_458, %dma_wait3A_783, %dma_wait3A_784] : memref<2x512x16xf32, #tpu.memory_space<vmem>> -> memref<1x512x16xf32, #tpu.memory_space<vmem>>
      %dma_wait3A_786 = tpu.memref_squeeze %dma_wait3A_785 : memref<1x512x16xf32, #tpu.memory_space<vmem>> -> memref<512x16xf32, #tpu.memory_space<vmem>>
      %dma_wait3A_787 = arith.constant 0 : i32
      %dma_wait3A_788 = arith.constant 0 : i32
      %dma_wait3A_789 = tpu.memref_slice %dma_wait3A_786[%dma_wait3A_787, %dma_wait3A_788] : memref<512x16xf32, #tpu.memory_space<vmem>> -> memref<512x16xf32, #tpu.memory_space<vmem>>
      %dma_wait3A_790 = arith.constant 0 : i32
      %dma_wait3A_791 = tpu.memref_slice %arg12[%add3A_457, %dma_wait3A_790] : memref<100352x16xf32, #tpu.memory_space<vmem_shared>> -> memref<512x16xf32, #tpu.memory_space<vmem_shared>>
      %dma_wait3A_792 = arith.constant 0 : i32
      %dma_wait3A_793 = arith.constant 0 : i32
      %dma_wait3A_794 = tpu.memref_slice %arg9[%run_scoped3A_458, %dma_wait3A_792, %dma_wait3A_793] : memref<2x512x16xf32, #tpu.memory_space<vmem>> -> memref<1x512x16xf32, #tpu.memory_space<vmem>>
      %dma_wait3A_795 = tpu.memref_squeeze %dma_wait3A_794 : memref<1x512x16xf32, #tpu.memory_space<vmem>> -> memref<512x16xf32, #tpu.memory_space<vmem>>
      %dma_wait3A_796 = arith.constant 0 : i32
      %dma_wait3A_797 = arith.constant 0 : i32
      %dma_wait3A_798 = tpu.memref_slice %dma_wait3A_795[%dma_wait3A_796, %dma_wait3A_797] : memref<512x16xf32, #tpu.memory_space<vmem>> -> memref<512x16xf32, #tpu.memory_space<vmem>>
      %dma_wait3A_799 = arith.constant 0 : i32
      %dma_wait3A_800 = tpu.memref_slice %arg12[%add3A_457, %dma_wait3A_799] : memref<100352x16xf32, #tpu.memory_space<vmem_shared>> -> memref<512x16xf32, #tpu.memory_space<vmem_shared>>
      tpu.wait_dma2 semaphore(%run_scoped3A_764 : memref<!tpu.dma_semaphore, #tpu.memory_space<semaphore_mem>>) src(%dma_wait3A_800 : memref<512x16xf32, #tpu.memory_space<vmem_shared>>) dst(%dma_wait3A_798 : memref<512x16xf32, #tpu.memory_space<vmem>>)
      tpu.yield
    }) : () -> ()
    %add3A_459 = arith.constant 3584 : i32
    %add3A_460 = arith.addi %mul3A_2, %add3A_459 : i32
    %dma_start3A_461 = arith.constant 1 : i32
    %dma_start3A_462 = arith.constant 0 : i32
    %dma_start3A_463 = arith.constant 0 : i32
    %dma_start3A_464 = tpu.memref_slice %arg9[%dma_start3A_461, %dma_start3A_462, %dma_start3A_463] : memref<2x512x16xf32, #tpu.memory_space<vmem>> -> memref<1x512x16xf32, #tpu.memory_space<vmem>>
    %dma_start3A_465 = tpu.memref_squeeze %dma_start3A_464 : memref<1x512x16xf32, #tpu.memory_space<vmem>> -> memref<512x16xf32, #tpu.memory_space<vmem>>
    %dma_start3A_466 = arith.constant 0 : i32
    %dma_start3A_467 = arith.constant 0 : i32
    %dma_start3A_468 = tpu.memref_slice %dma_start3A_465[%dma_start3A_466, %dma_start3A_467] : memref<512x16xf32, #tpu.memory_space<vmem>> -> memref<512x16xf32, #tpu.memory_space<vmem>>
    %dma_start3A_469 = arith.constant 0 : i32
    %dma_start3A_470 = arith.constant 0 : i32
    %dma_start3A_471 = tpu.memref_slice %arg5[%arg0, %dma_start3A_469, %dma_start3A_470] : memref<2x100352x16xf32, #tpu.memory_space<hbm>> -> memref<1x100352x16xf32, #tpu.memory_space<hbm>>
    %dma_start3A_472 = tpu.memref_squeeze %dma_start3A_471 : memref<1x100352x16xf32, #tpu.memory_space<hbm>> -> memref<100352x16xf32, #tpu.memory_space<hbm>>
    %dma_start3A_473 = arith.constant 0 : i32
    %dma_start3A_474 = tpu.memref_slice %dma_start3A_472[%add3A_460, %dma_start3A_473] : memref<100352x16xf32, #tpu.memory_space<hbm>> -> memref<512x16xf32, #tpu.memory_space<hbm>>
    %dma_start3A_475 = arith.constant 0 : i32
    %dma_start3A_476 = arith.constant 0 : i32
    %dma_start3A_477 = tpu.memref_slice %arg5[%arg0, %dma_start3A_475, %dma_start3A_476] : memref<2x100352x16xf32, #tpu.memory_space<hbm>> -> memref<1x100352x16xf32, #tpu.memory_space<hbm>>
    %dma_start3A_478 = tpu.memref_squeeze %dma_start3A_477 : memref<1x100352x16xf32, #tpu.memory_space<hbm>> -> memref<100352x16xf32, #tpu.memory_space<hbm>>
    %dma_start3A_479 = arith.constant 0 : i32
    %dma_start3A_480 = tpu.memref_slice %dma_start3A_478[%add3A_460, %dma_start3A_479] : memref<100352x16xf32, #tpu.memory_space<hbm>> -> memref<512x16xf32, #tpu.memory_space<hbm>>
    %dma_start3A_481 = arith.constant 0 : i32
    %dma_start3A_482 = arith.constant 0 : i32
    %dma_start3A_483 = tpu.memref_slice %arg9[%dma_start3A_461, %dma_start3A_481, %dma_start3A_482] : memref<2x512x16xf32, #tpu.memory_space<vmem>> -> memref<1x512x16xf32, #tpu.memory_space<vmem>>
    %dma_start3A_484 = tpu.memref_squeeze %dma_start3A_483 : memref<1x512x16xf32, #tpu.memory_space<vmem>> -> memref<512x16xf32, #tpu.memory_space<vmem>>
    %dma_start3A_485 = arith.constant 0 : i32
    %dma_start3A_486 = arith.constant 0 : i32
    %dma_start3A_487 = tpu.memref_slice %dma_start3A_484[%dma_start3A_485, %dma_start3A_486] : memref<512x16xf32, #tpu.memory_space<vmem>> -> memref<512x16xf32, #tpu.memory_space<vmem>>
    tpu.enqueue_dma source(%dma_start3A_487 : memref<512x16xf32, #tpu.memory_space<vmem>>) target(%dma_start3A_480 : memref<512x16xf32, #tpu.memory_space<hbm>>) target_semaphore(%arg15 : memref<!tpu.dma_semaphore, #tpu.memory_space<semaphore_mem>>)
    %dma_wait3A_488 = arith.constant 0 : i32
    %dma_wait3A_489 = arith.constant 0 : i32
    %dma_wait3A_490 = arith.constant 0 : i32
    %dma_wait3A_491 = tpu.memref_slice %arg9[%dma_wait3A_488, %dma_wait3A_489, %dma_wait3A_490] : memref<2x512x16xf32, #tpu.memory_space<vmem>> -> memref<1x512x16xf32, #tpu.memory_space<vmem>>
    %dma_wait3A_492 = tpu.memref_squeeze %dma_wait3A_491 : memref<1x512x16xf32, #tpu.memory_space<vmem>> -> memref<512x16xf32, #tpu.memory_space<vmem>>
    %dma_wait3A_493 = arith.constant 0 : i32
    %dma_wait3A_494 = arith.constant 0 : i32
    %dma_wait3A_495 = tpu.memref_slice %arg4[%dma_wait3A_493, %dma_wait3A_494] : memref<1600000x16xf32, #tpu.memory_space<hbm>> -> memref<512x16xf32, #tpu.memory_space<hbm>>
    %dma_wait3A_496 = arith.constant 0 : i32
    %dma_wait3A_497 = arith.constant 0 : i32
    %dma_wait3A_498 = tpu.memref_slice %arg9[%dma_wait3A_488, %dma_wait3A_496, %dma_wait3A_497] : memref<2x512x16xf32, #tpu.memory_space<vmem>> -> memref<1x512x16xf32, #tpu.memory_space<vmem>>
    %dma_wait3A_499 = tpu.memref_squeeze %dma_wait3A_498 : memref<1x512x16xf32, #tpu.memory_space<vmem>> -> memref<512x16xf32, #tpu.memory_space<vmem>>
    %dma_wait3A_500 = arith.constant 0 : i32
    %dma_wait3A_501 = arith.constant 0 : i32
    %dma_wait3A_502 = tpu.memref_slice %arg4[%dma_wait3A_500, %dma_wait3A_501] : memref<1600000x16xf32, #tpu.memory_space<hbm>> -> memref<512x16xf32, #tpu.memory_space<hbm>>
    tpu.wait_dma2 semaphore(%arg14 : memref<!tpu.dma_semaphore, #tpu.memory_space<semaphore_mem>>) src(%dma_wait3A_502 : memref<512x16xf32, #tpu.memory_space<hbm>>) dst(%dma_wait3A_499 : memref<512x16xf32, #tpu.memory_space<vmem>>)
    %add3A_503 = arith.constant 4096 : i32
    %add3A_504 = arith.addi %mul3A_2, %add3A_503 : i32
    %run_scoped3A_505 = arith.constant 0 : i32
    "tpu.region"() ({
      %run_scoped3A_764 = tpu.sem_alloc : memref<!tpu.dma_semaphore, #tpu.memory_space<semaphore_mem>>
      %dma_start3A_765 = arith.constant 0 : i32
      %dma_start3A_766 = arith.constant 0 : i32
      %dma_start3A_767 = tpu.memref_slice %arg9[%run_scoped3A_505, %dma_start3A_765, %dma_start3A_766] : memref<2x512x16xf32, #tpu.memory_space<vmem>> -> memref<1x512x16xf32, #tpu.memory_space<vmem>>
      %dma_start3A_768 = tpu.memref_squeeze %dma_start3A_767 : memref<1x512x16xf32, #tpu.memory_space<vmem>> -> memref<512x16xf32, #tpu.memory_space<vmem>>
      %dma_start3A_769 = arith.constant 0 : i32
      %dma_start3A_770 = arith.constant 0 : i32
      %dma_start3A_771 = tpu.memref_slice %dma_start3A_768[%dma_start3A_769, %dma_start3A_770] : memref<512x16xf32, #tpu.memory_space<vmem>> -> memref<512x16xf32, #tpu.memory_space<vmem>>
      %dma_start3A_772 = arith.constant 0 : i32
      %dma_start3A_773 = tpu.memref_slice %arg12[%add3A_504, %dma_start3A_772] : memref<100352x16xf32, #tpu.memory_space<vmem_shared>> -> memref<512x16xf32, #tpu.memory_space<vmem_shared>>
      %dma_start3A_774 = arith.constant 0 : i32
      %dma_start3A_775 = arith.constant 0 : i32
      %dma_start3A_776 = tpu.memref_slice %arg9[%run_scoped3A_505, %dma_start3A_774, %dma_start3A_775] : memref<2x512x16xf32, #tpu.memory_space<vmem>> -> memref<1x512x16xf32, #tpu.memory_space<vmem>>
      %dma_start3A_777 = tpu.memref_squeeze %dma_start3A_776 : memref<1x512x16xf32, #tpu.memory_space<vmem>> -> memref<512x16xf32, #tpu.memory_space<vmem>>
      %dma_start3A_778 = arith.constant 0 : i32
      %dma_start3A_779 = arith.constant 0 : i32
      %dma_start3A_780 = tpu.memref_slice %dma_start3A_777[%dma_start3A_778, %dma_start3A_779] : memref<512x16xf32, #tpu.memory_space<vmem>> -> memref<512x16xf32, #tpu.memory_space<vmem>>
      %dma_start3A_781 = arith.constant 0 : i32
      %dma_start3A_782 = tpu.memref_slice %arg12[%add3A_504, %dma_start3A_781] : memref<100352x16xf32, #tpu.memory_space<vmem_shared>> -> memref<512x16xf32, #tpu.memory_space<vmem_shared>>
      tpu.enqueue_dma source(%dma_start3A_782 : memref<512x16xf32, #tpu.memory_space<vmem_shared>>) target(%dma_start3A_780 : memref<512x16xf32, #tpu.memory_space<vmem>>) target_semaphore(%run_scoped3A_764 : memref<!tpu.dma_semaphore, #tpu.memory_space<semaphore_mem>>)
      %dma_wait3A_783 = arith.constant 0 : i32
      %dma_wait3A_784 = arith.constant 0 : i32
      %dma_wait3A_785 = tpu.memref_slice %arg9[%run_scoped3A_505, %dma_wait3A_783, %dma_wait3A_784] : memref<2x512x16xf32, #tpu.memory_space<vmem>> -> memref<1x512x16xf32, #tpu.memory_space<vmem>>
      %dma_wait3A_786 = tpu.memref_squeeze %dma_wait3A_785 : memref<1x512x16xf32, #tpu.memory_space<vmem>> -> memref<512x16xf32, #tpu.memory_space<vmem>>
      %dma_wait3A_787 = arith.constant 0 : i32
      %dma_wait3A_788 = arith.constant 0 : i32
      %dma_wait3A_789 = tpu.memref_slice %dma_wait3A_786[%dma_wait3A_787, %dma_wait3A_788] : memref<512x16xf32, #tpu.memory_space<vmem>> -> memref<512x16xf32, #tpu.memory_space<vmem>>
      %dma_wait3A_790 = arith.constant 0 : i32
      %dma_wait3A_791 = tpu.memref_slice %arg12[%add3A_504, %dma_wait3A_790] : memref<100352x16xf32, #tpu.memory_space<vmem_shared>> -> memref<512x16xf32, #tpu.memory_space<vmem_shared>>
      %dma_wait3A_792 = arith.constant 0 : i32
      %dma_wait3A_793 = arith.constant 0 : i32
      %dma_wait3A_794 = tpu.memref_slice %arg9[%run_scoped3A_505, %dma_wait3A_792, %dma_wait3A_793] : memref<2x512x16xf32, #tpu.memory_space<vmem>> -> memref<1x512x16xf32, #tpu.memory_space<vmem>>
      %dma_wait3A_795 = tpu.memref_squeeze %dma_wait3A_794 : memref<1x512x16xf32, #tpu.memory_space<vmem>> -> memref<512x16xf32, #tpu.memory_space<vmem>>
      %dma_wait3A_796 = arith.constant 0 : i32
      %dma_wait3A_797 = arith.constant 0 : i32
      %dma_wait3A_798 = tpu.memref_slice %dma_wait3A_795[%dma_wait3A_796, %dma_wait3A_797] : memref<512x16xf32, #tpu.memory_space<vmem>> -> memref<512x16xf32, #tpu.memory_space<vmem>>
      %dma_wait3A_799 = arith.constant 0 : i32
      %dma_wait3A_800 = tpu.memref_slice %arg12[%add3A_504, %dma_wait3A_799] : memref<100352x16xf32, #tpu.memory_space<vmem_shared>> -> memref<512x16xf32, #tpu.memory_space<vmem_shared>>
      tpu.wait_dma2 semaphore(%run_scoped3A_764 : memref<!tpu.dma_semaphore, #tpu.memory_space<semaphore_mem>>) src(%dma_wait3A_800 : memref<512x16xf32, #tpu.memory_space<vmem_shared>>) dst(%dma_wait3A_798 : memref<512x16xf32, #tpu.memory_space<vmem>>)
      tpu.yield
    }) : () -> ()
    %add3A_506 = arith.constant 4096 : i32
    %add3A_507 = arith.addi %mul3A_2, %add3A_506 : i32
    %dma_start3A_508 = arith.constant 0 : i32
    %dma_start3A_509 = arith.constant 0 : i32
    %dma_start3A_510 = arith.constant 0 : i32
    %dma_start3A_511 = tpu.memref_slice %arg9[%dma_start3A_508, %dma_start3A_509, %dma_start3A_510] : memref<2x512x16xf32, #tpu.memory_space<vmem>> -> memref<1x512x16xf32, #tpu.memory_space<vmem>>
    %dma_start3A_512 = tpu.memref_squeeze %dma_start3A_511 : memref<1x512x16xf32, #tpu.memory_space<vmem>> -> memref<512x16xf32, #tpu.memory_space<vmem>>
    %dma_start3A_513 = arith.constant 0 : i32
    %dma_start3A_514 = arith.constant 0 : i32
    %dma_start3A_515 = tpu.memref_slice %dma_start3A_512[%dma_start3A_513, %dma_start3A_514] : memref<512x16xf32, #tpu.memory_space<vmem>> -> memref<512x16xf32, #tpu.memory_space<vmem>>
    %dma_start3A_516 = arith.constant 0 : i32
    %dma_start3A_517 = arith.constant 0 : i32
    %dma_start3A_518 = tpu.memref_slice %arg5[%arg0, %dma_start3A_516, %dma_start3A_517] : memref<2x100352x16xf32, #tpu.memory_space<hbm>> -> memref<1x100352x16xf32, #tpu.memory_space<hbm>>
    %dma_start3A_519 = tpu.memref_squeeze %dma_start3A_518 : memref<1x100352x16xf32, #tpu.memory_space<hbm>> -> memref<100352x16xf32, #tpu.memory_space<hbm>>
    %dma_start3A_520 = arith.constant 0 : i32
    %dma_start3A_521 = tpu.memref_slice %dma_start3A_519[%add3A_507, %dma_start3A_520] : memref<100352x16xf32, #tpu.memory_space<hbm>> -> memref<512x16xf32, #tpu.memory_space<hbm>>
    %dma_start3A_522 = arith.constant 0 : i32
    %dma_start3A_523 = arith.constant 0 : i32
    %dma_start3A_524 = tpu.memref_slice %arg5[%arg0, %dma_start3A_522, %dma_start3A_523] : memref<2x100352x16xf32, #tpu.memory_space<hbm>> -> memref<1x100352x16xf32, #tpu.memory_space<hbm>>
    %dma_start3A_525 = tpu.memref_squeeze %dma_start3A_524 : memref<1x100352x16xf32, #tpu.memory_space<hbm>> -> memref<100352x16xf32, #tpu.memory_space<hbm>>
    %dma_start3A_526 = arith.constant 0 : i32
    %dma_start3A_527 = tpu.memref_slice %dma_start3A_525[%add3A_507, %dma_start3A_526] : memref<100352x16xf32, #tpu.memory_space<hbm>> -> memref<512x16xf32, #tpu.memory_space<hbm>>
    %dma_start3A_528 = arith.constant 0 : i32
    %dma_start3A_529 = arith.constant 0 : i32
    %dma_start3A_530 = tpu.memref_slice %arg9[%dma_start3A_508, %dma_start3A_528, %dma_start3A_529] : memref<2x512x16xf32, #tpu.memory_space<vmem>> -> memref<1x512x16xf32, #tpu.memory_space<vmem>>
    %dma_start3A_531 = tpu.memref_squeeze %dma_start3A_530 : memref<1x512x16xf32, #tpu.memory_space<vmem>> -> memref<512x16xf32, #tpu.memory_space<vmem>>
    %dma_start3A_532 = arith.constant 0 : i32
    %dma_start3A_533 = arith.constant 0 : i32
    %dma_start3A_534 = tpu.memref_slice %dma_start3A_531[%dma_start3A_532, %dma_start3A_533] : memref<512x16xf32, #tpu.memory_space<vmem>> -> memref<512x16xf32, #tpu.memory_space<vmem>>
    tpu.enqueue_dma source(%dma_start3A_534 : memref<512x16xf32, #tpu.memory_space<vmem>>) target(%dma_start3A_527 : memref<512x16xf32, #tpu.memory_space<hbm>>) target_semaphore(%arg14 : memref<!tpu.dma_semaphore, #tpu.memory_space<semaphore_mem>>)
    %dma_wait3A_535 = arith.constant 1 : i32
    %dma_wait3A_536 = arith.constant 0 : i32
    %dma_wait3A_537 = arith.constant 0 : i32
    %dma_wait3A_538 = tpu.memref_slice %arg9[%dma_wait3A_535, %dma_wait3A_536, %dma_wait3A_537] : memref<2x512x16xf32, #tpu.memory_space<vmem>> -> memref<1x512x16xf32, #tpu.memory_space<vmem>>
    %dma_wait3A_539 = tpu.memref_squeeze %dma_wait3A_538 : memref<1x512x16xf32, #tpu.memory_space<vmem>> -> memref<512x16xf32, #tpu.memory_space<vmem>>
    %dma_wait3A_540 = arith.constant 0 : i32
    %dma_wait3A_541 = arith.constant 0 : i32
    %dma_wait3A_542 = tpu.memref_slice %arg4[%dma_wait3A_540, %dma_wait3A_541] : memref<1600000x16xf32, #tpu.memory_space<hbm>> -> memref<512x16xf32, #tpu.memory_space<hbm>>
    %dma_wait3A_543 = arith.constant 0 : i32
    %dma_wait3A_544 = arith.constant 0 : i32
    %dma_wait3A_545 = tpu.memref_slice %arg9[%dma_wait3A_535, %dma_wait3A_543, %dma_wait3A_544] : memref<2x512x16xf32, #tpu.memory_space<vmem>> -> memref<1x512x16xf32, #tpu.memory_space<vmem>>
    %dma_wait3A_546 = tpu.memref_squeeze %dma_wait3A_545 : memref<1x512x16xf32, #tpu.memory_space<vmem>> -> memref<512x16xf32, #tpu.memory_space<vmem>>
    %dma_wait3A_547 = arith.constant 0 : i32
    %dma_wait3A_548 = arith.constant 0 : i32
    %dma_wait3A_549 = tpu.memref_slice %arg4[%dma_wait3A_547, %dma_wait3A_548] : memref<1600000x16xf32, #tpu.memory_space<hbm>> -> memref<512x16xf32, #tpu.memory_space<hbm>>
    tpu.wait_dma2 semaphore(%arg15 : memref<!tpu.dma_semaphore, #tpu.memory_space<semaphore_mem>>) src(%dma_wait3A_549 : memref<512x16xf32, #tpu.memory_space<hbm>>) dst(%dma_wait3A_546 : memref<512x16xf32, #tpu.memory_space<vmem>>)
    %add3A_550 = arith.constant 4608 : i32
    %add3A_551 = arith.addi %mul3A_2, %add3A_550 : i32
    %run_scoped3A_552 = arith.constant 1 : i32
    "tpu.region"() ({
      %run_scoped3A_764 = tpu.sem_alloc : memref<!tpu.dma_semaphore, #tpu.memory_space<semaphore_mem>>
      %dma_start3A_765 = arith.constant 0 : i32
      %dma_start3A_766 = arith.constant 0 : i32
      %dma_start3A_767 = tpu.memref_slice %arg9[%run_scoped3A_552, %dma_start3A_765, %dma_start3A_766] : memref<2x512x16xf32, #tpu.memory_space<vmem>> -> memref<1x512x16xf32, #tpu.memory_space<vmem>>
      %dma_start3A_768 = tpu.memref_squeeze %dma_start3A_767 : memref<1x512x16xf32, #tpu.memory_space<vmem>> -> memref<512x16xf32, #tpu.memory_space<vmem>>
      %dma_start3A_769 = arith.constant 0 : i32
      %dma_start3A_770 = arith.constant 0 : i32
      %dma_start3A_771 = tpu.memref_slice %dma_start3A_768[%dma_start3A_769, %dma_start3A_770] : memref<512x16xf32, #tpu.memory_space<vmem>> -> memref<512x16xf32, #tpu.memory_space<vmem>>
      %dma_start3A_772 = arith.constant 0 : i32
      %dma_start3A_773 = tpu.memref_slice %arg12[%add3A_551, %dma_start3A_772] : memref<100352x16xf32, #tpu.memory_space<vmem_shared>> -> memref<512x16xf32, #tpu.memory_space<vmem_shared>>
      %dma_start3A_774 = arith.constant 0 : i32
      %dma_start3A_775 = arith.constant 0 : i32
      %dma_start3A_776 = tpu.memref_slice %arg9[%run_scoped3A_552, %dma_start3A_774, %dma_start3A_775] : memref<2x512x16xf32, #tpu.memory_space<vmem>> -> memref<1x512x16xf32, #tpu.memory_space<vmem>>
      %dma_start3A_777 = tpu.memref_squeeze %dma_start3A_776 : memref<1x512x16xf32, #tpu.memory_space<vmem>> -> memref<512x16xf32, #tpu.memory_space<vmem>>
      %dma_start3A_778 = arith.constant 0 : i32
      %dma_start3A_779 = arith.constant 0 : i32
      %dma_start3A_780 = tpu.memref_slice %dma_start3A_777[%dma_start3A_778, %dma_start3A_779] : memref<512x16xf32, #tpu.memory_space<vmem>> -> memref<512x16xf32, #tpu.memory_space<vmem>>
      %dma_start3A_781 = arith.constant 0 : i32
      %dma_start3A_782 = tpu.memref_slice %arg12[%add3A_551, %dma_start3A_781] : memref<100352x16xf32, #tpu.memory_space<vmem_shared>> -> memref<512x16xf32, #tpu.memory_space<vmem_shared>>
      tpu.enqueue_dma source(%dma_start3A_782 : memref<512x16xf32, #tpu.memory_space<vmem_shared>>) target(%dma_start3A_780 : memref<512x16xf32, #tpu.memory_space<vmem>>) target_semaphore(%run_scoped3A_764 : memref<!tpu.dma_semaphore, #tpu.memory_space<semaphore_mem>>)
      %dma_wait3A_783 = arith.constant 0 : i32
      %dma_wait3A_784 = arith.constant 0 : i32
      %dma_wait3A_785 = tpu.memref_slice %arg9[%run_scoped3A_552, %dma_wait3A_783, %dma_wait3A_784] : memref<2x512x16xf32, #tpu.memory_space<vmem>> -> memref<1x512x16xf32, #tpu.memory_space<vmem>>
      %dma_wait3A_786 = tpu.memref_squeeze %dma_wait3A_785 : memref<1x512x16xf32, #tpu.memory_space<vmem>> -> memref<512x16xf32, #tpu.memory_space<vmem>>
      %dma_wait3A_787 = arith.constant 0 : i32
      %dma_wait3A_788 = arith.constant 0 : i32
      %dma_wait3A_789 = tpu.memref_slice %dma_wait3A_786[%dma_wait3A_787, %dma_wait3A_788] : memref<512x16xf32, #tpu.memory_space<vmem>> -> memref<512x16xf32, #tpu.memory_space<vmem>>
      %dma_wait3A_790 = arith.constant 0 : i32
      %dma_wait3A_791 = tpu.memref_slice %arg12[%add3A_551, %dma_wait3A_790] : memref<100352x16xf32, #tpu.memory_space<vmem_shared>> -> memref<512x16xf32, #tpu.memory_space<vmem_shared>>
      %dma_wait3A_792 = arith.constant 0 : i32
      %dma_wait3A_793 = arith.constant 0 : i32
      %dma_wait3A_794 = tpu.memref_slice %arg9[%run_scoped3A_552, %dma_wait3A_792, %dma_wait3A_793] : memref<2x512x16xf32, #tpu.memory_space<vmem>> -> memref<1x512x16xf32, #tpu.memory_space<vmem>>
      %dma_wait3A_795 = tpu.memref_squeeze %dma_wait3A_794 : memref<1x512x16xf32, #tpu.memory_space<vmem>> -> memref<512x16xf32, #tpu.memory_space<vmem>>
      %dma_wait3A_796 = arith.constant 0 : i32
      %dma_wait3A_797 = arith.constant 0 : i32
      %dma_wait3A_798 = tpu.memref_slice %dma_wait3A_795[%dma_wait3A_796, %dma_wait3A_797] : memref<512x16xf32, #tpu.memory_space<vmem>> -> memref<512x16xf32, #tpu.memory_space<vmem>>
      %dma_wait3A_799 = arith.constant 0 : i32
      %dma_wait3A_800 = tpu.memref_slice %arg12[%add3A_551, %dma_wait3A_799] : memref<100352x16xf32, #tpu.memory_space<vmem_shared>> -> memref<512x16xf32, #tpu.memory_space<vmem_shared>>
      tpu.wait_dma2 semaphore(%run_scoped3A_764 : memref<!tpu.dma_semaphore, #tpu.memory_space<semaphore_mem>>) src(%dma_wait3A_800 : memref<512x16xf32, #tpu.memory_space<vmem_shared>>) dst(%dma_wait3A_798 : memref<512x16xf32, #tpu.memory_space<vmem>>)
      tpu.yield
    }) : () -> ()
    %add3A_553 = arith.constant 4608 : i32
    %add3A_554 = arith.addi %mul3A_2, %add3A_553 : i32
    %dma_start3A_555 = arith.constant 1 : i32
    %dma_start3A_556 = arith.constant 0 : i32
    %dma_start3A_557 = arith.constant 0 : i32
    %dma_start3A_558 = tpu.memref_slice %arg9[%dma_start3A_555, %dma_start3A_556, %dma_start3A_557] : memref<2x512x16xf32, #tpu.memory_space<vmem>> -> memref<1x512x16xf32, #tpu.memory_space<vmem>>
    %dma_start3A_559 = tpu.memref_squeeze %dma_start3A_558 : memref<1x512x16xf32, #tpu.memory_space<vmem>> -> memref<512x16xf32, #tpu.memory_space<vmem>>
    %dma_start3A_560 = arith.constant 0 : i32
    %dma_start3A_561 = arith.constant 0 : i32
    %dma_start3A_562 = tpu.memref_slice %dma_start3A_559[%dma_start3A_560, %dma_start3A_561] : memref<512x16xf32, #tpu.memory_space<vmem>> -> memref<512x16xf32, #tpu.memory_space<vmem>>
    %dma_start3A_563 = arith.constant 0 : i32
    %dma_start3A_564 = arith.constant 0 : i32
    %dma_start3A_565 = tpu.memref_slice %arg5[%arg0, %dma_start3A_563, %dma_start3A_564] : memref<2x100352x16xf32, #tpu.memory_space<hbm>> -> memref<1x100352x16xf32, #tpu.memory_space<hbm>>
    %dma_start3A_566 = tpu.memref_squeeze %dma_start3A_565 : memref<1x100352x16xf32, #tpu.memory_space<hbm>> -> memref<100352x16xf32, #tpu.memory_space<hbm>>
    %dma_start3A_567 = arith.constant 0 : i32
    %dma_start3A_568 = tpu.memref_slice %dma_start3A_566[%add3A_554, %dma_start3A_567] : memref<100352x16xf32, #tpu.memory_space<hbm>> -> memref<512x16xf32, #tpu.memory_space<hbm>>
    %dma_start3A_569 = arith.constant 0 : i32
    %dma_start3A_570 = arith.constant 0 : i32
    %dma_start3A_571 = tpu.memref_slice %arg5[%arg0, %dma_start3A_569, %dma_start3A_570] : memref<2x100352x16xf32, #tpu.memory_space<hbm>> -> memref<1x100352x16xf32, #tpu.memory_space<hbm>>
    %dma_start3A_572 = tpu.memref_squeeze %dma_start3A_571 : memref<1x100352x16xf32, #tpu.memory_space<hbm>> -> memref<100352x16xf32, #tpu.memory_space<hbm>>
    %dma_start3A_573 = arith.constant 0 : i32
    %dma_start3A_574 = tpu.memref_slice %dma_start3A_572[%add3A_554, %dma_start3A_573] : memref<100352x16xf32, #tpu.memory_space<hbm>> -> memref<512x16xf32, #tpu.memory_space<hbm>>
    %dma_start3A_575 = arith.constant 0 : i32
    %dma_start3A_576 = arith.constant 0 : i32
    %dma_start3A_577 = tpu.memref_slice %arg9[%dma_start3A_555, %dma_start3A_575, %dma_start3A_576] : memref<2x512x16xf32, #tpu.memory_space<vmem>> -> memref<1x512x16xf32, #tpu.memory_space<vmem>>
    %dma_start3A_578 = tpu.memref_squeeze %dma_start3A_577 : memref<1x512x16xf32, #tpu.memory_space<vmem>> -> memref<512x16xf32, #tpu.memory_space<vmem>>
    %dma_start3A_579 = arith.constant 0 : i32
    %dma_start3A_580 = arith.constant 0 : i32
    %dma_start3A_581 = tpu.memref_slice %dma_start3A_578[%dma_start3A_579, %dma_start3A_580] : memref<512x16xf32, #tpu.memory_space<vmem>> -> memref<512x16xf32, #tpu.memory_space<vmem>>
    tpu.enqueue_dma source(%dma_start3A_581 : memref<512x16xf32, #tpu.memory_space<vmem>>) target(%dma_start3A_574 : memref<512x16xf32, #tpu.memory_space<hbm>>) target_semaphore(%arg15 : memref<!tpu.dma_semaphore, #tpu.memory_space<semaphore_mem>>)
    %dma_wait3A_582 = arith.constant 0 : i32
    %dma_wait3A_583 = arith.constant 0 : i32
    %dma_wait3A_584 = arith.constant 0 : i32
    %dma_wait3A_585 = tpu.memref_slice %arg9[%dma_wait3A_582, %dma_wait3A_583, %dma_wait3A_584] : memref<2x512x16xf32, #tpu.memory_space<vmem>> -> memref<1x512x16xf32, #tpu.memory_space<vmem>>
    %dma_wait3A_586 = tpu.memref_squeeze %dma_wait3A_585 : memref<1x512x16xf32, #tpu.memory_space<vmem>> -> memref<512x16xf32, #tpu.memory_space<vmem>>
    %dma_wait3A_587 = arith.constant 0 : i32
    %dma_wait3A_588 = arith.constant 0 : i32
    %dma_wait3A_589 = tpu.memref_slice %arg4[%dma_wait3A_587, %dma_wait3A_588] : memref<1600000x16xf32, #tpu.memory_space<hbm>> -> memref<512x16xf32, #tpu.memory_space<hbm>>
    %dma_wait3A_590 = arith.constant 0 : i32
    %dma_wait3A_591 = arith.constant 0 : i32
    %dma_wait3A_592 = tpu.memref_slice %arg9[%dma_wait3A_582, %dma_wait3A_590, %dma_wait3A_591] : memref<2x512x16xf32, #tpu.memory_space<vmem>> -> memref<1x512x16xf32, #tpu.memory_space<vmem>>
    %dma_wait3A_593 = tpu.memref_squeeze %dma_wait3A_592 : memref<1x512x16xf32, #tpu.memory_space<vmem>> -> memref<512x16xf32, #tpu.memory_space<vmem>>
    %dma_wait3A_594 = arith.constant 0 : i32
    %dma_wait3A_595 = arith.constant 0 : i32
    %dma_wait3A_596 = tpu.memref_slice %arg4[%dma_wait3A_594, %dma_wait3A_595] : memref<1600000x16xf32, #tpu.memory_space<hbm>> -> memref<512x16xf32, #tpu.memory_space<hbm>>
    tpu.wait_dma2 semaphore(%arg14 : memref<!tpu.dma_semaphore, #tpu.memory_space<semaphore_mem>>) src(%dma_wait3A_596 : memref<512x16xf32, #tpu.memory_space<hbm>>) dst(%dma_wait3A_593 : memref<512x16xf32, #tpu.memory_space<vmem>>)
    %add3A_597 = arith.constant 5120 : i32
    %add3A_598 = arith.addi %mul3A_2, %add3A_597 : i32
    %run_scoped3A_599 = arith.constant 0 : i32
    "tpu.region"() ({
      %run_scoped3A_764 = tpu.sem_alloc : memref<!tpu.dma_semaphore, #tpu.memory_space<semaphore_mem>>
      %dma_start3A_765 = arith.constant 0 : i32
      %dma_start3A_766 = arith.constant 0 : i32
      %dma_start3A_767 = tpu.memref_slice %arg9[%run_scoped3A_599, %dma_start3A_765, %dma_start3A_766] : memref<2x512x16xf32, #tpu.memory_space<vmem>> -> memref<1x512x16xf32, #tpu.memory_space<vmem>>
      %dma_start3A_768 = tpu.memref_squeeze %dma_start3A_767 : memref<1x512x16xf32, #tpu.memory_space<vmem>> -> memref<512x16xf32, #tpu.memory_space<vmem>>
      %dma_start3A_769 = arith.constant 0 : i32
      %dma_start3A_770 = arith.constant 0 : i32
      %dma_start3A_771 = tpu.memref_slice %dma_start3A_768[%dma_start3A_769, %dma_start3A_770] : memref<512x16xf32, #tpu.memory_space<vmem>> -> memref<512x16xf32, #tpu.memory_space<vmem>>
      %dma_start3A_772 = arith.constant 0 : i32
      %dma_start3A_773 = tpu.memref_slice %arg12[%add3A_598, %dma_start3A_772] : memref<100352x16xf32, #tpu.memory_space<vmem_shared>> -> memref<512x16xf32, #tpu.memory_space<vmem_shared>>
      %dma_start3A_774 = arith.constant 0 : i32
      %dma_start3A_775 = arith.constant 0 : i32
      %dma_start3A_776 = tpu.memref_slice %arg9[%run_scoped3A_599, %dma_start3A_774, %dma_start3A_775] : memref<2x512x16xf32, #tpu.memory_space<vmem>> -> memref<1x512x16xf32, #tpu.memory_space<vmem>>
      %dma_start3A_777 = tpu.memref_squeeze %dma_start3A_776 : memref<1x512x16xf32, #tpu.memory_space<vmem>> -> memref<512x16xf32, #tpu.memory_space<vmem>>
      %dma_start3A_778 = arith.constant 0 : i32
      %dma_start3A_779 = arith.constant 0 : i32
      %dma_start3A_780 = tpu.memref_slice %dma_start3A_777[%dma_start3A_778, %dma_start3A_779] : memref<512x16xf32, #tpu.memory_space<vmem>> -> memref<512x16xf32, #tpu.memory_space<vmem>>
      %dma_start3A_781 = arith.constant 0 : i32
      %dma_start3A_782 = tpu.memref_slice %arg12[%add3A_598, %dma_start3A_781] : memref<100352x16xf32, #tpu.memory_space<vmem_shared>> -> memref<512x16xf32, #tpu.memory_space<vmem_shared>>
      tpu.enqueue_dma source(%dma_start3A_782 : memref<512x16xf32, #tpu.memory_space<vmem_shared>>) target(%dma_start3A_780 : memref<512x16xf32, #tpu.memory_space<vmem>>) target_semaphore(%run_scoped3A_764 : memref<!tpu.dma_semaphore, #tpu.memory_space<semaphore_mem>>)
      %dma_wait3A_783 = arith.constant 0 : i32
      %dma_wait3A_784 = arith.constant 0 : i32
      %dma_wait3A_785 = tpu.memref_slice %arg9[%run_scoped3A_599, %dma_wait3A_783, %dma_wait3A_784] : memref<2x512x16xf32, #tpu.memory_space<vmem>> -> memref<1x512x16xf32, #tpu.memory_space<vmem>>
      %dma_wait3A_786 = tpu.memref_squeeze %dma_wait3A_785 : memref<1x512x16xf32, #tpu.memory_space<vmem>> -> memref<512x16xf32, #tpu.memory_space<vmem>>
      %dma_wait3A_787 = arith.constant 0 : i32
      %dma_wait3A_788 = arith.constant 0 : i32
      %dma_wait3A_789 = tpu.memref_slice %dma_wait3A_786[%dma_wait3A_787, %dma_wait3A_788] : memref<512x16xf32, #tpu.memory_space<vmem>> -> memref<512x16xf32, #tpu.memory_space<vmem>>
      %dma_wait3A_790 = arith.constant 0 : i32
      %dma_wait3A_791 = tpu.memref_slice %arg12[%add3A_598, %dma_wait3A_790] : memref<100352x16xf32, #tpu.memory_space<vmem_shared>> -> memref<512x16xf32, #tpu.memory_space<vmem_shared>>
      %dma_wait3A_792 = arith.constant 0 : i32
      %dma_wait3A_793 = arith.constant 0 : i32
      %dma_wait3A_794 = tpu.memref_slice %arg9[%run_scoped3A_599, %dma_wait3A_792, %dma_wait3A_793] : memref<2x512x16xf32, #tpu.memory_space<vmem>> -> memref<1x512x16xf32, #tpu.memory_space<vmem>>
      %dma_wait3A_795 = tpu.memref_squeeze %dma_wait3A_794 : memref<1x512x16xf32, #tpu.memory_space<vmem>> -> memref<512x16xf32, #tpu.memory_space<vmem>>
      %dma_wait3A_796 = arith.constant 0 : i32
      %dma_wait3A_797 = arith.constant 0 : i32
      %dma_wait3A_798 = tpu.memref_slice %dma_wait3A_795[%dma_wait3A_796, %dma_wait3A_797] : memref<512x16xf32, #tpu.memory_space<vmem>> -> memref<512x16xf32, #tpu.memory_space<vmem>>
      %dma_wait3A_799 = arith.constant 0 : i32
      %dma_wait3A_800 = tpu.memref_slice %arg12[%add3A_598, %dma_wait3A_799] : memref<100352x16xf32, #tpu.memory_space<vmem_shared>> -> memref<512x16xf32, #tpu.memory_space<vmem_shared>>
      tpu.wait_dma2 semaphore(%run_scoped3A_764 : memref<!tpu.dma_semaphore, #tpu.memory_space<semaphore_mem>>) src(%dma_wait3A_800 : memref<512x16xf32, #tpu.memory_space<vmem_shared>>) dst(%dma_wait3A_798 : memref<512x16xf32, #tpu.memory_space<vmem>>)
      tpu.yield
    }) : () -> ()
    %add3A_600 = arith.constant 5120 : i32
    %add3A_601 = arith.addi %mul3A_2, %add3A_600 : i32
    %dma_start3A_602 = arith.constant 0 : i32
    %dma_start3A_603 = arith.constant 0 : i32
    %dma_start3A_604 = arith.constant 0 : i32
    %dma_start3A_605 = tpu.memref_slice %arg9[%dma_start3A_602, %dma_start3A_603, %dma_start3A_604] : memref<2x512x16xf32, #tpu.memory_space<vmem>> -> memref<1x512x16xf32, #tpu.memory_space<vmem>>
    %dma_start3A_606 = tpu.memref_squeeze %dma_start3A_605 : memref<1x512x16xf32, #tpu.memory_space<vmem>> -> memref<512x16xf32, #tpu.memory_space<vmem>>
    %dma_start3A_607 = arith.constant 0 : i32
    %dma_start3A_608 = arith.constant 0 : i32
    %dma_start3A_609 = tpu.memref_slice %dma_start3A_606[%dma_start3A_607, %dma_start3A_608] : memref<512x16xf32, #tpu.memory_space<vmem>> -> memref<512x16xf32, #tpu.memory_space<vmem>>
    %dma_start3A_610 = arith.constant 0 : i32
    %dma_start3A_611 = arith.constant 0 : i32
    %dma_start3A_612 = tpu.memref_slice %arg5[%arg0, %dma_start3A_610, %dma_start3A_611] : memref<2x100352x16xf32, #tpu.memory_space<hbm>> -> memref<1x100352x16xf32, #tpu.memory_space<hbm>>
    %dma_start3A_613 = tpu.memref_squeeze %dma_start3A_612 : memref<1x100352x16xf32, #tpu.memory_space<hbm>> -> memref<100352x16xf32, #tpu.memory_space<hbm>>
    %dma_start3A_614 = arith.constant 0 : i32
    %dma_start3A_615 = tpu.memref_slice %dma_start3A_613[%add3A_601, %dma_start3A_614] : memref<100352x16xf32, #tpu.memory_space<hbm>> -> memref<512x16xf32, #tpu.memory_space<hbm>>
    %dma_start3A_616 = arith.constant 0 : i32
    %dma_start3A_617 = arith.constant 0 : i32
    %dma_start3A_618 = tpu.memref_slice %arg5[%arg0, %dma_start3A_616, %dma_start3A_617] : memref<2x100352x16xf32, #tpu.memory_space<hbm>> -> memref<1x100352x16xf32, #tpu.memory_space<hbm>>
    %dma_start3A_619 = tpu.memref_squeeze %dma_start3A_618 : memref<1x100352x16xf32, #tpu.memory_space<hbm>> -> memref<100352x16xf32, #tpu.memory_space<hbm>>
    %dma_start3A_620 = arith.constant 0 : i32
    %dma_start3A_621 = tpu.memref_slice %dma_start3A_619[%add3A_601, %dma_start3A_620] : memref<100352x16xf32, #tpu.memory_space<hbm>> -> memref<512x16xf32, #tpu.memory_space<hbm>>
    %dma_start3A_622 = arith.constant 0 : i32
    %dma_start3A_623 = arith.constant 0 : i32
    %dma_start3A_624 = tpu.memref_slice %arg9[%dma_start3A_602, %dma_start3A_622, %dma_start3A_623] : memref<2x512x16xf32, #tpu.memory_space<vmem>> -> memref<1x512x16xf32, #tpu.memory_space<vmem>>
    %dma_start3A_625 = tpu.memref_squeeze %dma_start3A_624 : memref<1x512x16xf32, #tpu.memory_space<vmem>> -> memref<512x16xf32, #tpu.memory_space<vmem>>
    %dma_start3A_626 = arith.constant 0 : i32
    %dma_start3A_627 = arith.constant 0 : i32
    %dma_start3A_628 = tpu.memref_slice %dma_start3A_625[%dma_start3A_626, %dma_start3A_627] : memref<512x16xf32, #tpu.memory_space<vmem>> -> memref<512x16xf32, #tpu.memory_space<vmem>>
    tpu.enqueue_dma source(%dma_start3A_628 : memref<512x16xf32, #tpu.memory_space<vmem>>) target(%dma_start3A_621 : memref<512x16xf32, #tpu.memory_space<hbm>>) target_semaphore(%arg14 : memref<!tpu.dma_semaphore, #tpu.memory_space<semaphore_mem>>)
    %dma_wait3A_629 = arith.constant 1 : i32
    %dma_wait3A_630 = arith.constant 0 : i32
    %dma_wait3A_631 = arith.constant 0 : i32
    %dma_wait3A_632 = tpu.memref_slice %arg9[%dma_wait3A_629, %dma_wait3A_630, %dma_wait3A_631] : memref<2x512x16xf32, #tpu.memory_space<vmem>> -> memref<1x512x16xf32, #tpu.memory_space<vmem>>
    %dma_wait3A_633 = tpu.memref_squeeze %dma_wait3A_632 : memref<1x512x16xf32, #tpu.memory_space<vmem>> -> memref<512x16xf32, #tpu.memory_space<vmem>>
    %dma_wait3A_634 = arith.constant 0 : i32
    %dma_wait3A_635 = arith.constant 0 : i32
    %dma_wait3A_636 = tpu.memref_slice %arg4[%dma_wait3A_634, %dma_wait3A_635] : memref<1600000x16xf32, #tpu.memory_space<hbm>> -> memref<512x16xf32, #tpu.memory_space<hbm>>
    %dma_wait3A_637 = arith.constant 0 : i32
    %dma_wait3A_638 = arith.constant 0 : i32
    %dma_wait3A_639 = tpu.memref_slice %arg9[%dma_wait3A_629, %dma_wait3A_637, %dma_wait3A_638] : memref<2x512x16xf32, #tpu.memory_space<vmem>> -> memref<1x512x16xf32, #tpu.memory_space<vmem>>
    %dma_wait3A_640 = tpu.memref_squeeze %dma_wait3A_639 : memref<1x512x16xf32, #tpu.memory_space<vmem>> -> memref<512x16xf32, #tpu.memory_space<vmem>>
    %dma_wait3A_641 = arith.constant 0 : i32
    %dma_wait3A_642 = arith.constant 0 : i32
    %dma_wait3A_643 = tpu.memref_slice %arg4[%dma_wait3A_641, %dma_wait3A_642] : memref<1600000x16xf32, #tpu.memory_space<hbm>> -> memref<512x16xf32, #tpu.memory_space<hbm>>
    tpu.wait_dma2 semaphore(%arg15 : memref<!tpu.dma_semaphore, #tpu.memory_space<semaphore_mem>>) src(%dma_wait3A_643 : memref<512x16xf32, #tpu.memory_space<hbm>>) dst(%dma_wait3A_640 : memref<512x16xf32, #tpu.memory_space<vmem>>)
    %add3A_644 = arith.constant 5632 : i32
    %add3A_645 = arith.addi %mul3A_2, %add3A_644 : i32
    %run_scoped3A_646 = arith.constant 1 : i32
    "tpu.region"() ({
      %run_scoped3A_764 = tpu.sem_alloc : memref<!tpu.dma_semaphore, #tpu.memory_space<semaphore_mem>>
      %dma_start3A_765 = arith.constant 0 : i32
      %dma_start3A_766 = arith.constant 0 : i32
      %dma_start3A_767 = tpu.memref_slice %arg9[%run_scoped3A_646, %dma_start3A_765, %dma_start3A_766] : memref<2x512x16xf32, #tpu.memory_space<vmem>> -> memref<1x512x16xf32, #tpu.memory_space<vmem>>
      %dma_start3A_768 = tpu.memref_squeeze %dma_start3A_767 : memref<1x512x16xf32, #tpu.memory_space<vmem>> -> memref<512x16xf32, #tpu.memory_space<vmem>>
      %dma_start3A_769 = arith.constant 0 : i32
      %dma_start3A_770 = arith.constant 0 : i32
      %dma_start3A_771 = tpu.memref_slice %dma_start3A_768[%dma_start3A_769, %dma_start3A_770] : memref<512x16xf32, #tpu.memory_space<vmem>> -> memref<512x16xf32, #tpu.memory_space<vmem>>
      %dma_start3A_772 = arith.constant 0 : i32
      %dma_start3A_773 = tpu.memref_slice %arg12[%add3A_645, %dma_start3A_772] : memref<100352x16xf32, #tpu.memory_space<vmem_shared>> -> memref<512x16xf32, #tpu.memory_space<vmem_shared>>
      %dma_start3A_774 = arith.constant 0 : i32
      %dma_start3A_775 = arith.constant 0 : i32
      %dma_start3A_776 = tpu.memref_slice %arg9[%run_scoped3A_646, %dma_start3A_774, %dma_start3A_775] : memref<2x512x16xf32, #tpu.memory_space<vmem>> -> memref<1x512x16xf32, #tpu.memory_space<vmem>>
      %dma_start3A_777 = tpu.memref_squeeze %dma_start3A_776 : memref<1x512x16xf32, #tpu.memory_space<vmem>> -> memref<512x16xf32, #tpu.memory_space<vmem>>
      %dma_start3A_778 = arith.constant 0 : i32
      %dma_start3A_779 = arith.constant 0 : i32
      %dma_start3A_780 = tpu.memref_slice %dma_start3A_777[%dma_start3A_778, %dma_start3A_779] : memref<512x16xf32, #tpu.memory_space<vmem>> -> memref<512x16xf32, #tpu.memory_space<vmem>>
      %dma_start3A_781 = arith.constant 0 : i32
      %dma_start3A_782 = tpu.memref_slice %arg12[%add3A_645, %dma_start3A_781] : memref<100352x16xf32, #tpu.memory_space<vmem_shared>> -> memref<512x16xf32, #tpu.memory_space<vmem_shared>>
      tpu.enqueue_dma source(%dma_start3A_782 : memref<512x16xf32, #tpu.memory_space<vmem_shared>>) target(%dma_start3A_780 : memref<512x16xf32, #tpu.memory_space<vmem>>) target_semaphore(%run_scoped3A_764 : memref<!tpu.dma_semaphore, #tpu.memory_space<semaphore_mem>>)
      %dma_wait3A_783 = arith.constant 0 : i32
      %dma_wait3A_784 = arith.constant 0 : i32
      %dma_wait3A_785 = tpu.memref_slice %arg9[%run_scoped3A_646, %dma_wait3A_783, %dma_wait3A_784] : memref<2x512x16xf32, #tpu.memory_space<vmem>> -> memref<1x512x16xf32, #tpu.memory_space<vmem>>
      %dma_wait3A_786 = tpu.memref_squeeze %dma_wait3A_785 : memref<1x512x16xf32, #tpu.memory_space<vmem>> -> memref<512x16xf32, #tpu.memory_space<vmem>>
      %dma_wait3A_787 = arith.constant 0 : i32
      %dma_wait3A_788 = arith.constant 0 : i32
      %dma_wait3A_789 = tpu.memref_slice %dma_wait3A_786[%dma_wait3A_787, %dma_wait3A_788] : memref<512x16xf32, #tpu.memory_space<vmem>> -> memref<512x16xf32, #tpu.memory_space<vmem>>
      %dma_wait3A_790 = arith.constant 0 : i32
      %dma_wait3A_791 = tpu.memref_slice %arg12[%add3A_645, %dma_wait3A_790] : memref<100352x16xf32, #tpu.memory_space<vmem_shared>> -> memref<512x16xf32, #tpu.memory_space<vmem_shared>>
      %dma_wait3A_792 = arith.constant 0 : i32
      %dma_wait3A_793 = arith.constant 0 : i32
      %dma_wait3A_794 = tpu.memref_slice %arg9[%run_scoped3A_646, %dma_wait3A_792, %dma_wait3A_793] : memref<2x512x16xf32, #tpu.memory_space<vmem>> -> memref<1x512x16xf32, #tpu.memory_space<vmem>>
      %dma_wait3A_795 = tpu.memref_squeeze %dma_wait3A_794 : memref<1x512x16xf32, #tpu.memory_space<vmem>> -> memref<512x16xf32, #tpu.memory_space<vmem>>
      %dma_wait3A_796 = arith.constant 0 : i32
      %dma_wait3A_797 = arith.constant 0 : i32
      %dma_wait3A_798 = tpu.memref_slice %dma_wait3A_795[%dma_wait3A_796, %dma_wait3A_797] : memref<512x16xf32, #tpu.memory_space<vmem>> -> memref<512x16xf32, #tpu.memory_space<vmem>>
      %dma_wait3A_799 = arith.constant 0 : i32
      %dma_wait3A_800 = tpu.memref_slice %arg12[%add3A_645, %dma_wait3A_799] : memref<100352x16xf32, #tpu.memory_space<vmem_shared>> -> memref<512x16xf32, #tpu.memory_space<vmem_shared>>
      tpu.wait_dma2 semaphore(%run_scoped3A_764 : memref<!tpu.dma_semaphore, #tpu.memory_space<semaphore_mem>>) src(%dma_wait3A_800 : memref<512x16xf32, #tpu.memory_space<vmem_shared>>) dst(%dma_wait3A_798 : memref<512x16xf32, #tpu.memory_space<vmem>>)
      tpu.yield
    }) : () -> ()
    %add3A_647 = arith.constant 5632 : i32
    %add3A_648 = arith.addi %mul3A_2, %add3A_647 : i32
    %dma_start3A_649 = arith.constant 1 : i32
    %dma_start3A_650 = arith.constant 0 : i32
    %dma_start3A_651 = arith.constant 0 : i32
    %dma_start3A_652 = tpu.memref_slice %arg9[%dma_start3A_649, %dma_start3A_650, %dma_start3A_651] : memref<2x512x16xf32, #tpu.memory_space<vmem>> -> memref<1x512x16xf32, #tpu.memory_space<vmem>>
    %dma_start3A_653 = tpu.memref_squeeze %dma_start3A_652 : memref<1x512x16xf32, #tpu.memory_space<vmem>> -> memref<512x16xf32, #tpu.memory_space<vmem>>
    %dma_start3A_654 = arith.constant 0 : i32
    %dma_start3A_655 = arith.constant 0 : i32
    %dma_start3A_656 = tpu.memref_slice %dma_start3A_653[%dma_start3A_654, %dma_start3A_655] : memref<512x16xf32, #tpu.memory_space<vmem>> -> memref<512x16xf32, #tpu.memory_space<vmem>>
    %dma_start3A_657 = arith.constant 0 : i32
    %dma_start3A_658 = arith.constant 0 : i32
    %dma_start3A_659 = tpu.memref_slice %arg5[%arg0, %dma_start3A_657, %dma_start3A_658] : memref<2x100352x16xf32, #tpu.memory_space<hbm>> -> memref<1x100352x16xf32, #tpu.memory_space<hbm>>
    %dma_start3A_660 = tpu.memref_squeeze %dma_start3A_659 : memref<1x100352x16xf32, #tpu.memory_space<hbm>> -> memref<100352x16xf32, #tpu.memory_space<hbm>>
    %dma_start3A_661 = arith.constant 0 : i32
    %dma_start3A_662 = tpu.memref_slice %dma_start3A_660[%add3A_648, %dma_start3A_661] : memref<100352x16xf32, #tpu.memory_space<hbm>> -> memref<512x16xf32, #tpu.memory_space<hbm>>
    %dma_start3A_663 = arith.constant 0 : i32
    %dma_start3A_664 = arith.constant 0 : i32
    %dma_start3A_665 = tpu.memref_slice %arg5[%arg0, %dma_start3A_663, %dma_start3A_664] : memref<2x100352x16xf32, #tpu.memory_space<hbm>> -> memref<1x100352x16xf32, #tpu.memory_space<hbm>>
    %dma_start3A_666 = tpu.memref_squeeze %dma_start3A_665 : memref<1x100352x16xf32, #tpu.memory_space<hbm>> -> memref<100352x16xf32, #tpu.memory_space<hbm>>
    %dma_start3A_667 = arith.constant 0 : i32
    %dma_start3A_668 = tpu.memref_slice %dma_start3A_666[%add3A_648, %dma_start3A_667] : memref<100352x16xf32, #tpu.memory_space<hbm>> -> memref<512x16xf32, #tpu.memory_space<hbm>>
    %dma_start3A_669 = arith.constant 0 : i32
    %dma_start3A_670 = arith.constant 0 : i32
    %dma_start3A_671 = tpu.memref_slice %arg9[%dma_start3A_649, %dma_start3A_669, %dma_start3A_670] : memref<2x512x16xf32, #tpu.memory_space<vmem>> -> memref<1x512x16xf32, #tpu.memory_space<vmem>>
    %dma_start3A_672 = tpu.memref_squeeze %dma_start3A_671 : memref<1x512x16xf32, #tpu.memory_space<vmem>> -> memref<512x16xf32, #tpu.memory_space<vmem>>
    %dma_start3A_673 = arith.constant 0 : i32
    %dma_start3A_674 = arith.constant 0 : i32
    %dma_start3A_675 = tpu.memref_slice %dma_start3A_672[%dma_start3A_673, %dma_start3A_674] : memref<512x16xf32, #tpu.memory_space<vmem>> -> memref<512x16xf32, #tpu.memory_space<vmem>>
    tpu.enqueue_dma source(%dma_start3A_675 : memref<512x16xf32, #tpu.memory_space<vmem>>) target(%dma_start3A_668 : memref<512x16xf32, #tpu.memory_space<hbm>>) target_semaphore(%arg15 : memref<!tpu.dma_semaphore, #tpu.memory_space<semaphore_mem>>)
    %dma_wait3A_676 = arith.constant 0 : i32
    %dma_wait3A_677 = arith.constant 0 : i32
    %dma_wait3A_678 = arith.constant 0 : i32
    %dma_wait3A_679 = tpu.memref_slice %arg9[%dma_wait3A_676, %dma_wait3A_677, %dma_wait3A_678] : memref<2x512x16xf32, #tpu.memory_space<vmem>> -> memref<1x512x16xf32, #tpu.memory_space<vmem>>
    %dma_wait3A_680 = tpu.memref_squeeze %dma_wait3A_679 : memref<1x512x16xf32, #tpu.memory_space<vmem>> -> memref<512x16xf32, #tpu.memory_space<vmem>>
    %dma_wait3A_681 = arith.constant 0 : i32
    %dma_wait3A_682 = arith.constant 0 : i32
    %dma_wait3A_683 = tpu.memref_slice %arg4[%dma_wait3A_681, %dma_wait3A_682] : memref<1600000x16xf32, #tpu.memory_space<hbm>> -> memref<512x16xf32, #tpu.memory_space<hbm>>
    %dma_wait3A_684 = arith.constant 0 : i32
    %dma_wait3A_685 = arith.constant 0 : i32
    %dma_wait3A_686 = tpu.memref_slice %arg9[%dma_wait3A_676, %dma_wait3A_684, %dma_wait3A_685] : memref<2x512x16xf32, #tpu.memory_space<vmem>> -> memref<1x512x16xf32, #tpu.memory_space<vmem>>
    %dma_wait3A_687 = tpu.memref_squeeze %dma_wait3A_686 : memref<1x512x16xf32, #tpu.memory_space<vmem>> -> memref<512x16xf32, #tpu.memory_space<vmem>>
    %dma_wait3A_688 = arith.constant 0 : i32
    %dma_wait3A_689 = arith.constant 0 : i32
    %dma_wait3A_690 = tpu.memref_slice %arg4[%dma_wait3A_688, %dma_wait3A_689] : memref<1600000x16xf32, #tpu.memory_space<hbm>> -> memref<512x16xf32, #tpu.memory_space<hbm>>
    tpu.wait_dma2 semaphore(%arg14 : memref<!tpu.dma_semaphore, #tpu.memory_space<semaphore_mem>>) src(%dma_wait3A_690 : memref<512x16xf32, #tpu.memory_space<hbm>>) dst(%dma_wait3A_687 : memref<512x16xf32, #tpu.memory_space<vmem>>)
    %add3A_691 = arith.constant 6144 : i32
    %add3A_692 = arith.addi %mul3A_2, %add3A_691 : i32
    %run_scoped3A_693 = arith.constant 0 : i32
    "tpu.region"() ({
      %run_scoped3A_764 = tpu.sem_alloc : memref<!tpu.dma_semaphore, #tpu.memory_space<semaphore_mem>>
      %dma_start3A_765 = arith.constant 0 : i32
      %dma_start3A_766 = arith.constant 0 : i32
      %dma_start3A_767 = tpu.memref_slice %arg9[%run_scoped3A_693, %dma_start3A_765, %dma_start3A_766] : memref<2x512x16xf32, #tpu.memory_space<vmem>> -> memref<1x512x16xf32, #tpu.memory_space<vmem>>
      %dma_start3A_768 = tpu.memref_squeeze %dma_start3A_767 : memref<1x512x16xf32, #tpu.memory_space<vmem>> -> memref<512x16xf32, #tpu.memory_space<vmem>>
      %dma_start3A_769 = arith.constant 0 : i32
      %dma_start3A_770 = arith.constant 0 : i32
      %dma_start3A_771 = tpu.memref_slice %dma_start3A_768[%dma_start3A_769, %dma_start3A_770] : memref<512x16xf32, #tpu.memory_space<vmem>> -> memref<128x16xf32, #tpu.memory_space<vmem>>
      %dma_start3A_772 = arith.constant 0 : i32
      %dma_start3A_773 = tpu.memref_slice %arg12[%add3A_692, %dma_start3A_772] : memref<100352x16xf32, #tpu.memory_space<vmem_shared>> -> memref<128x16xf32, #tpu.memory_space<vmem_shared>>
      %dma_start3A_774 = arith.constant 0 : i32
      %dma_start3A_775 = arith.constant 0 : i32
      %dma_start3A_776 = tpu.memref_slice %arg9[%run_scoped3A_693, %dma_start3A_774, %dma_start3A_775] : memref<2x512x16xf32, #tpu.memory_space<vmem>> -> memref<1x512x16xf32, #tpu.memory_space<vmem>>
      %dma_start3A_777 = tpu.memref_squeeze %dma_start3A_776 : memref<1x512x16xf32, #tpu.memory_space<vmem>> -> memref<512x16xf32, #tpu.memory_space<vmem>>
      %dma_start3A_778 = arith.constant 0 : i32
      %dma_start3A_779 = arith.constant 0 : i32
      %dma_start3A_780 = tpu.memref_slice %dma_start3A_777[%dma_start3A_778, %dma_start3A_779] : memref<512x16xf32, #tpu.memory_space<vmem>> -> memref<128x16xf32, #tpu.memory_space<vmem>>
      %dma_start3A_781 = arith.constant 0 : i32
      %dma_start3A_782 = tpu.memref_slice %arg12[%add3A_692, %dma_start3A_781] : memref<100352x16xf32, #tpu.memory_space<vmem_shared>> -> memref<128x16xf32, #tpu.memory_space<vmem_shared>>
      tpu.enqueue_dma source(%dma_start3A_782 : memref<128x16xf32, #tpu.memory_space<vmem_shared>>) target(%dma_start3A_780 : memref<128x16xf32, #tpu.memory_space<vmem>>) target_semaphore(%run_scoped3A_764 : memref<!tpu.dma_semaphore, #tpu.memory_space<semaphore_mem>>)
      %dma_wait3A_783 = arith.constant 0 : i32
      %dma_wait3A_784 = arith.constant 0 : i32
      %dma_wait3A_785 = tpu.memref_slice %arg9[%run_scoped3A_693, %dma_wait3A_783, %dma_wait3A_784] : memref<2x512x16xf32, #tpu.memory_space<vmem>> -> memref<1x512x16xf32, #tpu.memory_space<vmem>>
      %dma_wait3A_786 = tpu.memref_squeeze %dma_wait3A_785 : memref<1x512x16xf32, #tpu.memory_space<vmem>> -> memref<512x16xf32, #tpu.memory_space<vmem>>
      %dma_wait3A_787 = arith.constant 0 : i32
      %dma_wait3A_788 = arith.constant 0 : i32
      %dma_wait3A_789 = tpu.memref_slice %dma_wait3A_786[%dma_wait3A_787, %dma_wait3A_788] : memref<512x16xf32, #tpu.memory_space<vmem>> -> memref<128x16xf32, #tpu.memory_space<vmem>>
      %dma_wait3A_790 = arith.constant 0 : i32
      %dma_wait3A_791 = tpu.memref_slice %arg12[%add3A_692, %dma_wait3A_790] : memref<100352x16xf32, #tpu.memory_space<vmem_shared>> -> memref<128x16xf32, #tpu.memory_space<vmem_shared>>
      %dma_wait3A_792 = arith.constant 0 : i32
      %dma_wait3A_793 = arith.constant 0 : i32
      %dma_wait3A_794 = tpu.memref_slice %arg9[%run_scoped3A_693, %dma_wait3A_792, %dma_wait3A_793] : memref<2x512x16xf32, #tpu.memory_space<vmem>> -> memref<1x512x16xf32, #tpu.memory_space<vmem>>
      %dma_wait3A_795 = tpu.memref_squeeze %dma_wait3A_794 : memref<1x512x16xf32, #tpu.memory_space<vmem>> -> memref<512x16xf32, #tpu.memory_space<vmem>>
      %dma_wait3A_796 = arith.constant 0 : i32
      %dma_wait3A_797 = arith.constant 0 : i32
      %dma_wait3A_798 = tpu.memref_slice %dma_wait3A_795[%dma_wait3A_796, %dma_wait3A_797] : memref<512x16xf32, #tpu.memory_space<vmem>> -> memref<128x16xf32, #tpu.memory_space<vmem>>
      %dma_wait3A_799 = arith.constant 0 : i32
      %dma_wait3A_800 = tpu.memref_slice %arg12[%add3A_692, %dma_wait3A_799] : memref<100352x16xf32, #tpu.memory_space<vmem_shared>> -> memref<128x16xf32, #tpu.memory_space<vmem_shared>>
      tpu.wait_dma2 semaphore(%run_scoped3A_764 : memref<!tpu.dma_semaphore, #tpu.memory_space<semaphore_mem>>) src(%dma_wait3A_800 : memref<128x16xf32, #tpu.memory_space<vmem_shared>>) dst(%dma_wait3A_798 : memref<128x16xf32, #tpu.memory_space<vmem>>)
      tpu.yield
    }) : () -> ()
    %add3A_694 = arith.constant 6144 : i32
    %add3A_695 = arith.addi %mul3A_2, %add3A_694 : i32
    %dma_start3A_696 = arith.constant 0 : i32
    %dma_start3A_697 = arith.constant 0 : i32
    %dma_start3A_698 = arith.constant 0 : i32
    %dma_start3A_699 = tpu.memref_slice %arg9[%dma_start3A_696, %dma_start3A_697, %dma_start3A_698] : memref<2x512x16xf32, #tpu.memory_space<vmem>> -> memref<1x512x16xf32, #tpu.memory_space<vmem>>
    %dma_start3A_700 = tpu.memref_squeeze %dma_start3A_699 : memref<1x512x16xf32, #tpu.memory_space<vmem>> -> memref<512x16xf32, #tpu.memory_space<vmem>>
    %dma_start3A_701 = arith.constant 0 : i32
    %dma_start3A_702 = arith.constant 0 : i32
    %dma_start3A_703 = tpu.memref_slice %dma_start3A_700[%dma_start3A_701, %dma_start3A_702] : memref<512x16xf32, #tpu.memory_space<vmem>> -> memref<128x16xf32, #tpu.memory_space<vmem>>
    %dma_start3A_704 = arith.constant 0 : i32
    %dma_start3A_705 = arith.constant 0 : i32
    %dma_start3A_706 = tpu.memref_slice %arg5[%arg0, %dma_start3A_704, %dma_start3A_705] : memref<2x100352x16xf32, #tpu.memory_space<hbm>> -> memref<1x100352x16xf32, #tpu.memory_space<hbm>>
    %dma_start3A_707 = tpu.memref_squeeze %dma_start3A_706 : memref<1x100352x16xf32, #tpu.memory_space<hbm>> -> memref<100352x16xf32, #tpu.memory_space<hbm>>
    %dma_start3A_708 = arith.constant 0 : i32
    %dma_start3A_709 = tpu.memref_slice %dma_start3A_707[%add3A_695, %dma_start3A_708] : memref<100352x16xf32, #tpu.memory_space<hbm>> -> memref<128x16xf32, #tpu.memory_space<hbm>>
    %dma_start3A_710 = arith.constant 0 : i32
    %dma_start3A_711 = arith.constant 0 : i32
    %dma_start3A_712 = tpu.memref_slice %arg5[%arg0, %dma_start3A_710, %dma_start3A_711] : memref<2x100352x16xf32, #tpu.memory_space<hbm>> -> memref<1x100352x16xf32, #tpu.memory_space<hbm>>
    %dma_start3A_713 = tpu.memref_squeeze %dma_start3A_712 : memref<1x100352x16xf32, #tpu.memory_space<hbm>> -> memref<100352x16xf32, #tpu.memory_space<hbm>>
    %dma_start3A_714 = arith.constant 0 : i32
    %dma_start3A_715 = tpu.memref_slice %dma_start3A_713[%add3A_695, %dma_start3A_714] : memref<100352x16xf32, #tpu.memory_space<hbm>> -> memref<128x16xf32, #tpu.memory_space<hbm>>
    %dma_start3A_716 = arith.constant 0 : i32
    %dma_start3A_717 = arith.constant 0 : i32
    %dma_start3A_718 = tpu.memref_slice %arg9[%dma_start3A_696, %dma_start3A_716, %dma_start3A_717] : memref<2x512x16xf32, #tpu.memory_space<vmem>> -> memref<1x512x16xf32, #tpu.memory_space<vmem>>
    %dma_start3A_719 = tpu.memref_squeeze %dma_start3A_718 : memref<1x512x16xf32, #tpu.memory_space<vmem>> -> memref<512x16xf32, #tpu.memory_space<vmem>>
    %dma_start3A_720 = arith.constant 0 : i32
    %dma_start3A_721 = arith.constant 0 : i32
    %dma_start3A_722 = tpu.memref_slice %dma_start3A_719[%dma_start3A_720, %dma_start3A_721] : memref<512x16xf32, #tpu.memory_space<vmem>> -> memref<128x16xf32, #tpu.memory_space<vmem>>
    tpu.enqueue_dma source(%dma_start3A_722 : memref<128x16xf32, #tpu.memory_space<vmem>>) target(%dma_start3A_715 : memref<128x16xf32, #tpu.memory_space<hbm>>) target_semaphore(%arg14 : memref<!tpu.dma_semaphore, #tpu.memory_space<semaphore_mem>>)
    %dma_wait3A_723 = arith.constant 1 : i32
    %dma_wait3A_724 = arith.constant 0 : i32
    %dma_wait3A_725 = arith.constant 0 : i32
    %dma_wait3A_726 = tpu.memref_slice %arg9[%dma_wait3A_723, %dma_wait3A_724, %dma_wait3A_725] : memref<2x512x16xf32, #tpu.memory_space<vmem>> -> memref<1x512x16xf32, #tpu.memory_space<vmem>>
    %dma_wait3A_727 = tpu.memref_squeeze %dma_wait3A_726 : memref<1x512x16xf32, #tpu.memory_space<vmem>> -> memref<512x16xf32, #tpu.memory_space<vmem>>
    %dma_wait3A_728 = arith.constant 0 : i32
    %dma_wait3A_729 = arith.constant 0 : i32
    %dma_wait3A_730 = tpu.memref_slice %arg4[%dma_wait3A_728, %dma_wait3A_729] : memref<1600000x16xf32, #tpu.memory_space<hbm>> -> memref<512x16xf32, #tpu.memory_space<hbm>>
    %dma_wait3A_731 = arith.constant 0 : i32
    %dma_wait3A_732 = arith.constant 0 : i32
    %dma_wait3A_733 = tpu.memref_slice %arg9[%dma_wait3A_723, %dma_wait3A_731, %dma_wait3A_732] : memref<2x512x16xf32, #tpu.memory_space<vmem>> -> memref<1x512x16xf32, #tpu.memory_space<vmem>>
    %dma_wait3A_734 = tpu.memref_squeeze %dma_wait3A_733 : memref<1x512x16xf32, #tpu.memory_space<vmem>> -> memref<512x16xf32, #tpu.memory_space<vmem>>
    %dma_wait3A_735 = arith.constant 0 : i32
    %dma_wait3A_736 = arith.constant 0 : i32
    %dma_wait3A_737 = tpu.memref_slice %arg4[%dma_wait3A_735, %dma_wait3A_736] : memref<1600000x16xf32, #tpu.memory_space<hbm>> -> memref<512x16xf32, #tpu.memory_space<hbm>>
    tpu.wait_dma2 semaphore(%arg15 : memref<!tpu.dma_semaphore, #tpu.memory_space<semaphore_mem>>) src(%dma_wait3A_737 : memref<512x16xf32, #tpu.memory_space<hbm>>) dst(%dma_wait3A_734 : memref<512x16xf32, #tpu.memory_space<vmem>>)
    %dma_wait3A_738 = arith.constant 0 : i32
    %dma_wait3A_739 = arith.constant 0 : i32
    %dma_wait3A_740 = arith.constant 0 : i32
    %dma_wait3A_741 = tpu.memref_slice %arg9[%dma_wait3A_738, %dma_wait3A_739, %dma_wait3A_740] : memref<2x512x16xf32, #tpu.memory_space<vmem>> -> memref<1x512x16xf32, #tpu.memory_space<vmem>>
    %dma_wait3A_742 = tpu.memref_squeeze %dma_wait3A_741 : memref<1x512x16xf32, #tpu.memory_space<vmem>> -> memref<512x16xf32, #tpu.memory_space<vmem>>
    %dma_wait3A_743 = arith.constant 0 : i32
    %dma_wait3A_744 = arith.constant 0 : i32
    %dma_wait3A_745 = tpu.memref_slice %dma_wait3A_742[%dma_wait3A_743, %dma_wait3A_744] : memref<512x16xf32, #tpu.memory_space<vmem>> -> memref<128x16xf32, #tpu.memory_space<vmem>>
    %dma_wait3A_746 = arith.constant 0 : i32
    %dma_wait3A_747 = arith.constant 0 : i32
    %dma_wait3A_748 = tpu.memref_slice %arg4[%dma_wait3A_746, %dma_wait3A_747] : memref<1600000x16xf32, #tpu.memory_space<hbm>> -> memref<128x16xf32, #tpu.memory_space<hbm>>
    %dma_wait3A_749 = arith.constant 0 : i32
    %dma_wait3A_750 = arith.constant 0 : i32
    %dma_wait3A_751 = tpu.memref_slice %arg9[%dma_wait3A_738, %dma_wait3A_749, %dma_wait3A_750] : memref<2x512x16xf32, #tpu.memory_space<vmem>> -> memref<1x512x16xf32, #tpu.memory_space<vmem>>
    %dma_wait3A_752 = tpu.memref_squeeze %dma_wait3A_751 : memref<1x512x16xf32, #tpu.memory_space<vmem>> -> memref<512x16xf32, #tpu.memory_space<vmem>>
    %dma_wait3A_753 = arith.constant 0 : i32
    %dma_wait3A_754 = arith.constant 0 : i32
    %dma_wait3A_755 = tpu.memref_slice %dma_wait3A_752[%dma_wait3A_753, %dma_wait3A_754] : memref<512x16xf32, #tpu.memory_space<vmem>> -> memref<128x16xf32, #tpu.memory_space<vmem>>
    %dma_wait3A_756 = arith.constant 0 : i32
    %dma_wait3A_757 = arith.constant 0 : i32
    %dma_wait3A_758 = tpu.memref_slice %arg4[%dma_wait3A_756, %dma_wait3A_757] : memref<1600000x16xf32, #tpu.memory_space<hbm>> -> memref<128x16xf32, #tpu.memory_space<hbm>>
    tpu.wait_dma2 semaphore(%arg14 : memref<!tpu.dma_semaphore, #tpu.memory_space<semaphore_mem>>) src(%dma_wait3A_758 : memref<128x16xf32, #tpu.memory_space<hbm>>) dst(%dma_wait3A_755 : memref<128x16xf32, #tpu.memory_space<vmem>>)
    %lt3A_759 = arith.constant 8 : i32
    %lt3A_760 = arith.cmpi slt, %arg1, %lt3A_759 : i32
    %convert_element_type3A_761 = arith.extui %lt3A_760 : i1 to i32
    %cond3A_762 = arith.constant 0 : i32
    %cond3A_763 = arith.cmpi ne, %convert_element_type3A_761, %cond3A_762 : i32
    scf.if %cond3A_763 {
      %mul3A_764 = arith.constant 6272 : i32
      %mul3A_765 = arith.muli %arg1, %mul3A_764 : i32
      "tpu.region"() ({
        %run_scoped3A_776 = tpu.sem_alloc : memref<!tpu.dma_semaphore, #tpu.memory_space<semaphore_mem>>
        %dma_start3A_777 = tpu.memref_slice %arg13[%mul3A_765] : memref<50304xf32, #tpu.memory_space<vmem_shared>> -> memref<3200xf32, #tpu.memory_space<vmem_shared>>
        %dma_start3A_778 = tpu.memref_slice %arg13[%mul3A_765] : memref<50304xf32, #tpu.memory_space<vmem_shared>> -> memref<3200xf32, #tpu.memory_space<vmem_shared>>
        tpu.enqueue_dma source(%dma_start3A_778 : memref<3200xf32, #tpu.memory_space<vmem_shared>>) target(%arg11 : memref<3200xf32, #tpu.memory_space<vmem>>) target_semaphore(%run_scoped3A_776 : memref<!tpu.dma_semaphore, #tpu.memory_space<semaphore_mem>>)
        %dma_wait3A_779 = tpu.memref_slice %arg13[%mul3A_765] : memref<50304xf32, #tpu.memory_space<vmem_shared>> -> memref<3200xf32, #tpu.memory_space<vmem_shared>>
        %dma_wait3A_780 = tpu.memref_slice %arg13[%mul3A_765] : memref<50304xf32, #tpu.memory_space<vmem_shared>> -> memref<3200xf32, #tpu.memory_space<vmem_shared>>
        tpu.wait_dma2 semaphore(%run_scoped3A_776 : memref<!tpu.dma_semaphore, #tpu.memory_space<semaphore_mem>>) src(%dma_wait3A_780 : memref<3200xf32, #tpu.memory_space<vmem_shared>>) dst(%arg11 : memref<3200xf32, #tpu.memory_space<vmem>>)
        tpu.yield
      }) : () -> ()
      %mul3A_766 = arith.constant 50176 : i32
      %mul3A_767 = arith.muli %arg0, %mul3A_766 : i32
      %add3A_768 = arith.addi %mul3A_767, %mul3A_765 : i32
      "tpu.region"() ({
        %run_scoped3A_776 = tpu.sem_alloc : memref<!tpu.dma_semaphore, #tpu.memory_space<semaphore_mem>>
        %dma_start3A_777 = tpu.memref_slice %arg6[%add3A_768] : memref<100352xf32, #tpu.memory_space<hbm>> -> memref<3200xf32, #tpu.memory_space<hbm>>
        %dma_start3A_778 = tpu.memref_slice %arg6[%add3A_768] : memref<100352xf32, #tpu.memory_space<hbm>> -> memref<3200xf32, #tpu.memory_space<hbm>>
        tpu.enqueue_dma source(%arg11 : memref<3200xf32, #tpu.memory_space<vmem>>) target(%dma_start3A_778 : memref<3200xf32, #tpu.memory_space<hbm>>) target_semaphore(%run_scoped3A_776 : memref<!tpu.dma_semaphore, #tpu.memory_space<semaphore_mem>>)
        %dma_wait3A_779 = tpu.memref_slice %arg6[%add3A_768] : memref<100352xf32, #tpu.memory_space<hbm>> -> memref<3200xf32, #tpu.memory_space<hbm>>
        %dma_wait3A_780 = tpu.memref_slice %arg6[%add3A_768] : memref<100352xf32, #tpu.memory_space<hbm>> -> memref<3200xf32, #tpu.memory_space<hbm>>
        tpu.wait_dma2 semaphore(%run_scoped3A_776 : memref<!tpu.dma_semaphore, #tpu.memory_space<semaphore_mem>>) src(%arg11 : memref<3200xf32, #tpu.memory_space<vmem>>) dst(%dma_wait3A_780 : memref<3200xf32, #tpu.memory_space<hbm>>)
        tpu.yield
      }) : () -> ()
      %add3A_769 = arith.constant 3200 : i32
      %add3A_770 = arith.addi %mul3A_765, %add3A_769 : i32
      "tpu.region"() ({
        %run_scoped3A_776 = tpu.sem_alloc : memref<!tpu.dma_semaphore, #tpu.memory_space<semaphore_mem>>
        %dma_start3A_777 = arith.constant 0 : i32
        %dma_start3A_778 = tpu.memref_slice %arg11[%dma_start3A_777] : memref<3200xf32, #tpu.memory_space<vmem>> -> memref<3072xf32, #tpu.memory_space<vmem>>
        %dma_start3A_779 = tpu.memref_slice %arg13[%add3A_770] : memref<50304xf32, #tpu.memory_space<vmem_shared>> -> memref<3072xf32, #tpu.memory_space<vmem_shared>>
        %dma_start3A_780 = arith.constant 0 : i32
        %dma_start3A_781 = tpu.memref_slice %arg11[%dma_start3A_780] : memref<3200xf32, #tpu.memory_space<vmem>> -> memref<3072xf32, #tpu.memory_space<vmem>>
        %dma_start3A_782 = tpu.memref_slice %arg13[%add3A_770] : memref<50304xf32, #tpu.memory_space<vmem_shared>> -> memref<3072xf32, #tpu.memory_space<vmem_shared>>
        tpu.enqueue_dma source(%dma_start3A_782 : memref<3072xf32, #tpu.memory_space<vmem_shared>>) target(%dma_start3A_781 : memref<3072xf32, #tpu.memory_space<vmem>>) target_semaphore(%run_scoped3A_776 : memref<!tpu.dma_semaphore, #tpu.memory_space<semaphore_mem>>)
        %dma_wait3A_783 = arith.constant 0 : i32
        %dma_wait3A_784 = tpu.memref_slice %arg11[%dma_wait3A_783] : memref<3200xf32, #tpu.memory_space<vmem>> -> memref<3072xf32, #tpu.memory_space<vmem>>
        %dma_wait3A_785 = tpu.memref_slice %arg13[%add3A_770] : memref<50304xf32, #tpu.memory_space<vmem_shared>> -> memref<3072xf32, #tpu.memory_space<vmem_shared>>
        %dma_wait3A_786 = arith.constant 0 : i32
        %dma_wait3A_787 = tpu.memref_slice %arg11[%dma_wait3A_786] : memref<3200xf32, #tpu.memory_space<vmem>> -> memref<3072xf32, #tpu.memory_space<vmem>>
        %dma_wait3A_788 = tpu.memref_slice %arg13[%add3A_770] : memref<50304xf32, #tpu.memory_space<vmem_shared>> -> memref<3072xf32, #tpu.memory_space<vmem_shared>>
        tpu.wait_dma2 semaphore(%run_scoped3A_776 : memref<!tpu.dma_semaphore, #tpu.memory_space<semaphore_mem>>) src(%dma_wait3A_788 : memref<3072xf32, #tpu.memory_space<vmem_shared>>) dst(%dma_wait3A_787 : memref<3072xf32, #tpu.memory_space<vmem>>)
        tpu.yield
      }) : () -> ()
      %mul3A_771 = arith.constant 50176 : i32
      %mul3A_772 = arith.muli %arg0, %mul3A_771 : i32
      %add3A_773 = arith.addi %mul3A_772, %mul3A_765 : i32
      %add3A_774 = arith.constant 3200 : i32
      %add3A_775 = arith.addi %add3A_773, %add3A_774 : i32
      "tpu.region"() ({
        %run_scoped3A_776 = tpu.sem_alloc : memref<!tpu.dma_semaphore, #tpu.memory_space<semaphore_mem>>
        %dma_start3A_777 = arith.constant 0 : i32
        %dma_start3A_778 = tpu.memref_slice %arg11[%dma_start3A_777] : memref<3200xf32, #tpu.memory_space<vmem>> -> memref<3072xf32, #tpu.memory_space<vmem>>
        %dma_start3A_779 = tpu.memref_slice %arg6[%add3A_775] : memref<100352xf32, #tpu.memory_space<hbm>> -> memref<3072xf32, #tpu.memory_space<hbm>>
        %dma_start3A_780 = tpu.memref_slice %arg6[%add3A_775] : memref<100352xf32, #tpu.memory_space<hbm>> -> memref<3072xf32, #tpu.memory_space<hbm>>
        %dma_start3A_781 = arith.constant 0 : i32
        %dma_start3A_782 = tpu.memref_slice %arg11[%dma_start3A_781] : memref<3200xf32, #tpu.memory_space<vmem>> -> memref<3072xf32, #tpu.memory_space<vmem>>
        tpu.enqueue_dma source(%dma_start3A_782 : memref<3072xf32, #tpu.memory_space<vmem>>) target(%dma_start3A_780 : memref<3072xf32, #tpu.memory_space<hbm>>) target_semaphore(%run_scoped3A_776 : memref<!tpu.dma_semaphore, #tpu.memory_space<semaphore_mem>>)
        %dma_wait3A_783 = arith.constant 0 : i32
        %dma_wait3A_784 = tpu.memref_slice %arg11[%dma_wait3A_783] : memref<3200xf32, #tpu.memory_space<vmem>> -> memref<3072xf32, #tpu.memory_space<vmem>>
        %dma_wait3A_785 = tpu.memref_slice %arg6[%add3A_775] : memref<100352xf32, #tpu.memory_space<hbm>> -> memref<3072xf32, #tpu.memory_space<hbm>>
        %dma_wait3A_786 = tpu.memref_slice %arg6[%add3A_775] : memref<100352xf32, #tpu.memory_space<hbm>> -> memref<3072xf32, #tpu.memory_space<hbm>>
        %dma_wait3A_787 = arith.constant 0 : i32
        %dma_wait3A_788 = tpu.memref_slice %arg11[%dma_wait3A_787] : memref<3200xf32, #tpu.memory_space<vmem>> -> memref<3072xf32, #tpu.memory_space<vmem>>
        tpu.wait_dma2 semaphore(%run_scoped3A_776 : memref<!tpu.dma_semaphore, #tpu.memory_space<semaphore_mem>>) src(%dma_wait3A_788 : memref<3072xf32, #tpu.memory_space<vmem>>) dst(%dma_wait3A_786 : memref<3072xf32, #tpu.memory_space<hbm>>)
        tpu.yield
      }) : () -> ()
    } else {
    }
    return
  }
}

module attributes {stable_mosaic.version = 14 : i64} {
  func.func @_tc_body(%arg0: i32, %arg1: memref<2000x128xf32, #tpu.memory_space<vmem>>, %arg2: memref<2x2000x16xf32, #tpu.memory_space<vmem>>, %arg3: memref<2000x1xf32, #tpu.memory_space<vmem>>, %arg4: memref<2000x1xi32, #tpu.memory_space<vmem>>, %arg5: memref<128x64xf32, #tpu.memory_space<vmem>>, %arg6: memref<128x128xf32, #tpu.memory_space<vmem>>, %arg7: memref<16x128xf32, #tpu.memory_space<vmem>>, %arg8: memref<64x128xf32, #tpu.memory_space<vmem>>, %arg9: memref<2000x128xf32, #tpu.memory_space<vmem>>) attributes {dimension_semantics = [#tpu.dimension_semantics<arbitrary>], iteration_bounds = array<i64: 50>, scalar_prefetch = 0 : i64, scratch_operands = 0 : i64, tpu.core_type = #tpu.core_type<tc>, window_params = [{transform_indices = @transform_0, window_bounds = array<i64: 2000, 128>}, {transform_indices = @transform_1, window_bounds = array<i64: 2, 2000, 16>}, {transform_indices = @transform_2, window_bounds = array<i64: 2000, 1>}, {transform_indices = @transform_3, window_bounds = array<i64: 2000, 1>}, {pipeline_mode = #tpu.pipeline_mode<synchronous>, transform_indices = @transform_4, window_bounds = array<i64: 128, 64>}, {pipeline_mode = #tpu.pipeline_mode<synchronous>, transform_indices = @transform_5, window_bounds = array<i64: 128, 128>}, {pipeline_mode = #tpu.pipeline_mode<synchronous>, transform_indices = @transform_6, window_bounds = array<i64: 16, 128>}, {pipeline_mode = #tpu.pipeline_mode<synchronous>, transform_indices = @transform_7, window_bounds = array<i64: 64, 128>}, {transform_indices = @transform_8, window_bounds = array<i64: 2000, 128>}]} {
    %get3A = arith.constant 0 : index
    %get3A_0 = arith.constant 0 : index
    %get3A_1 = vector.load %arg1[%get3A, %get3A_0] : memref<2000x128xf32, #tpu.memory_space<vmem>>, vector<2000x128xf32>
    %get3A_2 = arith.constant 0 : index
    %get3A_3 = arith.constant 0 : index
    %get3A_4 = vector.load %arg6[%get3A_2, %get3A_3] : memref<128x128xf32, #tpu.memory_space<vmem>>, vector<128x128xf32>
    %dot_general3A = arith.constant dense<0.000000e+00> : vector<2000x128xf32>
    %dot_general3A_5 = tpu.matmul %get3A_1, %get3A_4, %dot_general3A {dimension_numbers = #tpu.dot_dimension_numbers<[1], [0], [0], [1], [0, 0, 1, 1], [], []>, transpose_lhs_hint = false} : vector<2000x128xf32>, vector<128x128xf32>, vector<2000x128xf32> -> vector<2000x128xf32>
    %get3A_6 = arith.constant 0 : index
    %get3A_7 = arith.constant 0 : index
    %get3A_8 = arith.constant 0 : index
    %get3A_9 = vector.load %arg2[%get3A_6, %get3A_7, %get3A_8] : memref<2x2000x16xf32, #tpu.memory_space<vmem>>, vector<1x2000x16xf32>
    %get3A_10 = vector.shape_cast %get3A_9 : vector<1x2000x16xf32> to vector<2000x16xf32>
    %get3A_11 = arith.constant 1 : index
    %get3A_12 = arith.constant 0 : index
    %get3A_13 = arith.constant 0 : index
    %get3A_14 = vector.load %arg2[%get3A_11, %get3A_12, %get3A_13] : memref<2x2000x16xf32, #tpu.memory_space<vmem>>, vector<1x2000x16xf32>
    %get3A_15 = vector.shape_cast %get3A_14 : vector<1x2000x16xf32> to vector<2000x16xf32>
    %add3A = arith.addf %get3A_10, %get3A_15 : vector<2000x16xf32>
    %get3A_16 = arith.constant 0 : index
    %get3A_17 = arith.constant 0 : index
    %get3A_18 = vector.load %arg3[%get3A_16, %get3A_17] : memref<2000x1xf32, #tpu.memory_space<vmem>>, vector<2000x1xf32>
    %max3A = arith.constant 1.000000e+00 : f32
    %max3A_19 = vector.broadcast %max3A : f32 to vector<2000x1xf32>
    %max3A_20 = arith.maximumf %get3A_18, %max3A_19 : vector<2000x1xf32>
    %div3A = vector.broadcast %max3A_20 : vector<2000x1xf32> to vector<2000x16xf32>
    %div3A_21 = arith.divf %add3A, %div3A : vector<2000x16xf32>
    %get3A_22 = arith.constant 0 : index
    %get3A_23 = arith.constant 0 : index
    %get3A_24 = vector.load %arg7[%get3A_22, %get3A_23] : memref<16x128xf32, #tpu.memory_space<vmem>>, vector<16x128xf32>
    %dot_general3A_25 = arith.constant dense<0.000000e+00> : vector<2000x128xf32>
    %dot_general3A_26 = tpu.matmul %div3A_21, %get3A_24, %dot_general3A_25 {dimension_numbers = #tpu.dot_dimension_numbers<[1], [0], [0], [1], [0, 0, 1, 1], [], []>, transpose_lhs_hint = false} : vector<2000x16xf32>, vector<16x128xf32>, vector<2000x128xf32> -> vector<2000x128xf32>
    %add3A_27 = arith.addf %dot_general3A_5, %dot_general3A_26 : vector<2000x128xf32>
    %get3A_28 = arith.constant 0 : index
    %get3A_29 = arith.constant 0 : index
    %get3A_30 = vector.load %arg5[%get3A_28, %get3A_29] : memref<128x64xf32, #tpu.memory_space<vmem>>, vector<128x64xf32>
    %get3A_31 = arith.constant 0 : index
    %get3A_32 = arith.constant 0 : index
    %get3A_33 = vector.load %arg8[%get3A_31, %get3A_32] : memref<64x128xf32, #tpu.memory_space<vmem>>, vector<64x128xf32>
    %dot_general3A_34 = arith.constant dense<0.000000e+00> : vector<128x128xf32>
    %dot_general3A_35 = tpu.matmul %get3A_30, %get3A_33, %dot_general3A_34 {dimension_numbers = #tpu.dot_dimension_numbers<[1], [0], [0], [1], [0, 0, 1, 1], [], []>, transpose_lhs_hint = false} : vector<128x64xf32>, vector<64x128xf32>, vector<128x128xf32> -> vector<128x128xf32>
    %iota3A = tpu.iota {dimensions = array<i32: 1>} : vector<2000x128xi32>
    %get3A_36 = arith.constant 0 : index
    %get3A_37 = arith.constant 0 : index
    %get3A_38 = vector.load %arg4[%get3A_36, %get3A_37] : memref<2000x1xi32, #tpu.memory_space<vmem>>, vector<2000x1xi32>
    %eq3A = vector.broadcast %get3A_38 : vector<2000x1xi32> to vector<2000x128xi32>
    %eq3A_39 = arith.cmpi eq, %eq3A, %iota3A : vector<2000x128xi32>
    %convert_element_type3A = arith.extui %eq3A_39 : vector<2000x128xi1> to vector<2000x128xi32>
    %convert_element_type3A_40 = arith.sitofp %convert_element_type3A : vector<2000x128xi32> to vector<2000x128xf32>
    %dot_general3A_41 = arith.constant dense<0.000000e+00> : vector<2000x128xf32>
    %dot_general3A_42 = tpu.matmul %convert_element_type3A_40, %dot_general3A_35, %dot_general3A_41 {dimension_numbers = #tpu.dot_dimension_numbers<[1], [0], [0], [1], [0, 0, 1, 1], [], []>, transpose_lhs_hint = false} : vector<2000x128xf32>, vector<128x128xf32>, vector<2000x128xf32> -> vector<2000x128xf32>
    %add3A_43 = arith.addf %add3A_27, %dot_general3A_42 : vector<2000x128xf32>
    %max3A_44 = arith.constant 0.000000e+00 : f32
    %max3A_45 = vector.broadcast %max3A_44 : f32 to vector<2000x128xf32>
    %max3A_46 = arith.maximumf %add3A_43, %max3A_45 : vector<2000x128xf32>
    %abs3A = math.absf %add3A_43 : vector<2000x128xf32>
    %neg3A = arith.constant 0.000000e+00 : f32
    %neg3A_47 = vector.broadcast %neg3A : f32 to vector<2000x128xf32>
    %neg3A_48 = arith.subf %neg3A_47, %abs3A : vector<2000x128xf32>
    %exp3A = math.exp %neg3A_48 : vector<2000x128xf32>
    %log1p3A = math.log1p %exp3A : vector<2000x128xf32>
    %add3A_49 = arith.addf %max3A_46, %log1p3A : vector<2000x128xf32>
    %sub3A = arith.constant 0.693147182 : f32
    %sub3A_50 = vector.broadcast %sub3A : f32 to vector<2000x128xf32>
    %sub3A_51 = arith.subf %add3A_49, %sub3A_50 : vector<2000x128xf32>
    %swap3A = arith.constant 0 : index
    %swap3A_52 = arith.constant 0 : index
    %swap3A_53 = vector.load %arg9[%swap3A, %swap3A_52] : memref<2000x128xf32, #tpu.memory_space<vmem>>, vector<2000x128xf32>
    tpu.vector_store %arg9[%swap3A, %swap3A_52], %sub3A_51 {strides = array<i32>} : memref<2000x128xf32, #tpu.memory_space<vmem>>, vector<2000x128xf32>,
    return
  }
  func.func @transform_0(%arg0: i32) -> (i32, i32) {
    %c0_i32 = arith.constant 0 : i32
    %c0_i32_0 = arith.constant 0 : i32
    return %arg0, %c0_i32 : i32, i32
  }
  func.func @transform_1(%arg0: i32) -> (i32, i32, i32) {
    %c0_i32 = arith.constant 0 : i32
    %c0_i32_0 = arith.constant 0 : i32
    %c0_i32_1 = arith.constant 0 : i32
    return %c0_i32, %arg0, %c0_i32_0 : i32, i32, i32
  }
  func.func @transform_2(%arg0: i32) -> (i32, i32) {
    %c0_i32 = arith.constant 0 : i32
    %c0_i32_0 = arith.constant 0 : i32
    return %arg0, %c0_i32 : i32, i32
  }
  func.func @transform_3(%arg0: i32) -> (i32, i32) {
    %c0_i32 = arith.constant 0 : i32
    %c0_i32_0 = arith.constant 0 : i32
    return %arg0, %c0_i32 : i32, i32
  }
  func.func @transform_4(%arg0: i32) -> (i32, i32) {
    %c0_i32 = arith.constant 0 : i32
    %c0_i32_0 = arith.constant 0 : i32
    %c0_i32_1 = arith.constant 0 : i32
    return %c0_i32, %c0_i32_0 : i32, i32
  }
  func.func @transform_5(%arg0: i32) -> (i32, i32) {
    %c0_i32 = arith.constant 0 : i32
    %c0_i32_0 = arith.constant 0 : i32
    %c0_i32_1 = arith.constant 0 : i32
    return %c0_i32, %c0_i32_0 : i32, i32
  }
  func.func @transform_6(%arg0: i32) -> (i32, i32) {
    %c0_i32 = arith.constant 0 : i32
    %c0_i32_0 = arith.constant 0 : i32
    %c0_i32_1 = arith.constant 0 : i32
    return %c0_i32, %c0_i32_0 : i32, i32
  }
  func.func @transform_7(%arg0: i32) -> (i32, i32) {
    %c0_i32 = arith.constant 0 : i32
    %c0_i32_0 = arith.constant 0 : i32
    %c0_i32_1 = arith.constant 0 : i32
    return %c0_i32, %c0_i32_0 : i32, i32
  }
  func.func @transform_8(%arg0: i32) -> (i32, i32) {
    %c0_i32 = arith.constant 0 : i32
    %c0_i32_0 = arith.constant 0 : i32
    return %arg0, %c0_i32 : i32, i32
  }
}

</mosaic_0001>

<sc_bundles>
// kernel: kernel.4.cloned.1.call-start
scs
__scs_entry_jumppad:
0x0: {  	(pc) =	sbr.rel $0x88, $3  }
0x1: {  	(tag) =	ssettag $0x0;
	lr =	simm.s32 $0x1  }
0x2: {  	[smem:$0x3F9B] =	sst lr;
	_ =	strace $0xD0000000  }
0x3: {  	_ = 	snop  }
0x4: {  	_ = 	snop  }
0x5: {  	_ = 	snop  }
0x6: {  	_ = 	snop  }
0x7: {  	_ = 	snop  }
__scs_overlays_trampoline_lowered:
0x8: {  	[smem:$0x3FAA] =	sst s0  }
0x9: {  	[smem:$0x3FAB] =	sst s1  }
0xa: {  	[smem:$0x3FAC] =	sst s2  }
0xb: {  	[smem:$0x3FAD] =	sst s3  }
0xc: {  	[smem:$0x3FAE] =	sst s4  }
0xd: {  	[smem:$0x3FAF] =	sst s5  }
0xe: {  	[smem:$0x3FB0] =	sst s6  }
0xf: {  	[smem:$0x3FB1] =	sst s7  }
0x10: {  	[smem:$0x3FB2] =	sst s8  }
0x11: {  	[smem:$0x3FB3] =	sst s9;
	s0 =	simm.s32 @!p0 $0x0  }
0x12: {  	s1 =	sld [smem:$0x3F99];
	s0 =	simm.s32 @p0 $0x1  }
0x13: {  	[smem:$0x3FB4] =	sst s0;
	s0 =	simm.s32 @!p1 $0x0  }
0x14: {  	s2 =	sld [smem:$0x3F98];
	s0 =	simm.s32 @p1 $0x1  }
0x15: {  	[smem:$0x3FB5] =	sst s0;
	s0 =	simm.s32 @!p2 $0x0  }
0x16: {  	s3 =	sld [smem:$0x3FDB];
	s0 =	simm.s32 @p2 $0x1  }
0x17: {  	s4 =	simm.s32 $0x1BF5;
	[smem:$0x3FB7] =	sst s0  }
0x18: {  	s0 =	sld [smem:$0x3F9A];
	_ =	swait.ge [sflag:s4], $0x0  }
0x19: {  	s7 =	sld [smem:$0x3F9B]  }
0x1a: {  	s8 =	sadd.s32 $0xFFFFE003, lr  }
0x1b: {  	s9 =	sadd.s32 $0xFFFFFEF7, lr;
	s5 =	simm.s32 $0xFFFFFFFF;
	p2 =	slt.u32 s8, $0xFFFFF086  }
0x1c: {  	p1 =	slt.u32 s9, $0xF7A;
	s5 =	simm.s32 @!p2 $0x0  }
0x1d: {  	s5 =	simm.s32 @p1 $0x1;
	p0 =	seq.s32 s7, s2  }
0x1e: {  	s7 =	smul.u32 @!p0 $0xF7A, s2;
	p2 =	seq.s32 @!p0 s5, $0x0  }
0x1f: {  	s9 =	smul.u32 $0xF7A, s1;
	s8 =	simm.s32 @!p0 $0x1BF5;
	p2 =	por !p2, p0  }
0x20: {  	[sflag:s8] =	ssyncset.s32 @!p0 $0xFFFFF086;
	s6 =	sadd.s32 @!p0 s3, s7;
	s7 =	simm.s32 @!p0 $0x108  }
0x21: {  	s3 =	sadd.s32 s3, s9;
	s6 =	sadd.s32 @!p0 $0x88, s6;
	s7 =	simm.s32 @p2 $0x1082  }
0x22: {  	[simem:s7], [sflag:s8] =	dma.local @!p0 [hbm:s6], $0xF7A  }
0x23: {  	s9 =	sor.u32 $0xD0000000, s2;
	s6 =	simm.s32 $0x108;
	_ =	swait.ge @!p0 [sflag:s8], $0x0  }
0x24: {  	s3 =	sadd.s32 $0x88, s3;
	s6 =	simm.s32 @!p1 $0x1082;
	[sflag:s4] =	ssyncset.s32 $0xFFFFF086  }
0x25: {  	[simem:s6], [sflag:s4] =	dma.local [hbm:s3], $0xF7A  }
0x26: {  	[smem:$0x3F9B] =	sst s1;
	(tag) =	ssettag s2;
	_ =	strace s9  }
0x27: {  	s1 =	sld [smem:$0x3FAB]  }
0x28: {  	s2 =	sld [smem:$0x3FAC]  }
0x29: {  	s4 =	sld [smem:$0x3FAE]  }
0x2a: {  	p0 =	seq.s32 s5, $0x0;
	s5 =	sld [smem:$0x3FAF]  }
0x2b: {  	s6 =	sld [smem:$0x3FB0]  }
0x2c: {  	s7 =	sld [smem:$0x3FB1]  }
0x2d: {  	s3 =	simm.s32 $0x108;
	s8 =	sld [smem:$0x3FB2]  }
0x2e: {  	s3 =	simm.s32 @!p0 $0x1082;
	s9 =	sld [smem:$0x3FB3]  }
0x2f: {  	lr =	sadd.s32 s0, s3;
	s0 =	sld [smem:$0x3FAA]  }
0x30: {  	s3 =	sld [smem:$0x3FAD]  }
0x31: {  	[smem:$0x3FB6] =	sst s10  }
0x32: {  	s10 =	sld [smem:$0x3FB4];
	_ =	sdelay $0x3  }
0x33: {  	p0 =	seq.s32 s10, $0x1;
	s10 =	sld [smem:$0x3FB6];
	_ =	sdelay $0x3  }
0x34: {  	[smem:$0x3FB6] =	sst s10  }
0x35: {  	s10 =	sld [smem:$0x3FB5];
	_ =	sdelay $0x3  }
0x36: {  	p1 =	seq.s32 s10, $0x1;
	s10 =	sld [smem:$0x3FB6];
	_ =	sdelay $0x3  }
0x37: {  	[smem:$0x3FB6] =	sst s10  }
0x38: {  	s10 =	sld [smem:$0x3FB7]  }
0x39: {  	_ = 	snop;
	(pc) =	sbr.ind lr, $3  }
0x3a: {  	_ = 	snop  }
0x3b: {  	_ = 	snop  }
0x3c: {  	p2 =	seq.s32 s10, $0x1;
	s10 =	sld [smem:$0x3FB6]  }
0x3d: {  	_ =	shalt  }
0x3e: {  	_ =	shalt  }
0x3f: {  	_ =	shalt  }
0x40: {  	_ =	shalt  }
0x41: {  	_ =	shalt  }
0x42: {  	_ =	shalt  }
0x43: {  	_ =	shalt  }
0x44: {  	_ =	shalt  }
0x45: {  	_ =	shalt  }
0x46: {  	_ =	shalt  }
0x47: {  	_ =	shalt  }
0x48: {  	_ =	shalt  }
0x49: {  	_ =	shalt  }
0x4a: {  	_ =	shalt  }
0x4b: {  	_ =	shalt  }
0x4c: {  	_ =	shalt  }
0x4d: {  	_ =	shalt  }
0x4e: {  	_ =	shalt  }
0x4f: {  	_ =	shalt  }
0x50: {  	_ =	shalt  }
0x51: {  	_ =	shalt  }
0x52: {  	_ =	shalt  }
0x53: {  	_ =	shalt  }
0x54: {  	_ =	shalt  }
0x55: {  	_ =	shalt  }
0x56: {  	_ =	shalt  }
0x57: {  	_ =	shalt  }
0x58: {  	_ =	shalt  }
0x59: {  	_ =	shalt  }
0x5a: {  	_ =	shalt  }
0x5b: {  	_ =	shalt  }
0x5c: {  	_ =	shalt  }
0x5d: {  	_ =	shalt  }
0x5e: {  	_ =	shalt  }
0x5f: {  	_ =	shalt  }
0x60: {  	_ =	shalt  }
0x61: {  	_ =	shalt  }
0x62: {  	_ =	shalt  }
0x63: {  	_ =	shalt  }
0x64: {  	_ =	shalt  }
0x65: {  	_ =	shalt  }
0x66: {  	_ =	shalt  }
0x67: {  	_ =	shalt  }
0x68: {  	_ =	shalt  }
0x69: {  	_ =	shalt  }
0x6a: {  	_ =	shalt  }
0x6b: {  	_ =	shalt  }
0x6c: {  	_ =	shalt  }
0x6d: {  	_ =	shalt  }
0x6e: {  	_ =	shalt  }
0x6f: {  	_ =	shalt  }
0x70: {  	_ =	shalt  }
0x71: {  	_ =	shalt  }
0x72: {  	_ =	shalt  }
0x73: {  	_ =	shalt  }
0x74: {  	_ =	shalt  }
0x75: {  	_ =	shalt  }
0x76: {  	_ =	shalt  }
0x77: {  	_ =	shalt  }
0x78: {  	_ =	shalt  }
0x79: {  	_ =	shalt  }
0x7a: {  	_ =	shalt  }
0x7b: {  	_ =	shalt  }
0x7c: {  	_ =	shalt  }
0x7d: {  	_ =	shalt  }
0x7e: {  	_ =	shalt  }
0x7f: {  	_ =	shalt  }
0x80: {  	_ =	shalt  }
0x81: {  	_ =	shalt  }
0x82: {  	_ =	shalt  }
0x83: {  	_ =	shalt  }
0x84: {  	_ =	shalt  }
0x85: {  	_ =	shalt  }
0x86: {  	_ =	shalt  }
0x87: {  	_ =	shalt  }
.Lfunc_end0:
.L_simem_size_0:
called_computation_lowered:
.L_overlay_start_0:
0x88: {  	s2 =	sld [smem:$0x3FD9]  }
0x89: {  	s3 =	sld [smem:$0x3FFE];
	_ =	sdelay $0x1  }
0x8a: {  	s1 =	srdreg.scid  }
0x8b: {  	s0 =	sand.u32 $0x1, s1  }
0x8c: {  	s17 =	sshll.u32 s0, $0xA;
	s2 =	sadd.s32 s3, s2  }
0x8d: {  	s2 =	sadd.s32 s2, s17  }
0x8e: {  	[smem:$0x3FC2] =	sst s2  }
0x8f: {  	_ = 	snop  }
0x90: {  	s2 =	sld [smem:$0x3FD0];
	(tm) =	ssettm $0x1  }
0x91: {  	s18 =	sld [smem:$0x3FFB];
	_ =	sdelay $0x3  }
0x92: {  	_ =	strace s18  }
0x93: {  	s3 =	sld [smem:$0x3FFC];
	_ =	sdelay $0x3  }
0x94: {  	_ =	strace s3  }
0x95: {  	s3 =	sld [smem:$0x3FFD];
	_ =	sdelay $0x3  }
0x96: {  	_ =	strace s3  }
0x97: {  	_ =	strace $0x8FFFFFFF  }
0x98: {  	s19 =	sld [smem:$0x3FDB];
	_ =	sdelay $0x1  }
0x99: {  	s4 =	simm.s32 $_scs_section_size  }
0x9a: {  	s5 =	simm.s32 $_size__tile_overlayer_lowered;
	s6 =	simm.s32 $_tile_overlayer_lowered  }
0x9b: {  	s22 =	simm.s32 $0x1BFF;
	s21 =	sshll.u32 s6, $0x1;
	s3 =	sadd.s32 s4, s19  }
0x9c: {  	s7 =	simm.s32 $0x0;
	s20 =	sshll.u32 s5, $0x1;
	s5 =	sadd.s32 s21, s3  }
0x9d: {  	[timem:s7], [sflag:s22] =	dma.local [hbm:s5], s20  }
0x9e: {  	_ =	swait.ge [sflag:s22], s20  }
0x9f: {  	s4 =	ssub.s32 $0x0, s20;
	[sflag:s22] =	ssyncset.done $0x0  }
0xa0: {  	[sflag:s22] =	ssyncadd.s32 s4;
	_ =	sdelay $0x1  }
0xa1: {  	s23 =	simm.s32 $0x1B8B  }
0xa2: {  	_ =	swait.ge [sflag:s23], $0x1  }
0xa3: {  	[sflag:s23] =	ssyncset.done $0x0  }
0xa4: {  	s25 =	simm.s32 $0x1B8E;
	s24 =	sld [smem:$0x3FFE];
	[sflag:s23] =	ssyncadd.s32 $0xFFFFFFFF  }
0xa5: {  	s26 =	simm.s32 $execute0_lowered;
	[smem:$0x3FD2] =	sst s25  }
0xa6: {  	s5 =	sshll.u32 s26, $0x1;
	_ =	strace $0x80000046;
	[dreg:$0x1] =	wrdreg $0xFFFFFFFF  }
0xa7: {  	s28 =	simm.s32 $_size_execute0_lowered;
	s3 =	sadd.s32 s3, s5;
	[dreg:$0x0] =	wrdreg $0x0  }
0xa8: {  	s5 =	sshll.u32 s28, $0x1;
	[dreg:$0x2] =	wrdreg s3  }
0xa9: {  	[dreg:$0x3] =	wrdreg s5  }
0xaa: {  	[dreg:$0x4] =	wrdreg $0xC0  }
0xab: {  	_ =	task [dreg:s7], $0x5FFFF  }
0xac: {  	[dreg:$0x1] =	wrdreg $0xFFFFFFFF  }
0xad: {  	[dreg:$0x0] =	wrdreg $0x60  }
0xae: {  	[dreg:$0x2] =	wrdreg s24  }
0xaf: {  	[dreg:$0x3] =	wrdreg s2  }
0xb0: {  	[dreg:$0x4] =	wrdreg $0x5D000  }
0xb1: {  	[dreg:$0x5] =	wrdreg $0x1E5000  }
0xb2: {  	[dreg:$0x6] =	wrdreg $0x9  }
0xb3: {  	_ =	task.clear_ibuf [dreg:s7], $0x7FFFF;
	_ =	strace $0x90000046  }
0xb4: {  	s29 =	simm.s32 $0x9;
	_ =	strace $0x80000048  }
0xb5: {  	_ =	swait.ge [sflag:s29], $0x1  }
0xb6: {  	[sflag:s29] =	ssyncadd.s32 $0xFFFFFFFF  }
0xb7: {  	_ =	strace $0x90000048  }
0xb8: {  	_ =	sfence  }
0xb9: {  	s30 =	sld [smem:$0x0];
	_ =	sdelay $0x2  }
0xba: {  	s31 =	sshll.u32 s1, $0xD;
	s1 =	sshrl.u32 s1, $0x2  }
0xbb: {  	s3 =	sand.u32 $0x4000, s31;
	s1 =	sadd.s32 s1, s30  }
0xbc: {  	s0 =	sor.u32 s3, s0;
	s1 =	sshll.u32 s1, $0x11  }
0xbd: {  	s0 =	sor.u32 s1, s0  }
0xbe: {  	s0 =	sadd.s32 $0x8F2B, s0  }
0xbf: {  	[sflag:s0] =	ssyncadd.remote.s32 $0x1  }
0xc0: {  	_ =	sfence.sel $0xFFFF  }
0xc1: {  	[dreg:$0x0] =	wrdreg $0xFFFFFFFF;
	(pc) =	sbr.abs _section_cstart, $3  }
0xc2: {  	[dreg:$0x1] =	wrdreg $0xFFFFFFFF  }
0xc3: {  	_ =	task.clear_ibuf [dreg:s7], $0x2FFFF;
	_ =	strace $0x9FFFFFFF  }
0xc4: {  	(tm) =	ssettm $0x7FFFFFFF  }
0xc5: {  	_ =	shalt  }
tec
execute0_lowered:
.L_overlay_start_1:
0x0: {  	(tag) =	ssettag $0x1  }
0x1: {  	s4 =	rddreg [dreg:$0x0]  }
0x2: {  	s9 =	rddreg [dreg:$0x1]  }
0x3: {  	s1 =	rddreg [dreg:$0x2];
	s0 =	stileid.u32  }
0x4: {  	s2 =	rddreg [dreg:$0x3];
	s5 =	smul.u32 $0x30, s0  }
0x5: {  	s3 =	srdreg.scid;
	s15 =	smul.u32 $0x18800, s0  }
0x6: {  	s8 =	sand.u32 $0x1, s3;
	s3 =	simm.s32 $0x0;
	s17 =	smul.u32 $0x61, s0  }
0x7: {  	s23 =	smin.u32 s0, $0xA;
	s6 =	sshll.u32 s8, $0x4;
	s7 =	smul.u32 $0x300, s8  }
0x8: {  	[smem:$0x7FF] =	sst s3;
	s12 =	smul.u32 $0xC400, s8;
	s13 =	ssub.s32 $0x2, s8  }
0x9: {  	s20 =	smul.u32 $0x31000, s8;
	s10 =	sor.u32 s0, s6;
	_ =	strace $0x80000047  }
0xa: {  	s14 =	sshrl.u32 s13, $0x1;
	s18 =	sadd.s32 $0x6000, s15;
	s19 =	sadd.s32 $0x8000, s15  }
0xb: {  	s21 =	sadd.s32 $0xA000, s15;
	s22 =	sadd.s32 $0xC000, s15;
	s6 =	smin.u32 s10, $0x1A  }
0xc: {  	s5 =	sadd.s32 s5, s7;
	s7 =	smul.u32 $0x30D40, s8;
	p1 =	slt.u32 s10, $0x1A  }
0xd: {  	s8 =	sadd.s32 s23, s17;
	s17 =	sadd.s32 s9, s20;
	s20 =	sshrl.u32 s15, $0x3  }
0xe: {  	s23 =	sshll.u32 s23, $0x7;
	p0 =	sne.s32 s10, $0x1F;
	s31 =	sadd.s32 s19, s1  }
0xf: {  	s6 =	sadd.s32 s6, s5;
	s20 =	sadd.s32 s20, s17;
	[dreg:$0x15] =	wrdreg s31  }
0x10: {  	s5 =	smul.u32 $0x1880, s0;
	s8 =	sshll.u32 s8, $0x7;
	[dreg:$0x7] =	wrdreg s20  }
0x11: {  	s11 =	sshll.u32 s6, $0x7;
	s6 =	sshll.u32 s6, $0xB;
	[smem:$0x7F6] =	sst s8  }
0x12: {  	s16 =	sadd.s32 s6, s4;
	s6 =	ssub.s32 s13, s14;
	s13 =	sadd.s32 $0x2000, s15  }
0x13: {  	s14 =	sadd.s32 $0x4000, s15;
	s24 =	sshrl.u32 s13, $0x3;
	s26 =	sadd.s32 $0x18FCC00, s16  }
0x14: {  	s25 =	sadd.s32 $0x18FD400, s16;
	s30 =	sadd.s32 s14, s1;
	[dreg:$0x5] =	wrdreg s26  }
0x15: {  	s26 =	smul.u32 $0x3080, s0;
	[dreg:$0x6] =	wrdreg s25;
	s24 =	sadd.s32 s24, s17  }
0x16: {  	s25 =	sshrl.u32 s14, $0x3;
	s14 =	sadd.s32 $0x30F00, s4;
	[dreg:$0x8] =	wrdreg s24  }
0x17: {  	s25 =	sadd.s32 s25, s17;
	[dreg:$0x1f] =	wrdreg s14;
	s9 =	sadd.s32 s23, s26  }
0x18: {  	s26 =	sshrl.u32 s18, $0x3;
	[dreg:$0x9] =	wrdreg s25;
	s18 =	sadd.s32 s18, s1  }
0x19: {  	s23 =	sshrl.u32 s19, $0x3;
	s16 =	sadd.s32 s26, s17;
	[dreg:$0x14] =	wrdreg s18  }
0x1a: {  	s7 =	sadd.s32 s7, s4;
	s10 =	sadd.s32 s23, s17;
	[dreg:$0xa] =	wrdreg s16  }
0x1b: {  	s26 =	sshrl.u32 s21, $0x3;
	s21 =	sadd.s32 s21, s1;
	[dreg:$0xb] =	wrdreg s10  }
0x1c: {  	s23 =	sshrl.u32 s22, $0x3;
	s22 =	sadd.s32 s22, s1;
	[dreg:$0x16] =	wrdreg s21  }
0x1d: {  	s12 =	sadd.s32 s5, s12;
	s20 =	sadd.s32 s26, s17;
	[dreg:$0x17] =	wrdreg s22  }
0x1e: {  	s12 =	sshrl.u32 s12, $0x3;
	s10 =	sadd.s32 s23, s17;
	[dreg:$0xc] =	wrdreg s20  }
0x1f: {  	s12 =	sadd.s32 s12, s4;
	s16 =	sadd.s32 $0x10000, s15;
	[dreg:$0xd] =	wrdreg s10  }
0x20: {  	s25 =	sshrl.u32 s16, $0x3;
	s19 =	sadd.s32 s16, s1;
	s16 =	sadd.s32 $0x31000, s7  }
0x21: {  	s7 =	sadd.s32 s5, s2;
	s5 =	sadd.s32 $0x92D90, s12;
	[dreg:$0x19] =	wrdreg s19  }
0x22: {  	p2 =	slt.u32 s0, $0xA;
	[smem:$0x7F4] =	sst s5  }
0x23: {  	p3 =	sgt.u32 s0, $0x7;
	s28 =	sadd.s32 $0x18000, s15;
	[smem:$0x7FA] =	sst s16  }
0x24: {  	s10 =	sadd.s32 $0xE000, s15;
	s26 =	sadd.s32 s25, s17;
	[smem:$0x7FC] =	sst s7  }
0x25: {  	s24 =	sshrl.u32 s10, $0x3;
	s10 =	sadd.s32 s10, s1;
	[dreg:$0xf] =	wrdreg s26  }
0x26: {  	s11 =	sadd.s32 s11, s4;
	s19 =	sadd.s32 $0x92C00, s12;
	[dreg:$0x18] =	wrdreg s10  }
0x27: {  	s29 =	sadd.s32 s13, s1;
	s12 =	sadd.s32 $0x200, s11;
	[smem:$0x7F3] =	sst s19  }
0x28: {  	s14 =	sadd.s32 $0x100, s9;
	s23 =	sadd.s32 s24, s17;
	[smem:$0x7F7] =	sst s12  }
0x29: {  	s9 =	simm.s32 $0x5;
	s10 =	smax.u32 s6, $0x1;
	[dreg:$0xe] =	wrdreg s23  }
0x2a: {  	s20 =	sadd.s32 $0x12000, s15;
	s19 =	sadd.s32 $0xC80, s7;
	[smem:$0x7F5] =	sst s10  }
0x2b: {  	s24 =	sshrl.u32 s20, $0x3;
	s20 =	sadd.s32 s20, s1;
	[smem:$0x7FD] =	sst s19  }
0x2c: {  	s26 =	sadd.s32 $0x16000, s15;
	s23 =	sadd.s32 s24, s17;
	[dreg:$0x1a] =	wrdreg s20  }
0x2d: {  	s25 =	sshrl.u32 s26, $0x3;
	s26 =	sadd.s32 s26, s1;
	[dreg:$0x10] =	wrdreg s23  }
0x2e: {  	s23 =	sadd.s32 $0x14000, s15;
	s25 =	sadd.s32 s25, s17;
	[dreg:$0x1c] =	wrdreg s26  }
0x2f: {  	s24 =	sshrl.u32 s23, $0x3;
	[dreg:$0x12] =	wrdreg s25;
	s23 =	sadd.s32 s23, s1  }
0x30: {  	s25 =	sshrl.u32 s28, $0x3;
	s28 =	sadd.s32 s28, s1;
	[dreg:$0x1b] =	wrdreg s23  }
0x31: {  	s5 =	simm.s32 $0x0;
	s24 =	sadd.s32 s24, s17;
	[dreg:$0x1d] =	wrdreg s28  }
0x32: {  	s6 =	simm.s32 $0x1000;
	s17 =	sadd.s32 s25, s17;
	[dreg:$0x11] =	wrdreg s24  }
0x33: {  	s12 =	simm.s32 $0x2;
	s25 =	simm.s32 $0x62;
	[dreg:$0x13] =	wrdreg s17  }
0x34: {  	s17 =	sadd.s32 s15, s1;
	s24 =	simm.s32 $0x31;
	s25 =	simm.s32 @!p2 $0x61  }
0x35: {  	p2 =	sne.s32 s0, $0xF;
	s15 =	sadd.s32 $0x1C09C00, s4;
	s4 =	sadd.s32 $0x80, s8  }
0x36: {  	s24 =	simm.s32 @!p1 $0x30;
	p1 =	sne.s32 s0, $0x0;
	s0 =	smul.u32 $0x3000, s0  }
0x37: {  	[smem:$0x7F2] =	sst s15;
	s4 =	sadd.s32 s4, s16;
	s13 =	simm.s32 @!p1 $0x0  }
0x38: {  	s10 =	simm.s32 $0x1;
	[smem:$0x7F9] =	sst s4;
	s13 =	simm.s32 @p1 $0x1  }
0x39: {  	s15 =	sadd.s32 $0xC000, s2;
	[smem:$0x7F1] =	sst s13;
	s13 =	sshrl.u32 s0, $0x2  }
0x3a: {  	s16 =	sadd.s32 s16, s14;
	[smem:$0x7FB] =	sst s15;
	s0 =	sadd.s32 s13, s2  }
0x3b: {  	s15 =	simm.s32 $0x80;
	s13 =	sadd.s32 $0x280, s11;
	[dreg:$0x1e] =	wrdreg s0  }
0x3c: {  	v0 =	vimm.f32 $0.0e+00;
	v1 =	vimm.f32 $1.000000000e+00;
	s4 =	simm.s32 $0x5000;
	s11 =	simm.s32 $0x3000;
	[smem:$0x7F8] =	sst s13  }
.LBB2_1:
0x3d: {  	s8 =	simm.s32 $0x0  }
.LBB2_2:
0x3e: {  	p1 =	sne.s32 s8, $0x7FC0  }
.Ltmp0:
0x3f: {  	_ = 	snop;
	(pc) =	sbr.rel @p1 .LBB2_2-.Ltmp0, $3  }
0x40: {  	_ =	sdelay $0x1  }
0x41: {  	s13 =	sshra.s32 s8, $0x2  }
0x42: {  	s8 =	sadd.s32 $0x40, s8;
	[tilespmem:s13+$0x1000] =	vst v0  }
0x43: {  	s8 =	simm.s32 $0x40;
	s13 =	simm.s32 $0x0  }
.LBB2_4:
0x44: {  	p1 =	sne.s32 s8, $0x31C0;
	[tilespmem:s13+$0x5080] =	vst v0;
	s13 =	smov.u32 s8;
	s8 =	sadd.s32 $0x40, s8  }
.Ltmp1:
0x45: {  	(pc) =	sbr.rel @p1 .LBB2_4-.Ltmp1, $2  }
0x46: {  	_ =	sdelay $0x2  }
0x47: {  	s13 =	sshra.s32 s13, $0x2  }
0x48: {  	[tilespmem:s13+$0x5080] =	vst v0  }
0x49: {  	[tilespmem:$0x5000] =	vst v1  }
0x4a: {  	[tilespmem:$0x5010] =	vst v1  }
0x4b: {  	[tilespmem:$0x5020] =	vst v1  }
0x4c: {  	[tilespmem:$0x5030] =	vst v1  }
0x4d: {  	[tilespmem:$0x5040] =	vst v1  }
0x4e: {  	[tilespmem:$0x5050] =	vst v1  }
0x4f: {  	[tilespmem:$0x5060] =	vst v1  }
0x50: {  	[tilespmem:$0x5070] =	vst v1  }
0x51: {  	[spmem:s17] =	stream.linear.scatter [tilespmem:s6], [sflag:$0x5], $0x2000, $0x38;
	[tilespmem:$0x1F148] =	vst v63  }
0x52: {  	_ =	swait.ge [sflag:s9], $0x2000  }
0x53: {  	[sflag:s9] =	ssyncset.done $0x0  }
0x54: {  	[sflag:s9] =	ssyncadd.s32 $0xFFFFE000  }
0x55: {  	[spmem:s29] =	stream.linear.scatter [tilespmem:s6], [sflag:$0x5], $0x2000, $0x38;
	[tilespmem:$0x1F148] =	vst v63  }
0x56: {  	_ =	swait.ge [sflag:s9], $0x2000  }
0x57: {  	[sflag:s9] =	ssyncset.done $0x0  }
0x58: {  	[sflag:s9] =	ssyncadd.s32 $0xFFFFE000  }
0x59: {  	[spmem:s30] =	stream.linear.scatter [tilespmem:s6], [sflag:$0x5], $0x2000, $0x38;
	[tilespmem:$0x1F148] =	vst v63  }
0x5a: {  	_ =	swait.ge [sflag:s9], $0x2000  }
0x5b: {  	[sflag:s9] =	ssyncset.done $0x0  }
0x5c: {  	[sflag:s9] =	ssyncadd.s32 $0xFFFFE000  }
0x5d: {  	[spmem:s18] =	stream.linear.scatter [tilespmem:s6], [sflag:$0x5], $0x2000, $0x38;
	[tilespmem:$0x1F148] =	vst v63  }
0x5e: {  	_ =	swait.ge [sflag:s9], $0x2000  }
0x5f: {  	[sflag:s9] =	ssyncset.done $0x0  }
0x60: {  	[sflag:s9] =	ssyncadd.s32 $0xFFFFE000  }
0x61: {  	[spmem:s31] =	stream.linear.scatter [tilespmem:s6], [sflag:$0x5], $0x2000, $0x38;
	[tilespmem:$0x1F148] =	vst v63  }
0x62: {  	_ =	swait.ge [sflag:s9], $0x2000  }
0x63: {  	[sflag:s9] =	ssyncset.done $0x0  }
0x64: {  	[sflag:s9] =	ssyncadd.s32 $0xFFFFE000  }
0x65: {  	[spmem:s21] =	stream.linear.scatter [tilespmem:s6], [sflag:$0x5], $0x2000, $0x38;
	[tilespmem:$0x1F148] =	vst v63  }
0x66: {  	_ =	swait.ge [sflag:s9], $0x2000  }
0x67: {  	[sflag:s9] =	ssyncset.done $0x0  }
0x68: {  	[sflag:s9] =	ssyncadd.s32 $0xFFFFE000  }
0x69: {  	[spmem:s22] =	stream.linear.scatter [tilespmem:s6], [sflag:$0x5], $0x2000, $0x38;
	[tilespmem:$0x1F148] =	vst v63  }
0x6a: {  	_ =	swait.ge [sflag:s9], $0x2000  }
0x6b: {  	[sflag:s9] =	ssyncset.done $0x0  }
0x6c: {  	s0 =	rddreg [dreg:$0x18];
	[sflag:s9] =	ssyncadd.s32 $0xFFFFE000  }
0x6d: {  	[spmem:s0] =	stream.linear.scatter [tilespmem:s6], [sflag:$0x5], $0x2000, $0x38;
	[tilespmem:$0x1F148] =	vst v63  }
0x6e: {  	_ =	swait.ge [sflag:s9], $0x2000  }
0x6f: {  	[sflag:s9] =	ssyncset.done $0x0  }
0x70: {  	s19 =	smov.u32 s29;
	s29 =	rddreg [dreg:$0x19];
	[sflag:s9] =	ssyncadd.s32 $0xFFFFE000  }
0x71: {  	[spmem:s29] =	stream.linear.scatter [tilespmem:s6], [sflag:$0x5], $0x2000, $0x38;
	[tilespmem:$0x1F148] =	vst v63  }
0x72: {  	_ =	swait.ge [sflag:s9], $0x2000  }
0x73: {  	[sflag:s9] =	ssyncset.done $0x0  }
0x74: {  	[sflag:s9] =	ssyncadd.s32 $0xFFFFE000  }
0x75: {  	[spmem:s20] =	stream.linear.scatter [tilespmem:s6], [sflag:$0x5], $0x2000, $0x38;
	[tilespmem:$0x1F148] =	vst v63  }
0x76: {  	_ =	swait.ge [sflag:s9], $0x2000  }
0x77: {  	[sflag:s9] =	ssyncset.done $0x0  }
0x78: {  	[sflag:s9] =	ssyncadd.s32 $0xFFFFE000  }
0x79: {  	[spmem:s23] =	stream.linear.scatter [tilespmem:s6], [sflag:$0x5], $0x2000, $0x38;
	[tilespmem:$0x1F148] =	vst v63  }
0x7a: {  	_ =	swait.ge [sflag:s9], $0x2000  }
0x7b: {  	[sflag:s9] =	ssyncset.done $0x0  }
0x7c: {  	[sflag:s9] =	ssyncadd.s32 $0xFFFFE000  }
0x7d: {  	[spmem:s26] =	stream.linear.scatter [tilespmem:s6], [sflag:$0x5], $0x2000, $0x38;
	[tilespmem:$0x1F148] =	vst v63  }
0x7e: {  	_ =	swait.ge [sflag:s9], $0x2000  }
0x7f: {  	[sflag:s9] =	ssyncset.done $0x0  }
0x80: {  	[sflag:s9] =	ssyncadd.s32 $0xFFFFE000  }
0x81: {  	[spmem:s28] =	stream.linear.scatter [tilespmem:s6], [sflag:$0x5], $0x800, $0x38;
	[tilespmem:$0x1F148] =	vst v63  }
0x82: {  	_ =	swait.ge [sflag:s9], $0x800  }
0x83: {  	s7 =	smov.u32 s30;
	[sflag:s9] =	ssyncset.done $0x0  }
0x84: {  	s8 =	simm.s32 $0x5080;
	s30 =	rddreg [dreg:$0x1e];
	[sflag:s9] =	ssyncadd.s32 $0xFFFFF800  }
0x85: {  	[spmem:s30] =	stream.linear.scatter [tilespmem:s8], [sflag:$0x5], $0xC00, $0x38;
	[tilespmem:$0x1F148] =	vst v63  }
0x86: {  	_ =	swait.ge [sflag:s9], $0xC00  }
0x87: {  	s31 =	sld [smem:$0x7F1];
	_ =	sdelay $0x1  }
0x88: {  	s0 =	sld [smem:$0x7FB]  }
0x89: {  	[sflag:s9] =	ssyncset.done $0x0;
	p5 =	seq.s32 s31, $0x1  }
0x8a: {  	[sflag:s9] =	ssyncadd.s32 $0xFFFFF400;
	s8 =	simm.s32 @!p5 $0x5080  }
0x8b: {  	[spmem:s0] =	stream.linear.scatter @!p5 [tilespmem:s8], [sflag:$0x5], $0x480, $0x38;
	[tilespmem:$0x1F148] =	vst v63  }
0x8c: {  	s8 =	simm.s32 @!p5 $0x5  }
0x8d: {  	p1 =	sle.u32 s24, $0x0;
	_ =	swait.ge @!p5 [sflag:s8], $0x480  }
0x8e: {  	p4 =	por @!p1 $0x1, $0x1;
	[sflag:s8] =	ssyncset.done @!p5 $0x0  }
0x8f: {  	p4 =	por p4, p1;
	[sflag:s8] =	ssyncadd.s32 @!p5 $0xFFFFFB80  }
0x90: {  	s8 =	simm.s32 @!p4 $0x1;
	[bflag:$0x0] =	sbarrier.arrive $0xFFFF  }
0x91: {  	_ =	swait.ge @!p4 [sflag:s8], $0x2000  }
0x92: {  	s0 =	sld [smem:$0x7F7]  }
0x93: {  	s14 =	smov.u32 s17;
	[sflag:s8] =	ssyncset.done @!p4 $0x0  }
0x94: {  	s13 =	simm.s32 @!p1 $0x0;
	s17 =	simm.s32 @!p1 $0x5;
	[sflag:s8] =	ssyncadd.s32 @!p4 $0xFFFFE000  }
0x95: {  	[tilespmem:s13], [sflag:$0x5] =	stream.linear.gather @!p1 [hbm4b:s0+s13], $0x400, $0x38;
	[tilespmem:$0x1F148] =	vst v63  }
0x96: {  	_ =	swait.ge @!p1 [sflag:s17], $0x400  }
0x97: {  	s8 =	rddreg [dreg:$0x5];
	[sflag:s17] =	ssyncset.done @!p1 $0x0  }
0x98: {  	s18 =	simm.s32 @!p1 $0x1000;
	[sflag:s17] =	ssyncadd.s32 @!p1 $0xFFFFFC00;
	s8 =	sadd.s32 @!p1 $0x0, s8  }
0x99: {  	[tilespmem:s18], [sflag:$0x5] =	stream.linear.gather @!p1 [hbm4b:s8+s13], $0x2000, $0x38;
	[tilespmem:$0x1F148] =	vst v63  }
0x9a: {  	_ =	swait.ge @!p1 [sflag:s17], $0x2000  }
0x9b: {  	[sflag:s17] =	ssyncset.done @!p1 $0x0  }
0x9c: {  	s20 =	simm.s32 @!p1 $0x80;
	[sflag:s17] =	ssyncadd.s32 @!p1 $0xFFFFE000  }
0x9d: {  	[spmem:s1] =	stream.indirect.scatter.add.f32 @!p1 [tilespmem:s18], [sflag:$0x1], $0x10, s13, s20, $0xb8;
	[tilespmem:$0x1F148] =	vst v63  }
0x9e: {  	s18 =	simm.s32 @!p1 $0x1800  }
0x9f: {  	[spmem:s1] =	stream.indirect.scatter.add.f32 @!p1 [tilespmem:s18], [sflag:$0x1], $0x10, s20, s20, $0xb8;
	[tilespmem:$0x1F148] =	vst v63  }
0xa0: {  	s21 =	simm.s32 @!p1 $0x2000;
	s18 =	simm.s32 @!p1 $0x100  }
0xa1: {  	[spmem:s1] =	stream.indirect.scatter.add.f32 @!p1 [tilespmem:s21], [sflag:$0x1], $0x10, s18, s20, $0xb8;
	[tilespmem:$0x1F148] =	vst v63  }
0xa2: {  	s22 =	simm.s32 @!p4 $0x2;
	s18 =	simm.s32 @!p1 $0x180;
	s21 =	simm.s32 @!p1 $0x2800  }
0xa3: {  	[spmem:s1] =	stream.indirect.scatter.add.f32 @!p1 [tilespmem:s21], [sflag:$0x1], $0x10, s18, s20, $0xb8;
	[tilespmem:$0x1F148] =	vst v63  }
0xa4: {  	_ =	swait.ge @!p4 [sflag:s22], $0x2000  }
0xa5: {  	[sflag:s22] =	ssyncset.done @!p4 $0x0  }
0xa6: {  	s8 =	sadd.s32 @!p1 $0x400, s8;
	s18 =	simm.s32 @!p1 $0x3000;
	[sflag:s22] =	ssyncadd.s32 @!p4 $0xFFFFE000  }
0xa7: {  	[tilespmem:s18], [sflag:$0x5] =	stream.linear.gather @!p1 [hbm4b:s8+s13], $0x2000, $0x38;
	[tilespmem:$0x1F148] =	vst v63  }
0xa8: {  	_ =	swait.ge @!p1 [sflag:s17], $0x2000  }
0xa9: {  	[sflag:s17] =	ssyncset.done @!p1 $0x0  }
0xaa: {  	s8 =	simm.s32 @!p1 $0x200;
	[sflag:s17] =	ssyncadd.s32 @!p1 $0xFFFFE000  }
0xab: {  	[spmem:s1] =	stream.indirect.scatter.add.f32 @!p1 [tilespmem:s18], [sflag:$0x2], $0x10, s8, s20, $0xb8;
	[tilespmem:$0x1F148] =	vst v63  }
0xac: {  	s13 =	simm.s32 @!p1 $0x3800;
	s8 =	simm.s32 @!p1 $0x280  }
0xad: {  	[spmem:s1] =	stream.indirect.scatter.add.f32 @!p1 [tilespmem:s13], [sflag:$0x2], $0x10, s8, s20, $0xb8;
	[tilespmem:$0x1F148] =	vst v63  }
0xae: {  	s8 =	simm.s32 @!p1 $0x300;
	s13 =	simm.s32 @!p1 $0x4000  }
0xaf: {  	[spmem:s1] =	stream.indirect.scatter.add.f32 @!p1 [tilespmem:s13], [sflag:$0x2], $0x10, s8, s20, $0xb8;
	[tilespmem:$0x1F148] =	vst v63  }
0xb0: {  	p5 =	sle.u32 s24, $0x1;
	s8 =	simm.s32 @!p1 $0x380;
	s13 =	simm.s32 @!p1 $0x4800  }
0xb1: {  	[spmem:s1] =	stream.indirect.scatter.add.f32 @!p1 [tilespmem:s13], [sflag:$0x2], $0x10, s8, s20, $0xb8;
	[tilespmem:$0x1F148] =	vst v63  }
0xb2: {  	s8 =	simm.s32 @!p5 $0x1  }
0xb3: {  	_ =	swait.ge @!p5 [sflag:s8], $0x2000  }
0xb4: {  	s28 =	sld [smem:$0x7F8]  }
0xb5: {  	s17 =	simm.s32 @!p5 $0x400;
	[sflag:s8] =	ssyncset.done @!p5 $0x0  }
0xb6: {  	s13 =	simm.s32 @!p5 $0x5;
	[sflag:s8] =	ssyncadd.s32 @!p5 $0xFFFFE000;
	s8 =	simm.s32 @!p5 $0x0  }
0xb7: {  	[tilespmem:s17], [sflag:$0x5] =	stream.linear.gather @!p5 [hbm4b:s28+s8], $0x400, $0x38;
	[tilespmem:$0x1F148] =	vst v63  }
0xb8: {  	_ =	swait.ge @!p5 [sflag:s13], $0x400  }
0xb9: {  	s18 =	rddreg [dreg:$0x6];
	[sflag:s13] =	ssyncset.done @!p5 $0x0  }
0xba: {  	s20 =	simm.s32 @!p5 $0x1000;
	[sflag:s13] =	ssyncadd.s32 @!p5 $0xFFFFFC00;
	s18 =	sadd.s32 @!p5 $0x0, s18  }
0xbb: {  	[tilespmem:s20], [sflag:$0x5] =	stream.linear.gather @!p5 [hbm4b:s18+s8], $0x2000, $0x38;
	[tilespmem:$0x1F148] =	vst v63  }
0xbc: {  	_ =	swait.ge @!p5 [sflag:s13], $0x2000  }
0xbd: {  	[sflag:s13] =	ssyncset.done @!p5 $0x0  }
0xbe: {  	s22 =	simm.s32 @!p5 $0x80;
	[sflag:s13] =	ssyncadd.s32 @!p5 $0xFFFFE000  }
0xbf: {  	[spmem:s1] =	stream.indirect.scatter.add.f32 @!p5 [tilespmem:s20], [sflag:$0x1], $0x10, s17, s22, $0xb8;
	[tilespmem:$0x1F148] =	vst v63  }
0xc0: {  	s17 =	simm.s32 @!p5 $0x480;
	s20 =	simm.s32 @!p5 $0x1800  }
0xc1: {  	[spmem:s1] =	stream.indirect.scatter.add.f32 @!p5 [tilespmem:s20], [sflag:$0x1], $0x10, s17, s22, $0xb8;
	[tilespmem:$0x1F148] =	vst v63  }
0xc2: {  	s17 =	simm.s32 @!p5 $0x500;
	s20 =	simm.s32 @!p5 $0x2000  }
0xc3: {  	[spmem:s1] =	stream.indirect.scatter.add.f32 @!p5 [tilespmem:s20], [sflag:$0x1], $0x10, s17, s22, $0xb8;
	[tilespmem:$0x1F148] =	vst v63  }
0xc4: {  	s21 =	simm.s32 @!p5 $0x2;
	s17 =	simm.s32 @!p5 $0x580;
	s20 =	simm.s32 @!p5 $0x2800  }
0xc5: {  	[spmem:s1] =	stream.indirect.scatter.add.f32 @!p5 [tilespmem:s20], [sflag:$0x1], $0x10, s17, s22, $0xb8;
	[tilespmem:$0x1F148] =	vst v63  }
0xc6: {  	_ =	swait.ge @!p5 [sflag:s21], $0x2000  }
0xc7: {  	[sflag:s21] =	ssyncset.done @!p5 $0x0  }
0xc8: {  	s17 =	sadd.s32 @!p5 $0x400, s18;
	s18 =	simm.s32 @!p5 $0x3000;
	[sflag:s21] =	ssyncadd.s32 @!p5 $0xFFFFE000  }
0xc9: {  	[tilespmem:s18], [sflag:$0x5] =	stream.linear.gather @!p5 [hbm4b:s17+s8], $0x2000, $0x38;
	[tilespmem:$0x1F148] =	vst v63  }
0xca: {  	s23 =	simm.s32 @!p5 $0x680;
	s26 =	simm.s32 @!p5 $0x3800;
	_ =	swait.ge @!p5 [sflag:s13], $0x2000  }
0xcb: {  	p4 =	sle.u32 s24, $0x2;
	s20 =	simm.s32 $0x2000;
	[sflag:s13] =	ssyncset.done @!p5 $0x0  }
0xcc: {  	s8 =	simm.s32 $0x1000;
	[sflag:s13] =	ssyncadd.s32 @!p5 $0xFFFFE000;
	s13 =	simm.s32 @!p5 $0x600  }
0xcd: {  	[spmem:s1] =	stream.indirect.scatter.add.f32 @!p5 [tilespmem:s18], [sflag:$0x2], $0x10, s13, s22, $0xb8;
	[tilespmem:$0x1F148] =	vst v63  }
0xce: {  	s17 =	sadd.s32 $0x100, s28;
	s18 =	simm.s32 $0x3;
	s13 =	smov.u32 s0  }
.LBB2_6:
0xcf: {  	p1 =	seq.s32 @!p4 s8, $0x0  }
0xd0: {  	[spmem:s1] =	stream.indirect.scatter.add.f32 @!p5 [tilespmem:s26], [sflag:$0x2], $0x10, s23, s22, $0xb8;
	[tilespmem:$0x1F148] =	vst v63  }
0xd1: {  	s23 =	simm.s32 @!p5 $0x700;
	s26 =	simm.s32 @!p5 $0x4000;
	p1 =	por p1, p4  }
0xd2: {  	[spmem:s1] =	stream.indirect.scatter.add.f32 @!p5 [tilespmem:s26], [sflag:$0x2], $0x10, s23, s22, $0xb8;
	[tilespmem:$0x1F148] =	vst v63  }
0xd3: {  	s28 =	simm.s32 @!p5 $0x4800;
	s23 =	simm.s32 @!p1 $0x1;
	s26 =	simm.s32 @!p5 $0x780  }
0xd4: {  	[spmem:s1] =	stream.indirect.scatter.add.f32 @!p5 [tilespmem:s28], [sflag:$0x2], $0x10, s26, s22, $0xb8;
	[tilespmem:$0x1F148] =	vst v63  }
0xd5: {  	_ =	swait.ge @!p1 [sflag:s23], $0x2000  }
0xd6: {  	s13 =	sadd.s32 $0x100, s13;
	[sflag:s23] =	ssyncset.done @!p1 $0x0  }
0xd7: {  	s22 =	simm.s32 @!p4 $0x0;
	s26 =	simm.s32 @!p4 $0x5;
	[sflag:s23] =	ssyncadd.s32 @!p1 $0xFFFFE000  }
0xd8: {  	[tilespmem:s22], [sflag:$0x5] =	stream.linear.gather @!p4 [hbm4b:s13+s22], $0x400, $0x38;
	[tilespmem:$0x1F148] =	vst v63  }
0xd9: {  	_ =	swait.ge @!p4 [sflag:s26], $0x400  }
0xda: {  	[sflag:s26] =	ssyncset.done @!p4 $0x0;
	s23 =	rddreg [dreg:$0x5]  }
0xdb: {  	s28 =	simm.s32 @!p4 $0x1000;
	[sflag:s26] =	ssyncadd.s32 @!p4 $0xFFFFFC00;
	s23 =	sadd.s32 @!p4 s8, s23  }
0xdc: {  	[tilespmem:s28], [sflag:$0x5] =	stream.linear.gather @!p4 [hbm4b:s23+s22], $0x2000, $0x38;
	[tilespmem:$0x1F148] =	vst v63  }
0xdd: {  	_ =	swait.ge @!p4 [sflag:s26], $0x2000  }
0xde: {  	[sflag:s26] =	ssyncset.done @!p4 $0x0  }
0xdf: {  	s29 =	simm.s32 @!p4 $0x80;
	[sflag:s26] =	ssyncadd.s32 @!p4 $0xFFFFE000  }
0xe0: {  	[spmem:s1] =	stream.indirect.scatter.add.f32 @!p4 [tilespmem:s28], [sflag:$0x1], $0x10, s22, s29, $0xb8;
	[tilespmem:$0x1F148] =	vst v63  }
0xe1: {  	s28 =	simm.s32 @!p4 $0x1800  }
0xe2: {  	[spmem:s1] =	stream.indirect.scatter.add.f32 @!p4 [tilespmem:s28], [sflag:$0x1], $0x10, s29, s29, $0xb8;
	[tilespmem:$0x1F148] =	vst v63  }
0xe3: {  	s30 =	simm.s32 @!p4 $0x2000;
	s28 =	simm.s32 @!p4 $0x100  }
0xe4: {  	[spmem:s1] =	stream.indirect.scatter.add.f32 @!p4 [tilespmem:s30], [sflag:$0x1], $0x10, s28, s29, $0xb8;
	[tilespmem:$0x1F148] =	vst v63  }
0xe5: {  	s31 =	simm.s32 @!p1 $0x2;
	s28 =	simm.s32 @!p4 $0x180;
	s30 =	simm.s32 @!p4 $0x2800  }
0xe6: {  	[spmem:s1] =	stream.indirect.scatter.add.f32 @!p4 [tilespmem:s30], [sflag:$0x1], $0x10, s28, s29, $0xb8;
	[tilespmem:$0x1F148] =	vst v63  }
0xe7: {  	_ =	swait.ge @!p1 [sflag:s31], $0x2000  }
0xe8: {  	[sflag:s31] =	ssyncset.done @!p1 $0x0  }
0xe9: {  	s23 =	sadd.s32 @!p4 $0x400, s23;
	s28 =	simm.s32 @!p4 $0x3000;
	[sflag:s31] =	ssyncadd.s32 @!p1 $0xFFFFE000  }
0xea: {  	[tilespmem:s28], [sflag:$0x5] =	stream.linear.gather @!p4 [hbm4b:s23+s22], $0x2000, $0x38;
	[tilespmem:$0x1F148] =	vst v63  }
0xeb: {  	_ =	swait.ge @!p4 [sflag:s26], $0x2000  }
0xec: {  	[sflag:s26] =	ssyncset.done @!p4 $0x0  }
0xed: {  	s22 =	simm.s32 @!p4 $0x200;
	[sflag:s26] =	ssyncadd.s32 @!p4 $0xFFFFE000  }
0xee: {  	[spmem:s1] =	stream.indirect.scatter.add.f32 @!p4 [tilespmem:s28], [sflag:$0x2], $0x10, s22, s29, $0xb8;
	[tilespmem:$0x1F148] =	vst v63  }
0xef: {  	s23 =	simm.s32 @!p4 $0x3800;
	s22 =	simm.s32 @!p4 $0x280  }
0xf0: {  	[spmem:s1] =	stream.indirect.scatter.add.f32 @!p4 [tilespmem:s23], [sflag:$0x2], $0x10, s22, s29, $0xb8;
	[tilespmem:$0x1F148] =	vst v63  }
0xf1: {  	s22 =	simm.s32 @!p4 $0x300;
	s23 =	simm.s32 @!p4 $0x4000  }
0xf2: {  	[spmem:s1] =	stream.indirect.scatter.add.f32 @!p4 [tilespmem:s23], [sflag:$0x2], $0x10, s22, s29, $0xb8;
	[tilespmem:$0x1F148] =	vst v63  }
0xf3: {  	p5 =	sge.u32 s18, s24;
	s22 =	simm.s32 @!p4 $0x380;
	s23 =	simm.s32 @!p4 $0x4800  }
0xf4: {  	[spmem:s1] =	stream.indirect.scatter.add.f32 @!p4 [tilespmem:s23], [sflag:$0x2], $0x10, s22, s29, $0xb8;
	[tilespmem:$0x1F148] =	vst v63  }
0xf5: {  	s22 =	simm.s32 @!p5 $0x1  }
0xf6: {  	_ =	swait.ge @!p5 [sflag:s22], $0x2000  }
0xf7: {  	s30 =	simm.s32 @!p5 $0x400;
	[sflag:s22] =	ssyncset.done @!p5 $0x0  }
0xf8: {  	s28 =	simm.s32 @!p5 $0x5;
	s29 =	simm.s32 @!p5 $0x0;
	[sflag:s22] =	ssyncadd.s32 @!p5 $0xFFFFE000  }
0xf9: {  	[tilespmem:s30], [sflag:$0x5] =	stream.linear.gather @!p5 [hbm4b:s17+s29], $0x400, $0x38;
	[tilespmem:$0x1F148] =	vst v63  }
0xfa: {  	_ =	swait.ge @!p5 [sflag:s28], $0x400  }
0xfb: {  	[sflag:s28] =	ssyncset.done @!p5 $0x0;
	s22 =	rddreg [dreg:$0x6]  }
0xfc: {  	s31 =	simm.s32 @!p5 $0x1000;
	[sflag:s28] =	ssyncadd.s32 @!p5 $0xFFFFFC00;
	s22 =	sadd.s32 @!p5 s8, s22  }
0xfd: {  	[tilespmem:s31], [sflag:$0x5] =	stream.linear.gather @!p5 [hbm4b:s22+s29], $0x2000, $0x38;
	[tilespmem:$0x1F148] =	vst v63  }
0xfe: {  	s21 =	smov.u32 s20;
	_ =	swait.ge @!p5 [sflag:s28], $0x2000  }
0xff: {  	s8 =	smov.u32 s21;
	[sflag:s28] =	ssyncset.done @!p5 $0x0  }
0x100: {  	s21 =	sadd.s32 @!p5 $0x400, s22;
	s22 =	simm.s32 @!p5 $0x80;
	[sflag:s28] =	ssyncadd.s32 @!p5 $0xFFFFE000  }
0x101: {  	[spmem:s1] =	stream.indirect.scatter.add.f32 @!p5 [tilespmem:s31], [sflag:$0x1], $0x10, s30, s22, $0xb8;
	[tilespmem:$0x1F148] =	vst v63  }
0x102: {  	s30 =	simm.s32 @!p5 $0x480;
	s31 =	simm.s32 @!p5 $0x1800  }
0x103: {  	[spmem:s1] =	stream.indirect.scatter.add.f32 @!p5 [tilespmem:s31], [sflag:$0x1], $0x10, s30, s22, $0xb8;
	[tilespmem:$0x1F148] =	vst v63  }
0x104: {  	s30 =	simm.s32 @!p5 $0x500;
	s31 =	simm.s32 @!p5 $0x2000  }
0x105: {  	[spmem:s1] =	stream.indirect.scatter.add.f32 @!p5 [tilespmem:s31], [sflag:$0x1], $0x10, s30, s22, $0xb8;
	[tilespmem:$0x1F148] =	vst v63  }
0x106: {  	s0 =	simm.s32 @!p5 $0x2;
	s30 =	simm.s32 @!p5 $0x580;
	s31 =	simm.s32 @!p5 $0x2800  }
0x107: {  	[spmem:s1] =	stream.indirect.scatter.add.f32 @!p5 [tilespmem:s31], [sflag:$0x1], $0x10, s30, s22, $0xb8;
	[tilespmem:$0x1F148] =	vst v63  }
0x108: {  	_ =	swait.ge @!p5 [sflag:s0], $0x2000  }
0x109: {  	s20 =	sadd.s32 $0x1000, s20;
	[sflag:s0] =	ssyncset.done @!p5 $0x0  }
0x10a: {  	p6 =	sne.s32 s20, $0x19000;
	[sflag:s0] =	ssyncadd.s32 @!p5 $0xFFFFE000;
	s0 =	simm.s32 @!p5 $0x3000  }
0x10b: {  	[tilespmem:s0], [sflag:$0x5] =	stream.linear.gather @!p5 [hbm4b:s21+s29], $0x2000, $0x38;
	[tilespmem:$0x1F148] =	vst v63  }
.Ltmp2:
0x10c: {  	s18 =	sadd.s32 $0x2, s18;
	(pc) =	sbr.rel @p6 .LBB2_6-.Ltmp2, $4  }
0x10d: {  	s26 =	simm.s32 @!p5 $0x3800;
	s23 =	simm.s32 @!p5 $0x680;
	_ =	swait.ge @!p5 [sflag:s28], $0x2000  }
0x10e: {  	s17 =	sadd.s32 $0x100, s17;
	s31 =	sadd.s32 $0xFFFFFFFF, s18;
	[sflag:s28] =	ssyncset.done @!p5 $0x0  }
0x10f: {  	p4 =	sge.u32 s31, s24;
	s21 =	simm.s32 @!p5 $0x600;
	[sflag:s28] =	ssyncadd.s32 @!p5 $0xFFFFE000  }
0x110: {  	[spmem:s1] =	stream.indirect.scatter.add.f32 @!p5 [tilespmem:s0], [sflag:$0x2], $0x10, s21, s22, $0xb8;
	[tilespmem:$0x1F148] =	vst v63  }
0x111: {  	p1 =	seq.s32 @!p4 s8, $0x0  }
0x112: {  	[spmem:s1] =	stream.indirect.scatter.add.f32 @!p5 [tilespmem:s26], [sflag:$0x2], $0x10, s23, s22, $0xb8;
	[tilespmem:$0x1F148] =	vst v63  }
0x113: {  	s0 =	simm.s32 @!p5 $0x700;
	s20 =	simm.s32 @!p5 $0x4000;
	p1 =	por p1, p4  }
0x114: {  	[spmem:s1] =	stream.indirect.scatter.add.f32 @!p5 [tilespmem:s20], [sflag:$0x2], $0x10, s0, s22, $0xb8;
	[tilespmem:$0x1F148] =	vst v63  }
0x115: {  	s21 =	simm.s32 @!p5 $0x4800;
	s0 =	simm.s32 @!p1 $0x1;
	s20 =	simm.s32 @!p5 $0x780  }
0x116: {  	[spmem:s1] =	stream.indirect.scatter.add.f32 @!p5 [tilespmem:s21], [sflag:$0x2], $0x10, s20, s22, $0xb8;
	[tilespmem:$0x1F148] =	vst v63  }
0x117: {  	_ =	swait.ge @!p1 [sflag:s0], $0x2000  }
0x118: {  	s13 =	sadd.s32 $0x100, s13;
	[sflag:s0] =	ssyncset.done @!p1 $0x0  }
0x119: {  	s20 =	simm.s32 @!p4 $0x0;
	s21 =	simm.s32 @!p4 $0x5;
	[sflag:s0] =	ssyncadd.s32 @!p1 $0xFFFFE000  }
0x11a: {  	[tilespmem:s20], [sflag:$0x5] =	stream.linear.gather @!p4 [hbm4b:s13+s20], $0x400, $0x38;
	[tilespmem:$0x1F148] =	vst v63  }
0x11b: {  	_ =	swait.ge @!p4 [sflag:s21], $0x400  }
0x11c: {  	s0 =	rddreg [dreg:$0x5];
	[sflag:s21] =	ssyncset.done @!p4 $0x0  }
0x11d: {  	s13 =	simm.s32 @!p4 $0x1000;
	[sflag:s21] =	ssyncadd.s32 @!p4 $0xFFFFFC00;
	s0 =	sadd.s32 @!p4 s8, s0  }
0x11e: {  	[tilespmem:s13], [sflag:$0x5] =	stream.linear.gather @!p4 [hbm4b:s0+s20], $0x2000, $0x38;
	[tilespmem:$0x1F148] =	vst v63  }
0x11f: {  	_ =	swait.ge @!p4 [sflag:s21], $0x2000  }
0x120: {  	[sflag:s21] =	ssyncset.done @!p4 $0x0  }
0x121: {  	s22 =	simm.s32 @!p4 $0x80;
	[sflag:s21] =	ssyncadd.s32 @!p4 $0xFFFFE000  }
0x122: {  	[spmem:s1] =	stream.indirect.scatter.add.f32 @!p4 [tilespmem:s13], [sflag:$0x1], $0x10, s20, s22, $0xb8;
	[tilespmem:$0x1F148] =	vst v63  }
0x123: {  	s13 =	simm.s32 @!p4 $0x1800  }
0x124: {  	[spmem:s1] =	stream.indirect.scatter.add.f32 @!p4 [tilespmem:s13], [sflag:$0x1], $0x10, s22, s22, $0xb8;
	[tilespmem:$0x1F148] =	vst v63  }
0x125: {  	s23 =	simm.s32 @!p4 $0x2000;
	s13 =	simm.s32 @!p4 $0x100  }
0x126: {  	[spmem:s1] =	stream.indirect.scatter.add.f32 @!p4 [tilespmem:s23], [sflag:$0x1], $0x10, s13, s22, $0xb8;
	[tilespmem:$0x1F148] =	vst v63  }
0x127: {  	s13 =	simm.s32 @!p4 $0x180;
	s23 =	simm.s32 @!p4 $0x2800  }
0x128: {  	[spmem:s1] =	stream.indirect.scatter.add.f32 @!p4 [tilespmem:s23], [sflag:$0x1], $0x10, s13, s22, $0xb8;
	[tilespmem:$0x1F148] =	vst v63  }
0x129: {  	s13 =	simm.s32 @!p1 $0x2  }
0x12a: {  	_ =	swait.ge @!p1 [sflag:s13], $0x2000  }
0x12b: {  	[sflag:s13] =	ssyncset.done @!p1 $0x0  }
0x12c: {  	s0 =	sadd.s32 @!p4 $0x400, s0;
	[sflag:s13] =	ssyncadd.s32 @!p1 $0xFFFFE000;
	s13 =	simm.s32 @!p4 $0x3000  }
0x12d: {  	[tilespmem:s13], [sflag:$0x5] =	stream.linear.gather @!p4 [hbm4b:s0+s20], $0x2000, $0x38;
	[tilespmem:$0x1F148] =	vst v63  }
0x12e: {  	_ =	swait.ge @!p4 [sflag:s21], $0x2000  }
0x12f: {  	[sflag:s21] =	ssyncset.done @!p4 $0x0  }
0x130: {  	s0 =	simm.s32 @!p4 $0x200;
	[sflag:s21] =	ssyncadd.s32 @!p4 $0xFFFFE000  }
0x131: {  	[spmem:s1] =	stream.indirect.scatter.add.f32 @!p4 [tilespmem:s13], [sflag:$0x2], $0x10, s0, s22, $0xb8;
	[tilespmem:$0x1F148] =	vst v63  }
0x132: {  	s0 =	simm.s32 @!p4 $0x280;
	s13 =	simm.s32 @!p4 $0x3800  }
0x133: {  	[spmem:s1] =	stream.indirect.scatter.add.f32 @!p4 [tilespmem:s13], [sflag:$0x2], $0x10, s0, s22, $0xb8;
	[tilespmem:$0x1F148] =	vst v63  }
0x134: {  	s0 =	simm.s32 @!p4 $0x300;
	s13 =	simm.s32 @!p4 $0x4000  }
0x135: {  	[spmem:s1] =	stream.indirect.scatter.add.f32 @!p4 [tilespmem:s13], [sflag:$0x2], $0x10, s0, s22, $0xb8;
	[tilespmem:$0x1F148] =	vst v63  }
0x136: {  	p1 =	sge.u32 s18, s24;
	s0 =	simm.s32 @!p4 $0x380;
	s13 =	simm.s32 @!p4 $0x4800  }
0x137: {  	[spmem:s1] =	stream.indirect.scatter.add.f32 @!p4 [tilespmem:s13], [sflag:$0x2], $0x10, s0, s22, $0xb8;
	[tilespmem:$0x1F148] =	vst v63  }
0x138: {  	s0 =	simm.s32 @!p1 $0x1  }
0x139: {  	_ =	swait.ge @!p1 [sflag:s0], $0x2000  }
0x13a: {  	s18 =	simm.s32 @!p1 $0x400;
	[sflag:s0] =	ssyncset.done @!p1 $0x0  }
0x13b: {  	s13 =	simm.s32 @!p1 $0x5;
	[sflag:s0] =	ssyncadd.s32 @!p1 $0xFFFFE000;
	s0 =	simm.s32 @!p1 $0x0  }
0x13c: {  	[tilespmem:s18], [sflag:$0x5] =	stream.linear.gather @!p1 [hbm4b:s17+s0], $0x400, $0x38;
	[tilespmem:$0x1F148] =	vst v63  }
0x13d: {  	_ =	swait.ge @!p1 [sflag:s13], $0x400  }
0x13e: {  	s17 =	rddreg [dreg:$0x6];
	[sflag:s13] =	ssyncset.done @!p1 $0x0  }
0x13f: {  	[sflag:s13] =	ssyncadd.s32 @!p1 $0xFFFFFC00;
	s8 =	sadd.s32 @!p1 s8, s17;
	s17 =	simm.s32 @!p1 $0x1000  }
0x140: {  	[tilespmem:s17], [sflag:$0x5] =	stream.linear.gather @!p1 [hbm4b:s8+s0], $0x2000, $0x38;
	[tilespmem:$0x1F148] =	vst v63  }
0x141: {  	_ =	swait.ge @!p1 [sflag:s13], $0x2000  }
0x142: {  	[sflag:s13] =	ssyncset.done @!p1 $0x0  }
0x143: {  	s20 =	simm.s32 @!p1 $0x80;
	[sflag:s13] =	ssyncadd.s32 @!p1 $0xFFFFE000  }
0x144: {  	[spmem:s1] =	stream.indirect.scatter.add.f32 @!p1 [tilespmem:s17], [sflag:$0x1], $0x10, s18, s20, $0xb8;
	[tilespmem:$0x1F148] =	vst v63  }
0x145: {  	s17 =	simm.s32 @!p1 $0x480;
	s18 =	simm.s32 @!p1 $0x1800  }
0x146: {  	[spmem:s1] =	stream.indirect.scatter.add.f32 @!p1 [tilespmem:s18], [sflag:$0x1], $0x10, s17, s20, $0xb8;
	[tilespmem:$0x1F148] =	vst v63  }
0x147: {  	s17 =	simm.s32 @!p1 $0x500;
	s18 =	simm.s32 @!p1 $0x2000  }
0x148: {  	[spmem:s1] =	stream.indirect.scatter.add.f32 @!p1 [tilespmem:s18], [sflag:$0x1], $0x10, s17, s20, $0xb8;
	[tilespmem:$0x1F148] =	vst v63  }
0x149: {  	s17 =	simm.s32 @!p1 $0x580;
	s18 =	simm.s32 @!p1 $0x2800  }
0x14a: {  	[spmem:s1] =	stream.indirect.scatter.add.f32 @!p1 [tilespmem:s18], [sflag:$0x1], $0x10, s17, s20, $0xb8;
	[tilespmem:$0x1F148] =	vst v63  }
0x14b: {  	s17 =	simm.s32 @!p1 $0x2  }
0x14c: {  	_ =	swait.ge @!p1 [sflag:s17], $0x2000  }
0x14d: {  	[sflag:s17] =	ssyncset.done @!p1 $0x0  }
0x14e: {  	s8 =	sadd.s32 @!p1 $0x400, s8;
	[sflag:s17] =	ssyncadd.s32 @!p1 $0xFFFFE000;
	s17 =	simm.s32 @!p1 $0x3000  }
0x14f: {  	[tilespmem:s17], [sflag:$0x5] =	stream.linear.gather @!p1 [hbm4b:s8+s0], $0x2000, $0x38;
	[tilespmem:$0x1F148] =	vst v63  }
0x150: {  	_ =	swait.ge @!p1 [sflag:s13], $0x2000  }
0x151: {  	[sflag:s13] =	ssyncset.done @!p1 $0x0  }
0x152: {  	s0 =	simm.s32 @!p1 $0x600;
	[sflag:s13] =	ssyncadd.s32 @!p1 $0xFFFFE000  }
0x153: {  	[spmem:s1] =	stream.indirect.scatter.add.f32 @!p1 [tilespmem:s17], [sflag:$0x2], $0x10, s0, s20, $0xb8;
	[tilespmem:$0x1F148] =	vst v63  }
0x154: {  	s8 =	simm.s32 @!p1 $0x3800;
	s0 =	simm.s32 @!p1 $0x680  }
0x155: {  	[spmem:s1] =	stream.indirect.scatter.add.f32 @!p1 [tilespmem:s8], [sflag:$0x2], $0x10, s0, s20, $0xb8;
	[tilespmem:$0x1F148] =	vst v63  }
0x156: {  	s0 =	simm.s32 @!p1 $0x700;
	s8 =	simm.s32 @!p1 $0x4000  }
0x157: {  	[spmem:s1] =	stream.indirect.scatter.add.f32 @!p1 [tilespmem:s8], [sflag:$0x2], $0x10, s0, s20, $0xb8;
	[tilespmem:$0x1F148] =	vst v63  }
0x158: {  	s0 =	simm.s32 @!p1 $0x780;
	s8 =	simm.s32 @!p1 $0x4800  }
0x159: {  	[spmem:s1] =	stream.indirect.scatter.add.f32 @!p1 [tilespmem:s8], [sflag:$0x2], $0x10, s0, s20, $0xb8;
	[tilespmem:$0x1F148] =	vst v63  }
0x15a: {  	_ =	swait.ge [sflag:s10], $0x2000  }
0x15b: {  	[sflag:s10] =	ssyncset.done $0x0  }
0x15c: {  	[sflag:s10] =	ssyncadd.s32 $0xFFFFE000  }
0x15d: {  	_ =	swait.ge [sflag:s12], $0x2000  }
0x15e: {  	[sflag:s12] =	ssyncset.done $0x0  }
0x15f: {  	s0 =	simm.s32 @!p0 $0x0;
	s8 =	rddreg [dreg:$0x1f];
	[sflag:s12] =	ssyncadd.s32 $0xFFFFE000  }
0x160: {  	[tilespmem:s0], [sflag:$0x5] =	stream.linear.gather @!p0 [hbm4b:s8+s0], $0x200, $0x38;
	[tilespmem:$0x1F148] =	vst v63  }
0x161: {  	s8 =	simm.s32 @!p0 $0x5  }
0x162: {  	_ =	swait.ge @!p0 [sflag:s8], $0x200  }
0x163: {  	s17 =	sld [smem:$0x7F2]  }
0x164: {  	[sflag:s8] =	ssyncset.done @!p0 $0x0  }
0x165: {  	s13 =	simm.s32 @!p0 $0x1000;
	[sflag:s8] =	ssyncadd.s32 @!p0 $0xFFFFFE00  }
0x166: {  	[tilespmem:s13], [sflag:$0x5] =	stream.linear.gather @!p0 [hbm4b:s17+s0], $0x2000, $0x38;
	[tilespmem:$0x1F148] =	vst v63  }
0x167: {  	_ =	swait.ge @!p0 [sflag:s8], $0x2000  }
0x168: {  	[sflag:s8] =	ssyncset.done @!p0 $0x0  }
0x169: {  	[sflag:s8] =	ssyncadd.s32 @!p0 $0xFFFFE000;
	s8 =	simm.s32 @!p0 $0x80  }
0x16a: {  	[spmem:s1] =	stream.indirect.scatter.add.f32 @!p0 [tilespmem:s13], [sflag:$0x1], $0x10, s0, s8, $0xb8;
	[tilespmem:$0x1F148] =	vst v63  }
0x16b: {  	s0 =	simm.s32 @!p0 $0x1800  }
0x16c: {  	[spmem:s1] =	stream.indirect.scatter.add.f32 @!p0 [tilespmem:s0], [sflag:$0x1], $0x10, s8, s8, $0xb8;
	[tilespmem:$0x1F148] =	vst v63  }
0x16d: {  	s13 =	simm.s32 @!p0 $0x2000;
	s0 =	simm.s32 @!p0 $0x100  }
0x16e: {  	[spmem:s1] =	stream.indirect.scatter.add.f32 @!p0 [tilespmem:s13], [sflag:$0x1], $0x10, s0, s8, $0xb8;
	[tilespmem:$0x1F148] =	vst v63  }
0x16f: {  	s0 =	simm.s32 @!p0 $0x180;
	s13 =	simm.s32 @!p0 $0x2800  }
0x170: {  	[spmem:s1] =	stream.indirect.scatter.add.f32 @!p0 [tilespmem:s13], [sflag:$0x1], $0x10, s0, s8, $0xb8;
	[tilespmem:$0x1F148] =	vst v63  }
0x171: {  	s0 =	simm.s32 @!p0 $0x1  }
0x172: {  	_ =	swait.ge @!p0 [sflag:s0], $0x2000  }
0x173: {  	s23 =	sld [smem:$0x7FA]  }
0x174: {  	s26 =	sld [smem:$0x7F6];
	_ =	sdelay $0x1  }
0x175: {  	[sflag:s0] =	ssyncset.done @!p0 $0x0  }
0x176: {  	s28 =	simm.s32 $0x800;
	[sflag:s0] =	ssyncadd.s32 @!p0 $0xFFFFE000;
	s0 =	sadd.s32 s26, s23  }
0x177: {  	[tilespmem:s28], [sflag:$0x5] =	stream.linear.gather [hbm4b:s0+s3], $0x400, $0x38;
	[tilespmem:$0x1F148] =	vst v63  }
0x178: {  	_ =	swait.ge [sflag:s9], $0x400  }
0x179: {  	[sflag:s9] =	ssyncset.done $0x0  }
0x17a: {  	[sflag:s9] =	ssyncadd.s32 $0xFFFFFC00  }
0x17b: {  	[spmem:s2] =	stream.indirect.scatter.add.f32 [tilespmem:s4], [sflag:$0x3], $0x1, s28, s15, $0xb8;
	[tilespmem:$0x1F148] =	vst v63  }
0x17c: {  	s29 =	simm.s32 $0x880  }
0x17d: {  	[spmem:s2] =	stream.indirect.scatter.add.f32 [tilespmem:s4], [sflag:$0x3], $0x1, s29, s15, $0xb8;
	[tilespmem:$0x1F148] =	vst v63  }
0x17e: {  	s30 =	simm.s32 $0x900  }
0x17f: {  	[spmem:s2] =	stream.indirect.scatter.add.f32 [tilespmem:s4], [sflag:$0x3], $0x1, s30, s15, $0xb8;
	[tilespmem:$0x1F148] =	vst v63  }
0x180: {  	s31 =	simm.s32 $0x980  }
0x181: {  	[spmem:s2] =	stream.indirect.scatter.add.f32 [tilespmem:s4], [sflag:$0x3], $0x1, s31, s15, $0xb8;
	[tilespmem:$0x1F148] =	vst v63  }
0x182: {  	s8 =	simm.s32 $0xA00  }
0x183: {  	[spmem:s2] =	stream.indirect.scatter.add.f32 [tilespmem:s4], [sflag:$0x3], $0x1, s8, s15, $0xb8;
	[tilespmem:$0x1F148] =	vst v63  }
0x184: {  	s13 =	simm.s32 $0xA80  }
0x185: {  	[spmem:s2] =	stream.indirect.scatter.add.f32 [tilespmem:s4], [sflag:$0x3], $0x1, s13, s15, $0xb8;
	[tilespmem:$0x1F148] =	vst v63  }
0x186: {  	s17 =	simm.s32 $0xB00  }
0x187: {  	[spmem:s2] =	stream.indirect.scatter.add.f32 [tilespmem:s4], [sflag:$0x3], $0x1, s17, s15, $0xb8;
	[tilespmem:$0x1F148] =	vst v63  }
0x188: {  	s18 =	simm.s32 $0xB80;
	s20 =	sld [smem:$0x7F9]  }
0x189: {  	[spmem:s2] =	stream.indirect.scatter.add.f32 [tilespmem:s4], [sflag:$0x3], $0x1, s18, s15, $0xb8;
	[tilespmem:$0x1F148] =	vst v63  }
0x18a: {  	s21 =	simm.s32 $0xC00  }
0x18b: {  	[tilespmem:s21], [sflag:$0x5] =	stream.linear.gather [hbm4b:s20+s3], $0x400, $0x38;
	[tilespmem:$0x1F148] =	vst v63  }
0x18c: {  	_ =	swait.ge [sflag:s9], $0x400  }
0x18d: {  	[sflag:s9] =	ssyncset.done $0x0  }
0x18e: {  	[sflag:s9] =	ssyncadd.s32 $0xFFFFFC00  }
0x18f: {  	[spmem:s2] =	stream.indirect.scatter.add.f32 [tilespmem:s4], [sflag:$0x4], $0x1, s21, s15, $0xb8;
	[tilespmem:$0x1F148] =	vst v63  }
0x190: {  	s22 =	simm.s32 $0xC80  }
0x191: {  	[spmem:s2] =	stream.indirect.scatter.add.f32 [tilespmem:s4], [sflag:$0x4], $0x1, s22, s15, $0xb8;
	[tilespmem:$0x1F148] =	vst v63  }
0x192: {  	s23 =	simm.s32 $0xD00  }
0x193: {  	[spmem:s2] =	stream.indirect.scatter.add.f32 [tilespmem:s4], [sflag:$0x4], $0x1, s23, s15, $0xb8;
	[tilespmem:$0x1F148] =	vst v63  }
0x194: {  	s26 =	simm.s32 $0xD80  }
0x195: {  	[spmem:s2] =	stream.indirect.scatter.add.f32 [tilespmem:s4], [sflag:$0x4], $0x1, s26, s15, $0xb8;
	[tilespmem:$0x1F148] =	vst v63  }
0x196: {  	s28 =	simm.s32 $0xE00  }
0x197: {  	[spmem:s2] =	stream.indirect.scatter.add.f32 [tilespmem:s4], [sflag:$0x4], $0x1, s28, s15, $0xb8;
	[tilespmem:$0x1F148] =	vst v63  }
0x198: {  	s29 =	simm.s32 $0xE80  }
0x199: {  	[spmem:s2] =	stream.indirect.scatter.add.f32 [tilespmem:s4], [sflag:$0x4], $0x1, s29, s15, $0xb8;
	[tilespmem:$0x1F148] =	vst v63  }
0x19a: {  	p1 =	sle.u32 s25, $0x2;
	s30 =	simm.s32 $0xF00  }
0x19b: {  	[spmem:s2] =	stream.indirect.scatter.add.f32 [tilespmem:s4], [sflag:$0x4], $0x1, s30, s15, $0xb8;
	[tilespmem:$0x1F148] =	vst v63  }
0x19c: {  	s0 =	simm.s32 @!p1 $0x3;
	s31 =	simm.s32 $0xF80  }
0x19d: {  	[spmem:s2] =	stream.indirect.scatter.add.f32 [tilespmem:s4], [sflag:$0x4], $0x1, s31, s15, $0xb8;
	[tilespmem:$0x1F148] =	vst v63  }
0x19e: {  	_ =	swait.ge @!p1 [sflag:s0], $0x400  }
0x19f: {  	s8 =	simm.s32 @!p1 $0x0;
	[sflag:s0] =	ssyncset.done @!p1 $0x0  }
0x1a0: {  	s13 =	simm.s32 @!p1 $0x800;
	[sflag:s0] =	ssyncadd.s32 @!p1 $0xFFFFFC00;
	s0 =	simm.s32 @!p1 $0x5  }
0x1a1: {  	[tilespmem:s13], [sflag:$0x5] =	stream.linear.gather @!p1 [hbm4b:s16+s8], $0x400, $0x38;
	[tilespmem:$0x1F148] =	vst v63  }
0x1a2: {  	_ =	swait.ge @!p1 [sflag:s0], $0x400  }
0x1a3: {  	[sflag:s0] =	ssyncset.done @!p1 $0x0  }
0x1a4: {  	s17 =	simm.s32 @!p1 $0x5000;
	s8 =	simm.s32 @!p1 $0x80;
	[sflag:s0] =	ssyncadd.s32 @!p1 $0xFFFFFC00  }
0x1a5: {  	[spmem:s2] =	stream.indirect.scatter.add.f32 @!p1 [tilespmem:s17], [sflag:$0x3], $0x1, s13, s8, $0xb8;
	[tilespmem:$0x1F148] =	vst v63  }
0x1a6: {  	s0 =	simm.s32 @!p1 $0x880  }
0x1a7: {  	[spmem:s2] =	stream.indirect.scatter.add.f32 @!p1 [tilespmem:s17], [sflag:$0x3], $0x1, s0, s8, $0xb8;
	[tilespmem:$0x1F148] =	vst v63  }
0x1a8: {  	s0 =	simm.s32 @!p1 $0x900  }
0x1a9: {  	[spmem:s2] =	stream.indirect.scatter.add.f32 @!p1 [tilespmem:s17], [sflag:$0x3], $0x1, s0, s8, $0xb8;
	[tilespmem:$0x1F148] =	vst v63  }
0x1aa: {  	s0 =	simm.s32 @!p1 $0x980  }
0x1ab: {  	[spmem:s2] =	stream.indirect.scatter.add.f32 @!p1 [tilespmem:s17], [sflag:$0x3], $0x1, s0, s8, $0xb8;
	[tilespmem:$0x1F148] =	vst v63  }
0x1ac: {  	s0 =	simm.s32 @!p1 $0xA00  }
0x1ad: {  	[spmem:s2] =	stream.indirect.scatter.add.f32 @!p1 [tilespmem:s17], [sflag:$0x3], $0x1, s0, s8, $0xb8;
	[tilespmem:$0x1F148] =	vst v63  }
0x1ae: {  	s0 =	simm.s32 @!p1 $0xA80  }
0x1af: {  	[spmem:s2] =	stream.indirect.scatter.add.f32 @!p1 [tilespmem:s17], [sflag:$0x3], $0x1, s0, s8, $0xb8;
	[tilespmem:$0x1F148] =	vst v63  }
0x1b0: {  	s0 =	simm.s32 @!p1 $0xB00  }
0x1b1: {  	[spmem:s2] =	stream.indirect.scatter.add.f32 @!p1 [tilespmem:s17], [sflag:$0x3], $0x1, s0, s8, $0xb8;
	[tilespmem:$0x1F148] =	vst v63  }
0x1b2: {  	p5 =	sle.u32 s25, $0x3;
	s0 =	simm.s32 @!p1 $0xB80  }
0x1b3: {  	[spmem:s2] =	stream.indirect.scatter.add.f32 @!p1 [tilespmem:s17], [sflag:$0x3], $0x1, s0, s8, $0xb8;
	[tilespmem:$0x1F148] =	vst v63  }
0x1b4: {  	s0 =	simm.s32 @!p5 $0x4  }
0x1b5: {  	_ =	swait.ge @!p5 [sflag:s0], $0x400  }
0x1b6: {  	s13 =	simm.s32 @!p5 $0x0;
	s8 =	sadd.s32 @!p5 $0x80, s16;
	[sflag:s0] =	ssyncset.done @!p5 $0x0  }
0x1b7: {  	s17 =	simm.s32 @!p5 $0x5;
	[sflag:s0] =	ssyncadd.s32 @!p5 $0xFFFFFC00;
	s0 =	simm.s32 @!p5 $0xC00  }
0x1b8: {  	[tilespmem:s0], [sflag:$0x5] =	stream.linear.gather @!p5 [hbm4b:s8+s13], $0x400, $0x38;
	[tilespmem:$0x1F148] =	vst v63  }
0x1b9: {  	_ =	swait.ge @!p5 [sflag:s17], $0x400  }
0x1ba: {  	[sflag:s17] =	ssyncset.done @!p5 $0x0  }
0x1bb: {  	s20 =	simm.s32 @!p5 $0x80;
	s21 =	simm.s32 @!p5 $0x5000;
	[sflag:s17] =	ssyncadd.s32 @!p5 $0xFFFFFC00  }
0x1bc: {  	[spmem:s2] =	stream.indirect.scatter.add.f32 @!p5 [tilespmem:s21], [sflag:$0x4], $0x1, s0, s20, $0xb8;
	[tilespmem:$0x1F148] =	vst v63  }
0x1bd: {  	s0 =	simm.s32 @!p5 $0xC80  }
0x1be: {  	[spmem:s2] =	stream.indirect.scatter.add.f32 @!p5 [tilespmem:s21], [sflag:$0x4], $0x1, s0, s20, $0xb8;
	[tilespmem:$0x1F148] =	vst v63  }
0x1bf: {  	s0 =	simm.s32 @!p5 $0xD00  }
0x1c0: {  	[spmem:s2] =	stream.indirect.scatter.add.f32 @!p5 [tilespmem:s21], [sflag:$0x4], $0x1, s0, s20, $0xb8;
	[tilespmem:$0x1F148] =	vst v63  }
0x1c1: {  	s22 =	simm.s32 @!p5 $0xE80;
	s8 =	simm.s32 $0x5;
	s0 =	simm.s32 @!p5 $0xD80  }
0x1c2: {  	[spmem:s2] =	stream.indirect.scatter.add.f32 @!p5 [tilespmem:s21], [sflag:$0x4], $0x1, s0, s20, $0xb8;
	[tilespmem:$0x1F148] =	vst v63  }
0x1c3: {  	s13 =	smov.u32 s16;
	s17 =	simm.s32 $0x7;
	s0 =	simm.s32 @!p5 $0xE00  }
0x1c4: {  	[spmem:s2] =	stream.indirect.scatter.add.f32 @!p5 [tilespmem:s21], [sflag:$0x4], $0x1, s0, s20, $0xb8;
	[tilespmem:$0x1F148] =	vst v63  }
.LBB2_8:
0x1c5: {  	s0 =	sadd.s32 $0xFFFFFFFF, s8  }
0x1c6: {  	s13 =	sadd.s32 $0x100, s13;
	s18 =	smov.u32 s17;
	s17 =	sadd.s32 $0x2, s17  }
0x1c7: {  	[spmem:s2] =	stream.indirect.scatter.add.f32 @!p5 [tilespmem:s21], [sflag:$0x4], $0x1, s22, s20, $0xb8;
	[tilespmem:$0x1F148] =	vst v63  }
0x1c8: {  	p4 =	sne.s32 s17, $0x63;
	p1 =	sge.u32 s0, s25;
	s0 =	simm.s32 @!p5 $0xF00  }
0x1c9: {  	[spmem:s2] =	stream.indirect.scatter.add.f32 @!p5 [tilespmem:s21], [sflag:$0x4], $0x1, s0, s20, $0xb8;
	[tilespmem:$0x1F148] =	vst v63  }
0x1ca: {  	s22 =	simm.s32 @!p5 $0xF80;
	s0 =	simm.s32 @!p1 $0x3  }
0x1cb: {  	[spmem:s2] =	stream.indirect.scatter.add.f32 @!p5 [tilespmem:s21], [sflag:$0x4], $0x1, s22, s20, $0xb8;
	[tilespmem:$0x1F148] =	vst v63  }
0x1cc: {  	s20 =	simm.s32 @!p1 $0x0;
	s21 =	simm.s32 @!p1 $0x800;
	_ =	swait.ge @!p1 [sflag:s0], $0x400  }
0x1cd: {  	[sflag:s0] =	ssyncset.done @!p1 $0x0  }
0x1ce: {  	[sflag:s0] =	ssyncadd.s32 @!p1 $0xFFFFFC00;
	s0 =	simm.s32 @!p1 $0x5  }
0x1cf: {  	[tilespmem:s21], [sflag:$0x5] =	stream.linear.gather @!p1 [hbm4b:s13+s20], $0x400, $0x38;
	[tilespmem:$0x1F148] =	vst v63  }
0x1d0: {  	s22 =	simm.s32 @!p1 $0x5000;
	s20 =	simm.s32 @!p1 $0x80;
	_ =	swait.ge @!p1 [sflag:s0], $0x400  }
0x1d1: {  	[sflag:s0] =	ssyncset.done @!p1 $0x0  }
0x1d2: {  	[sflag:s0] =	ssyncadd.s32 @!p1 $0xFFFFFC00  }
0x1d3: {  	[spmem:s2] =	stream.indirect.scatter.add.f32 @!p1 [tilespmem:s22], [sflag:$0x3], $0x1, s21, s20, $0xb8;
	[tilespmem:$0x1F148] =	vst v63  }
0x1d4: {  	s0 =	simm.s32 @!p1 $0x880  }
0x1d5: {  	[spmem:s2] =	stream.indirect.scatter.add.f32 @!p1 [tilespmem:s22], [sflag:$0x3], $0x1, s0, s20, $0xb8;
	[tilespmem:$0x1F148] =	vst v63  }
0x1d6: {  	s0 =	simm.s32 @!p1 $0x900  }
0x1d7: {  	[spmem:s2] =	stream.indirect.scatter.add.f32 @!p1 [tilespmem:s22], [sflag:$0x3], $0x1, s0, s20, $0xb8;
	[tilespmem:$0x1F148] =	vst v63  }
0x1d8: {  	s0 =	simm.s32 @!p1 $0x980  }
0x1d9: {  	[spmem:s2] =	stream.indirect.scatter.add.f32 @!p1 [tilespmem:s22], [sflag:$0x3], $0x1, s0, s20, $0xb8;
	[tilespmem:$0x1F148] =	vst v63  }
0x1da: {  	s0 =	simm.s32 @!p1 $0xA00  }
0x1db: {  	[spmem:s2] =	stream.indirect.scatter.add.f32 @!p1 [tilespmem:s22], [sflag:$0x3], $0x1, s0, s20, $0xb8;
	[tilespmem:$0x1F148] =	vst v63  }
0x1dc: {  	s0 =	simm.s32 @!p1 $0xA80  }
0x1dd: {  	[spmem:s2] =	stream.indirect.scatter.add.f32 @!p1 [tilespmem:s22], [sflag:$0x3], $0x1, s0, s20, $0xb8;
	[tilespmem:$0x1F148] =	vst v63  }
0x1de: {  	s0 =	simm.s32 @!p1 $0xB00  }
0x1df: {  	[spmem:s2] =	stream.indirect.scatter.add.f32 @!p1 [tilespmem:s22], [sflag:$0x3], $0x1, s0, s20, $0xb8;
	[tilespmem:$0x1F148] =	vst v63  }
0x1e0: {  	p5 =	sge.u32 s8, s25;
	s8 =	smov.u32 s18;
	s0 =	simm.s32 @!p1 $0xB80  }
0x1e1: {  	[spmem:s2] =	stream.indirect.scatter.add.f32 @!p1 [tilespmem:s22], [sflag:$0x3], $0x1, s0, s20, $0xb8;
	[tilespmem:$0x1F148] =	vst v63  }
0x1e2: {  	s18 =	sadd.s32 @!p5 $0x80, s13;
	s0 =	simm.s32 @!p5 $0x4;
	s20 =	simm.s32 @!p5 $0x0  }
0x1e3: {  	s22 =	simm.s32 @!p5 $0xE80;
	_ =	swait.ge @!p5 [sflag:s0], $0x400  }
0x1e4: {  	[sflag:s0] =	ssyncset.done @!p5 $0x0  }
0x1e5: {  	s21 =	simm.s32 @!p5 $0x5;
	[sflag:s0] =	ssyncadd.s32 @!p5 $0xFFFFFC00;
	s0 =	simm.s32 @!p5 $0xC00  }
0x1e6: {  	[tilespmem:s0], [sflag:$0x5] =	stream.linear.gather @!p5 [hbm4b:s18+s20], $0x400, $0x38;
	[tilespmem:$0x1F148] =	vst v63  }
0x1e7: {  	_ =	swait.ge @!p5 [sflag:s21], $0x400  }
0x1e8: {  	[sflag:s21] =	ssyncset.done @!p5 $0x0  }
0x1e9: {  	s20 =	simm.s32 @!p5 $0x80;
	[sflag:s21] =	ssyncadd.s32 @!p5 $0xFFFFFC00;
	s21 =	simm.s32 @!p5 $0x5000  }
0x1ea: {  	[spmem:s2] =	stream.indirect.scatter.add.f32 @!p5 [tilespmem:s21], [sflag:$0x4], $0x1, s0, s20, $0xb8;
	[tilespmem:$0x1F148] =	vst v63  }
0x1eb: {  	s0 =	simm.s32 @!p5 $0xC80  }
0x1ec: {  	[spmem:s2] =	stream.indirect.scatter.add.f32 @!p5 [tilespmem:s21], [sflag:$0x4], $0x1, s0, s20, $0xb8;
	[tilespmem:$0x1F148] =	vst v63  }
0x1ed: {  	s0 =	simm.s32 @!p5 $0xD00  }
0x1ee: {  	[spmem:s2] =	stream.indirect.scatter.add.f32 @!p5 [tilespmem:s21], [sflag:$0x4], $0x1, s0, s20, $0xb8;
	[tilespmem:$0x1F148] =	vst v63  }
.Ltmp3:
0x1ef: {  	_ = 	snop;
	(pc) =	sbr.rel @p4 .LBB2_8-.Ltmp3, $4  }
0x1f0: {  	s0 =	simm.s32 @!p5 $0xD80  }
0x1f1: {  	[spmem:s2] =	stream.indirect.scatter.add.f32 @!p5 [tilespmem:s21], [sflag:$0x4], $0x1, s0, s20, $0xb8;
	[tilespmem:$0x1F148] =	vst v63  }
0x1f2: {  	s0 =	simm.s32 @!p5 $0xE00  }
0x1f3: {  	[spmem:s2] =	stream.indirect.scatter.add.f32 @!p5 [tilespmem:s21], [sflag:$0x4], $0x1, s0, s20, $0xb8;
	[tilespmem:$0x1F148] =	vst v63  }
0x1f4: {  	[spmem:s2] =	stream.indirect.scatter.add.f32 @!p5 [tilespmem:s21], [sflag:$0x4], $0x1, s22, s20, $0xb8;
	[tilespmem:$0x1F148] =	vst v63  }
0x1f5: {  	s0 =	simm.s32 @!p5 $0xF00;
	s18 =	sadd.s32 $0xFFFFFFFF, s8  }
0x1f6: {  	[spmem:s2] =	stream.indirect.scatter.add.f32 @!p5 [tilespmem:s21], [sflag:$0x4], $0x1, s0, s20, $0xb8;
	[tilespmem:$0x1F148] =	vst v63  }
0x1f7: {  	p1 =	sge.u32 s18, s25;
	s0 =	simm.s32 @!p5 $0xF80  }
0x1f8: {  	[spmem:s2] =	stream.indirect.scatter.add.f32 @!p5 [tilespmem:s21], [sflag:$0x4], $0x1, s0, s20, $0xb8;
	[tilespmem:$0x1F148] =	vst v63  }
0x1f9: {  	s0 =	simm.s32 @!p1 $0x3  }
0x1fa: {  	_ =	swait.ge @!p1 [sflag:s0], $0x400  }
0x1fb: {  	s13 =	sadd.s32 $0x100, s13;
	s17 =	simm.s32 @!p1 $0x0;
	[sflag:s0] =	ssyncset.done @!p1 $0x0  }
0x1fc: {  	s18 =	simm.s32 @!p1 $0x800;
	[sflag:s0] =	ssyncadd.s32 @!p1 $0xFFFFFC00;
	s0 =	simm.s32 @!p1 $0x5  }
0x1fd: {  	[tilespmem:s18], [sflag:$0x5] =	stream.linear.gather @!p1 [hbm4b:s13+s17], $0x400, $0x38;
	[tilespmem:$0x1F148] =	vst v63  }
0x1fe: {  	_ =	swait.ge @!p1 [sflag:s0], $0x400  }
0x1ff: {  	[sflag:s0] =	ssyncset.done @!p1 $0x0  }
0x200: {  	s17 =	simm.s32 @!p1 $0x80;
	[sflag:s0] =	ssyncadd.s32 @!p1 $0xFFFFFC00;
	s0 =	simm.s32 @!p1 $0x5000  }
0x201: {  	[spmem:s2] =	stream.indirect.scatter.add.f32 @!p1 [tilespmem:s0], [sflag:$0x3], $0x1, s18, s17, $0xb8;
	[tilespmem:$0x1F148] =	vst v63  }
0x202: {  	s18 =	simm.s32 @!p1 $0x880  }
0x203: {  	[spmem:s2] =	stream.indirect.scatter.add.f32 @!p1 [tilespmem:s0], [sflag:$0x3], $0x1, s18, s17, $0xb8;
	[tilespmem:$0x1F148] =	vst v63  }
0x204: {  	s18 =	simm.s32 @!p1 $0x900  }
0x205: {  	[spmem:s2] =	stream.indirect.scatter.add.f32 @!p1 [tilespmem:s0], [sflag:$0x3], $0x1, s18, s17, $0xb8;
	[tilespmem:$0x1F148] =	vst v63  }
0x206: {  	s18 =	simm.s32 @!p1 $0x980  }
0x207: {  	[spmem:s2] =	stream.indirect.scatter.add.f32 @!p1 [tilespmem:s0], [sflag:$0x3], $0x1, s18, s17, $0xb8;
	[tilespmem:$0x1F148] =	vst v63  }
0x208: {  	s18 =	simm.s32 @!p1 $0xA00  }
0x209: {  	[spmem:s2] =	stream.indirect.scatter.add.f32 @!p1 [tilespmem:s0], [sflag:$0x3], $0x1, s18, s17, $0xb8;
	[tilespmem:$0x1F148] =	vst v63  }
0x20a: {  	s18 =	simm.s32 @!p1 $0xA80  }
0x20b: {  	[spmem:s2] =	stream.indirect.scatter.add.f32 @!p1 [tilespmem:s0], [sflag:$0x3], $0x1, s18, s17, $0xb8;
	[tilespmem:$0x1F148] =	vst v63  }
0x20c: {  	s18 =	simm.s32 @!p1 $0xB00  }
0x20d: {  	[spmem:s2] =	stream.indirect.scatter.add.f32 @!p1 [tilespmem:s0], [sflag:$0x3], $0x1, s18, s17, $0xb8;
	[tilespmem:$0x1F148] =	vst v63  }
0x20e: {  	s18 =	simm.s32 @!p1 $0xB80  }
0x20f: {  	[spmem:s2] =	stream.indirect.scatter.add.f32 @!p1 [tilespmem:s0], [sflag:$0x3], $0x1, s18, s17, $0xb8;
	[tilespmem:$0x1F148] =	vst v63  }
0x210: {  	p1 =	sge.u32 s8, s25  }
0x211: {  	s0 =	simm.s32 @!p1 $0x4  }
0x212: {  	_ =	swait.ge @!p1 [sflag:s0], $0x400  }
0x213: {  	s8 =	sadd.s32 @!p1 $0x80, s13;
	[sflag:s0] =	ssyncset.done @!p1 $0x0  }
0x214: {  	s13 =	simm.s32 @!p1 $0x0;
	[sflag:s0] =	ssyncadd.s32 @!p1 $0xFFFFFC00;
	s0 =	simm.s32 @!p1 $0xC00  }
0x215: {  	[tilespmem:s0], [sflag:$0x5] =	stream.linear.gather @!p1 [hbm4b:s8+s13], $0x400, $0x38;
	[tilespmem:$0x1F148] =	vst v63  }
0x216: {  	s8 =	simm.s32 @!p1 $0x5  }
0x217: {  	_ =	swait.ge @!p1 [sflag:s8], $0x400  }
0x218: {  	[sflag:s8] =	ssyncset.done @!p1 $0x0  }
0x219: {  	s13 =	simm.s32 @!p1 $0x5000;
	[sflag:s8] =	ssyncadd.s32 @!p1 $0xFFFFFC00;
	s8 =	simm.s32 @!p1 $0x80  }
0x21a: {  	[spmem:s2] =	stream.indirect.scatter.add.f32 @!p1 [tilespmem:s13], [sflag:$0x4], $0x1, s0, s8, $0xb8;
	[tilespmem:$0x1F148] =	vst v63  }
0x21b: {  	s0 =	simm.s32 @!p1 $0xC80  }
0x21c: {  	[spmem:s2] =	stream.indirect.scatter.add.f32 @!p1 [tilespmem:s13], [sflag:$0x4], $0x1, s0, s8, $0xb8;
	[tilespmem:$0x1F148] =	vst v63  }
0x21d: {  	s0 =	simm.s32 @!p1 $0xD00  }
0x21e: {  	[spmem:s2] =	stream.indirect.scatter.add.f32 @!p1 [tilespmem:s13], [sflag:$0x4], $0x1, s0, s8, $0xb8;
	[tilespmem:$0x1F148] =	vst v63  }
0x21f: {  	s0 =	simm.s32 @!p1 $0xD80  }
0x220: {  	[spmem:s2] =	stream.indirect.scatter.add.f32 @!p1 [tilespmem:s13], [sflag:$0x4], $0x1, s0, s8, $0xb8;
	[tilespmem:$0x1F148] =	vst v63  }
0x221: {  	s0 =	simm.s32 @!p1 $0xE00  }
0x222: {  	[spmem:s2] =	stream.indirect.scatter.add.f32 @!p1 [tilespmem:s13], [sflag:$0x4], $0x1, s0, s8, $0xb8;
	[tilespmem:$0x1F148] =	vst v63  }
0x223: {  	s0 =	simm.s32 @!p1 $0xE80  }
0x224: {  	[spmem:s2] =	stream.indirect.scatter.add.f32 @!p1 [tilespmem:s13], [sflag:$0x4], $0x1, s0, s8, $0xb8;
	[tilespmem:$0x1F148] =	vst v63  }
0x225: {  	s0 =	simm.s32 @!p1 $0xF00  }
0x226: {  	[spmem:s2] =	stream.indirect.scatter.add.f32 @!p1 [tilespmem:s13], [sflag:$0x4], $0x1, s0, s8, $0xb8;
	[tilespmem:$0x1F148] =	vst v63  }
0x227: {  	s20 =	simm.s32 $0x3;
	s0 =	simm.s32 @!p1 $0xF80  }
0x228: {  	[spmem:s2] =	stream.indirect.scatter.add.f32 @!p1 [tilespmem:s13], [sflag:$0x4], $0x1, s0, s8, $0xb8;
	[tilespmem:$0x1F148] =	vst v63  }
0x229: {  	_ =	swait.ge [sflag:s20], $0x400  }
0x22a: {  	[sflag:s20] =	ssyncset.done $0x0  }
0x22b: {  	s21 =	simm.s32 $0x4;
	[sflag:s20] =	ssyncadd.s32 $0xFFFFFC00  }
0x22c: {  	_ =	swait.ge [sflag:s21], $0x400  }
0x22d: {  	s0 =	sld [smem:$0x7FA];
	_ =	sdelay $0x1  }
0x22e: {  	s8 =	simm.s32 @!p2 $0x0;
	[sflag:s21] =	ssyncset.done $0x0  }
0x22f: {  	s13 =	simm.s32 @!p2 $0x800;
	[sflag:s21] =	ssyncadd.s32 $0xFFFFFC00;
	s0 =	sadd.s32 @!p2 $0x30D00, s0  }
0x230: {  	[tilespmem:s13], [sflag:$0x5] =	stream.linear.gather @!p2 [hbm4b:s0+s8], $0x200, $0x38;
	[tilespmem:$0x1F148] =	vst v63  }
0x231: {  	s0 =	simm.s32 @!p2 $0x5  }
0x232: {  	_ =	swait.ge @!p2 [sflag:s0], $0x200  }
0x233: {  	[sflag:s0] =	ssyncset.done @!p2 $0x0  }
0x234: {  	s8 =	simm.s32 @!p2 $0x5000;
	[sflag:s0] =	ssyncadd.s32 @!p2 $0xFFFFFE00;
	s0 =	simm.s32 @!p2 $0x80  }
0x235: {  	[spmem:s2] =	stream.indirect.scatter.add.f32 @!p2 [tilespmem:s8], [sflag:$0x3], $0x1, s13, s0, $0xb8;
	[tilespmem:$0x1F148] =	vst v63  }
0x236: {  	s13 =	simm.s32 @!p2 $0x880  }
0x237: {  	[spmem:s2] =	stream.indirect.scatter.add.f32 @!p2 [tilespmem:s8], [sflag:$0x3], $0x1, s13, s0, $0xb8;
	[tilespmem:$0x1F148] =	vst v63  }
0x238: {  	s13 =	simm.s32 @!p2 $0x900  }
0x239: {  	[spmem:s2] =	stream.indirect.scatter.add.f32 @!p2 [tilespmem:s8], [sflag:$0x3], $0x1, s13, s0, $0xb8;
	[tilespmem:$0x1F148] =	vst v63  }
0x23a: {  	s13 =	simm.s32 @!p2 $0x980  }
0x23b: {  	[spmem:s2] =	stream.indirect.scatter.add.f32 @!p2 [tilespmem:s8], [sflag:$0x3], $0x1, s13, s0, $0xb8;
	[tilespmem:$0x1F148] =	vst v63  }
0x23c: {  	s0 =	simm.s32 @!p2 $0x3  }
0x23d: {  	_ =	swait.ge @!p2 [sflag:s0], $0x200  }
0x23e: {  	[sflag:s0] =	ssyncset.done @!p2 $0x0  }
0x23f: {  	[sflag:s0] =	ssyncadd.s32 @!p2 $0xFFFFFE00  }
0x240: {  	[bflag:$0x0] =	sbarrier.arrive $0xFFFF  }
0x241: {  	[tilespmem:s6], [sflag:$0x5] =	stream.linear.gather [spmem:s14], $0x2000, $0x38;
	[tilespmem:$0x1F148] =	vst v63  }
0x242: {  	_ =	swait.ge [sflag:s9], $0x2000  }
0x243: {  	[sflag:s9] =	ssyncset.done $0x0  }
0x244: {  	s22 =	rddreg [dreg:$0x7];
	[sflag:s9] =	ssyncadd.s32 $0xFFFFE000  }
0x245: {  	[hbm4b:s22+s3] =	stream.linear.scatter [tilespmem:s6], [sflag:$0x1], $0x2000, $0x38;
	[tilespmem:$0x1F148] =	vst v63  }
0x246: {  	_ = 	snop  }
0x247: {  	[tilespmem:s11], [sflag:$0x5] =	stream.linear.gather [spmem:s19], $0x2000, $0x38;
	[tilespmem:$0x1F148] =	vst v63  }
0x248: {  	_ =	swait.ge [sflag:s9], $0x2000  }
0x249: {  	[sflag:s9] =	ssyncset.done $0x0  }
0x24a: {  	s23 =	rddreg [dreg:$0x8];
	[sflag:s9] =	ssyncadd.s32 $0xFFFFE000  }
0x24b: {  	[hbm4b:s23+s3] =	stream.linear.scatter [tilespmem:s11], [sflag:$0x2], $0x2000, $0x38;
	[tilespmem:$0x1F148] =	vst v63  }
0x24c: {  	_ =	swait.ge [sflag:s10], $0x2000  }
0x24d: {  	[sflag:s10] =	ssyncset.done $0x0  }
0x24e: {  	[sflag:s10] =	ssyncadd.s32 $0xFFFFE000  }
0x24f: {  	[tilespmem:s6], [sflag:$0x5] =	stream.linear.gather [spmem:s7], $0x2000, $0x38;
	[tilespmem:$0x1F148] =	vst v63  }
0x250: {  	_ =	swait.ge [sflag:s9], $0x2000  }
0x251: {  	[sflag:s9] =	ssyncset.done $0x0  }
0x252: {  	s26 =	rddreg [dreg:$0x9];
	[sflag:s9] =	ssyncadd.s32 $0xFFFFE000  }
0x253: {  	[hbm4b:s26+s3] =	stream.linear.scatter [tilespmem:s6], [sflag:$0x1], $0x2000, $0x38;
	[tilespmem:$0x1F148] =	vst v63  }
0x254: {  	_ =	swait.ge [sflag:s12], $0x2000  }
0x255: {  	[sflag:s12] =	ssyncset.done $0x0  }
0x256: {  	s18 =	rddreg [dreg:$0x14];
	[sflag:s12] =	ssyncadd.s32 $0xFFFFE000  }
0x257: {  	[tilespmem:s11], [sflag:$0x5] =	stream.linear.gather [spmem:s18], $0x2000, $0x38;
	[tilespmem:$0x1F148] =	vst v63  }
0x258: {  	_ =	swait.ge [sflag:s9], $0x2000  }
0x259: {  	[sflag:s9] =	ssyncset.done $0x0  }
0x25a: {  	s30 =	smov.u32 s7;
	s7 =	rddreg [dreg:$0xa];
	[sflag:s9] =	ssyncadd.s32 $0xFFFFE000  }
0x25b: {  	[hbm4b:s7+s3] =	stream.linear.scatter [tilespmem:s11], [sflag:$0x2], $0x2000, $0x38;
	[tilespmem:$0x1F148] =	vst v63  }
0x25c: {  	_ =	swait.ge [sflag:s10], $0x2000  }
0x25d: {  	[sflag:s10] =	ssyncset.done $0x0  }
0x25e: {  	s31 =	rddreg [dreg:$0x15];
	[sflag:s10] =	ssyncadd.s32 $0xFFFFE000  }
0x25f: {  	[tilespmem:s6], [sflag:$0x5] =	stream.linear.gather [spmem:s31], $0x2000, $0x38;
	[tilespmem:$0x1F148] =	vst v63  }
0x260: {  	_ =	swait.ge [sflag:s9], $0x2000  }
0x261: {  	[sflag:s9] =	ssyncset.done $0x0  }
0x262: {  	s8 =	rddreg [dreg:$0xb];
	[sflag:s9] =	ssyncadd.s32 $0xFFFFE000  }
0x263: {  	[hbm4b:s8+s3] =	stream.linear.scatter [tilespmem:s6], [sflag:$0x1], $0x2000, $0x38;
	[tilespmem:$0x1F148] =	vst v63  }
0x264: {  	_ =	swait.ge [sflag:s12], $0x2000  }
0x265: {  	[sflag:s12] =	ssyncset.done $0x0  }
0x266: {  	s21 =	rddreg [dreg:$0x16];
	[sflag:s12] =	ssyncadd.s32 $0xFFFFE000  }
0x267: {  	[tilespmem:s11], [sflag:$0x5] =	stream.linear.gather [spmem:s21], $0x2000, $0x38;
	[tilespmem:$0x1F148] =	vst v63  }
0x268: {  	_ =	swait.ge [sflag:s9], $0x2000  }
0x269: {  	[sflag:s9] =	ssyncset.done $0x0  }
0x26a: {  	s13 =	rddreg [dreg:$0xc];
	[sflag:s9] =	ssyncadd.s32 $0xFFFFE000  }
0x26b: {  	[hbm4b:s13+s3] =	stream.linear.scatter [tilespmem:s11], [sflag:$0x2], $0x2000, $0x38;
	[tilespmem:$0x1F148] =	vst v63  }
0x26c: {  	_ =	swait.ge [sflag:s10], $0x2000  }
0x26d: {  	[sflag:s10] =	ssyncset.done $0x0  }
0x26e: {  	s22 =	rddreg [dreg:$0x17];
	[sflag:s10] =	ssyncadd.s32 $0xFFFFE000  }
0x26f: {  	[tilespmem:s6], [sflag:$0x5] =	stream.linear.gather [spmem:s22], $0x2000, $0x38;
	[tilespmem:$0x1F148] =	vst v63  }
0x270: {  	_ =	swait.ge [sflag:s9], $0x2000  }
0x271: {  	[sflag:s9] =	ssyncset.done $0x0  }
0x272: {  	s17 =	smov.u32 s14;
	s14 =	rddreg [dreg:$0xd];
	[sflag:s9] =	ssyncadd.s32 $0xFFFFE000  }
0x273: {  	[hbm4b:s14+s3] =	stream.linear.scatter [tilespmem:s6], [sflag:$0x1], $0x2000, $0x38;
	[tilespmem:$0x1F148] =	vst v63  }
0x274: {  	_ =	swait.ge [sflag:s12], $0x2000  }
0x275: {  	[sflag:s12] =	ssyncset.done $0x0  }
0x276: {  	s29 =	smov.u32 s19;
	s19 =	rddreg [dreg:$0x18];
	[sflag:s12] =	ssyncadd.s32 $0xFFFFE000  }
0x277: {  	[tilespmem:s11], [sflag:$0x5] =	stream.linear.gather [spmem:s19], $0x2000, $0x38;
	[tilespmem:$0x1F148] =	vst v63  }
0x278: {  	_ =	swait.ge [sflag:s9], $0x2000  }
0x279: {  	[sflag:s9] =	ssyncset.done $0x0  }
0x27a: {  	s20 =	rddreg [dreg:$0xe];
	[sflag:s9] =	ssyncadd.s32 $0xFFFFE000  }
0x27b: {  	[hbm4b:s20+s3] =	stream.linear.scatter [tilespmem:s11], [sflag:$0x2], $0x2000, $0x38;
	[tilespmem:$0x1F148] =	vst v63  }
0x27c: {  	_ =	swait.ge [sflag:s10], $0x2000  }
0x27d: {  	[sflag:s10] =	ssyncset.done $0x0  }
0x27e: {  	s23 =	rddreg [dreg:$0x19];
	[sflag:s10] =	ssyncadd.s32 $0xFFFFE000  }
0x27f: {  	[tilespmem:s6], [sflag:$0x5] =	stream.linear.gather [spmem:s23], $0x2000, $0x38;
	[tilespmem:$0x1F148] =	vst v63  }
0x280: {  	_ =	swait.ge [sflag:s9], $0x2000  }
0x281: {  	[sflag:s9] =	ssyncset.done $0x0  }
0x282: {  	s26 =	rddreg [dreg:$0xf];
	[sflag:s9] =	ssyncadd.s32 $0xFFFFE000  }
0x283: {  	[hbm4b:s26+s3] =	stream.linear.scatter [tilespmem:s6], [sflag:$0x1], $0x2000, $0x38;
	[tilespmem:$0x1F148] =	vst v63  }
0x284: {  	_ =	swait.ge [sflag:s12], $0x2000  }
0x285: {  	[sflag:s12] =	ssyncset.done $0x0  }
0x286: {  	s20 =	rddreg [dreg:$0x1a];
	[sflag:s12] =	ssyncadd.s32 $0xFFFFE000  }
0x287: {  	[tilespmem:s11], [sflag:$0x5] =	stream.linear.gather [spmem:s20], $0x2000, $0x38;
	[tilespmem:$0x1F148] =	vst v63  }
0x288: {  	_ =	swait.ge [sflag:s9], $0x2000  }
0x289: {  	[sflag:s9] =	ssyncset.done $0x0  }
0x28a: {  	s7 =	rddreg [dreg:$0x10];
	[sflag:s9] =	ssyncadd.s32 $0xFFFFE000  }
0x28b: {  	[hbm4b:s7+s3] =	stream.linear.scatter [tilespmem:s11], [sflag:$0x2], $0x2000, $0x38;
	[tilespmem:$0x1F148] =	vst v63  }
0x28c: {  	_ =	swait.ge [sflag:s10], $0x2000  }
0x28d: {  	[sflag:s10] =	ssyncset.done $0x0  }
0x28e: {  	s23 =	rddreg [dreg:$0x1b];
	[sflag:s10] =	ssyncadd.s32 $0xFFFFE000  }
0x28f: {  	[tilespmem:s6], [sflag:$0x5] =	stream.linear.gather [spmem:s23], $0x2000, $0x38;
	[tilespmem:$0x1F148] =	vst v63  }
0x290: {  	_ =	swait.ge [sflag:s9], $0x2000  }
0x291: {  	[sflag:s9] =	ssyncset.done $0x0  }
0x292: {  	s8 =	rddreg [dreg:$0x11];
	[sflag:s9] =	ssyncadd.s32 $0xFFFFE000  }
0x293: {  	[hbm4b:s8+s3] =	stream.linear.scatter [tilespmem:s6], [sflag:$0x1], $0x2000, $0x38;
	[tilespmem:$0x1F148] =	vst v63  }
0x294: {  	_ =	swait.ge [sflag:s12], $0x2000  }
0x295: {  	[sflag:s12] =	ssyncset.done $0x0  }
0x296: {  	s26 =	rddreg [dreg:$0x1c];
	[sflag:s12] =	ssyncadd.s32 $0xFFFFE000  }
0x297: {  	[tilespmem:s11], [sflag:$0x5] =	stream.linear.gather [spmem:s26], $0x2000, $0x38;
	[tilespmem:$0x1F148] =	vst v63  }
0x298: {  	_ =	swait.ge [sflag:s9], $0x2000  }
0x299: {  	[sflag:s9] =	ssyncset.done $0x0  }
0x29a: {  	s13 =	rddreg [dreg:$0x12];
	[sflag:s9] =	ssyncadd.s32 $0xFFFFE000  }
0x29b: {  	[hbm4b:s13+s3] =	stream.linear.scatter [tilespmem:s11], [sflag:$0x2], $0x2000, $0x38;
	[tilespmem:$0x1F148] =	vst v63  }
0x29c: {  	_ =	swait.ge [sflag:s10], $0x2000  }
0x29d: {  	[sflag:s10] =	ssyncset.done $0x0  }
0x29e: {  	s28 =	rddreg [dreg:$0x1d];
	[sflag:s10] =	ssyncadd.s32 $0xFFFFE000  }
0x29f: {  	[tilespmem:s6], [sflag:$0x5] =	stream.linear.gather [spmem:s28], $0x800, $0x38;
	[tilespmem:$0x1F148] =	vst v63  }
0x2a0: {  	_ =	swait.ge [sflag:s9], $0x800  }
0x2a1: {  	[sflag:s9] =	ssyncset.done $0x0  }
0x2a2: {  	s14 =	rddreg [dreg:$0x13];
	[sflag:s9] =	ssyncadd.s32 $0xFFFFF800  }
0x2a3: {  	[hbm4b:s14+s3] =	stream.linear.scatter [tilespmem:s6], [sflag:$0x1], $0x800, $0x38;
	[tilespmem:$0x1F148] =	vst v63  }
0x2a4: {  	_ =	swait.ge [sflag:s12], $0x2000  }
0x2a5: {  	[sflag:s12] =	ssyncset.done $0x0  }
0x2a6: {  	[sflag:s12] =	ssyncadd.s32 $0xFFFFE000  }
0x2a7: {  	_ =	swait.ge [sflag:s10], $0x800  }
0x2a8: {  	s7 =	sld [smem:$0x7FC]  }
0x2a9: {  	[sflag:s10] =	ssyncset.done $0x0  }
0x2aa: {  	s0 =	simm.s32 @!p3 $0x5080;
	s8 =	simm.s32 @!p3 $0x5;
	[sflag:s10] =	ssyncadd.s32 $0xFFFFF800  }
0x2ab: {  	[tilespmem:s0], [sflag:$0x5] =	stream.linear.gather @!p3 [spmem:s7], $0xC80, $0x38;
	[tilespmem:$0x1F148] =	vst v63  }
0x2ac: {  	_ =	swait.ge @!p3 [sflag:s8], $0xC80  }
0x2ad: {  	s7 =	sld [smem:$0x7F3]  }
0x2ae: {  	[sflag:s8] =	ssyncset.done @!p3 $0x0  }
0x2af: {  	s13 =	simm.s32 @!p3 $0x0;
	[sflag:s8] =	ssyncadd.s32 @!p3 $0xFFFFF380  }
0x2b0: {  	[hbm4b:s7+s13] =	stream.linear.scatter @!p3 [tilespmem:s0], [sflag:$0x5], $0xC80, $0x38;
	[tilespmem:$0x1F148] =	vst v63  }
0x2b1: {  	_ =	swait.ge @!p3 [sflag:s8], $0xC80  }
0x2b2: {  	s7 =	sld [smem:$0x7FD]  }
0x2b3: {  	[sflag:s8] =	ssyncset.done @!p3 $0x0  }
0x2b4: {  	[sflag:s8] =	ssyncadd.s32 @!p3 $0xFFFFF380  }
0x2b5: {  	[tilespmem:s0], [sflag:$0x5] =	stream.linear.gather @!p3 [spmem:s7], $0xC00, $0x38;
	[tilespmem:$0x1F148] =	vst v63  }
0x2b6: {  	_ =	swait.ge @!p3 [sflag:s8], $0xC00  }
0x2b7: {  	s7 =	sld [smem:$0x7F4]  }
0x2b8: {  	[sflag:s8] =	ssyncset.done @!p3 $0x0  }
0x2b9: {  	[sflag:s8] =	ssyncadd.s32 @!p3 $0xFFFFF400  }
0x2ba: {  	[hbm4b:s7+s13] =	stream.linear.scatter @!p3 [tilespmem:s0], [sflag:$0x5], $0xC00, $0x38;
	[tilespmem:$0x1F148] =	vst v63  }
0x2bb: {  	_ =	swait.ge @!p3 [sflag:s8], $0xC00  }
0x2bc: {  	s19 =	sld [smem:$0x7F5];
	_ =	sdelay $0x1  }
0x2bd: {  	s5 =	sadd.s32 $0x1, s5  }
0x2be: {  	p1 =	sne.s32 s5, s19  }
.Ltmp4:
0x2bf: {  	_ = 	snop;
	(pc) =	sbr.rel @p1 .LBB2_1-.Ltmp4, $3  }
0x2c0: {  	_ =	sdelay $0x1  }
0x2c1: {  	[sflag:s8] =	ssyncset.done @!p3 $0x0  }
0x2c2: {  	[sflag:s8] =	ssyncadd.s32 @!p3 $0xFFFFF400  }
0x2c3: {  	_ =	sfence.sel $0x180000  }
0x2c4: {  	[bflag:$0x0] =	sbarrier.arrive $0xFFFF  }
0x2c5: {  	_ =	strace $0x90000047  }
0x2c6: {  	[bflag:$0x2] =	sbarrier.arrive $0xFFFF  }
0x2c7: {  	s1 =	sld [smem:$0x7F1];
	_ =	sdelay $0x2  }
0x2c8: {  	s0 =	rddreg [dreg:$0x4];
	p0 =	seq.s32 s1, $0x1  }
0x2c9: {  	s0 =	sadd.s32 @!p0 $0x100000, s0  }
0x2ca: {  	[sflag:s0] =	ssyncadd.tile.s32 @!p0 $0x1;
	_ =	shalt  }
.Lfunc_end2:
_tile_overlayer_lowered:
.L_overlay_start_2:
0x2cb: {  	(tag) =	ssettag $0x2  }
0x2cc: {  	s0 =	rddreg [dreg:$0x0];
	s2 =	stileid.u32  }
0x2cd: {  	s1 =	rddreg [dreg:$0x1];
	p0 =	sne.s32 s2, $0x0  }
0x2ce: {  	s3 =	rddreg [dreg:$0x2];
	[bflag:$0x3] =	sbarrier.arrive $0xFFFF;
	s2 =	simm.s32 @!p0 $0x1C05  }
0x2cf: {  	[timem:s3], [sflag:s2] =	dma.local @!p0 [hbm:s0], s1  }
0x2d0: {  	s0 =	simm.s32 @!p0 $0x5  }
0x2d1: {  	_ =	swait.ge @!p0 [sflag:s0], s1  }
0x2d2: {  	s1 =	ssub.s32 @!p0 $0x0, s1;
	[sflag:s0] =	ssyncset.done @!p0 $0x0  }
0x2d3: {  	[sflag:s0] =	ssyncadd.s32 @!p0 s1  }
0x2d4: {  	[bflag:$0x3] =	sbarrier.arrive $0xFFFF  }
0x2d5: {  	_ =	shalt  }

</sc_bundles>
